<compile_context>
chip_gen: v7x
topology: tpu7x:2x2x1
jax: 0.10.2.dev20260603
libtpu: 0.0.44.dev20260713+nightly
codegen_flags: <defaults>
</compile_context>

<pallas_src>
import functools

import jax
import jax.numpy as jnp
from jax import lax
from jax.experimental import pallas as pl
from jax.experimental.pallas import tpu as pltpu
from jax.experimental.pallas import tpu_sc as plsc

_B, _N, _ND, _NS = 4, 16384, 4096, 1024
_CD, _CS, _VD = 128, 256, 128
_T = 1024
_NT = _ND // _T
_TB = 2048

_SC_CORES, _SC_SUBCORES = 2, 16
_NW = _SC_CORES * _SC_SUBCORES
_CHUNK = 128
_DPW = _ND // 8
_DQ = _DPW // _CHUNK
_DCH = 3 * _DQ
_SCH = _B * _NS * 3 // (_NW * _CHUNK)


def _sc_gather_xyz(pcd_flat, didx_flat, sidx_flat):
    mesh = plsc.VectorSubcoreMesh(core_axis_name="c", subcore_axis_name="s")

    @functools.partial(
        pl.kernel,
        mesh=mesh,
        out_type=[
            jax.ShapeDtypeStruct((_B, 8, _ND // _CHUNK, _CHUNK), jnp.float32),
            jax.ShapeDtypeStruct((_B, 8, _NS // _CHUNK, _CHUNK), jnp.float32),
        ],
        scratch_types=[
            pltpu.VMEM((_DPW,), jnp.int32),
            pltpu.VMEM((_DCH, _CHUNK), jnp.int32),
            pltpu.VMEM((_DCH, _CHUNK), jnp.float32),
            pltpu.VMEM((_CHUNK,), jnp.int32),
            pltpu.VMEM((_SCH, _CHUNK), jnp.int32),
            pltpu.VMEM((_SCH, _CHUNK), jnp.float32),
            pltpu.VMEM((_DQ, _CHUNK), jnp.float32),
            pltpu.SemaphoreType.DMA,
        ],
        compiler_params=pltpu.CompilerParams(use_tc_tiling_on_sc=False),
    )
    def k(pcd_hbm, didx_hbm, sidx_hbm, dout_hbm, sout_hbm,
          didx_v, gidx_v, drows_v, sraw_v, sidx_v, srows_v, zeros_v, sem):
        wid = lax.axis_index("s") * _SC_CORES + lax.axis_index("c")
        b = wid // 8
        k8 = wid - b * 8
        z16 = jnp.zeros((16,), jnp.float32)
        for q in range(_DQ):
            for t in range(_CHUNK // 16):
                zeros_v[q, pl.ds(t * 16, 16)] = z16
        pltpu.sync_copy(didx_hbm.at[pl.ds(b * _ND + k8 * _DPW, _DPW)], didx_v)
        for c in range(3):
            off = (b * 3 + c) * _N
            for q in range(_DQ):
                for t in range(_CHUNK // 16):
                    s = q * _CHUNK + t * 16
                    gidx_v[c * _DQ + q, pl.ds(t * 16, 16)] = (
                        didx_v[pl.ds(s, 16)] + off)
        hs = [pltpu.async_copy(pcd_hbm.at[gidx_v.at[j]], drows_v.at[j], sem)
              for j in range(_DCH)]
        soffs = []
        for j in range(_SCH):
            gs = wid * _SCH + j
            sb = gs // 24
            rem = gs - sb * 24
            sc_ = rem // 8
            mc = rem - sc_ * 8
            pltpu.sync_copy(sidx_hbm.at[pl.ds(sb * _NS + mc * _CHUNK, _CHUNK)],
                            sraw_v)
            off = (sb * 3 + sc_) * _N
            for t in range(_CHUNK // 16):
                sidx_v[j, pl.ds(t * 16, 16)] = sraw_v[pl.ds(t * 16, 16)] + off
            soffs.append((sb, sc_, mc))
        hs += [pltpu.async_copy(pcd_hbm.at[sidx_v.at[j]], srows_v.at[j], sem)
               for j in range(_SCH)]
        for h in hs:
            h.wait()
        for c in range(3):
            pltpu.sync_copy(drows_v.at[pl.ds(c * _DQ, _DQ)],
                            dout_hbm.at[b, c, pl.ds(k8 * _DQ, _DQ)])
        for j, (sb, sc_, mc) in enumerate(soffs):
            pltpu.sync_copy(srows_v.at[j], sout_hbm.at[sb, sc_, mc])
        for r in range(3, 8):
            pltpu.sync_copy(zeros_v, dout_hbm.at[b, r, pl.ds(k8 * _DQ, _DQ)])
            pltpu.sync_copy(zeros_v.at[0], sout_hbm.at[b, r, k8])

    return k(pcd_flat, didx_flat, sidx_flat)


def _tc_main_body(dxyz_ref, sxyz_ref, dd_ref, sd_ref, w_ref, g_ref, bt_ref,
                  o_ref, p_ref, sxr_ref, sn_ref, y_scr, st_scr):
    ph = pl.program_id(0)
    b = pl.program_id(1)
    i = pl.program_id(2)
    first = jnp.logical_and(b == 0, i == 0)

    @pl.when(jnp.logical_and(ph == 0, i == 0))
    def _():
        p_ref[...] = lax.dot_general(
            w_ref[:, _CD:], sd_ref[0],
            (((1,), (0,)), ((), ())),
            precision=lax.Precision.HIGHEST,
            preferred_element_type=jnp.float32)
        sxr = jnp.transpose(sxyz_ref[0], (1, 0))
        sxr_ref[...] = sxr
        sn_ref[...] = jnp.sum(sxr * sxr, axis=1, keepdims=True)

    @pl.when(ph == 0)
    def _():
        _tc_compute(dxyz_ref, dd_ref, w_ref, p_ref, sxr_ref, sn_ref,
                    y_scr, st_scr, b, i, first)

    @pl.when(ph == 1)
    def _():
        cnt = jnp.float32(_B * _ND)
        tot = st_scr[...]
        mean = tot[:, 0:1] / cnt
        var = tot[:, 1:2] / cnt - mean * mean
        gamma = g_ref[...].reshape(_VD, 1)
        beta = bt_ref[...].reshape(_VD, 1)
        scale = gamma / jnp.sqrt(var + 1e-05)
        shift = beta - mean * scale
        t = y_scr[b, i] * scale + shift
        o_ref[0] = jnp.where(t >= 0, t, 0.2 * t)


def _tc_compute(dxyz_ref, dd_ref, w_ref, p_ref, sxr_ref, sn_ref,
                y_scr, st_scr, b, i, first):
    dxyz_t = dxyz_ref[0]

    dn = jnp.sum(dxyz_t * dxyz_t, axis=0, keepdims=True)
    sn = sn_ref[...]
    cross = lax.dot_general(
        sxr_ref[...].astype(jnp.bfloat16), dxyz_t.astype(jnp.bfloat16),
        (((1,), (0,)), ((), ())),
        preferred_element_type=jnp.float32)
    d2 = jnp.maximum((sn + dn) - 2.0 * cross, 0.0)

    iota0 = lax.broadcasted_iota(jnp.int32, (_NS, _T), 0)
    work = d2
    vals, eqs = [], []
    for k in range(3):
        m = jnp.min(work, axis=0, keepdims=True)
        hit = work == m
        ik = jnp.min(jnp.where(hit, iota0, _NS), axis=0, keepdims=True)
        eq = iota0 == ik
        vals.append(m)
        eqs.append(eq)
        if k < 2:
            work = jnp.where(eq, jnp.float32(jnp.inf), work)

    w0 = 1.0 / (vals[0] + 1e-08)
    w1 = 1.0 / (vals[1] + 1e-08)
    w2 = 1.0 / (vals[2] + 1e-08)
    ws = w0 + w1 + w2
    w0, w1, w2 = w0 / ws, w1 / ws, w2 / ws

    wsel = jnp.where(eqs[0], w0, 0.0)
    wsel = wsel + jnp.where(eqs[1], w1, 0.0)
    wsel = wsel + jnp.where(eqs[2], w2, 0.0)

    yd = lax.dot_general(
        w_ref[:, :_CD].astype(jnp.bfloat16), dd_ref[0].astype(jnp.bfloat16),
        (((1,), (0,)), ((), ())),
        preferred_element_type=jnp.float32)
    ys = lax.dot_general(
        p_ref[...].astype(jnp.bfloat16), wsel.astype(jnp.bfloat16),
        (((1,), (0,)), ((), ())),
        preferred_element_type=jnp.float32)
    y = yd + ys
    y_scr[b, i] = y

    s1 = jnp.sum(y, axis=1, keepdims=True)
    s2 = jnp.sum(y * y, axis=1, keepdims=True)
    stacked = jnp.concatenate([s1, s2], axis=1)

    @pl.when(first)
    def _():
        st_scr[...] = stacked

    @pl.when(jnp.logical_not(first))
    def _():
        st_scr[...] = st_scr[...] + stacked


def _run_tc_main(dxyz, sxyz, dd, sd, w, gamma, beta, *, interpret=False):
    return pl.pallas_call(
        _tc_main_body,
        grid=(2, _B, _NT),
        in_specs=[
            pl.BlockSpec((1, 8, _T), lambda p, b, i: (b * (1 - p), 0, i * (1 - p))),
            pl.BlockSpec((1, 8, _NS), lambda p, b, i: (b * (1 - p), 0, 0)),
            pl.BlockSpec((1, _CD, _T), lambda p, b, i: (b * (1 - p), 0, i * (1 - p))),
            pl.BlockSpec((1, _CS, _NS), lambda p, b, i: (b * (1 - p), 0, 0)),
            pl.BlockSpec((_VD, 3 * _VD), lambda p, b, i: (0, 0)),
            pl.BlockSpec((_VD,), lambda p, b, i: (0,)),
            pl.BlockSpec((_VD,), lambda p, b, i: (0,)),
        ],
        out_specs=pl.BlockSpec((1, _VD, _T), lambda p, b, i: (b, 0, i)),
        out_shape=jax.ShapeDtypeStruct((_B, _VD, _ND), jnp.float32),
        scratch_shapes=[
            pltpu.VMEM((_VD, _NS), jnp.float32),
            pltpu.VMEM((_NS, 8), jnp.float32),
            pltpu.VMEM((_NS, 1), jnp.float32),
            pltpu.VMEM((_B, _NT, _VD, _T), jnp.float32),
            pltpu.VMEM((_VD, 2), jnp.float32),
        ],
        interpret=interpret,
    )(dxyz, sxyz, dd, sd, w, gamma, beta)


def kernel(dense_points_data, dense_points_idx, sparse_points_data,
           sparse_points_idx, pcd, W, gamma, beta):
    pcd_flat = pcd.reshape(_B * 3 * _N)
    didx_flat = dense_points_idx.reshape(_B * _ND)
    sidx_flat = sparse_points_idx.reshape(_B * _NS)

    dout, sout = _sc_gather_xyz(pcd_flat, didx_flat, sidx_flat)
    dxyz = dout.reshape(_B, 8, _ND)
    sxyz = sout.reshape(_B, 8, _NS)

    out = _run_tc_main(dxyz, sxyz, dense_points_data,
                       sparse_points_data, W, gamma, beta)
    return (out, dense_points_idx)

# --- scband reference (transcript-rebuilt; emitter-appended) ---
"""Pipeline reference for scband-up-sample-interpolation-19215683682641 (READ-ONLY COPY).

The authoritative reference and input builder live on the scoring server;
editing this copy changes nothing except your own understanding.
"""

import jax, jax.numpy as jnp
import numpy as np

B, N, ND, NS, K = 4, 16384, 4096, 1024, 3
CD, CS, VD = 128, 256, 128


def setup_inputs(seed: int = 0) -> dict:
    key = jax.random.key(seed)
    k1, k2, k3, k4, k5, k6 = jax.random.split(key, 6)
    pcd = jax.random.normal(k1, (B, 3, N), dtype=jnp.float32)
    dense_points_data = jax.random.normal(k2, (B, CD, ND), dtype=jnp.float32)
    sparse_points_data = jax.random.normal(k3, (B, CS, NS), dtype=jnp.float32)
    dense_points_idx = jax.random.randint(k4, (B, ND), 0, N, dtype=jnp.int32)
    sparse_points_idx = jax.random.randint(k5, (B, NS), 0, N, dtype=jnp.int32)
    W = jax.random.normal(k6, (VD, 3 * VD), dtype=jnp.float32) * 0.05
    gamma = jnp.ones((VD,), dtype=jnp.float32)
    beta = jnp.zeros((VD,), dtype=jnp.float32)
    return {"dense_points_data": dense_points_data, "dense_points_idx": dense_points_idx,
            "sparse_points_data": sparse_points_data, "sparse_points_idx": sparse_points_idx,
            "pcd": pcd, "W": W, "gamma": gamma, "beta": beta}


def reference(dense_points_data, dense_points_idx, sparse_points_data, sparse_points_idx, pcd, W, gamma, beta):
    # gather xyz coordinates of dense and sparse point subsets from pcd [B,3,N]
    d_idx = jnp.broadcast_to(dense_points_idx[:, None, :], (B, 3, ND))
    dense_xyz = jnp.take_along_axis(pcd, d_idx, axis=2)  # [B,3,ND]
    s_idx = jnp.broadcast_to(sparse_points_idx[:, None, :], (B, 3, NS))
    sparse_xyz = jnp.take_along_axis(pcd, s_idx, axis=2)  # [B,3,NS]
    # pairwise squared distances [B,ND,NS]
    dn = jnp.sum(dense_xyz ** 2, axis=1)  # [B,ND]
    sn = jnp.sum(sparse_xyz ** 2, axis=1)  # [B,NS]
    cross = jnp.einsum('bcn,bcm->bnm', dense_xyz, sparse_xyz)
    d2 = dn[:, :, None] + sn[:, None, :] - 2.0 * cross
    d2 = jnp.maximum(d2, 0.0)
    # K nearest sparse neighbors per dense point
    neg_vals, nn_idx = jax.lax.top_k(-d2, K)  # [B,ND,K]
    d_neighbors = -neg_vals
    # gather neighbor features [B,CS,ND,K]
    flat_idx = jnp.broadcast_to(nn_idx.reshape(B, 1, ND * K), (B, CS, ND * K))
    neighbors = jnp.take_along_axis(sparse_points_data, flat_idx, axis=2).reshape(B, CS, ND, K)
    # inverse-distance weights
    weights = 1.0 / (d_neighbors + 1e-08)
    weights = weights / jnp.sum(weights, axis=-1, keepdims=True)
    interpolated = jnp.sum(neighbors * weights[:, None, :, :], axis=-1)  # [B,CS,ND]
    x = jnp.concatenate([dense_points_data, interpolated], axis=1)  # [B,3*VD,ND]
    # Conv1d(3*VD -> VD, kernel 1, no bias)
    y = jnp.einsum('oc,bcn->bon', W, x)
    # BatchNorm1d (training-mode batch statistics, eps=1e-5)
    mean = jnp.mean(y, axis=(0, 2), keepdims=True)
    var = jnp.var(y, axis=(0, 2), keepdims=True)
    yn = (y - mean) / jnp.sqrt(var + 1e-05)
    yn = yn * gamma[None, :, None] + beta[None, :, None]
    # LeakyReLU(0.2)
    out = jnp.where(yn >= 0, yn, 0.2 * yn)
    return (out, dense_points_idx)

if __name__ == "__main__":
    import jax
    _d = setup_inputs()
    print(jax.jit(kernel)(*tuple(_d.values())))

</pallas_src>

<mosaic_0001>
#map = affine_map<(d0, d1) -> (0)>
#map1 = affine_map<(d0, d1) -> (0, 0, 0, 0)>
module attributes {stable_mosaic.version = 14 : i64} {
  func.func @k(%arg0: i32, %arg1: i32, %arg2: memref<196608xf32, #tpu.memory_space<hbm>>, %arg3: memref<16384xi32, #tpu.memory_space<hbm>>, %arg4: memref<4096xi32, #tpu.memory_space<hbm>>, %arg5: memref<4x8x32x128xf32, #tpu.memory_space<hbm>>, %arg6: memref<4x8x8x128xf32, #tpu.memory_space<hbm>>, %arg7: memref<512xi32, #tpu.memory_space<vmem>>, %arg8: memref<12x128xi32, #tpu.memory_space<vmem>>, %arg9: memref<12x128xf32, #tpu.memory_space<vmem>>, %arg10: memref<128xi32, #tpu.memory_space<vmem>>, %arg11: memref<3x128xi32, #tpu.memory_space<vmem>>, %arg12: memref<3x128xf32, #tpu.memory_space<vmem>>, %arg13: memref<4x128xf32, #tpu.memory_space<vmem>>, %arg14: memref<!tpu.dma_semaphore, #tpu.memory_space<semaphore_mem>>) attributes {dimension_semantics = [#tpu.dimension_semantics<core_parallel>, #tpu.dimension_semantics<subcore_parallel>], iteration_bounds = array<i64: 2, 16>, scalar_prefetch = 0 : i64, scratch_operands = 8 : i64, tpu.core_type = #tpu.core_type<sc_vector_subcore>, window_params = [{transform_indices = #map}, {transform_indices = #map}, {transform_indices = #map}, {transform_indices = #map1}, {transform_indices = #map1}]} {
    %mul3A = arith.constant 2 : i32
    %mul3A_0 = arith.muli %arg1, %mul3A : i32
    %add3A = arith.addi %mul3A_0, %arg0 : i32
    %jit3A = arith.constant 8 : i32
    %div3A = arith.divsi %add3A, %jit3A : i32
    %sign3A = arith.constant 0 : i32
    %sign3A_1 = arith.cmpi sgt, %add3A, %sign3A : i32
    %sign3A_2 = arith.extui %sign3A_1 : i1 to i32
    %sign3A_3 = arith.constant 0 : i32
    %sign3A_4 = arith.cmpi slt, %add3A, %sign3A_3 : i32
    %sign3A_5 = arith.extui %sign3A_4 : i1 to i32
    %sign3A_6 = arith.subi %sign3A_2, %sign3A_5 : i32
    %sign3A_7 = arith.constant 0 : i32
    %sign3A_8 = arith.cmpi sgt, %jit3A, %sign3A_7 : i32
    %sign3A_9 = arith.extui %sign3A_8 : i1 to i32
    %sign3A_10 = arith.constant 0 : i32
    %sign3A_11 = arith.cmpi slt, %jit3A, %sign3A_10 : i32
    %sign3A_12 = arith.extui %sign3A_11 : i1 to i32
    %sign3A_13 = arith.subi %sign3A_9, %sign3A_12 : i32
    %ne3A = arith.cmpi ne, %sign3A_6, %sign3A_13 : i32
    %rem3A = arith.remsi %add3A, %jit3A : i32
    %ne3A_14 = arith.constant 0 : i32
    %ne3A_15 = arith.cmpi ne, %rem3A, %ne3A_14 : i32
    %and3A = arith.andi %ne3A, %ne3A_15 : i1
    %sub3A = arith.constant 1 : i32
    %sub3A_16 = arith.subi %div3A, %sub3A : i32
    %select_n3A = arith.select %and3A, %sub3A_16, %div3A : i32
    %mul3A_17 = arith.constant 8 : i32
    %mul3A_18 = arith.muli %select_n3A, %mul3A_17 : i32
    %sub3A_19 = arith.subi %add3A, %mul3A_18 : i32
    %broadcast_in_dim3A = arith.constant 0.000000e+00 : f32
    %broadcast_in_dim3A_20 = vector.broadcast %broadcast_in_dim3A : f32 to vector<16xf32>
    %swap3A = arith.constant 0 : i32
    %swap3A_21 = arith.index_cast %swap3A : i32 to index
    %swap3A_22 = arith.constant 0 : index
    %swap3A_23 = tpu.vector_load %arg13[%swap3A_21, %swap3A_22] {strides = array<i32>} : memref<4x128xf32, #tpu.memory_space<vmem>>, vector<1x16xf32>,
    %swap3A_24 = vector.shape_cast %swap3A_23 : vector<1x16xf32> to vector<16xf32>
    %swap3A_25 = vector.shape_cast %broadcast_in_dim3A_20 : vector<16xf32> to vector<1x16xf32>
    tpu.vector_store %arg13[%swap3A_21, %swap3A_22], %swap3A_25 {strides = array<i32>} : memref<4x128xf32, #tpu.memory_space<vmem>>, vector<1x16xf32>,
    %swap3A_26 = arith.constant 0 : i32
    %swap3A_27 = arith.index_cast %swap3A_26 : i32 to index
    %swap3A_28 = arith.constant 16 : index
    %swap3A_29 = tpu.vector_load %arg13[%swap3A_27, %swap3A_28] {strides = array<i32>} : memref<4x128xf32, #tpu.memory_space<vmem>>, vector<1x16xf32>,
    %swap3A_30 = vector.shape_cast %swap3A_29 : vector<1x16xf32> to vector<16xf32>
    %swap3A_31 = vector.shape_cast %broadcast_in_dim3A_20 : vector<16xf32> to vector<1x16xf32>
    tpu.vector_store %arg13[%swap3A_27, %swap3A_28], %swap3A_31 {strides = array<i32>} : memref<4x128xf32, #tpu.memory_space<vmem>>, vector<1x16xf32>,
    %swap3A_32 = arith.constant 0 : i32
    %swap3A_33 = arith.index_cast %swap3A_32 : i32 to index
    %swap3A_34 = arith.constant 32 : index
    %swap3A_35 = tpu.vector_load %arg13[%swap3A_33, %swap3A_34] {strides = array<i32>} : memref<4x128xf32, #tpu.memory_space<vmem>>, vector<1x16xf32>,
    %swap3A_36 = vector.shape_cast %swap3A_35 : vector<1x16xf32> to vector<16xf32>
    %swap3A_37 = vector.shape_cast %broadcast_in_dim3A_20 : vector<16xf32> to vector<1x16xf32>
    tpu.vector_store %arg13[%swap3A_33, %swap3A_34], %swap3A_37 {strides = array<i32>} : memref<4x128xf32, #tpu.memory_space<vmem>>, vector<1x16xf32>,
    %swap3A_38 = arith.constant 0 : i32
    %swap3A_39 = arith.index_cast %swap3A_38 : i32 to index
    %swap3A_40 = arith.constant 48 : index
    %swap3A_41 = tpu.vector_load %arg13[%swap3A_39, %swap3A_40] {strides = array<i32>} : memref<4x128xf32, #tpu.memory_space<vmem>>, vector<1x16xf32>,
    %swap3A_42 = vector.shape_cast %swap3A_41 : vector<1x16xf32> to vector<16xf32>
    %swap3A_43 = vector.shape_cast %broadcast_in_dim3A_20 : vector<16xf32> to vector<1x16xf32>
    tpu.vector_store %arg13[%swap3A_39, %swap3A_40], %swap3A_43 {strides = array<i32>} : memref<4x128xf32, #tpu.memory_space<vmem>>, vector<1x16xf32>,
    %swap3A_44 = arith.constant 0 : i32
    %swap3A_45 = arith.index_cast %swap3A_44 : i32 to index
    %swap3A_46 = arith.constant 64 : index
    %swap3A_47 = tpu.vector_load %arg13[%swap3A_45, %swap3A_46] {strides = array<i32>} : memref<4x128xf32, #tpu.memory_space<vmem>>, vector<1x16xf32>,
    %swap3A_48 = vector.shape_cast %swap3A_47 : vector<1x16xf32> to vector<16xf32>
    %swap3A_49 = vector.shape_cast %broadcast_in_dim3A_20 : vector<16xf32> to vector<1x16xf32>
    tpu.vector_store %arg13[%swap3A_45, %swap3A_46], %swap3A_49 {strides = array<i32>} : memref<4x128xf32, #tpu.memory_space<vmem>>, vector<1x16xf32>,
    %swap3A_50 = arith.constant 0 : i32
    %swap3A_51 = arith.index_cast %swap3A_50 : i32 to index
    %swap3A_52 = arith.constant 80 : index
    %swap3A_53 = tpu.vector_load %arg13[%swap3A_51, %swap3A_52] {strides = array<i32>} : memref<4x128xf32, #tpu.memory_space<vmem>>, vector<1x16xf32>,
    %swap3A_54 = vector.shape_cast %swap3A_53 : vector<1x16xf32> to vector<16xf32>
    %swap3A_55 = vector.shape_cast %broadcast_in_dim3A_20 : vector<16xf32> to vector<1x16xf32>
    tpu.vector_store %arg13[%swap3A_51, %swap3A_52], %swap3A_55 {strides = array<i32>} : memref<4x128xf32, #tpu.memory_space<vmem>>, vector<1x16xf32>,
    %swap3A_56 = arith.constant 0 : i32
    %swap3A_57 = arith.index_cast %swap3A_56 : i32 to index
    %swap3A_58 = arith.constant 96 : index
    %swap3A_59 = tpu.vector_load %arg13[%swap3A_57, %swap3A_58] {strides = array<i32>} : memref<4x128xf32, #tpu.memory_space<vmem>>, vector<1x16xf32>,
    %swap3A_60 = vector.shape_cast %swap3A_59 : vector<1x16xf32> to vector<16xf32>
    %swap3A_61 = vector.shape_cast %broadcast_in_dim3A_20 : vector<16xf32> to vector<1x16xf32>
    tpu.vector_store %arg13[%swap3A_57, %swap3A_58], %swap3A_61 {strides = array<i32>} : memref<4x128xf32, #tpu.memory_space<vmem>>, vector<1x16xf32>,
    %swap3A_62 = arith.constant 0 : i32
    %swap3A_63 = arith.index_cast %swap3A_62 : i32 to index
    %swap3A_64 = arith.constant 112 : index
    %swap3A_65 = tpu.vector_load %arg13[%swap3A_63, %swap3A_64] {strides = array<i32>} : memref<4x128xf32, #tpu.memory_space<vmem>>, vector<1x16xf32>,
    %swap3A_66 = vector.shape_cast %swap3A_65 : vector<1x16xf32> to vector<16xf32>
    %swap3A_67 = vector.shape_cast %broadcast_in_dim3A_20 : vector<16xf32> to vector<1x16xf32>
    tpu.vector_store %arg13[%swap3A_63, %swap3A_64], %swap3A_67 {strides = array<i32>} : memref<4x128xf32, #tpu.memory_space<vmem>>, vector<1x16xf32>,
    %swap3A_68 = arith.constant 1 : i32
    %swap3A_69 = arith.index_cast %swap3A_68 : i32 to index
    %swap3A_70 = arith.constant 0 : index
    %swap3A_71 = tpu.vector_load %arg13[%swap3A_69, %swap3A_70] {strides = array<i32>} : memref<4x128xf32, #tpu.memory_space<vmem>>, vector<1x16xf32>,
    %swap3A_72 = vector.shape_cast %swap3A_71 : vector<1x16xf32> to vector<16xf32>
    %swap3A_73 = vector.shape_cast %broadcast_in_dim3A_20 : vector<16xf32> to vector<1x16xf32>
    tpu.vector_store %arg13[%swap3A_69, %swap3A_70], %swap3A_73 {strides = array<i32>} : memref<4x128xf32, #tpu.memory_space<vmem>>, vector<1x16xf32>,
    %swap3A_74 = arith.constant 1 : i32
    %swap3A_75 = arith.index_cast %swap3A_74 : i32 to index
    %swap3A_76 = arith.constant 16 : index
    %swap3A_77 = tpu.vector_load %arg13[%swap3A_75, %swap3A_76] {strides = array<i32>} : memref<4x128xf32, #tpu.memory_space<vmem>>, vector<1x16xf32>,
    %swap3A_78 = vector.shape_cast %swap3A_77 : vector<1x16xf32> to vector<16xf32>
    %swap3A_79 = vector.shape_cast %broadcast_in_dim3A_20 : vector<16xf32> to vector<1x16xf32>
    tpu.vector_store %arg13[%swap3A_75, %swap3A_76], %swap3A_79 {strides = array<i32>} : memref<4x128xf32, #tpu.memory_space<vmem>>, vector<1x16xf32>,
    %swap3A_80 = arith.constant 1 : i32
    %swap3A_81 = arith.index_cast %swap3A_80 : i32 to index
    %swap3A_82 = arith.constant 32 : index
    %swap3A_83 = tpu.vector_load %arg13[%swap3A_81, %swap3A_82] {strides = array<i32>} : memref<4x128xf32, #tpu.memory_space<vmem>>, vector<1x16xf32>,
    %swap3A_84 = vector.shape_cast %swap3A_83 : vector<1x16xf32> to vector<16xf32>
    %swap3A_85 = vector.shape_cast %broadcast_in_dim3A_20 : vector<16xf32> to vector<1x16xf32>
    tpu.vector_store %arg13[%swap3A_81, %swap3A_82], %swap3A_85 {strides = array<i32>} : memref<4x128xf32, #tpu.memory_space<vmem>>, vector<1x16xf32>,
    %swap3A_86 = arith.constant 1 : i32
    %swap3A_87 = arith.index_cast %swap3A_86 : i32 to index
    %swap3A_88 = arith.constant 48 : index
    %swap3A_89 = tpu.vector_load %arg13[%swap3A_87, %swap3A_88] {strides = array<i32>} : memref<4x128xf32, #tpu.memory_space<vmem>>, vector<1x16xf32>,
    %swap3A_90 = vector.shape_cast %swap3A_89 : vector<1x16xf32> to vector<16xf32>
    %swap3A_91 = vector.shape_cast %broadcast_in_dim3A_20 : vector<16xf32> to vector<1x16xf32>
    tpu.vector_store %arg13[%swap3A_87, %swap3A_88], %swap3A_91 {strides = array<i32>} : memref<4x128xf32, #tpu.memory_space<vmem>>, vector<1x16xf32>,
    %swap3A_92 = arith.constant 1 : i32
    %swap3A_93 = arith.index_cast %swap3A_92 : i32 to index
    %swap3A_94 = arith.constant 64 : index
    %swap3A_95 = tpu.vector_load %arg13[%swap3A_93, %swap3A_94] {strides = array<i32>} : memref<4x128xf32, #tpu.memory_space<vmem>>, vector<1x16xf32>,
    %swap3A_96 = vector.shape_cast %swap3A_95 : vector<1x16xf32> to vector<16xf32>
    %swap3A_97 = vector.shape_cast %broadcast_in_dim3A_20 : vector<16xf32> to vector<1x16xf32>
    tpu.vector_store %arg13[%swap3A_93, %swap3A_94], %swap3A_97 {strides = array<i32>} : memref<4x128xf32, #tpu.memory_space<vmem>>, vector<1x16xf32>,
    %swap3A_98 = arith.constant 1 : i32
    %swap3A_99 = arith.index_cast %swap3A_98 : i32 to index
    %swap3A_100 = arith.constant 80 : index
    %swap3A_101 = tpu.vector_load %arg13[%swap3A_99, %swap3A_100] {strides = array<i32>} : memref<4x128xf32, #tpu.memory_space<vmem>>, vector<1x16xf32>,
    %swap3A_102 = vector.shape_cast %swap3A_101 : vector<1x16xf32> to vector<16xf32>
    %swap3A_103 = vector.shape_cast %broadcast_in_dim3A_20 : vector<16xf32> to vector<1x16xf32>
    tpu.vector_store %arg13[%swap3A_99, %swap3A_100], %swap3A_103 {strides = array<i32>} : memref<4x128xf32, #tpu.memory_space<vmem>>, vector<1x16xf32>,
    %swap3A_104 = arith.constant 1 : i32
    %swap3A_105 = arith.index_cast %swap3A_104 : i32 to index
    %swap3A_106 = arith.constant 96 : index
    %swap3A_107 = tpu.vector_load %arg13[%swap3A_105, %swap3A_106] {strides = array<i32>} : memref<4x128xf32, #tpu.memory_space<vmem>>, vector<1x16xf32>,
    %swap3A_108 = vector.shape_cast %swap3A_107 : vector<1x16xf32> to vector<16xf32>
    %swap3A_109 = vector.shape_cast %broadcast_in_dim3A_20 : vector<16xf32> to vector<1x16xf32>
    tpu.vector_store %arg13[%swap3A_105, %swap3A_106], %swap3A_109 {strides = array<i32>} : memref<4x128xf32, #tpu.memory_space<vmem>>, vector<1x16xf32>,
    %swap3A_110 = arith.constant 1 : i32
    %swap3A_111 = arith.index_cast %swap3A_110 : i32 to index
    %swap3A_112 = arith.constant 112 : index
    %swap3A_113 = tpu.vector_load %arg13[%swap3A_111, %swap3A_112] {strides = array<i32>} : memref<4x128xf32, #tpu.memory_space<vmem>>, vector<1x16xf32>,
    %swap3A_114 = vector.shape_cast %swap3A_113 : vector<1x16xf32> to vector<16xf32>
    %swap3A_115 = vector.shape_cast %broadcast_in_dim3A_20 : vector<16xf32> to vector<1x16xf32>
    tpu.vector_store %arg13[%swap3A_111, %swap3A_112], %swap3A_115 {strides = array<i32>} : memref<4x128xf32, #tpu.memory_space<vmem>>, vector<1x16xf32>,
    %swap3A_116 = arith.constant 2 : i32
    %swap3A_117 = arith.index_cast %swap3A_116 : i32 to index
    %swap3A_118 = arith.constant 0 : index
    %swap3A_119 = tpu.vector_load %arg13[%swap3A_117, %swap3A_118] {strides = array<i32>} : memref<4x128xf32, #tpu.memory_space<vmem>>, vector<1x16xf32>,
    %swap3A_120 = vector.shape_cast %swap3A_119 : vector<1x16xf32> to vector<16xf32>
    %swap3A_121 = vector.shape_cast %broadcast_in_dim3A_20 : vector<16xf32> to vector<1x16xf32>
    tpu.vector_store %arg13[%swap3A_117, %swap3A_118], %swap3A_121 {strides = array<i32>} : memref<4x128xf32, #tpu.memory_space<vmem>>, vector<1x16xf32>,
    %swap3A_122 = arith.constant 2 : i32
    %swap3A_123 = arith.index_cast %swap3A_122 : i32 to index
    %swap3A_124 = arith.constant 16 : index
    %swap3A_125 = tpu.vector_load %arg13[%swap3A_123, %swap3A_124] {strides = array<i32>} : memref<4x128xf32, #tpu.memory_space<vmem>>, vector<1x16xf32>,
    %swap3A_126 = vector.shape_cast %swap3A_125 : vector<1x16xf32> to vector<16xf32>
    %swap3A_127 = vector.shape_cast %broadcast_in_dim3A_20 : vector<16xf32> to vector<1x16xf32>
    tpu.vector_store %arg13[%swap3A_123, %swap3A_124], %swap3A_127 {strides = array<i32>} : memref<4x128xf32, #tpu.memory_space<vmem>>, vector<1x16xf32>,
    %swap3A_128 = arith.constant 2 : i32
    %swap3A_129 = arith.index_cast %swap3A_128 : i32 to index
    %swap3A_130 = arith.constant 32 : index
    %swap3A_131 = tpu.vector_load %arg13[%swap3A_129, %swap3A_130] {strides = array<i32>} : memref<4x128xf32, #tpu.memory_space<vmem>>, vector<1x16xf32>,
    %swap3A_132 = vector.shape_cast %swap3A_131 : vector<1x16xf32> to vector<16xf32>
    %swap3A_133 = vector.shape_cast %broadcast_in_dim3A_20 : vector<16xf32> to vector<1x16xf32>
    tpu.vector_store %arg13[%swap3A_129, %swap3A_130], %swap3A_133 {strides = array<i32>} : memref<4x128xf32, #tpu.memory_space<vmem>>, vector<1x16xf32>,
    %swap3A_134 = arith.constant 2 : i32
    %swap3A_135 = arith.index_cast %swap3A_134 : i32 to index
    %swap3A_136 = arith.constant 48 : index
    %swap3A_137 = tpu.vector_load %arg13[%swap3A_135, %swap3A_136] {strides = array<i32>} : memref<4x128xf32, #tpu.memory_space<vmem>>, vector<1x16xf32>,
    %swap3A_138 = vector.shape_cast %swap3A_137 : vector<1x16xf32> to vector<16xf32>
    %swap3A_139 = vector.shape_cast %broadcast_in_dim3A_20 : vector<16xf32> to vector<1x16xf32>
    tpu.vector_store %arg13[%swap3A_135, %swap3A_136], %swap3A_139 {strides = array<i32>} : memref<4x128xf32, #tpu.memory_space<vmem>>, vector<1x16xf32>,
    %swap3A_140 = arith.constant 2 : i32
    %swap3A_141 = arith.index_cast %swap3A_140 : i32 to index
    %swap3A_142 = arith.constant 64 : index
    %swap3A_143 = tpu.vector_load %arg13[%swap3A_141, %swap3A_142] {strides = array<i32>} : memref<4x128xf32, #tpu.memory_space<vmem>>, vector<1x16xf32>,
    %swap3A_144 = vector.shape_cast %swap3A_143 : vector<1x16xf32> to vector<16xf32>
    %swap3A_145 = vector.shape_cast %broadcast_in_dim3A_20 : vector<16xf32> to vector<1x16xf32>
    tpu.vector_store %arg13[%swap3A_141, %swap3A_142], %swap3A_145 {strides = array<i32>} : memref<4x128xf32, #tpu.memory_space<vmem>>, vector<1x16xf32>,
    %swap3A_146 = arith.constant 2 : i32
    %swap3A_147 = arith.index_cast %swap3A_146 : i32 to index
    %swap3A_148 = arith.constant 80 : index
    %swap3A_149 = tpu.vector_load %arg13[%swap3A_147, %swap3A_148] {strides = array<i32>} : memref<4x128xf32, #tpu.memory_space<vmem>>, vector<1x16xf32>,
    %swap3A_150 = vector.shape_cast %swap3A_149 : vector<1x16xf32> to vector<16xf32>
    %swap3A_151 = vector.shape_cast %broadcast_in_dim3A_20 : vector<16xf32> to vector<1x16xf32>
    tpu.vector_store %arg13[%swap3A_147, %swap3A_148], %swap3A_151 {strides = array<i32>} : memref<4x128xf32, #tpu.memory_space<vmem>>, vector<1x16xf32>,
    %swap3A_152 = arith.constant 2 : i32
    %swap3A_153 = arith.index_cast %swap3A_152 : i32 to index
    %swap3A_154 = arith.constant 96 : index
    %swap3A_155 = tpu.vector_load %arg13[%swap3A_153, %swap3A_154] {strides = array<i32>} : memref<4x128xf32, #tpu.memory_space<vmem>>, vector<1x16xf32>,
    %swap3A_156 = vector.shape_cast %swap3A_155 : vector<1x16xf32> to vector<16xf32>
    %swap3A_157 = vector.shape_cast %broadcast_in_dim3A_20 : vector<16xf32> to vector<1x16xf32>
    tpu.vector_store %arg13[%swap3A_153, %swap3A_154], %swap3A_157 {strides = array<i32>} : memref<4x128xf32, #tpu.memory_space<vmem>>, vector<1x16xf32>,
    %swap3A_158 = arith.constant 2 : i32
    %swap3A_159 = arith.index_cast %swap3A_158 : i32 to index
    %swap3A_160 = arith.constant 112 : index
    %swap3A_161 = tpu.vector_load %arg13[%swap3A_159, %swap3A_160] {strides = array<i32>} : memref<4x128xf32, #tpu.memory_space<vmem>>, vector<1x16xf32>,
    %swap3A_162 = vector.shape_cast %swap3A_161 : vector<1x16xf32> to vector<16xf32>
    %swap3A_163 = vector.shape_cast %broadcast_in_dim3A_20 : vector<16xf32> to vector<1x16xf32>
    tpu.vector_store %arg13[%swap3A_159, %swap3A_160], %swap3A_163 {strides = array<i32>} : memref<4x128xf32, #tpu.memory_space<vmem>>, vector<1x16xf32>,
    %swap3A_164 = arith.constant 3 : i32
    %swap3A_165 = arith.index_cast %swap3A_164 : i32 to index
    %swap3A_166 = arith.constant 0 : index
    %swap3A_167 = tpu.vector_load %arg13[%swap3A_165, %swap3A_166] {strides = array<i32>} : memref<4x128xf32, #tpu.memory_space<vmem>>, vector<1x16xf32>,
    %swap3A_168 = vector.shape_cast %swap3A_167 : vector<1x16xf32> to vector<16xf32>
    %swap3A_169 = vector.shape_cast %broadcast_in_dim3A_20 : vector<16xf32> to vector<1x16xf32>
    tpu.vector_store %arg13[%swap3A_165, %swap3A_166], %swap3A_169 {strides = array<i32>} : memref<4x128xf32, #tpu.memory_space<vmem>>, vector<1x16xf32>,
    %swap3A_170 = arith.constant 3 : i32
    %swap3A_171 = arith.index_cast %swap3A_170 : i32 to index
    %swap3A_172 = arith.constant 16 : index
    %swap3A_173 = tpu.vector_load %arg13[%swap3A_171, %swap3A_172] {strides = array<i32>} : memref<4x128xf32, #tpu.memory_space<vmem>>, vector<1x16xf32>,
    %swap3A_174 = vector.shape_cast %swap3A_173 : vector<1x16xf32> to vector<16xf32>
    %swap3A_175 = vector.shape_cast %broadcast_in_dim3A_20 : vector<16xf32> to vector<1x16xf32>
    tpu.vector_store %arg13[%swap3A_171, %swap3A_172], %swap3A_175 {strides = array<i32>} : memref<4x128xf32, #tpu.memory_space<vmem>>, vector<1x16xf32>,
    %swap3A_176 = arith.constant 3 : i32
    %swap3A_177 = arith.index_cast %swap3A_176 : i32 to index
    %swap3A_178 = arith.constant 32 : index
    %swap3A_179 = tpu.vector_load %arg13[%swap3A_177, %swap3A_178] {strides = array<i32>} : memref<4x128xf32, #tpu.memory_space<vmem>>, vector<1x16xf32>,
    %swap3A_180 = vector.shape_cast %swap3A_179 : vector<1x16xf32> to vector<16xf32>
    %swap3A_181 = vector.shape_cast %broadcast_in_dim3A_20 : vector<16xf32> to vector<1x16xf32>
    tpu.vector_store %arg13[%swap3A_177, %swap3A_178], %swap3A_181 {strides = array<i32>} : memref<4x128xf32, #tpu.memory_space<vmem>>, vector<1x16xf32>,
    %swap3A_182 = arith.constant 3 : i32
    %swap3A_183 = arith.index_cast %swap3A_182 : i32 to index
    %swap3A_184 = arith.constant 48 : index
    %swap3A_185 = tpu.vector_load %arg13[%swap3A_183, %swap3A_184] {strides = array<i32>} : memref<4x128xf32, #tpu.memory_space<vmem>>, vector<1x16xf32>,
    %swap3A_186 = vector.shape_cast %swap3A_185 : vector<1x16xf32> to vector<16xf32>
    %swap3A_187 = vector.shape_cast %broadcast_in_dim3A_20 : vector<16xf32> to vector<1x16xf32>
    tpu.vector_store %arg13[%swap3A_183, %swap3A_184], %swap3A_187 {strides = array<i32>} : memref<4x128xf32, #tpu.memory_space<vmem>>, vector<1x16xf32>,
    %swap3A_188 = arith.constant 3 : i32
    %swap3A_189 = arith.index_cast %swap3A_188 : i32 to index
    %swap3A_190 = arith.constant 64 : index
    %swap3A_191 = tpu.vector_load %arg13[%swap3A_189, %swap3A_190] {strides = array<i32>} : memref<4x128xf32, #tpu.memory_space<vmem>>, vector<1x16xf32>,
    %swap3A_192 = vector.shape_cast %swap3A_191 : vector<1x16xf32> to vector<16xf32>
    %swap3A_193 = vector.shape_cast %broadcast_in_dim3A_20 : vector<16xf32> to vector<1x16xf32>
    tpu.vector_store %arg13[%swap3A_189, %swap3A_190], %swap3A_193 {strides = array<i32>} : memref<4x128xf32, #tpu.memory_space<vmem>>, vector<1x16xf32>,
    %swap3A_194 = arith.constant 3 : i32
    %swap3A_195 = arith.index_cast %swap3A_194 : i32 to index
    %swap3A_196 = arith.constant 80 : index
    %swap3A_197 = tpu.vector_load %arg13[%swap3A_195, %swap3A_196] {strides = array<i32>} : memref<4x128xf32, #tpu.memory_space<vmem>>, vector<1x16xf32>,
    %swap3A_198 = vector.shape_cast %swap3A_197 : vector<1x16xf32> to vector<16xf32>
    %swap3A_199 = vector.shape_cast %broadcast_in_dim3A_20 : vector<16xf32> to vector<1x16xf32>
    tpu.vector_store %arg13[%swap3A_195, %swap3A_196], %swap3A_199 {strides = array<i32>} : memref<4x128xf32, #tpu.memory_space<vmem>>, vector<1x16xf32>,
    %swap3A_200 = arith.constant 3 : i32
    %swap3A_201 = arith.index_cast %swap3A_200 : i32 to index
    %swap3A_202 = arith.constant 96 : index
    %swap3A_203 = tpu.vector_load %arg13[%swap3A_201, %swap3A_202] {strides = array<i32>} : memref<4x128xf32, #tpu.memory_space<vmem>>, vector<1x16xf32>,
    %swap3A_204 = vector.shape_cast %swap3A_203 : vector<1x16xf32> to vector<16xf32>
    %swap3A_205 = vector.shape_cast %broadcast_in_dim3A_20 : vector<16xf32> to vector<1x16xf32>
    tpu.vector_store %arg13[%swap3A_201, %swap3A_202], %swap3A_205 {strides = array<i32>} : memref<4x128xf32, #tpu.memory_space<vmem>>, vector<1x16xf32>,
    %swap3A_206 = arith.constant 3 : i32
    %swap3A_207 = arith.index_cast %swap3A_206 : i32 to index
    %swap3A_208 = arith.constant 112 : index
    %swap3A_209 = tpu.vector_load %arg13[%swap3A_207, %swap3A_208] {strides = array<i32>} : memref<4x128xf32, #tpu.memory_space<vmem>>, vector<1x16xf32>,
    %swap3A_210 = vector.shape_cast %swap3A_209 : vector<1x16xf32> to vector<16xf32>
    %swap3A_211 = vector.shape_cast %broadcast_in_dim3A_20 : vector<16xf32> to vector<1x16xf32>
    tpu.vector_store %arg13[%swap3A_207, %swap3A_208], %swap3A_211 {strides = array<i32>} : memref<4x128xf32, #tpu.memory_space<vmem>>, vector<1x16xf32>,
    %mul3A_212 = arith.constant 4096 : i32
    %mul3A_213 = arith.muli %select_n3A, %mul3A_212 : i32
    %mul3A_214 = arith.constant 512 : i32
    %mul3A_215 = arith.muli %sub3A_19, %mul3A_214 : i32
    %add3A_216 = arith.addi %mul3A_213, %mul3A_215 : i32
    "tpu.region"() ({
      %run_scoped3A_2092 = tpu.sem_alloc : memref<!tpu.dma_semaphore, #tpu.memory_space<semaphore_mem>>
      %dma_start3A_2093 = tpu.memref_slice %arg3[%add3A_216] : memref<16384xi32, #tpu.memory_space<hbm>> -> memref<512xi32, #tpu.memory_space<hbm>>
      %dma_start3A_2094 = tpu.memref_slice %arg3[%add3A_216] : memref<16384xi32, #tpu.memory_space<hbm>> -> memref<512xi32, #tpu.memory_space<hbm>>
      tpu.enqueue_dma source(%dma_start3A_2094 : memref<512xi32, #tpu.memory_space<hbm>>) target(%arg7 : memref<512xi32, #tpu.memory_space<vmem>>) target_semaphore(%run_scoped3A_2092 : memref<!tpu.dma_semaphore, #tpu.memory_space<semaphore_mem>>)
      %dma_wait3A_2095 = tpu.memref_slice %arg3[%add3A_216] : memref<16384xi32, #tpu.memory_space<hbm>> -> memref<512xi32, #tpu.memory_space<hbm>>
      %dma_wait3A_2096 = tpu.memref_slice %arg3[%add3A_216] : memref<16384xi32, #tpu.memory_space<hbm>> -> memref<512xi32, #tpu.memory_space<hbm>>
      tpu.wait_dma2 semaphore(%run_scoped3A_2092 : memref<!tpu.dma_semaphore, #tpu.memory_space<semaphore_mem>>) src(%dma_wait3A_2096 : memref<512xi32, #tpu.memory_space<hbm>>) dst(%arg7 : memref<512xi32, #tpu.memory_space<vmem>>)
      tpu.yield
    }) : () -> ()
    %mul3A_217 = arith.constant 3 : i32
    %mul3A_218 = arith.muli %select_n3A, %mul3A_217 : i32
    %add3A_219 = arith.constant 0 : i32
    %add3A_220 = arith.addi %mul3A_218, %add3A_219 : i32
    %mul3A_221 = arith.constant 16384 : i32
    %mul3A_222 = arith.muli %add3A_220, %mul3A_221 : i32
    %get3A = arith.constant 0 : index
    %get3A_223 = tpu.vector_load %arg7[%get3A] {strides = array<i32>} : memref<512xi32, #tpu.memory_space<vmem>>, vector<16xi32>,
    %get3A_224 = vector.shape_cast %get3A_223 : vector<16xi32> to vector<16xi32>
    %add3A_225 = vector.broadcast %mul3A_222 : i32 to vector<16xi32>
    %add3A_226 = arith.addi %get3A_224, %add3A_225 : vector<16xi32>
    %swap3A_227 = arith.constant 0 : i32
    %swap3A_228 = arith.index_cast %swap3A_227 : i32 to index
    %swap3A_229 = arith.constant 0 : index
    %swap3A_230 = tpu.vector_load %arg8[%swap3A_228, %swap3A_229] {strides = array<i32>} : memref<12x128xi32, #tpu.memory_space<vmem>>, vector<1x16xi32>,
    %swap3A_231 = vector.shape_cast %swap3A_230 : vector<1x16xi32> to vector<16xi32>
    %swap3A_232 = vector.shape_cast %add3A_226 : vector<16xi32> to vector<1x16xi32>
    tpu.vector_store %arg8[%swap3A_228, %swap3A_229], %swap3A_232 {strides = array<i32>} : memref<12x128xi32, #tpu.memory_space<vmem>>, vector<1x16xi32>,
    %get3A_233 = arith.constant 16 : index
    %get3A_234 = tpu.vector_load %arg7[%get3A_233] {strides = array<i32>} : memref<512xi32, #tpu.memory_space<vmem>>, vector<16xi32>,
    %get3A_235 = vector.shape_cast %get3A_234 : vector<16xi32> to vector<16xi32>
    %add3A_236 = vector.broadcast %mul3A_222 : i32 to vector<16xi32>
    %add3A_237 = arith.addi %get3A_235, %add3A_236 : vector<16xi32>
    %swap3A_238 = arith.constant 0 : i32
    %swap3A_239 = arith.index_cast %swap3A_238 : i32 to index
    %swap3A_240 = arith.constant 16 : index
    %swap3A_241 = tpu.vector_load %arg8[%swap3A_239, %swap3A_240] {strides = array<i32>} : memref<12x128xi32, #tpu.memory_space<vmem>>, vector<1x16xi32>,
    %swap3A_242 = vector.shape_cast %swap3A_241 : vector<1x16xi32> to vector<16xi32>
    %swap3A_243 = vector.shape_cast %add3A_237 : vector<16xi32> to vector<1x16xi32>
    tpu.vector_store %arg8[%swap3A_239, %swap3A_240], %swap3A_243 {strides = array<i32>} : memref<12x128xi32, #tpu.memory_space<vmem>>, vector<1x16xi32>,
    %get3A_244 = arith.constant 32 : index
    %get3A_245 = tpu.vector_load %arg7[%get3A_244] {strides = array<i32>} : memref<512xi32, #tpu.memory_space<vmem>>, vector<16xi32>,
    %get3A_246 = vector.shape_cast %get3A_245 : vector<16xi32> to vector<16xi32>
    %add3A_247 = vector.broadcast %mul3A_222 : i32 to vector<16xi32>
    %add3A_248 = arith.addi %get3A_246, %add3A_247 : vector<16xi32>
    %swap3A_249 = arith.constant 0 : i32
    %swap3A_250 = arith.index_cast %swap3A_249 : i32 to index
    %swap3A_251 = arith.constant 32 : index
    %swap3A_252 = tpu.vector_load %arg8[%swap3A_250, %swap3A_251] {strides = array<i32>} : memref<12x128xi32, #tpu.memory_space<vmem>>, vector<1x16xi32>,
    %swap3A_253 = vector.shape_cast %swap3A_252 : vector<1x16xi32> to vector<16xi32>
    %swap3A_254 = vector.shape_cast %add3A_248 : vector<16xi32> to vector<1x16xi32>
    tpu.vector_store %arg8[%swap3A_250, %swap3A_251], %swap3A_254 {strides = array<i32>} : memref<12x128xi32, #tpu.memory_space<vmem>>, vector<1x16xi32>,
    %get3A_255 = arith.constant 48 : index
    %get3A_256 = tpu.vector_load %arg7[%get3A_255] {strides = array<i32>} : memref<512xi32, #tpu.memory_space<vmem>>, vector<16xi32>,
    %get3A_257 = vector.shape_cast %get3A_256 : vector<16xi32> to vector<16xi32>
    %add3A_258 = vector.broadcast %mul3A_222 : i32 to vector<16xi32>
    %add3A_259 = arith.addi %get3A_257, %add3A_258 : vector<16xi32>
    %swap3A_260 = arith.constant 0 : i32
    %swap3A_261 = arith.index_cast %swap3A_260 : i32 to index
    %swap3A_262 = arith.constant 48 : index
    %swap3A_263 = tpu.vector_load %arg8[%swap3A_261, %swap3A_262] {strides = array<i32>} : memref<12x128xi32, #tpu.memory_space<vmem>>, vector<1x16xi32>,
    %swap3A_264 = vector.shape_cast %swap3A_263 : vector<1x16xi32> to vector<16xi32>
    %swap3A_265 = vector.shape_cast %add3A_259 : vector<16xi32> to vector<1x16xi32>
    tpu.vector_store %arg8[%swap3A_261, %swap3A_262], %swap3A_265 {strides = array<i32>} : memref<12x128xi32, #tpu.memory_space<vmem>>, vector<1x16xi32>,
    %get3A_266 = arith.constant 64 : index
    %get3A_267 = tpu.vector_load %arg7[%get3A_266] {strides = array<i32>} : memref<512xi32, #tpu.memory_space<vmem>>, vector<16xi32>,
    %get3A_268 = vector.shape_cast %get3A_267 : vector<16xi32> to vector<16xi32>
    %add3A_269 = vector.broadcast %mul3A_222 : i32 to vector<16xi32>
    %add3A_270 = arith.addi %get3A_268, %add3A_269 : vector<16xi32>
    %swap3A_271 = arith.constant 0 : i32
    %swap3A_272 = arith.index_cast %swap3A_271 : i32 to index
    %swap3A_273 = arith.constant 64 : index
    %swap3A_274 = tpu.vector_load %arg8[%swap3A_272, %swap3A_273] {strides = array<i32>} : memref<12x128xi32, #tpu.memory_space<vmem>>, vector<1x16xi32>,
    %swap3A_275 = vector.shape_cast %swap3A_274 : vector<1x16xi32> to vector<16xi32>
    %swap3A_276 = vector.shape_cast %add3A_270 : vector<16xi32> to vector<1x16xi32>
    tpu.vector_store %arg8[%swap3A_272, %swap3A_273], %swap3A_276 {strides = array<i32>} : memref<12x128xi32, #tpu.memory_space<vmem>>, vector<1x16xi32>,
    %get3A_277 = arith.constant 80 : index
    %get3A_278 = tpu.vector_load %arg7[%get3A_277] {strides = array<i32>} : memref<512xi32, #tpu.memory_space<vmem>>, vector<16xi32>,
    %get3A_279 = vector.shape_cast %get3A_278 : vector<16xi32> to vector<16xi32>
    %add3A_280 = vector.broadcast %mul3A_222 : i32 to vector<16xi32>
    %add3A_281 = arith.addi %get3A_279, %add3A_280 : vector<16xi32>
    %swap3A_282 = arith.constant 0 : i32
    %swap3A_283 = arith.index_cast %swap3A_282 : i32 to index
    %swap3A_284 = arith.constant 80 : index
    %swap3A_285 = tpu.vector_load %arg8[%swap3A_283, %swap3A_284] {strides = array<i32>} : memref<12x128xi32, #tpu.memory_space<vmem>>, vector<1x16xi32>,
    %swap3A_286 = vector.shape_cast %swap3A_285 : vector<1x16xi32> to vector<16xi32>
    %swap3A_287 = vector.shape_cast %add3A_281 : vector<16xi32> to vector<1x16xi32>
    tpu.vector_store %arg8[%swap3A_283, %swap3A_284], %swap3A_287 {strides = array<i32>} : memref<12x128xi32, #tpu.memory_space<vmem>>, vector<1x16xi32>,
    %get3A_288 = arith.constant 96 : index
    %get3A_289 = tpu.vector_load %arg7[%get3A_288] {strides = array<i32>} : memref<512xi32, #tpu.memory_space<vmem>>, vector<16xi32>,
    %get3A_290 = vector.shape_cast %get3A_289 : vector<16xi32> to vector<16xi32>
    %add3A_291 = vector.broadcast %mul3A_222 : i32 to vector<16xi32>
    %add3A_292 = arith.addi %get3A_290, %add3A_291 : vector<16xi32>
    %swap3A_293 = arith.constant 0 : i32
    %swap3A_294 = arith.index_cast %swap3A_293 : i32 to index
    %swap3A_295 = arith.constant 96 : index
    %swap3A_296 = tpu.vector_load %arg8[%swap3A_294, %swap3A_295] {strides = array<i32>} : memref<12x128xi32, #tpu.memory_space<vmem>>, vector<1x16xi32>,
    %swap3A_297 = vector.shape_cast %swap3A_296 : vector<1x16xi32> to vector<16xi32>
    %swap3A_298 = vector.shape_cast %add3A_292 : vector<16xi32> to vector<1x16xi32>
    tpu.vector_store %arg8[%swap3A_294, %swap3A_295], %swap3A_298 {strides = array<i32>} : memref<12x128xi32, #tpu.memory_space<vmem>>, vector<1x16xi32>,
    %get3A_299 = arith.constant 112 : index
    %get3A_300 = tpu.vector_load %arg7[%get3A_299] {strides = array<i32>} : memref<512xi32, #tpu.memory_space<vmem>>, vector<16xi32>,
    %get3A_301 = vector.shape_cast %get3A_300 : vector<16xi32> to vector<16xi32>
    %add3A_302 = vector.broadcast %mul3A_222 : i32 to vector<16xi32>
    %add3A_303 = arith.addi %get3A_301, %add3A_302 : vector<16xi32>
    %swap3A_304 = arith.constant 0 : i32
    %swap3A_305 = arith.index_cast %swap3A_304 : i32 to index
    %swap3A_306 = arith.constant 112 : index
    %swap3A_307 = tpu.vector_load %arg8[%swap3A_305, %swap3A_306] {strides = array<i32>} : memref<12x128xi32, #tpu.memory_space<vmem>>, vector<1x16xi32>,
    %swap3A_308 = vector.shape_cast %swap3A_307 : vector<1x16xi32> to vector<16xi32>
    %swap3A_309 = vector.shape_cast %add3A_303 : vector<16xi32> to vector<1x16xi32>
    tpu.vector_store %arg8[%swap3A_305, %swap3A_306], %swap3A_309 {strides = array<i32>} : memref<12x128xi32, #tpu.memory_space<vmem>>, vector<1x16xi32>,
    %get3A_310 = arith.constant 128 : index
    %get3A_311 = tpu.vector_load %arg7[%get3A_310] {strides = array<i32>} : memref<512xi32, #tpu.memory_space<vmem>>, vector<16xi32>,
    %get3A_312 = vector.shape_cast %get3A_311 : vector<16xi32> to vector<16xi32>
    %add3A_313 = vector.broadcast %mul3A_222 : i32 to vector<16xi32>
    %add3A_314 = arith.addi %get3A_312, %add3A_313 : vector<16xi32>
    %swap3A_315 = arith.constant 1 : i32
    %swap3A_316 = arith.index_cast %swap3A_315 : i32 to index
    %swap3A_317 = arith.constant 0 : index
    %swap3A_318 = tpu.vector_load %arg8[%swap3A_316, %swap3A_317] {strides = array<i32>} : memref<12x128xi32, #tpu.memory_space<vmem>>, vector<1x16xi32>,
    %swap3A_319 = vector.shape_cast %swap3A_318 : vector<1x16xi32> to vector<16xi32>
    %swap3A_320 = vector.shape_cast %add3A_314 : vector<16xi32> to vector<1x16xi32>
    tpu.vector_store %arg8[%swap3A_316, %swap3A_317], %swap3A_320 {strides = array<i32>} : memref<12x128xi32, #tpu.memory_space<vmem>>, vector<1x16xi32>,
    %get3A_321 = arith.constant 144 : index
    %get3A_322 = tpu.vector_load %arg7[%get3A_321] {strides = array<i32>} : memref<512xi32, #tpu.memory_space<vmem>>, vector<16xi32>,
    %get3A_323 = vector.shape_cast %get3A_322 : vector<16xi32> to vector<16xi32>
    %add3A_324 = vector.broadcast %mul3A_222 : i32 to vector<16xi32>
    %add3A_325 = arith.addi %get3A_323, %add3A_324 : vector<16xi32>
    %swap3A_326 = arith.constant 1 : i32
    %swap3A_327 = arith.index_cast %swap3A_326 : i32 to index
    %swap3A_328 = arith.constant 16 : index
    %swap3A_329 = tpu.vector_load %arg8[%swap3A_327, %swap3A_328] {strides = array<i32>} : memref<12x128xi32, #tpu.memory_space<vmem>>, vector<1x16xi32>,
    %swap3A_330 = vector.shape_cast %swap3A_329 : vector<1x16xi32> to vector<16xi32>
    %swap3A_331 = vector.shape_cast %add3A_325 : vector<16xi32> to vector<1x16xi32>
    tpu.vector_store %arg8[%swap3A_327, %swap3A_328], %swap3A_331 {strides = array<i32>} : memref<12x128xi32, #tpu.memory_space<vmem>>, vector<1x16xi32>,
    %get3A_332 = arith.constant 160 : index
    %get3A_333 = tpu.vector_load %arg7[%get3A_332] {strides = array<i32>} : memref<512xi32, #tpu.memory_space<vmem>>, vector<16xi32>,
    %get3A_334 = vector.shape_cast %get3A_333 : vector<16xi32> to vector<16xi32>
    %add3A_335 = vector.broadcast %mul3A_222 : i32 to vector<16xi32>
    %add3A_336 = arith.addi %get3A_334, %add3A_335 : vector<16xi32>
    %swap3A_337 = arith.constant 1 : i32
    %swap3A_338 = arith.index_cast %swap3A_337 : i32 to index
    %swap3A_339 = arith.constant 32 : index
    %swap3A_340 = tpu.vector_load %arg8[%swap3A_338, %swap3A_339] {strides = array<i32>} : memref<12x128xi32, #tpu.memory_space<vmem>>, vector<1x16xi32>,
    %swap3A_341 = vector.shape_cast %swap3A_340 : vector<1x16xi32> to vector<16xi32>
    %swap3A_342 = vector.shape_cast %add3A_336 : vector<16xi32> to vector<1x16xi32>
    tpu.vector_store %arg8[%swap3A_338, %swap3A_339], %swap3A_342 {strides = array<i32>} : memref<12x128xi32, #tpu.memory_space<vmem>>, vector<1x16xi32>,
    %get3A_343 = arith.constant 176 : index
    %get3A_344 = tpu.vector_load %arg7[%get3A_343] {strides = array<i32>} : memref<512xi32, #tpu.memory_space<vmem>>, vector<16xi32>,
    %get3A_345 = vector.shape_cast %get3A_344 : vector<16xi32> to vector<16xi32>
    %add3A_346 = vector.broadcast %mul3A_222 : i32 to vector<16xi32>
    %add3A_347 = arith.addi %get3A_345, %add3A_346 : vector<16xi32>
    %swap3A_348 = arith.constant 1 : i32
    %swap3A_349 = arith.index_cast %swap3A_348 : i32 to index
    %swap3A_350 = arith.constant 48 : index
    %swap3A_351 = tpu.vector_load %arg8[%swap3A_349, %swap3A_350] {strides = array<i32>} : memref<12x128xi32, #tpu.memory_space<vmem>>, vector<1x16xi32>,
    %swap3A_352 = vector.shape_cast %swap3A_351 : vector<1x16xi32> to vector<16xi32>
    %swap3A_353 = vector.shape_cast %add3A_347 : vector<16xi32> to vector<1x16xi32>
    tpu.vector_store %arg8[%swap3A_349, %swap3A_350], %swap3A_353 {strides = array<i32>} : memref<12x128xi32, #tpu.memory_space<vmem>>, vector<1x16xi32>,
    %get3A_354 = arith.constant 192 : index
    %get3A_355 = tpu.vector_load %arg7[%get3A_354] {strides = array<i32>} : memref<512xi32, #tpu.memory_space<vmem>>, vector<16xi32>,
    %get3A_356 = vector.shape_cast %get3A_355 : vector<16xi32> to vector<16xi32>
    %add3A_357 = vector.broadcast %mul3A_222 : i32 to vector<16xi32>
    %add3A_358 = arith.addi %get3A_356, %add3A_357 : vector<16xi32>
    %swap3A_359 = arith.constant 1 : i32
    %swap3A_360 = arith.index_cast %swap3A_359 : i32 to index
    %swap3A_361 = arith.constant 64 : index
    %swap3A_362 = tpu.vector_load %arg8[%swap3A_360, %swap3A_361] {strides = array<i32>} : memref<12x128xi32, #tpu.memory_space<vmem>>, vector<1x16xi32>,
    %swap3A_363 = vector.shape_cast %swap3A_362 : vector<1x16xi32> to vector<16xi32>
    %swap3A_364 = vector.shape_cast %add3A_358 : vector<16xi32> to vector<1x16xi32>
    tpu.vector_store %arg8[%swap3A_360, %swap3A_361], %swap3A_364 {strides = array<i32>} : memref<12x128xi32, #tpu.memory_space<vmem>>, vector<1x16xi32>,
    %get3A_365 = arith.constant 208 : index
    %get3A_366 = tpu.vector_load %arg7[%get3A_365] {strides = array<i32>} : memref<512xi32, #tpu.memory_space<vmem>>, vector<16xi32>,
    %get3A_367 = vector.shape_cast %get3A_366 : vector<16xi32> to vector<16xi32>
    %add3A_368 = vector.broadcast %mul3A_222 : i32 to vector<16xi32>
    %add3A_369 = arith.addi %get3A_367, %add3A_368 : vector<16xi32>
    %swap3A_370 = arith.constant 1 : i32
    %swap3A_371 = arith.index_cast %swap3A_370 : i32 to index
    %swap3A_372 = arith.constant 80 : index
    %swap3A_373 = tpu.vector_load %arg8[%swap3A_371, %swap3A_372] {strides = array<i32>} : memref<12x128xi32, #tpu.memory_space<vmem>>, vector<1x16xi32>,
    %swap3A_374 = vector.shape_cast %swap3A_373 : vector<1x16xi32> to vector<16xi32>
    %swap3A_375 = vector.shape_cast %add3A_369 : vector<16xi32> to vector<1x16xi32>
    tpu.vector_store %arg8[%swap3A_371, %swap3A_372], %swap3A_375 {strides = array<i32>} : memref<12x128xi32, #tpu.memory_space<vmem>>, vector<1x16xi32>,
    %get3A_376 = arith.constant 224 : index
    %get3A_377 = tpu.vector_load %arg7[%get3A_376] {strides = array<i32>} : memref<512xi32, #tpu.memory_space<vmem>>, vector<16xi32>,
    %get3A_378 = vector.shape_cast %get3A_377 : vector<16xi32> to vector<16xi32>
    %add3A_379 = vector.broadcast %mul3A_222 : i32 to vector<16xi32>
    %add3A_380 = arith.addi %get3A_378, %add3A_379 : vector<16xi32>
    %swap3A_381 = arith.constant 1 : i32
    %swap3A_382 = arith.index_cast %swap3A_381 : i32 to index
    %swap3A_383 = arith.constant 96 : index
    %swap3A_384 = tpu.vector_load %arg8[%swap3A_382, %swap3A_383] {strides = array<i32>} : memref<12x128xi32, #tpu.memory_space<vmem>>, vector<1x16xi32>,
    %swap3A_385 = vector.shape_cast %swap3A_384 : vector<1x16xi32> to vector<16xi32>
    %swap3A_386 = vector.shape_cast %add3A_380 : vector<16xi32> to vector<1x16xi32>
    tpu.vector_store %arg8[%swap3A_382, %swap3A_383], %swap3A_386 {strides = array<i32>} : memref<12x128xi32, #tpu.memory_space<vmem>>, vector<1x16xi32>,
    %get3A_387 = arith.constant 240 : index
    %get3A_388 = tpu.vector_load %arg7[%get3A_387] {strides = array<i32>} : memref<512xi32, #tpu.memory_space<vmem>>, vector<16xi32>,
    %get3A_389 = vector.shape_cast %get3A_388 : vector<16xi32> to vector<16xi32>
    %add3A_390 = vector.broadcast %mul3A_222 : i32 to vector<16xi32>
    %add3A_391 = arith.addi %get3A_389, %add3A_390 : vector<16xi32>
    %swap3A_392 = arith.constant 1 : i32
    %swap3A_393 = arith.index_cast %swap3A_392 : i32 to index
    %swap3A_394 = arith.constant 112 : index
    %swap3A_395 = tpu.vector_load %arg8[%swap3A_393, %swap3A_394] {strides = array<i32>} : memref<12x128xi32, #tpu.memory_space<vmem>>, vector<1x16xi32>,
    %swap3A_396 = vector.shape_cast %swap3A_395 : vector<1x16xi32> to vector<16xi32>
    %swap3A_397 = vector.shape_cast %add3A_391 : vector<16xi32> to vector<1x16xi32>
    tpu.vector_store %arg8[%swap3A_393, %swap3A_394], %swap3A_397 {strides = array<i32>} : memref<12x128xi32, #tpu.memory_space<vmem>>, vector<1x16xi32>,
    %get3A_398 = arith.constant 256 : index
    %get3A_399 = tpu.vector_load %arg7[%get3A_398] {strides = array<i32>} : memref<512xi32, #tpu.memory_space<vmem>>, vector<16xi32>,
    %get3A_400 = vector.shape_cast %get3A_399 : vector<16xi32> to vector<16xi32>
    %add3A_401 = vector.broadcast %mul3A_222 : i32 to vector<16xi32>
    %add3A_402 = arith.addi %get3A_400, %add3A_401 : vector<16xi32>
    %swap3A_403 = arith.constant 2 : i32
    %swap3A_404 = arith.index_cast %swap3A_403 : i32 to index
    %swap3A_405 = arith.constant 0 : index
    %swap3A_406 = tpu.vector_load %arg8[%swap3A_404, %swap3A_405] {strides = array<i32>} : memref<12x128xi32, #tpu.memory_space<vmem>>, vector<1x16xi32>,
    %swap3A_407 = vector.shape_cast %swap3A_406 : vector<1x16xi32> to vector<16xi32>
    %swap3A_408 = vector.shape_cast %add3A_402 : vector<16xi32> to vector<1x16xi32>
    tpu.vector_store %arg8[%swap3A_404, %swap3A_405], %swap3A_408 {strides = array<i32>} : memref<12x128xi32, #tpu.memory_space<vmem>>, vector<1x16xi32>,
    %get3A_409 = arith.constant 272 : index
    %get3A_410 = tpu.vector_load %arg7[%get3A_409] {strides = array<i32>} : memref<512xi32, #tpu.memory_space<vmem>>, vector<16xi32>,
    %get3A_411 = vector.shape_cast %get3A_410 : vector<16xi32> to vector<16xi32>
    %add3A_412 = vector.broadcast %mul3A_222 : i32 to vector<16xi32>
    %add3A_413 = arith.addi %get3A_411, %add3A_412 : vector<16xi32>
    %swap3A_414 = arith.constant 2 : i32
    %swap3A_415 = arith.index_cast %swap3A_414 : i32 to index
    %swap3A_416 = arith.constant 16 : index
    %swap3A_417 = tpu.vector_load %arg8[%swap3A_415, %swap3A_416] {strides = array<i32>} : memref<12x128xi32, #tpu.memory_space<vmem>>, vector<1x16xi32>,
    %swap3A_418 = vector.shape_cast %swap3A_417 : vector<1x16xi32> to vector<16xi32>
    %swap3A_419 = vector.shape_cast %add3A_413 : vector<16xi32> to vector<1x16xi32>
    tpu.vector_store %arg8[%swap3A_415, %swap3A_416], %swap3A_419 {strides = array<i32>} : memref<12x128xi32, #tpu.memory_space<vmem>>, vector<1x16xi32>,
    %get3A_420 = arith.constant 288 : index
    %get3A_421 = tpu.vector_load %arg7[%get3A_420] {strides = array<i32>} : memref<512xi32, #tpu.memory_space<vmem>>, vector<16xi32>,
    %get3A_422 = vector.shape_cast %get3A_421 : vector<16xi32> to vector<16xi32>
    %add3A_423 = vector.broadcast %mul3A_222 : i32 to vector<16xi32>
    %add3A_424 = arith.addi %get3A_422, %add3A_423 : vector<16xi32>
    %swap3A_425 = arith.constant 2 : i32
    %swap3A_426 = arith.index_cast %swap3A_425 : i32 to index
    %swap3A_427 = arith.constant 32 : index
    %swap3A_428 = tpu.vector_load %arg8[%swap3A_426, %swap3A_427] {strides = array<i32>} : memref<12x128xi32, #tpu.memory_space<vmem>>, vector<1x16xi32>,
    %swap3A_429 = vector.shape_cast %swap3A_428 : vector<1x16xi32> to vector<16xi32>
    %swap3A_430 = vector.shape_cast %add3A_424 : vector<16xi32> to vector<1x16xi32>
    tpu.vector_store %arg8[%swap3A_426, %swap3A_427], %swap3A_430 {strides = array<i32>} : memref<12x128xi32, #tpu.memory_space<vmem>>, vector<1x16xi32>,
    %get3A_431 = arith.constant 304 : index
    %get3A_432 = tpu.vector_load %arg7[%get3A_431] {strides = array<i32>} : memref<512xi32, #tpu.memory_space<vmem>>, vector<16xi32>,
    %get3A_433 = vector.shape_cast %get3A_432 : vector<16xi32> to vector<16xi32>
    %add3A_434 = vector.broadcast %mul3A_222 : i32 to vector<16xi32>
    %add3A_435 = arith.addi %get3A_433, %add3A_434 : vector<16xi32>
    %swap3A_436 = arith.constant 2 : i32
    %swap3A_437 = arith.index_cast %swap3A_436 : i32 to index
    %swap3A_438 = arith.constant 48 : index
    %swap3A_439 = tpu.vector_load %arg8[%swap3A_437, %swap3A_438] {strides = array<i32>} : memref<12x128xi32, #tpu.memory_space<vmem>>, vector<1x16xi32>,
    %swap3A_440 = vector.shape_cast %swap3A_439 : vector<1x16xi32> to vector<16xi32>
    %swap3A_441 = vector.shape_cast %add3A_435 : vector<16xi32> to vector<1x16xi32>
    tpu.vector_store %arg8[%swap3A_437, %swap3A_438], %swap3A_441 {strides = array<i32>} : memref<12x128xi32, #tpu.memory_space<vmem>>, vector<1x16xi32>,
    %get3A_442 = arith.constant 320 : index
    %get3A_443 = tpu.vector_load %arg7[%get3A_442] {strides = array<i32>} : memref<512xi32, #tpu.memory_space<vmem>>, vector<16xi32>,
    %get3A_444 = vector.shape_cast %get3A_443 : vector<16xi32> to vector<16xi32>
    %add3A_445 = vector.broadcast %mul3A_222 : i32 to vector<16xi32>
    %add3A_446 = arith.addi %get3A_444, %add3A_445 : vector<16xi32>
    %swap3A_447 = arith.constant 2 : i32
    %swap3A_448 = arith.index_cast %swap3A_447 : i32 to index
    %swap3A_449 = arith.constant 64 : index
    %swap3A_450 = tpu.vector_load %arg8[%swap3A_448, %swap3A_449] {strides = array<i32>} : memref<12x128xi32, #tpu.memory_space<vmem>>, vector<1x16xi32>,
    %swap3A_451 = vector.shape_cast %swap3A_450 : vector<1x16xi32> to vector<16xi32>
    %swap3A_452 = vector.shape_cast %add3A_446 : vector<16xi32> to vector<1x16xi32>
    tpu.vector_store %arg8[%swap3A_448, %swap3A_449], %swap3A_452 {strides = array<i32>} : memref<12x128xi32, #tpu.memory_space<vmem>>, vector<1x16xi32>,
    %get3A_453 = arith.constant 336 : index
    %get3A_454 = tpu.vector_load %arg7[%get3A_453] {strides = array<i32>} : memref<512xi32, #tpu.memory_space<vmem>>, vector<16xi32>,
    %get3A_455 = vector.shape_cast %get3A_454 : vector<16xi32> to vector<16xi32>
    %add3A_456 = vector.broadcast %mul3A_222 : i32 to vector<16xi32>
    %add3A_457 = arith.addi %get3A_455, %add3A_456 : vector<16xi32>
    %swap3A_458 = arith.constant 2 : i32
    %swap3A_459 = arith.index_cast %swap3A_458 : i32 to index
    %swap3A_460 = arith.constant 80 : index
    %swap3A_461 = tpu.vector_load %arg8[%swap3A_459, %swap3A_460] {strides = array<i32>} : memref<12x128xi32, #tpu.memory_space<vmem>>, vector<1x16xi32>,
    %swap3A_462 = vector.shape_cast %swap3A_461 : vector<1x16xi32> to vector<16xi32>
    %swap3A_463 = vector.shape_cast %add3A_457 : vector<16xi32> to vector<1x16xi32>
    tpu.vector_store %arg8[%swap3A_459, %swap3A_460], %swap3A_463 {strides = array<i32>} : memref<12x128xi32, #tpu.memory_space<vmem>>, vector<1x16xi32>,
    %get3A_464 = arith.constant 352 : index
    %get3A_465 = tpu.vector_load %arg7[%get3A_464] {strides = array<i32>} : memref<512xi32, #tpu.memory_space<vmem>>, vector<16xi32>,
    %get3A_466 = vector.shape_cast %get3A_465 : vector<16xi32> to vector<16xi32>
    %add3A_467 = vector.broadcast %mul3A_222 : i32 to vector<16xi32>
    %add3A_468 = arith.addi %get3A_466, %add3A_467 : vector<16xi32>
    %swap3A_469 = arith.constant 2 : i32
    %swap3A_470 = arith.index_cast %swap3A_469 : i32 to index
    %swap3A_471 = arith.constant 96 : index
    %swap3A_472 = tpu.vector_load %arg8[%swap3A_470, %swap3A_471] {strides = array<i32>} : memref<12x128xi32, #tpu.memory_space<vmem>>, vector<1x16xi32>,
    %swap3A_473 = vector.shape_cast %swap3A_472 : vector<1x16xi32> to vector<16xi32>
    %swap3A_474 = vector.shape_cast %add3A_468 : vector<16xi32> to vector<1x16xi32>
    tpu.vector_store %arg8[%swap3A_470, %swap3A_471], %swap3A_474 {strides = array<i32>} : memref<12x128xi32, #tpu.memory_space<vmem>>, vector<1x16xi32>,
    %get3A_475 = arith.constant 368 : index
    %get3A_476 = tpu.vector_load %arg7[%get3A_475] {strides = array<i32>} : memref<512xi32, #tpu.memory_space<vmem>>, vector<16xi32>,
    %get3A_477 = vector.shape_cast %get3A_476 : vector<16xi32> to vector<16xi32>
    %add3A_478 = vector.broadcast %mul3A_222 : i32 to vector<16xi32>
    %add3A_479 = arith.addi %get3A_477, %add3A_478 : vector<16xi32>
    %swap3A_480 = arith.constant 2 : i32
    %swap3A_481 = arith.index_cast %swap3A_480 : i32 to index
    %swap3A_482 = arith.constant 112 : index
    %swap3A_483 = tpu.vector_load %arg8[%swap3A_481, %swap3A_482] {strides = array<i32>} : memref<12x128xi32, #tpu.memory_space<vmem>>, vector<1x16xi32>,
    %swap3A_484 = vector.shape_cast %swap3A_483 : vector<1x16xi32> to vector<16xi32>
    %swap3A_485 = vector.shape_cast %add3A_479 : vector<16xi32> to vector<1x16xi32>
    tpu.vector_store %arg8[%swap3A_481, %swap3A_482], %swap3A_485 {strides = array<i32>} : memref<12x128xi32, #tpu.memory_space<vmem>>, vector<1x16xi32>,
    %get3A_486 = arith.constant 384 : index
    %get3A_487 = tpu.vector_load %arg7[%get3A_486] {strides = array<i32>} : memref<512xi32, #tpu.memory_space<vmem>>, vector<16xi32>,
    %get3A_488 = vector.shape_cast %get3A_487 : vector<16xi32> to vector<16xi32>
    %add3A_489 = vector.broadcast %mul3A_222 : i32 to vector<16xi32>
    %add3A_490 = arith.addi %get3A_488, %add3A_489 : vector<16xi32>
    %swap3A_491 = arith.constant 3 : i32
    %swap3A_492 = arith.index_cast %swap3A_491 : i32 to index
    %swap3A_493 = arith.constant 0 : index
    %swap3A_494 = tpu.vector_load %arg8[%swap3A_492, %swap3A_493] {strides = array<i32>} : memref<12x128xi32, #tpu.memory_space<vmem>>, vector<1x16xi32>,
    %swap3A_495 = vector.shape_cast %swap3A_494 : vector<1x16xi32> to vector<16xi32>
    %swap3A_496 = vector.shape_cast %add3A_490 : vector<16xi32> to vector<1x16xi32>
    tpu.vector_store %arg8[%swap3A_492, %swap3A_493], %swap3A_496 {strides = array<i32>} : memref<12x128xi32, #tpu.memory_space<vmem>>, vector<1x16xi32>,
    %get3A_497 = arith.constant 400 : index
    %get3A_498 = tpu.vector_load %arg7[%get3A_497] {strides = array<i32>} : memref<512xi32, #tpu.memory_space<vmem>>, vector<16xi32>,
    %get3A_499 = vector.shape_cast %get3A_498 : vector<16xi32> to vector<16xi32>
    %add3A_500 = vector.broadcast %mul3A_222 : i32 to vector<16xi32>
    %add3A_501 = arith.addi %get3A_499, %add3A_500 : vector<16xi32>
    %swap3A_502 = arith.constant 3 : i32
    %swap3A_503 = arith.index_cast %swap3A_502 : i32 to index
    %swap3A_504 = arith.constant 16 : index
    %swap3A_505 = tpu.vector_load %arg8[%swap3A_503, %swap3A_504] {strides = array<i32>} : memref<12x128xi32, #tpu.memory_space<vmem>>, vector<1x16xi32>,
    %swap3A_506 = vector.shape_cast %swap3A_505 : vector<1x16xi32> to vector<16xi32>
    %swap3A_507 = vector.shape_cast %add3A_501 : vector<16xi32> to vector<1x16xi32>
    tpu.vector_store %arg8[%swap3A_503, %swap3A_504], %swap3A_507 {strides = array<i32>} : memref<12x128xi32, #tpu.memory_space<vmem>>, vector<1x16xi32>,
    %get3A_508 = arith.constant 416 : index
    %get3A_509 = tpu.vector_load %arg7[%get3A_508] {strides = array<i32>} : memref<512xi32, #tpu.memory_space<vmem>>, vector<16xi32>,
    %get3A_510 = vector.shape_cast %get3A_509 : vector<16xi32> to vector<16xi32>
    %add3A_511 = vector.broadcast %mul3A_222 : i32 to vector<16xi32>
    %add3A_512 = arith.addi %get3A_510, %add3A_511 : vector<16xi32>
    %swap3A_513 = arith.constant 3 : i32
    %swap3A_514 = arith.index_cast %swap3A_513 : i32 to index
    %swap3A_515 = arith.constant 32 : index
    %swap3A_516 = tpu.vector_load %arg8[%swap3A_514, %swap3A_515] {strides = array<i32>} : memref<12x128xi32, #tpu.memory_space<vmem>>, vector<1x16xi32>,
    %swap3A_517 = vector.shape_cast %swap3A_516 : vector<1x16xi32> to vector<16xi32>
    %swap3A_518 = vector.shape_cast %add3A_512 : vector<16xi32> to vector<1x16xi32>
    tpu.vector_store %arg8[%swap3A_514, %swap3A_515], %swap3A_518 {strides = array<i32>} : memref<12x128xi32, #tpu.memory_space<vmem>>, vector<1x16xi32>,
    %get3A_519 = arith.constant 432 : index
    %get3A_520 = tpu.vector_load %arg7[%get3A_519] {strides = array<i32>} : memref<512xi32, #tpu.memory_space<vmem>>, vector<16xi32>,
    %get3A_521 = vector.shape_cast %get3A_520 : vector<16xi32> to vector<16xi32>
    %add3A_522 = vector.broadcast %mul3A_222 : i32 to vector<16xi32>
    %add3A_523 = arith.addi %get3A_521, %add3A_522 : vector<16xi32>
    %swap3A_524 = arith.constant 3 : i32
    %swap3A_525 = arith.index_cast %swap3A_524 : i32 to index
    %swap3A_526 = arith.constant 48 : index
    %swap3A_527 = tpu.vector_load %arg8[%swap3A_525, %swap3A_526] {strides = array<i32>} : memref<12x128xi32, #tpu.memory_space<vmem>>, vector<1x16xi32>,
    %swap3A_528 = vector.shape_cast %swap3A_527 : vector<1x16xi32> to vector<16xi32>
    %swap3A_529 = vector.shape_cast %add3A_523 : vector<16xi32> to vector<1x16xi32>
    tpu.vector_store %arg8[%swap3A_525, %swap3A_526], %swap3A_529 {strides = array<i32>} : memref<12x128xi32, #tpu.memory_space<vmem>>, vector<1x16xi32>,
    %get3A_530 = arith.constant 448 : index
    %get3A_531 = tpu.vector_load %arg7[%get3A_530] {strides = array<i32>} : memref<512xi32, #tpu.memory_space<vmem>>, vector<16xi32>,
    %get3A_532 = vector.shape_cast %get3A_531 : vector<16xi32> to vector<16xi32>
    %add3A_533 = vector.broadcast %mul3A_222 : i32 to vector<16xi32>
    %add3A_534 = arith.addi %get3A_532, %add3A_533 : vector<16xi32>
    %swap3A_535 = arith.constant 3 : i32
    %swap3A_536 = arith.index_cast %swap3A_535 : i32 to index
    %swap3A_537 = arith.constant 64 : index
    %swap3A_538 = tpu.vector_load %arg8[%swap3A_536, %swap3A_537] {strides = array<i32>} : memref<12x128xi32, #tpu.memory_space<vmem>>, vector<1x16xi32>,
    %swap3A_539 = vector.shape_cast %swap3A_538 : vector<1x16xi32> to vector<16xi32>
    %swap3A_540 = vector.shape_cast %add3A_534 : vector<16xi32> to vector<1x16xi32>
    tpu.vector_store %arg8[%swap3A_536, %swap3A_537], %swap3A_540 {strides = array<i32>} : memref<12x128xi32, #tpu.memory_space<vmem>>, vector<1x16xi32>,
    %get3A_541 = arith.constant 464 : index
    %get3A_542 = tpu.vector_load %arg7[%get3A_541] {strides = array<i32>} : memref<512xi32, #tpu.memory_space<vmem>>, vector<16xi32>,
    %get3A_543 = vector.shape_cast %get3A_542 : vector<16xi32> to vector<16xi32>
    %add3A_544 = vector.broadcast %mul3A_222 : i32 to vector<16xi32>
    %add3A_545 = arith.addi %get3A_543, %add3A_544 : vector<16xi32>
    %swap3A_546 = arith.constant 3 : i32
    %swap3A_547 = arith.index_cast %swap3A_546 : i32 to index
    %swap3A_548 = arith.constant 80 : index
    %swap3A_549 = tpu.vector_load %arg8[%swap3A_547, %swap3A_548] {strides = array<i32>} : memref<12x128xi32, #tpu.memory_space<vmem>>, vector<1x16xi32>,
    %swap3A_550 = vector.shape_cast %swap3A_549 : vector<1x16xi32> to vector<16xi32>
    %swap3A_551 = vector.shape_cast %add3A_545 : vector<16xi32> to vector<1x16xi32>
    tpu.vector_store %arg8[%swap3A_547, %swap3A_548], %swap3A_551 {strides = array<i32>} : memref<12x128xi32, #tpu.memory_space<vmem>>, vector<1x16xi32>,
    %get3A_552 = arith.constant 480 : index
    %get3A_553 = tpu.vector_load %arg7[%get3A_552] {strides = array<i32>} : memref<512xi32, #tpu.memory_space<vmem>>, vector<16xi32>,
    %get3A_554 = vector.shape_cast %get3A_553 : vector<16xi32> to vector<16xi32>
    %add3A_555 = vector.broadcast %mul3A_222 : i32 to vector<16xi32>
    %add3A_556 = arith.addi %get3A_554, %add3A_555 : vector<16xi32>
    %swap3A_557 = arith.constant 3 : i32
    %swap3A_558 = arith.index_cast %swap3A_557 : i32 to index
    %swap3A_559 = arith.constant 96 : index
    %swap3A_560 = tpu.vector_load %arg8[%swap3A_558, %swap3A_559] {strides = array<i32>} : memref<12x128xi32, #tpu.memory_space<vmem>>, vector<1x16xi32>,
    %swap3A_561 = vector.shape_cast %swap3A_560 : vector<1x16xi32> to vector<16xi32>
    %swap3A_562 = vector.shape_cast %add3A_556 : vector<16xi32> to vector<1x16xi32>
    tpu.vector_store %arg8[%swap3A_558, %swap3A_559], %swap3A_562 {strides = array<i32>} : memref<12x128xi32, #tpu.memory_space<vmem>>, vector<1x16xi32>,
    %get3A_563 = arith.constant 496 : index
    %get3A_564 = tpu.vector_load %arg7[%get3A_563] {strides = array<i32>} : memref<512xi32, #tpu.memory_space<vmem>>, vector<16xi32>,
    %get3A_565 = vector.shape_cast %get3A_564 : vector<16xi32> to vector<16xi32>
    %add3A_566 = vector.broadcast %mul3A_222 : i32 to vector<16xi32>
    %add3A_567 = arith.addi %get3A_565, %add3A_566 : vector<16xi32>
    %swap3A_568 = arith.constant 3 : i32
    %swap3A_569 = arith.index_cast %swap3A_568 : i32 to index
    %swap3A_570 = arith.constant 112 : index
    %swap3A_571 = tpu.vector_load %arg8[%swap3A_569, %swap3A_570] {strides = array<i32>} : memref<12x128xi32, #tpu.memory_space<vmem>>, vector<1x16xi32>,
    %swap3A_572 = vector.shape_cast %swap3A_571 : vector<1x16xi32> to vector<16xi32>
    %swap3A_573 = vector.shape_cast %add3A_567 : vector<16xi32> to vector<1x16xi32>
    tpu.vector_store %arg8[%swap3A_569, %swap3A_570], %swap3A_573 {strides = array<i32>} : memref<12x128xi32, #tpu.memory_space<vmem>>, vector<1x16xi32>,
    %mul3A_574 = arith.constant 3 : i32
    %mul3A_575 = arith.muli %select_n3A, %mul3A_574 : i32
    %add3A_576 = arith.constant 1 : i32
    %add3A_577 = arith.addi %mul3A_575, %add3A_576 : i32
    %mul3A_578 = arith.constant 16384 : i32
    %mul3A_579 = arith.muli %add3A_577, %mul3A_578 : i32
    %get3A_580 = arith.constant 0 : index
    %get3A_581 = tpu.vector_load %arg7[%get3A_580] {strides = array<i32>} : memref<512xi32, #tpu.memory_space<vmem>>, vector<16xi32>,
    %get3A_582 = vector.shape_cast %get3A_581 : vector<16xi32> to vector<16xi32>
    %add3A_583 = vector.broadcast %mul3A_579 : i32 to vector<16xi32>
    %add3A_584 = arith.addi %get3A_582, %add3A_583 : vector<16xi32>
    %swap3A_585 = arith.constant 4 : i32
    %swap3A_586 = arith.index_cast %swap3A_585 : i32 to index
    %swap3A_587 = arith.constant 0 : index
    %swap3A_588 = tpu.vector_load %arg8[%swap3A_586, %swap3A_587] {strides = array<i32>} : memref<12x128xi32, #tpu.memory_space<vmem>>, vector<1x16xi32>,
    %swap3A_589 = vector.shape_cast %swap3A_588 : vector<1x16xi32> to vector<16xi32>
    %swap3A_590 = vector.shape_cast %add3A_584 : vector<16xi32> to vector<1x16xi32>
    tpu.vector_store %arg8[%swap3A_586, %swap3A_587], %swap3A_590 {strides = array<i32>} : memref<12x128xi32, #tpu.memory_space<vmem>>, vector<1x16xi32>,
    %get3A_591 = arith.constant 16 : index
    %get3A_592 = tpu.vector_load %arg7[%get3A_591] {strides = array<i32>} : memref<512xi32, #tpu.memory_space<vmem>>, vector<16xi32>,
    %get3A_593 = vector.shape_cast %get3A_592 : vector<16xi32> to vector<16xi32>
    %add3A_594 = vector.broadcast %mul3A_579 : i32 to vector<16xi32>
    %add3A_595 = arith.addi %get3A_593, %add3A_594 : vector<16xi32>
    %swap3A_596 = arith.constant 4 : i32
    %swap3A_597 = arith.index_cast %swap3A_596 : i32 to index
    %swap3A_598 = arith.constant 16 : index
    %swap3A_599 = tpu.vector_load %arg8[%swap3A_597, %swap3A_598] {strides = array<i32>} : memref<12x128xi32, #tpu.memory_space<vmem>>, vector<1x16xi32>,
    %swap3A_600 = vector.shape_cast %swap3A_599 : vector<1x16xi32> to vector<16xi32>
    %swap3A_601 = vector.shape_cast %add3A_595 : vector<16xi32> to vector<1x16xi32>
    tpu.vector_store %arg8[%swap3A_597, %swap3A_598], %swap3A_601 {strides = array<i32>} : memref<12x128xi32, #tpu.memory_space<vmem>>, vector<1x16xi32>,
    %get3A_602 = arith.constant 32 : index
    %get3A_603 = tpu.vector_load %arg7[%get3A_602] {strides = array<i32>} : memref<512xi32, #tpu.memory_space<vmem>>, vector<16xi32>,
    %get3A_604 = vector.shape_cast %get3A_603 : vector<16xi32> to vector<16xi32>
    %add3A_605 = vector.broadcast %mul3A_579 : i32 to vector<16xi32>
    %add3A_606 = arith.addi %get3A_604, %add3A_605 : vector<16xi32>
    %swap3A_607 = arith.constant 4 : i32
    %swap3A_608 = arith.index_cast %swap3A_607 : i32 to index
    %swap3A_609 = arith.constant 32 : index
    %swap3A_610 = tpu.vector_load %arg8[%swap3A_608, %swap3A_609] {strides = array<i32>} : memref<12x128xi32, #tpu.memory_space<vmem>>, vector<1x16xi32>,
    %swap3A_611 = vector.shape_cast %swap3A_610 : vector<1x16xi32> to vector<16xi32>
    %swap3A_612 = vector.shape_cast %add3A_606 : vector<16xi32> to vector<1x16xi32>
    tpu.vector_store %arg8[%swap3A_608, %swap3A_609], %swap3A_612 {strides = array<i32>} : memref<12x128xi32, #tpu.memory_space<vmem>>, vector<1x16xi32>,
    %get3A_613 = arith.constant 48 : index
    %get3A_614 = tpu.vector_load %arg7[%get3A_613] {strides = array<i32>} : memref<512xi32, #tpu.memory_space<vmem>>, vector<16xi32>,
    %get3A_615 = vector.shape_cast %get3A_614 : vector<16xi32> to vector<16xi32>
    %add3A_616 = vector.broadcast %mul3A_579 : i32 to vector<16xi32>
    %add3A_617 = arith.addi %get3A_615, %add3A_616 : vector<16xi32>
    %swap3A_618 = arith.constant 4 : i32
    %swap3A_619 = arith.index_cast %swap3A_618 : i32 to index
    %swap3A_620 = arith.constant 48 : index
    %swap3A_621 = tpu.vector_load %arg8[%swap3A_619, %swap3A_620] {strides = array<i32>} : memref<12x128xi32, #tpu.memory_space<vmem>>, vector<1x16xi32>,
    %swap3A_622 = vector.shape_cast %swap3A_621 : vector<1x16xi32> to vector<16xi32>
    %swap3A_623 = vector.shape_cast %add3A_617 : vector<16xi32> to vector<1x16xi32>
    tpu.vector_store %arg8[%swap3A_619, %swap3A_620], %swap3A_623 {strides = array<i32>} : memref<12x128xi32, #tpu.memory_space<vmem>>, vector<1x16xi32>,
    %get3A_624 = arith.constant 64 : index
    %get3A_625 = tpu.vector_load %arg7[%get3A_624] {strides = array<i32>} : memref<512xi32, #tpu.memory_space<vmem>>, vector<16xi32>,
    %get3A_626 = vector.shape_cast %get3A_625 : vector<16xi32> to vector<16xi32>
    %add3A_627 = vector.broadcast %mul3A_579 : i32 to vector<16xi32>
    %add3A_628 = arith.addi %get3A_626, %add3A_627 : vector<16xi32>
    %swap3A_629 = arith.constant 4 : i32
    %swap3A_630 = arith.index_cast %swap3A_629 : i32 to index
    %swap3A_631 = arith.constant 64 : index
    %swap3A_632 = tpu.vector_load %arg8[%swap3A_630, %swap3A_631] {strides = array<i32>} : memref<12x128xi32, #tpu.memory_space<vmem>>, vector<1x16xi32>,
    %swap3A_633 = vector.shape_cast %swap3A_632 : vector<1x16xi32> to vector<16xi32>
    %swap3A_634 = vector.shape_cast %add3A_628 : vector<16xi32> to vector<1x16xi32>
    tpu.vector_store %arg8[%swap3A_630, %swap3A_631], %swap3A_634 {strides = array<i32>} : memref<12x128xi32, #tpu.memory_space<vmem>>, vector<1x16xi32>,
    %get3A_635 = arith.constant 80 : index
    %get3A_636 = tpu.vector_load %arg7[%get3A_635] {strides = array<i32>} : memref<512xi32, #tpu.memory_space<vmem>>, vector<16xi32>,
    %get3A_637 = vector.shape_cast %get3A_636 : vector<16xi32> to vector<16xi32>
    %add3A_638 = vector.broadcast %mul3A_579 : i32 to vector<16xi32>
    %add3A_639 = arith.addi %get3A_637, %add3A_638 : vector<16xi32>
    %swap3A_640 = arith.constant 4 : i32
    %swap3A_641 = arith.index_cast %swap3A_640 : i32 to index
    %swap3A_642 = arith.constant 80 : index
    %swap3A_643 = tpu.vector_load %arg8[%swap3A_641, %swap3A_642] {strides = array<i32>} : memref<12x128xi32, #tpu.memory_space<vmem>>, vector<1x16xi32>,
    %swap3A_644 = vector.shape_cast %swap3A_643 : vector<1x16xi32> to vector<16xi32>
    %swap3A_645 = vector.shape_cast %add3A_639 : vector<16xi32> to vector<1x16xi32>
    tpu.vector_store %arg8[%swap3A_641, %swap3A_642], %swap3A_645 {strides = array<i32>} : memref<12x128xi32, #tpu.memory_space<vmem>>, vector<1x16xi32>,
    %get3A_646 = arith.constant 96 : index
    %get3A_647 = tpu.vector_load %arg7[%get3A_646] {strides = array<i32>} : memref<512xi32, #tpu.memory_space<vmem>>, vector<16xi32>,
    %get3A_648 = vector.shape_cast %get3A_647 : vector<16xi32> to vector<16xi32>
    %add3A_649 = vector.broadcast %mul3A_579 : i32 to vector<16xi32>
    %add3A_650 = arith.addi %get3A_648, %add3A_649 : vector<16xi32>
    %swap3A_651 = arith.constant 4 : i32
    %swap3A_652 = arith.index_cast %swap3A_651 : i32 to index
    %swap3A_653 = arith.constant 96 : index
    %swap3A_654 = tpu.vector_load %arg8[%swap3A_652, %swap3A_653] {strides = array<i32>} : memref<12x128xi32, #tpu.memory_space<vmem>>, vector<1x16xi32>,
    %swap3A_655 = vector.shape_cast %swap3A_654 : vector<1x16xi32> to vector<16xi32>
    %swap3A_656 = vector.shape_cast %add3A_650 : vector<16xi32> to vector<1x16xi32>
    tpu.vector_store %arg8[%swap3A_652, %swap3A_653], %swap3A_656 {strides = array<i32>} : memref<12x128xi32, #tpu.memory_space<vmem>>, vector<1x16xi32>,
    %get3A_657 = arith.constant 112 : index
    %get3A_658 = tpu.vector_load %arg7[%get3A_657] {strides = array<i32>} : memref<512xi32, #tpu.memory_space<vmem>>, vector<16xi32>,
    %get3A_659 = vector.shape_cast %get3A_658 : vector<16xi32> to vector<16xi32>
    %add3A_660 = vector.broadcast %mul3A_579 : i32 to vector<16xi32>
    %add3A_661 = arith.addi %get3A_659, %add3A_660 : vector<16xi32>
    %swap3A_662 = arith.constant 4 : i32
    %swap3A_663 = arith.index_cast %swap3A_662 : i32 to index
    %swap3A_664 = arith.constant 112 : index
    %swap3A_665 = tpu.vector_load %arg8[%swap3A_663, %swap3A_664] {strides = array<i32>} : memref<12x128xi32, #tpu.memory_space<vmem>>, vector<1x16xi32>,
    %swap3A_666 = vector.shape_cast %swap3A_665 : vector<1x16xi32> to vector<16xi32>
    %swap3A_667 = vector.shape_cast %add3A_661 : vector<16xi32> to vector<1x16xi32>
    tpu.vector_store %arg8[%swap3A_663, %swap3A_664], %swap3A_667 {strides = array<i32>} : memref<12x128xi32, #tpu.memory_space<vmem>>, vector<1x16xi32>,
    %get3A_668 = arith.constant 128 : index
    %get3A_669 = tpu.vector_load %arg7[%get3A_668] {strides = array<i32>} : memref<512xi32, #tpu.memory_space<vmem>>, vector<16xi32>,
    %get3A_670 = vector.shape_cast %get3A_669 : vector<16xi32> to vector<16xi32>
    %add3A_671 = vector.broadcast %mul3A_579 : i32 to vector<16xi32>
    %add3A_672 = arith.addi %get3A_670, %add3A_671 : vector<16xi32>
    %swap3A_673 = arith.constant 5 : i32
    %swap3A_674 = arith.index_cast %swap3A_673 : i32 to index
    %swap3A_675 = arith.constant 0 : index
    %swap3A_676 = tpu.vector_load %arg8[%swap3A_674, %swap3A_675] {strides = array<i32>} : memref<12x128xi32, #tpu.memory_space<vmem>>, vector<1x16xi32>,
    %swap3A_677 = vector.shape_cast %swap3A_676 : vector<1x16xi32> to vector<16xi32>
    %swap3A_678 = vector.shape_cast %add3A_672 : vector<16xi32> to vector<1x16xi32>
    tpu.vector_store %arg8[%swap3A_674, %swap3A_675], %swap3A_678 {strides = array<i32>} : memref<12x128xi32, #tpu.memory_space<vmem>>, vector<1x16xi32>,
    %get3A_679 = arith.constant 144 : index
    %get3A_680 = tpu.vector_load %arg7[%get3A_679] {strides = array<i32>} : memref<512xi32, #tpu.memory_space<vmem>>, vector<16xi32>,
    %get3A_681 = vector.shape_cast %get3A_680 : vector<16xi32> to vector<16xi32>
    %add3A_682 = vector.broadcast %mul3A_579 : i32 to vector<16xi32>
    %add3A_683 = arith.addi %get3A_681, %add3A_682 : vector<16xi32>
    %swap3A_684 = arith.constant 5 : i32
    %swap3A_685 = arith.index_cast %swap3A_684 : i32 to index
    %swap3A_686 = arith.constant 16 : index
    %swap3A_687 = tpu.vector_load %arg8[%swap3A_685, %swap3A_686] {strides = array<i32>} : memref<12x128xi32, #tpu.memory_space<vmem>>, vector<1x16xi32>,
    %swap3A_688 = vector.shape_cast %swap3A_687 : vector<1x16xi32> to vector<16xi32>
    %swap3A_689 = vector.shape_cast %add3A_683 : vector<16xi32> to vector<1x16xi32>
    tpu.vector_store %arg8[%swap3A_685, %swap3A_686], %swap3A_689 {strides = array<i32>} : memref<12x128xi32, #tpu.memory_space<vmem>>, vector<1x16xi32>,
    %get3A_690 = arith.constant 160 : index
    %get3A_691 = tpu.vector_load %arg7[%get3A_690] {strides = array<i32>} : memref<512xi32, #tpu.memory_space<vmem>>, vector<16xi32>,
    %get3A_692 = vector.shape_cast %get3A_691 : vector<16xi32> to vector<16xi32>
    %add3A_693 = vector.broadcast %mul3A_579 : i32 to vector<16xi32>
    %add3A_694 = arith.addi %get3A_692, %add3A_693 : vector<16xi32>
    %swap3A_695 = arith.constant 5 : i32
    %swap3A_696 = arith.index_cast %swap3A_695 : i32 to index
    %swap3A_697 = arith.constant 32 : index
    %swap3A_698 = tpu.vector_load %arg8[%swap3A_696, %swap3A_697] {strides = array<i32>} : memref<12x128xi32, #tpu.memory_space<vmem>>, vector<1x16xi32>,
    %swap3A_699 = vector.shape_cast %swap3A_698 : vector<1x16xi32> to vector<16xi32>
    %swap3A_700 = vector.shape_cast %add3A_694 : vector<16xi32> to vector<1x16xi32>
    tpu.vector_store %arg8[%swap3A_696, %swap3A_697], %swap3A_700 {strides = array<i32>} : memref<12x128xi32, #tpu.memory_space<vmem>>, vector<1x16xi32>,
    %get3A_701 = arith.constant 176 : index
    %get3A_702 = tpu.vector_load %arg7[%get3A_701] {strides = array<i32>} : memref<512xi32, #tpu.memory_space<vmem>>, vector<16xi32>,
    %get3A_703 = vector.shape_cast %get3A_702 : vector<16xi32> to vector<16xi32>
    %add3A_704 = vector.broadcast %mul3A_579 : i32 to vector<16xi32>
    %add3A_705 = arith.addi %get3A_703, %add3A_704 : vector<16xi32>
    %swap3A_706 = arith.constant 5 : i32
    %swap3A_707 = arith.index_cast %swap3A_706 : i32 to index
    %swap3A_708 = arith.constant 48 : index
    %swap3A_709 = tpu.vector_load %arg8[%swap3A_707, %swap3A_708] {strides = array<i32>} : memref<12x128xi32, #tpu.memory_space<vmem>>, vector<1x16xi32>,
    %swap3A_710 = vector.shape_cast %swap3A_709 : vector<1x16xi32> to vector<16xi32>
    %swap3A_711 = vector.shape_cast %add3A_705 : vector<16xi32> to vector<1x16xi32>
    tpu.vector_store %arg8[%swap3A_707, %swap3A_708], %swap3A_711 {strides = array<i32>} : memref<12x128xi32, #tpu.memory_space<vmem>>, vector<1x16xi32>,
    %get3A_712 = arith.constant 192 : index
    %get3A_713 = tpu.vector_load %arg7[%get3A_712] {strides = array<i32>} : memref<512xi32, #tpu.memory_space<vmem>>, vector<16xi32>,
    %get3A_714 = vector.shape_cast %get3A_713 : vector<16xi32> to vector<16xi32>
    %add3A_715 = vector.broadcast %mul3A_579 : i32 to vector<16xi32>
    %add3A_716 = arith.addi %get3A_714, %add3A_715 : vector<16xi32>
    %swap3A_717 = arith.constant 5 : i32
    %swap3A_718 = arith.index_cast %swap3A_717 : i32 to index
    %swap3A_719 = arith.constant 64 : index
    %swap3A_720 = tpu.vector_load %arg8[%swap3A_718, %swap3A_719] {strides = array<i32>} : memref<12x128xi32, #tpu.memory_space<vmem>>, vector<1x16xi32>,
    %swap3A_721 = vector.shape_cast %swap3A_720 : vector<1x16xi32> to vector<16xi32>
    %swap3A_722 = vector.shape_cast %add3A_716 : vector<16xi32> to vector<1x16xi32>
    tpu.vector_store %arg8[%swap3A_718, %swap3A_719], %swap3A_722 {strides = array<i32>} : memref<12x128xi32, #tpu.memory_space<vmem>>, vector<1x16xi32>,
    %get3A_723 = arith.constant 208 : index
    %get3A_724 = tpu.vector_load %arg7[%get3A_723] {strides = array<i32>} : memref<512xi32, #tpu.memory_space<vmem>>, vector<16xi32>,
    %get3A_725 = vector.shape_cast %get3A_724 : vector<16xi32> to vector<16xi32>
    %add3A_726 = vector.broadcast %mul3A_579 : i32 to vector<16xi32>
    %add3A_727 = arith.addi %get3A_725, %add3A_726 : vector<16xi32>
    %swap3A_728 = arith.constant 5 : i32
    %swap3A_729 = arith.index_cast %swap3A_728 : i32 to index
    %swap3A_730 = arith.constant 80 : index
    %swap3A_731 = tpu.vector_load %arg8[%swap3A_729, %swap3A_730] {strides = array<i32>} : memref<12x128xi32, #tpu.memory_space<vmem>>, vector<1x16xi32>,
    %swap3A_732 = vector.shape_cast %swap3A_731 : vector<1x16xi32> to vector<16xi32>
    %swap3A_733 = vector.shape_cast %add3A_727 : vector<16xi32> to vector<1x16xi32>
    tpu.vector_store %arg8[%swap3A_729, %swap3A_730], %swap3A_733 {strides = array<i32>} : memref<12x128xi32, #tpu.memory_space<vmem>>, vector<1x16xi32>,
    %get3A_734 = arith.constant 224 : index
    %get3A_735 = tpu.vector_load %arg7[%get3A_734] {strides = array<i32>} : memref<512xi32, #tpu.memory_space<vmem>>, vector<16xi32>,
    %get3A_736 = vector.shape_cast %get3A_735 : vector<16xi32> to vector<16xi32>
    %add3A_737 = vector.broadcast %mul3A_579 : i32 to vector<16xi32>
    %add3A_738 = arith.addi %get3A_736, %add3A_737 : vector<16xi32>
    %swap3A_739 = arith.constant 5 : i32
    %swap3A_740 = arith.index_cast %swap3A_739 : i32 to index
    %swap3A_741 = arith.constant 96 : index
    %swap3A_742 = tpu.vector_load %arg8[%swap3A_740, %swap3A_741] {strides = array<i32>} : memref<12x128xi32, #tpu.memory_space<vmem>>, vector<1x16xi32>,
    %swap3A_743 = vector.shape_cast %swap3A_742 : vector<1x16xi32> to vector<16xi32>
    %swap3A_744 = vector.shape_cast %add3A_738 : vector<16xi32> to vector<1x16xi32>
    tpu.vector_store %arg8[%swap3A_740, %swap3A_741], %swap3A_744 {strides = array<i32>} : memref<12x128xi32, #tpu.memory_space<vmem>>, vector<1x16xi32>,
    %get3A_745 = arith.constant 240 : index
    %get3A_746 = tpu.vector_load %arg7[%get3A_745] {strides = array<i32>} : memref<512xi32, #tpu.memory_space<vmem>>, vector<16xi32>,
    %get3A_747 = vector.shape_cast %get3A_746 : vector<16xi32> to vector<16xi32>
    %add3A_748 = vector.broadcast %mul3A_579 : i32 to vector<16xi32>
    %add3A_749 = arith.addi %get3A_747, %add3A_748 : vector<16xi32>
    %swap3A_750 = arith.constant 5 : i32
    %swap3A_751 = arith.index_cast %swap3A_750 : i32 to index
    %swap3A_752 = arith.constant 112 : index
    %swap3A_753 = tpu.vector_load %arg8[%swap3A_751, %swap3A_752] {strides = array<i32>} : memref<12x128xi32, #tpu.memory_space<vmem>>, vector<1x16xi32>,
    %swap3A_754 = vector.shape_cast %swap3A_753 : vector<1x16xi32> to vector<16xi32>
    %swap3A_755 = vector.shape_cast %add3A_749 : vector<16xi32> to vector<1x16xi32>
    tpu.vector_store %arg8[%swap3A_751, %swap3A_752], %swap3A_755 {strides = array<i32>} : memref<12x128xi32, #tpu.memory_space<vmem>>, vector<1x16xi32>,
    %get3A_756 = arith.constant 256 : index
    %get3A_757 = tpu.vector_load %arg7[%get3A_756] {strides = array<i32>} : memref<512xi32, #tpu.memory_space<vmem>>, vector<16xi32>,
    %get3A_758 = vector.shape_cast %get3A_757 : vector<16xi32> to vector<16xi32>
    %add3A_759 = vector.broadcast %mul3A_579 : i32 to vector<16xi32>
    %add3A_760 = arith.addi %get3A_758, %add3A_759 : vector<16xi32>
    %swap3A_761 = arith.constant 6 : i32
    %swap3A_762 = arith.index_cast %swap3A_761 : i32 to index
    %swap3A_763 = arith.constant 0 : index
    %swap3A_764 = tpu.vector_load %arg8[%swap3A_762, %swap3A_763] {strides = array<i32>} : memref<12x128xi32, #tpu.memory_space<vmem>>, vector<1x16xi32>,
    %swap3A_765 = vector.shape_cast %swap3A_764 : vector<1x16xi32> to vector<16xi32>
    %swap3A_766 = vector.shape_cast %add3A_760 : vector<16xi32> to vector<1x16xi32>
    tpu.vector_store %arg8[%swap3A_762, %swap3A_763], %swap3A_766 {strides = array<i32>} : memref<12x128xi32, #tpu.memory_space<vmem>>, vector<1x16xi32>,
    %get3A_767 = arith.constant 272 : index
    %get3A_768 = tpu.vector_load %arg7[%get3A_767] {strides = array<i32>} : memref<512xi32, #tpu.memory_space<vmem>>, vector<16xi32>,
    %get3A_769 = vector.shape_cast %get3A_768 : vector<16xi32> to vector<16xi32>
    %add3A_770 = vector.broadcast %mul3A_579 : i32 to vector<16xi32>
    %add3A_771 = arith.addi %get3A_769, %add3A_770 : vector<16xi32>
    %swap3A_772 = arith.constant 6 : i32
    %swap3A_773 = arith.index_cast %swap3A_772 : i32 to index
    %swap3A_774 = arith.constant 16 : index
    %swap3A_775 = tpu.vector_load %arg8[%swap3A_773, %swap3A_774] {strides = array<i32>} : memref<12x128xi32, #tpu.memory_space<vmem>>, vector<1x16xi32>,
    %swap3A_776 = vector.shape_cast %swap3A_775 : vector<1x16xi32> to vector<16xi32>
    %swap3A_777 = vector.shape_cast %add3A_771 : vector<16xi32> to vector<1x16xi32>
    tpu.vector_store %arg8[%swap3A_773, %swap3A_774], %swap3A_777 {strides = array<i32>} : memref<12x128xi32, #tpu.memory_space<vmem>>, vector<1x16xi32>,
    %get3A_778 = arith.constant 288 : index
    %get3A_779 = tpu.vector_load %arg7[%get3A_778] {strides = array<i32>} : memref<512xi32, #tpu.memory_space<vmem>>, vector<16xi32>,
    %get3A_780 = vector.shape_cast %get3A_779 : vector<16xi32> to vector<16xi32>
    %add3A_781 = vector.broadcast %mul3A_579 : i32 to vector<16xi32>
    %add3A_782 = arith.addi %get3A_780, %add3A_781 : vector<16xi32>
    %swap3A_783 = arith.constant 6 : i32
    %swap3A_784 = arith.index_cast %swap3A_783 : i32 to index
    %swap3A_785 = arith.constant 32 : index
    %swap3A_786 = tpu.vector_load %arg8[%swap3A_784, %swap3A_785] {strides = array<i32>} : memref<12x128xi32, #tpu.memory_space<vmem>>, vector<1x16xi32>,
    %swap3A_787 = vector.shape_cast %swap3A_786 : vector<1x16xi32> to vector<16xi32>
    %swap3A_788 = vector.shape_cast %add3A_782 : vector<16xi32> to vector<1x16xi32>
    tpu.vector_store %arg8[%swap3A_784, %swap3A_785], %swap3A_788 {strides = array<i32>} : memref<12x128xi32, #tpu.memory_space<vmem>>, vector<1x16xi32>,
    %get3A_789 = arith.constant 304 : index
    %get3A_790 = tpu.vector_load %arg7[%get3A_789] {strides = array<i32>} : memref<512xi32, #tpu.memory_space<vmem>>, vector<16xi32>,
    %get3A_791 = vector.shape_cast %get3A_790 : vector<16xi32> to vector<16xi32>
    %add3A_792 = vector.broadcast %mul3A_579 : i32 to vector<16xi32>
    %add3A_793 = arith.addi %get3A_791, %add3A_792 : vector<16xi32>
    %swap3A_794 = arith.constant 6 : i32
    %swap3A_795 = arith.index_cast %swap3A_794 : i32 to index
    %swap3A_796 = arith.constant 48 : index
    %swap3A_797 = tpu.vector_load %arg8[%swap3A_795, %swap3A_796] {strides = array<i32>} : memref<12x128xi32, #tpu.memory_space<vmem>>, vector<1x16xi32>,
    %swap3A_798 = vector.shape_cast %swap3A_797 : vector<1x16xi32> to vector<16xi32>
    %swap3A_799 = vector.shape_cast %add3A_793 : vector<16xi32> to vector<1x16xi32>
    tpu.vector_store %arg8[%swap3A_795, %swap3A_796], %swap3A_799 {strides = array<i32>} : memref<12x128xi32, #tpu.memory_space<vmem>>, vector<1x16xi32>,
    %get3A_800 = arith.constant 320 : index
    %get3A_801 = tpu.vector_load %arg7[%get3A_800] {strides = array<i32>} : memref<512xi32, #tpu.memory_space<vmem>>, vector<16xi32>,
    %get3A_802 = vector.shape_cast %get3A_801 : vector<16xi32> to vector<16xi32>
    %add3A_803 = vector.broadcast %mul3A_579 : i32 to vector<16xi32>
    %add3A_804 = arith.addi %get3A_802, %add3A_803 : vector<16xi32>
    %swap3A_805 = arith.constant 6 : i32
    %swap3A_806 = arith.index_cast %swap3A_805 : i32 to index
    %swap3A_807 = arith.constant 64 : index
    %swap3A_808 = tpu.vector_load %arg8[%swap3A_806, %swap3A_807] {strides = array<i32>} : memref<12x128xi32, #tpu.memory_space<vmem>>, vector<1x16xi32>,
    %swap3A_809 = vector.shape_cast %swap3A_808 : vector<1x16xi32> to vector<16xi32>
    %swap3A_810 = vector.shape_cast %add3A_804 : vector<16xi32> to vector<1x16xi32>
    tpu.vector_store %arg8[%swap3A_806, %swap3A_807], %swap3A_810 {strides = array<i32>} : memref<12x128xi32, #tpu.memory_space<vmem>>, vector<1x16xi32>,
    %get3A_811 = arith.constant 336 : index
    %get3A_812 = tpu.vector_load %arg7[%get3A_811] {strides = array<i32>} : memref<512xi32, #tpu.memory_space<vmem>>, vector<16xi32>,
    %get3A_813 = vector.shape_cast %get3A_812 : vector<16xi32> to vector<16xi32>
    %add3A_814 = vector.broadcast %mul3A_579 : i32 to vector<16xi32>
    %add3A_815 = arith.addi %get3A_813, %add3A_814 : vector<16xi32>
    %swap3A_816 = arith.constant 6 : i32
    %swap3A_817 = arith.index_cast %swap3A_816 : i32 to index
    %swap3A_818 = arith.constant 80 : index
    %swap3A_819 = tpu.vector_load %arg8[%swap3A_817, %swap3A_818] {strides = array<i32>} : memref<12x128xi32, #tpu.memory_space<vmem>>, vector<1x16xi32>,
    %swap3A_820 = vector.shape_cast %swap3A_819 : vector<1x16xi32> to vector<16xi32>
    %swap3A_821 = vector.shape_cast %add3A_815 : vector<16xi32> to vector<1x16xi32>
    tpu.vector_store %arg8[%swap3A_817, %swap3A_818], %swap3A_821 {strides = array<i32>} : memref<12x128xi32, #tpu.memory_space<vmem>>, vector<1x16xi32>,
    %get3A_822 = arith.constant 352 : index
    %get3A_823 = tpu.vector_load %arg7[%get3A_822] {strides = array<i32>} : memref<512xi32, #tpu.memory_space<vmem>>, vector<16xi32>,
    %get3A_824 = vector.shape_cast %get3A_823 : vector<16xi32> to vector<16xi32>
    %add3A_825 = vector.broadcast %mul3A_579 : i32 to vector<16xi32>
    %add3A_826 = arith.addi %get3A_824, %add3A_825 : vector<16xi32>
    %swap3A_827 = arith.constant 6 : i32
    %swap3A_828 = arith.index_cast %swap3A_827 : i32 to index
    %swap3A_829 = arith.constant 96 : index
    %swap3A_830 = tpu.vector_load %arg8[%swap3A_828, %swap3A_829] {strides = array<i32>} : memref<12x128xi32, #tpu.memory_space<vmem>>, vector<1x16xi32>,
    %swap3A_831 = vector.shape_cast %swap3A_830 : vector<1x16xi32> to vector<16xi32>
    %swap3A_832 = vector.shape_cast %add3A_826 : vector<16xi32> to vector<1x16xi32>
    tpu.vector_store %arg8[%swap3A_828, %swap3A_829], %swap3A_832 {strides = array<i32>} : memref<12x128xi32, #tpu.memory_space<vmem>>, vector<1x16xi32>,
    %get3A_833 = arith.constant 368 : index
    %get3A_834 = tpu.vector_load %arg7[%get3A_833] {strides = array<i32>} : memref<512xi32, #tpu.memory_space<vmem>>, vector<16xi32>,
    %get3A_835 = vector.shape_cast %get3A_834 : vector<16xi32> to vector<16xi32>
    %add3A_836 = vector.broadcast %mul3A_579 : i32 to vector<16xi32>
    %add3A_837 = arith.addi %get3A_835, %add3A_836 : vector<16xi32>
    %swap3A_838 = arith.constant 6 : i32
    %swap3A_839 = arith.index_cast %swap3A_838 : i32 to index
    %swap3A_840 = arith.constant 112 : index
    %swap3A_841 = tpu.vector_load %arg8[%swap3A_839, %swap3A_840] {strides = array<i32>} : memref<12x128xi32, #tpu.memory_space<vmem>>, vector<1x16xi32>,
    %swap3A_842 = vector.shape_cast %swap3A_841 : vector<1x16xi32> to vector<16xi32>
    %swap3A_843 = vector.shape_cast %add3A_837 : vector<16xi32> to vector<1x16xi32>
    tpu.vector_store %arg8[%swap3A_839, %swap3A_840], %swap3A_843 {strides = array<i32>} : memref<12x128xi32, #tpu.memory_space<vmem>>, vector<1x16xi32>,
    %get3A_844 = arith.constant 384 : index
    %get3A_845 = tpu.vector_load %arg7[%get3A_844] {strides = array<i32>} : memref<512xi32, #tpu.memory_space<vmem>>, vector<16xi32>,
    %get3A_846 = vector.shape_cast %get3A_845 : vector<16xi32> to vector<16xi32>
    %add3A_847 = vector.broadcast %mul3A_579 : i32 to vector<16xi32>
    %add3A_848 = arith.addi %get3A_846, %add3A_847 : vector<16xi32>
    %swap3A_849 = arith.constant 7 : i32
    %swap3A_850 = arith.index_cast %swap3A_849 : i32 to index
    %swap3A_851 = arith.constant 0 : index
    %swap3A_852 = tpu.vector_load %arg8[%swap3A_850, %swap3A_851] {strides = array<i32>} : memref<12x128xi32, #tpu.memory_space<vmem>>, vector<1x16xi32>,
    %swap3A_853 = vector.shape_cast %swap3A_852 : vector<1x16xi32> to vector<16xi32>
    %swap3A_854 = vector.shape_cast %add3A_848 : vector<16xi32> to vector<1x16xi32>
    tpu.vector_store %arg8[%swap3A_850, %swap3A_851], %swap3A_854 {strides = array<i32>} : memref<12x128xi32, #tpu.memory_space<vmem>>, vector<1x16xi32>,
    %get3A_855 = arith.constant 400 : index
    %get3A_856 = tpu.vector_load %arg7[%get3A_855] {strides = array<i32>} : memref<512xi32, #tpu.memory_space<vmem>>, vector<16xi32>,
    %get3A_857 = vector.shape_cast %get3A_856 : vector<16xi32> to vector<16xi32>
    %add3A_858 = vector.broadcast %mul3A_579 : i32 to vector<16xi32>
    %add3A_859 = arith.addi %get3A_857, %add3A_858 : vector<16xi32>
    %swap3A_860 = arith.constant 7 : i32
    %swap3A_861 = arith.index_cast %swap3A_860 : i32 to index
    %swap3A_862 = arith.constant 16 : index
    %swap3A_863 = tpu.vector_load %arg8[%swap3A_861, %swap3A_862] {strides = array<i32>} : memref<12x128xi32, #tpu.memory_space<vmem>>, vector<1x16xi32>,
    %swap3A_864 = vector.shape_cast %swap3A_863 : vector<1x16xi32> to vector<16xi32>
    %swap3A_865 = vector.shape_cast %add3A_859 : vector<16xi32> to vector<1x16xi32>
    tpu.vector_store %arg8[%swap3A_861, %swap3A_862], %swap3A_865 {strides = array<i32>} : memref<12x128xi32, #tpu.memory_space<vmem>>, vector<1x16xi32>,
    %get3A_866 = arith.constant 416 : index
    %get3A_867 = tpu.vector_load %arg7[%get3A_866] {strides = array<i32>} : memref<512xi32, #tpu.memory_space<vmem>>, vector<16xi32>,
    %get3A_868 = vector.shape_cast %get3A_867 : vector<16xi32> to vector<16xi32>
    %add3A_869 = vector.broadcast %mul3A_579 : i32 to vector<16xi32>
    %add3A_870 = arith.addi %get3A_868, %add3A_869 : vector<16xi32>
    %swap3A_871 = arith.constant 7 : i32
    %swap3A_872 = arith.index_cast %swap3A_871 : i32 to index
    %swap3A_873 = arith.constant 32 : index
    %swap3A_874 = tpu.vector_load %arg8[%swap3A_872, %swap3A_873] {strides = array<i32>} : memref<12x128xi32, #tpu.memory_space<vmem>>, vector<1x16xi32>,
    %swap3A_875 = vector.shape_cast %swap3A_874 : vector<1x16xi32> to vector<16xi32>
    %swap3A_876 = vector.shape_cast %add3A_870 : vector<16xi32> to vector<1x16xi32>
    tpu.vector_store %arg8[%swap3A_872, %swap3A_873], %swap3A_876 {strides = array<i32>} : memref<12x128xi32, #tpu.memory_space<vmem>>, vector<1x16xi32>,
    %get3A_877 = arith.constant 432 : index
    %get3A_878 = tpu.vector_load %arg7[%get3A_877] {strides = array<i32>} : memref<512xi32, #tpu.memory_space<vmem>>, vector<16xi32>,
    %get3A_879 = vector.shape_cast %get3A_878 : vector<16xi32> to vector<16xi32>
    %add3A_880 = vector.broadcast %mul3A_579 : i32 to vector<16xi32>
    %add3A_881 = arith.addi %get3A_879, %add3A_880 : vector<16xi32>
    %swap3A_882 = arith.constant 7 : i32
    %swap3A_883 = arith.index_cast %swap3A_882 : i32 to index
    %swap3A_884 = arith.constant 48 : index
    %swap3A_885 = tpu.vector_load %arg8[%swap3A_883, %swap3A_884] {strides = array<i32>} : memref<12x128xi32, #tpu.memory_space<vmem>>, vector<1x16xi32>,
    %swap3A_886 = vector.shape_cast %swap3A_885 : vector<1x16xi32> to vector<16xi32>
    %swap3A_887 = vector.shape_cast %add3A_881 : vector<16xi32> to vector<1x16xi32>
    tpu.vector_store %arg8[%swap3A_883, %swap3A_884], %swap3A_887 {strides = array<i32>} : memref<12x128xi32, #tpu.memory_space<vmem>>, vector<1x16xi32>,
    %get3A_888 = arith.constant 448 : index
    %get3A_889 = tpu.vector_load %arg7[%get3A_888] {strides = array<i32>} : memref<512xi32, #tpu.memory_space<vmem>>, vector<16xi32>,
    %get3A_890 = vector.shape_cast %get3A_889 : vector<16xi32> to vector<16xi32>
    %add3A_891 = vector.broadcast %mul3A_579 : i32 to vector<16xi32>
    %add3A_892 = arith.addi %get3A_890, %add3A_891 : vector<16xi32>
    %swap3A_893 = arith.constant 7 : i32
    %swap3A_894 = arith.index_cast %swap3A_893 : i32 to index
    %swap3A_895 = arith.constant 64 : index
    %swap3A_896 = tpu.vector_load %arg8[%swap3A_894, %swap3A_895] {strides = array<i32>} : memref<12x128xi32, #tpu.memory_space<vmem>>, vector<1x16xi32>,
    %swap3A_897 = vector.shape_cast %swap3A_896 : vector<1x16xi32> to vector<16xi32>
    %swap3A_898 = vector.shape_cast %add3A_892 : vector<16xi32> to vector<1x16xi32>
    tpu.vector_store %arg8[%swap3A_894, %swap3A_895], %swap3A_898 {strides = array<i32>} : memref<12x128xi32, #tpu.memory_space<vmem>>, vector<1x16xi32>,
    %get3A_899 = arith.constant 464 : index
    %get3A_900 = tpu.vector_load %arg7[%get3A_899] {strides = array<i32>} : memref<512xi32, #tpu.memory_space<vmem>>, vector<16xi32>,
    %get3A_901 = vector.shape_cast %get3A_900 : vector<16xi32> to vector<16xi32>
    %add3A_902 = vector.broadcast %mul3A_579 : i32 to vector<16xi32>
    %add3A_903 = arith.addi %get3A_901, %add3A_902 : vector<16xi32>
    %swap3A_904 = arith.constant 7 : i32
    %swap3A_905 = arith.index_cast %swap3A_904 : i32 to index
    %swap3A_906 = arith.constant 80 : index
    %swap3A_907 = tpu.vector_load %arg8[%swap3A_905, %swap3A_906] {strides = array<i32>} : memref<12x128xi32, #tpu.memory_space<vmem>>, vector<1x16xi32>,
    %swap3A_908 = vector.shape_cast %swap3A_907 : vector<1x16xi32> to vector<16xi32>
    %swap3A_909 = vector.shape_cast %add3A_903 : vector<16xi32> to vector<1x16xi32>
    tpu.vector_store %arg8[%swap3A_905, %swap3A_906], %swap3A_909 {strides = array<i32>} : memref<12x128xi32, #tpu.memory_space<vmem>>, vector<1x16xi32>,
    %get3A_910 = arith.constant 480 : index
    %get3A_911 = tpu.vector_load %arg7[%get3A_910] {strides = array<i32>} : memref<512xi32, #tpu.memory_space<vmem>>, vector<16xi32>,
    %get3A_912 = vector.shape_cast %get3A_911 : vector<16xi32> to vector<16xi32>
    %add3A_913 = vector.broadcast %mul3A_579 : i32 to vector<16xi32>
    %add3A_914 = arith.addi %get3A_912, %add3A_913 : vector<16xi32>
    %swap3A_915 = arith.constant 7 : i32
    %swap3A_916 = arith.index_cast %swap3A_915 : i32 to index
    %swap3A_917 = arith.constant 96 : index
    %swap3A_918 = tpu.vector_load %arg8[%swap3A_916, %swap3A_917] {strides = array<i32>} : memref<12x128xi32, #tpu.memory_space<vmem>>, vector<1x16xi32>,
    %swap3A_919 = vector.shape_cast %swap3A_918 : vector<1x16xi32> to vector<16xi32>
    %swap3A_920 = vector.shape_cast %add3A_914 : vector<16xi32> to vector<1x16xi32>
    tpu.vector_store %arg8[%swap3A_916, %swap3A_917], %swap3A_920 {strides = array<i32>} : memref<12x128xi32, #tpu.memory_space<vmem>>, vector<1x16xi32>,
    %get3A_921 = arith.constant 496 : index
    %get3A_922 = tpu.vector_load %arg7[%get3A_921] {strides = array<i32>} : memref<512xi32, #tpu.memory_space<vmem>>, vector<16xi32>,
    %get3A_923 = vector.shape_cast %get3A_922 : vector<16xi32> to vector<16xi32>
    %add3A_924 = vector.broadcast %mul3A_579 : i32 to vector<16xi32>
    %add3A_925 = arith.addi %get3A_923, %add3A_924 : vector<16xi32>
    %swap3A_926 = arith.constant 7 : i32
    %swap3A_927 = arith.index_cast %swap3A_926 : i32 to index
    %swap3A_928 = arith.constant 112 : index
    %swap3A_929 = tpu.vector_load %arg8[%swap3A_927, %swap3A_928] {strides = array<i32>} : memref<12x128xi32, #tpu.memory_space<vmem>>, vector<1x16xi32>,
    %swap3A_930 = vector.shape_cast %swap3A_929 : vector<1x16xi32> to vector<16xi32>
    %swap3A_931 = vector.shape_cast %add3A_925 : vector<16xi32> to vector<1x16xi32>
    tpu.vector_store %arg8[%swap3A_927, %swap3A_928], %swap3A_931 {strides = array<i32>} : memref<12x128xi32, #tpu.memory_space<vmem>>, vector<1x16xi32>,
    %mul3A_932 = arith.constant 3 : i32
    %mul3A_933 = arith.muli %select_n3A, %mul3A_932 : i32
    %add3A_934 = arith.constant 2 : i32
    %add3A_935 = arith.addi %mul3A_933, %add3A_934 : i32
    %mul3A_936 = arith.constant 16384 : i32
    %mul3A_937 = arith.muli %add3A_935, %mul3A_936 : i32
    %get3A_938 = arith.constant 0 : index
    %get3A_939 = tpu.vector_load %arg7[%get3A_938] {strides = array<i32>} : memref<512xi32, #tpu.memory_space<vmem>>, vector<16xi32>,
    %get3A_940 = vector.shape_cast %get3A_939 : vector<16xi32> to vector<16xi32>
    %add3A_941 = vector.broadcast %mul3A_937 : i32 to vector<16xi32>
    %add3A_942 = arith.addi %get3A_940, %add3A_941 : vector<16xi32>
    %swap3A_943 = arith.constant 8 : i32
    %swap3A_944 = arith.index_cast %swap3A_943 : i32 to index
    %swap3A_945 = arith.constant 0 : index
    %swap3A_946 = tpu.vector_load %arg8[%swap3A_944, %swap3A_945] {strides = array<i32>} : memref<12x128xi32, #tpu.memory_space<vmem>>, vector<1x16xi32>,
    %swap3A_947 = vector.shape_cast %swap3A_946 : vector<1x16xi32> to vector<16xi32>
    %swap3A_948 = vector.shape_cast %add3A_942 : vector<16xi32> to vector<1x16xi32>
    tpu.vector_store %arg8[%swap3A_944, %swap3A_945], %swap3A_948 {strides = array<i32>} : memref<12x128xi32, #tpu.memory_space<vmem>>, vector<1x16xi32>,
    %get3A_949 = arith.constant 16 : index
    %get3A_950 = tpu.vector_load %arg7[%get3A_949] {strides = array<i32>} : memref<512xi32, #tpu.memory_space<vmem>>, vector<16xi32>,
    %get3A_951 = vector.shape_cast %get3A_950 : vector<16xi32> to vector<16xi32>
    %add3A_952 = vector.broadcast %mul3A_937 : i32 to vector<16xi32>
    %add3A_953 = arith.addi %get3A_951, %add3A_952 : vector<16xi32>
    %swap3A_954 = arith.constant 8 : i32
    %swap3A_955 = arith.index_cast %swap3A_954 : i32 to index
    %swap3A_956 = arith.constant 16 : index
    %swap3A_957 = tpu.vector_load %arg8[%swap3A_955, %swap3A_956] {strides = array<i32>} : memref<12x128xi32, #tpu.memory_space<vmem>>, vector<1x16xi32>,
    %swap3A_958 = vector.shape_cast %swap3A_957 : vector<1x16xi32> to vector<16xi32>
    %swap3A_959 = vector.shape_cast %add3A_953 : vector<16xi32> to vector<1x16xi32>
    tpu.vector_store %arg8[%swap3A_955, %swap3A_956], %swap3A_959 {strides = array<i32>} : memref<12x128xi32, #tpu.memory_space<vmem>>, vector<1x16xi32>,
    %get3A_960 = arith.constant 32 : index
    %get3A_961 = tpu.vector_load %arg7[%get3A_960] {strides = array<i32>} : memref<512xi32, #tpu.memory_space<vmem>>, vector<16xi32>,
    %get3A_962 = vector.shape_cast %get3A_961 : vector<16xi32> to vector<16xi32>
    %add3A_963 = vector.broadcast %mul3A_937 : i32 to vector<16xi32>
    %add3A_964 = arith.addi %get3A_962, %add3A_963 : vector<16xi32>
    %swap3A_965 = arith.constant 8 : i32
    %swap3A_966 = arith.index_cast %swap3A_965 : i32 to index
    %swap3A_967 = arith.constant 32 : index
    %swap3A_968 = tpu.vector_load %arg8[%swap3A_966, %swap3A_967] {strides = array<i32>} : memref<12x128xi32, #tpu.memory_space<vmem>>, vector<1x16xi32>,
    %swap3A_969 = vector.shape_cast %swap3A_968 : vector<1x16xi32> to vector<16xi32>
    %swap3A_970 = vector.shape_cast %add3A_964 : vector<16xi32> to vector<1x16xi32>
    tpu.vector_store %arg8[%swap3A_966, %swap3A_967], %swap3A_970 {strides = array<i32>} : memref<12x128xi32, #tpu.memory_space<vmem>>, vector<1x16xi32>,
    %get3A_971 = arith.constant 48 : index
    %get3A_972 = tpu.vector_load %arg7[%get3A_971] {strides = array<i32>} : memref<512xi32, #tpu.memory_space<vmem>>, vector<16xi32>,
    %get3A_973 = vector.shape_cast %get3A_972 : vector<16xi32> to vector<16xi32>
    %add3A_974 = vector.broadcast %mul3A_937 : i32 to vector<16xi32>
    %add3A_975 = arith.addi %get3A_973, %add3A_974 : vector<16xi32>
    %swap3A_976 = arith.constant 8 : i32
    %swap3A_977 = arith.index_cast %swap3A_976 : i32 to index
    %swap3A_978 = arith.constant 48 : index
    %swap3A_979 = tpu.vector_load %arg8[%swap3A_977, %swap3A_978] {strides = array<i32>} : memref<12x128xi32, #tpu.memory_space<vmem>>, vector<1x16xi32>,
    %swap3A_980 = vector.shape_cast %swap3A_979 : vector<1x16xi32> to vector<16xi32>
    %swap3A_981 = vector.shape_cast %add3A_975 : vector<16xi32> to vector<1x16xi32>
    tpu.vector_store %arg8[%swap3A_977, %swap3A_978], %swap3A_981 {strides = array<i32>} : memref<12x128xi32, #tpu.memory_space<vmem>>, vector<1x16xi32>,
    %get3A_982 = arith.constant 64 : index
    %get3A_983 = tpu.vector_load %arg7[%get3A_982] {strides = array<i32>} : memref<512xi32, #tpu.memory_space<vmem>>, vector<16xi32>,
    %get3A_984 = vector.shape_cast %get3A_983 : vector<16xi32> to vector<16xi32>
    %add3A_985 = vector.broadcast %mul3A_937 : i32 to vector<16xi32>
    %add3A_986 = arith.addi %get3A_984, %add3A_985 : vector<16xi32>
    %swap3A_987 = arith.constant 8 : i32
    %swap3A_988 = arith.index_cast %swap3A_987 : i32 to index
    %swap3A_989 = arith.constant 64 : index
    %swap3A_990 = tpu.vector_load %arg8[%swap3A_988, %swap3A_989] {strides = array<i32>} : memref<12x128xi32, #tpu.memory_space<vmem>>, vector<1x16xi32>,
    %swap3A_991 = vector.shape_cast %swap3A_990 : vector<1x16xi32> to vector<16xi32>
    %swap3A_992 = vector.shape_cast %add3A_986 : vector<16xi32> to vector<1x16xi32>
    tpu.vector_store %arg8[%swap3A_988, %swap3A_989], %swap3A_992 {strides = array<i32>} : memref<12x128xi32, #tpu.memory_space<vmem>>, vector<1x16xi32>,
    %get3A_993 = arith.constant 80 : index
    %get3A_994 = tpu.vector_load %arg7[%get3A_993] {strides = array<i32>} : memref<512xi32, #tpu.memory_space<vmem>>, vector<16xi32>,
    %get3A_995 = vector.shape_cast %get3A_994 : vector<16xi32> to vector<16xi32>
    %add3A_996 = vector.broadcast %mul3A_937 : i32 to vector<16xi32>
    %add3A_997 = arith.addi %get3A_995, %add3A_996 : vector<16xi32>
    %swap3A_998 = arith.constant 8 : i32
    %swap3A_999 = arith.index_cast %swap3A_998 : i32 to index
    %swap3A_1000 = arith.constant 80 : index
    %swap3A_1001 = tpu.vector_load %arg8[%swap3A_999, %swap3A_1000] {strides = array<i32>} : memref<12x128xi32, #tpu.memory_space<vmem>>, vector<1x16xi32>,
    %swap3A_1002 = vector.shape_cast %swap3A_1001 : vector<1x16xi32> to vector<16xi32>
    %swap3A_1003 = vector.shape_cast %add3A_997 : vector<16xi32> to vector<1x16xi32>
    tpu.vector_store %arg8[%swap3A_999, %swap3A_1000], %swap3A_1003 {strides = array<i32>} : memref<12x128xi32, #tpu.memory_space<vmem>>, vector<1x16xi32>,
    %get3A_1004 = arith.constant 96 : index
    %get3A_1005 = tpu.vector_load %arg7[%get3A_1004] {strides = array<i32>} : memref<512xi32, #tpu.memory_space<vmem>>, vector<16xi32>,
    %get3A_1006 = vector.shape_cast %get3A_1005 : vector<16xi32> to vector<16xi32>
    %add3A_1007 = vector.broadcast %mul3A_937 : i32 to vector<16xi32>
    %add3A_1008 = arith.addi %get3A_1006, %add3A_1007 : vector<16xi32>
    %swap3A_1009 = arith.constant 8 : i32
    %swap3A_1010 = arith.index_cast %swap3A_1009 : i32 to index
    %swap3A_1011 = arith.constant 96 : index
    %swap3A_1012 = tpu.vector_load %arg8[%swap3A_1010, %swap3A_1011] {strides = array<i32>} : memref<12x128xi32, #tpu.memory_space<vmem>>, vector<1x16xi32>,
    %swap3A_1013 = vector.shape_cast %swap3A_1012 : vector<1x16xi32> to vector<16xi32>
    %swap3A_1014 = vector.shape_cast %add3A_1008 : vector<16xi32> to vector<1x16xi32>
    tpu.vector_store %arg8[%swap3A_1010, %swap3A_1011], %swap3A_1014 {strides = array<i32>} : memref<12x128xi32, #tpu.memory_space<vmem>>, vector<1x16xi32>,
    %get3A_1015 = arith.constant 112 : index
    %get3A_1016 = tpu.vector_load %arg7[%get3A_1015] {strides = array<i32>} : memref<512xi32, #tpu.memory_space<vmem>>, vector<16xi32>,
    %get3A_1017 = vector.shape_cast %get3A_1016 : vector<16xi32> to vector<16xi32>
    %add3A_1018 = vector.broadcast %mul3A_937 : i32 to vector<16xi32>
    %add3A_1019 = arith.addi %get3A_1017, %add3A_1018 : vector<16xi32>
    %swap3A_1020 = arith.constant 8 : i32
    %swap3A_1021 = arith.index_cast %swap3A_1020 : i32 to index
    %swap3A_1022 = arith.constant 112 : index
    %swap3A_1023 = tpu.vector_load %arg8[%swap3A_1021, %swap3A_1022] {strides = array<i32>} : memref<12x128xi32, #tpu.memory_space<vmem>>, vector<1x16xi32>,
    %swap3A_1024 = vector.shape_cast %swap3A_1023 : vector<1x16xi32> to vector<16xi32>
    %swap3A_1025 = vector.shape_cast %add3A_1019 : vector<16xi32> to vector<1x16xi32>
    tpu.vector_store %arg8[%swap3A_1021, %swap3A_1022], %swap3A_1025 {strides = array<i32>} : memref<12x128xi32, #tpu.memory_space<vmem>>, vector<1x16xi32>,
    %get3A_1026 = arith.constant 128 : index
    %get3A_1027 = tpu.vector_load %arg7[%get3A_1026] {strides = array<i32>} : memref<512xi32, #tpu.memory_space<vmem>>, vector<16xi32>,
    %get3A_1028 = vector.shape_cast %get3A_1027 : vector<16xi32> to vector<16xi32>
    %add3A_1029 = vector.broadcast %mul3A_937 : i32 to vector<16xi32>
    %add3A_1030 = arith.addi %get3A_1028, %add3A_1029 : vector<16xi32>
    %swap3A_1031 = arith.constant 9 : i32
    %swap3A_1032 = arith.index_cast %swap3A_1031 : i32 to index
    %swap3A_1033 = arith.constant 0 : index
    %swap3A_1034 = tpu.vector_load %arg8[%swap3A_1032, %swap3A_1033] {strides = array<i32>} : memref<12x128xi32, #tpu.memory_space<vmem>>, vector<1x16xi32>,
    %swap3A_1035 = vector.shape_cast %swap3A_1034 : vector<1x16xi32> to vector<16xi32>
    %swap3A_1036 = vector.shape_cast %add3A_1030 : vector<16xi32> to vector<1x16xi32>
    tpu.vector_store %arg8[%swap3A_1032, %swap3A_1033], %swap3A_1036 {strides = array<i32>} : memref<12x128xi32, #tpu.memory_space<vmem>>, vector<1x16xi32>,
    %get3A_1037 = arith.constant 144 : index
    %get3A_1038 = tpu.vector_load %arg7[%get3A_1037] {strides = array<i32>} : memref<512xi32, #tpu.memory_space<vmem>>, vector<16xi32>,
    %get3A_1039 = vector.shape_cast %get3A_1038 : vector<16xi32> to vector<16xi32>
    %add3A_1040 = vector.broadcast %mul3A_937 : i32 to vector<16xi32>
    %add3A_1041 = arith.addi %get3A_1039, %add3A_1040 : vector<16xi32>
    %swap3A_1042 = arith.constant 9 : i32
    %swap3A_1043 = arith.index_cast %swap3A_1042 : i32 to index
    %swap3A_1044 = arith.constant 16 : index
    %swap3A_1045 = tpu.vector_load %arg8[%swap3A_1043, %swap3A_1044] {strides = array<i32>} : memref<12x128xi32, #tpu.memory_space<vmem>>, vector<1x16xi32>,
    %swap3A_1046 = vector.shape_cast %swap3A_1045 : vector<1x16xi32> to vector<16xi32>
    %swap3A_1047 = vector.shape_cast %add3A_1041 : vector<16xi32> to vector<1x16xi32>
    tpu.vector_store %arg8[%swap3A_1043, %swap3A_1044], %swap3A_1047 {strides = array<i32>} : memref<12x128xi32, #tpu.memory_space<vmem>>, vector<1x16xi32>,
    %get3A_1048 = arith.constant 160 : index
    %get3A_1049 = tpu.vector_load %arg7[%get3A_1048] {strides = array<i32>} : memref<512xi32, #tpu.memory_space<vmem>>, vector<16xi32>,
    %get3A_1050 = vector.shape_cast %get3A_1049 : vector<16xi32> to vector<16xi32>
    %add3A_1051 = vector.broadcast %mul3A_937 : i32 to vector<16xi32>
    %add3A_1052 = arith.addi %get3A_1050, %add3A_1051 : vector<16xi32>
    %swap3A_1053 = arith.constant 9 : i32
    %swap3A_1054 = arith.index_cast %swap3A_1053 : i32 to index
    %swap3A_1055 = arith.constant 32 : index
    %swap3A_1056 = tpu.vector_load %arg8[%swap3A_1054, %swap3A_1055] {strides = array<i32>} : memref<12x128xi32, #tpu.memory_space<vmem>>, vector<1x16xi32>,
    %swap3A_1057 = vector.shape_cast %swap3A_1056 : vector<1x16xi32> to vector<16xi32>
    %swap3A_1058 = vector.shape_cast %add3A_1052 : vector<16xi32> to vector<1x16xi32>
    tpu.vector_store %arg8[%swap3A_1054, %swap3A_1055], %swap3A_1058 {strides = array<i32>} : memref<12x128xi32, #tpu.memory_space<vmem>>, vector<1x16xi32>,
    %get3A_1059 = arith.constant 176 : index
    %get3A_1060 = tpu.vector_load %arg7[%get3A_1059] {strides = array<i32>} : memref<512xi32, #tpu.memory_space<vmem>>, vector<16xi32>,
    %get3A_1061 = vector.shape_cast %get3A_1060 : vector<16xi32> to vector<16xi32>
    %add3A_1062 = vector.broadcast %mul3A_937 : i32 to vector<16xi32>
    %add3A_1063 = arith.addi %get3A_1061, %add3A_1062 : vector<16xi32>
    %swap3A_1064 = arith.constant 9 : i32
    %swap3A_1065 = arith.index_cast %swap3A_1064 : i32 to index
    %swap3A_1066 = arith.constant 48 : index
    %swap3A_1067 = tpu.vector_load %arg8[%swap3A_1065, %swap3A_1066] {strides = array<i32>} : memref<12x128xi32, #tpu.memory_space<vmem>>, vector<1x16xi32>,
    %swap3A_1068 = vector.shape_cast %swap3A_1067 : vector<1x16xi32> to vector<16xi32>
    %swap3A_1069 = vector.shape_cast %add3A_1063 : vector<16xi32> to vector<1x16xi32>
    tpu.vector_store %arg8[%swap3A_1065, %swap3A_1066], %swap3A_1069 {strides = array<i32>} : memref<12x128xi32, #tpu.memory_space<vmem>>, vector<1x16xi32>,
    %get3A_1070 = arith.constant 192 : index
    %get3A_1071 = tpu.vector_load %arg7[%get3A_1070] {strides = array<i32>} : memref<512xi32, #tpu.memory_space<vmem>>, vector<16xi32>,
    %get3A_1072 = vector.shape_cast %get3A_1071 : vector<16xi32> to vector<16xi32>
    %add3A_1073 = vector.broadcast %mul3A_937 : i32 to vector<16xi32>
    %add3A_1074 = arith.addi %get3A_1072, %add3A_1073 : vector<16xi32>
    %swap3A_1075 = arith.constant 9 : i32
    %swap3A_1076 = arith.index_cast %swap3A_1075 : i32 to index
    %swap3A_1077 = arith.constant 64 : index
    %swap3A_1078 = tpu.vector_load %arg8[%swap3A_1076, %swap3A_1077] {strides = array<i32>} : memref<12x128xi32, #tpu.memory_space<vmem>>, vector<1x16xi32>,
    %swap3A_1079 = vector.shape_cast %swap3A_1078 : vector<1x16xi32> to vector<16xi32>
    %swap3A_1080 = vector.shape_cast %add3A_1074 : vector<16xi32> to vector<1x16xi32>
    tpu.vector_store %arg8[%swap3A_1076, %swap3A_1077], %swap3A_1080 {strides = array<i32>} : memref<12x128xi32, #tpu.memory_space<vmem>>, vector<1x16xi32>,
    %get3A_1081 = arith.constant 208 : index
    %get3A_1082 = tpu.vector_load %arg7[%get3A_1081] {strides = array<i32>} : memref<512xi32, #tpu.memory_space<vmem>>, vector<16xi32>,
    %get3A_1083 = vector.shape_cast %get3A_1082 : vector<16xi32> to vector<16xi32>
    %add3A_1084 = vector.broadcast %mul3A_937 : i32 to vector<16xi32>
    %add3A_1085 = arith.addi %get3A_1083, %add3A_1084 : vector<16xi32>
    %swap3A_1086 = arith.constant 9 : i32
    %swap3A_1087 = arith.index_cast %swap3A_1086 : i32 to index
    %swap3A_1088 = arith.constant 80 : index
    %swap3A_1089 = tpu.vector_load %arg8[%swap3A_1087, %swap3A_1088] {strides = array<i32>} : memref<12x128xi32, #tpu.memory_space<vmem>>, vector<1x16xi32>,
    %swap3A_1090 = vector.shape_cast %swap3A_1089 : vector<1x16xi32> to vector<16xi32>
    %swap3A_1091 = vector.shape_cast %add3A_1085 : vector<16xi32> to vector<1x16xi32>
    tpu.vector_store %arg8[%swap3A_1087, %swap3A_1088], %swap3A_1091 {strides = array<i32>} : memref<12x128xi32, #tpu.memory_space<vmem>>, vector<1x16xi32>,
    %get3A_1092 = arith.constant 224 : index
    %get3A_1093 = tpu.vector_load %arg7[%get3A_1092] {strides = array<i32>} : memref<512xi32, #tpu.memory_space<vmem>>, vector<16xi32>,
    %get3A_1094 = vector.shape_cast %get3A_1093 : vector<16xi32> to vector<16xi32>
    %add3A_1095 = vector.broadcast %mul3A_937 : i32 to vector<16xi32>
    %add3A_1096 = arith.addi %get3A_1094, %add3A_1095 : vector<16xi32>
    %swap3A_1097 = arith.constant 9 : i32
    %swap3A_1098 = arith.index_cast %swap3A_1097 : i32 to index
    %swap3A_1099 = arith.constant 96 : index
    %swap3A_1100 = tpu.vector_load %arg8[%swap3A_1098, %swap3A_1099] {strides = array<i32>} : memref<12x128xi32, #tpu.memory_space<vmem>>, vector<1x16xi32>,
    %swap3A_1101 = vector.shape_cast %swap3A_1100 : vector<1x16xi32> to vector<16xi32>
    %swap3A_1102 = vector.shape_cast %add3A_1096 : vector<16xi32> to vector<1x16xi32>
    tpu.vector_store %arg8[%swap3A_1098, %swap3A_1099], %swap3A_1102 {strides = array<i32>} : memref<12x128xi32, #tpu.memory_space<vmem>>, vector<1x16xi32>,
    %get3A_1103 = arith.constant 240 : index
    %get3A_1104 = tpu.vector_load %arg7[%get3A_1103] {strides = array<i32>} : memref<512xi32, #tpu.memory_space<vmem>>, vector<16xi32>,
    %get3A_1105 = vector.shape_cast %get3A_1104 : vector<16xi32> to vector<16xi32>
    %add3A_1106 = vector.broadcast %mul3A_937 : i32 to vector<16xi32>
    %add3A_1107 = arith.addi %get3A_1105, %add3A_1106 : vector<16xi32>
    %swap3A_1108 = arith.constant 9 : i32
    %swap3A_1109 = arith.index_cast %swap3A_1108 : i32 to index
    %swap3A_1110 = arith.constant 112 : index
    %swap3A_1111 = tpu.vector_load %arg8[%swap3A_1109, %swap3A_1110] {strides = array<i32>} : memref<12x128xi32, #tpu.memory_space<vmem>>, vector<1x16xi32>,
    %swap3A_1112 = vector.shape_cast %swap3A_1111 : vector<1x16xi32> to vector<16xi32>
    %swap3A_1113 = vector.shape_cast %add3A_1107 : vector<16xi32> to vector<1x16xi32>
    tpu.vector_store %arg8[%swap3A_1109, %swap3A_1110], %swap3A_1113 {strides = array<i32>} : memref<12x128xi32, #tpu.memory_space<vmem>>, vector<1x16xi32>,
    %get3A_1114 = arith.constant 256 : index
    %get3A_1115 = tpu.vector_load %arg7[%get3A_1114] {strides = array<i32>} : memref<512xi32, #tpu.memory_space<vmem>>, vector<16xi32>,
    %get3A_1116 = vector.shape_cast %get3A_1115 : vector<16xi32> to vector<16xi32>
    %add3A_1117 = vector.broadcast %mul3A_937 : i32 to vector<16xi32>
    %add3A_1118 = arith.addi %get3A_1116, %add3A_1117 : vector<16xi32>
    %swap3A_1119 = arith.constant 10 : i32
    %swap3A_1120 = arith.index_cast %swap3A_1119 : i32 to index
    %swap3A_1121 = arith.constant 0 : index
    %swap3A_1122 = tpu.vector_load %arg8[%swap3A_1120, %swap3A_1121] {strides = array<i32>} : memref<12x128xi32, #tpu.memory_space<vmem>>, vector<1x16xi32>,
    %swap3A_1123 = vector.shape_cast %swap3A_1122 : vector<1x16xi32> to vector<16xi32>
    %swap3A_1124 = vector.shape_cast %add3A_1118 : vector<16xi32> to vector<1x16xi32>
    tpu.vector_store %arg8[%swap3A_1120, %swap3A_1121], %swap3A_1124 {strides = array<i32>} : memref<12x128xi32, #tpu.memory_space<vmem>>, vector<1x16xi32>,
    %get3A_1125 = arith.constant 272 : index
    %get3A_1126 = tpu.vector_load %arg7[%get3A_1125] {strides = array<i32>} : memref<512xi32, #tpu.memory_space<vmem>>, vector<16xi32>,
    %get3A_1127 = vector.shape_cast %get3A_1126 : vector<16xi32> to vector<16xi32>
    %add3A_1128 = vector.broadcast %mul3A_937 : i32 to vector<16xi32>
    %add3A_1129 = arith.addi %get3A_1127, %add3A_1128 : vector<16xi32>
    %swap3A_1130 = arith.constant 10 : i32
    %swap3A_1131 = arith.index_cast %swap3A_1130 : i32 to index
    %swap3A_1132 = arith.constant 16 : index
    %swap3A_1133 = tpu.vector_load %arg8[%swap3A_1131, %swap3A_1132] {strides = array<i32>} : memref<12x128xi32, #tpu.memory_space<vmem>>, vector<1x16xi32>,
    %swap3A_1134 = vector.shape_cast %swap3A_1133 : vector<1x16xi32> to vector<16xi32>
    %swap3A_1135 = vector.shape_cast %add3A_1129 : vector<16xi32> to vector<1x16xi32>
    tpu.vector_store %arg8[%swap3A_1131, %swap3A_1132], %swap3A_1135 {strides = array<i32>} : memref<12x128xi32, #tpu.memory_space<vmem>>, vector<1x16xi32>,
    %get3A_1136 = arith.constant 288 : index
    %get3A_1137 = tpu.vector_load %arg7[%get3A_1136] {strides = array<i32>} : memref<512xi32, #tpu.memory_space<vmem>>, vector<16xi32>,
    %get3A_1138 = vector.shape_cast %get3A_1137 : vector<16xi32> to vector<16xi32>
    %add3A_1139 = vector.broadcast %mul3A_937 : i32 to vector<16xi32>
    %add3A_1140 = arith.addi %get3A_1138, %add3A_1139 : vector<16xi32>
    %swap3A_1141 = arith.constant 10 : i32
    %swap3A_1142 = arith.index_cast %swap3A_1141 : i32 to index
    %swap3A_1143 = arith.constant 32 : index
    %swap3A_1144 = tpu.vector_load %arg8[%swap3A_1142, %swap3A_1143] {strides = array<i32>} : memref<12x128xi32, #tpu.memory_space<vmem>>, vector<1x16xi32>,
    %swap3A_1145 = vector.shape_cast %swap3A_1144 : vector<1x16xi32> to vector<16xi32>
    %swap3A_1146 = vector.shape_cast %add3A_1140 : vector<16xi32> to vector<1x16xi32>
    tpu.vector_store %arg8[%swap3A_1142, %swap3A_1143], %swap3A_1146 {strides = array<i32>} : memref<12x128xi32, #tpu.memory_space<vmem>>, vector<1x16xi32>,
    %get3A_1147 = arith.constant 304 : index
    %get3A_1148 = tpu.vector_load %arg7[%get3A_1147] {strides = array<i32>} : memref<512xi32, #tpu.memory_space<vmem>>, vector<16xi32>,
    %get3A_1149 = vector.shape_cast %get3A_1148 : vector<16xi32> to vector<16xi32>
    %add3A_1150 = vector.broadcast %mul3A_937 : i32 to vector<16xi32>
    %add3A_1151 = arith.addi %get3A_1149, %add3A_1150 : vector<16xi32>
    %swap3A_1152 = arith.constant 10 : i32
    %swap3A_1153 = arith.index_cast %swap3A_1152 : i32 to index
    %swap3A_1154 = arith.constant 48 : index
    %swap3A_1155 = tpu.vector_load %arg8[%swap3A_1153, %swap3A_1154] {strides = array<i32>} : memref<12x128xi32, #tpu.memory_space<vmem>>, vector<1x16xi32>,
    %swap3A_1156 = vector.shape_cast %swap3A_1155 : vector<1x16xi32> to vector<16xi32>
    %swap3A_1157 = vector.shape_cast %add3A_1151 : vector<16xi32> to vector<1x16xi32>
    tpu.vector_store %arg8[%swap3A_1153, %swap3A_1154], %swap3A_1157 {strides = array<i32>} : memref<12x128xi32, #tpu.memory_space<vmem>>, vector<1x16xi32>,
    %get3A_1158 = arith.constant 320 : index
    %get3A_1159 = tpu.vector_load %arg7[%get3A_1158] {strides = array<i32>} : memref<512xi32, #tpu.memory_space<vmem>>, vector<16xi32>,
    %get3A_1160 = vector.shape_cast %get3A_1159 : vector<16xi32> to vector<16xi32>
    %add3A_1161 = vector.broadcast %mul3A_937 : i32 to vector<16xi32>
    %add3A_1162 = arith.addi %get3A_1160, %add3A_1161 : vector<16xi32>
    %swap3A_1163 = arith.constant 10 : i32
    %swap3A_1164 = arith.index_cast %swap3A_1163 : i32 to index
    %swap3A_1165 = arith.constant 64 : index
    %swap3A_1166 = tpu.vector_load %arg8[%swap3A_1164, %swap3A_1165] {strides = array<i32>} : memref<12x128xi32, #tpu.memory_space<vmem>>, vector<1x16xi32>,
    %swap3A_1167 = vector.shape_cast %swap3A_1166 : vector<1x16xi32> to vector<16xi32>
    %swap3A_1168 = vector.shape_cast %add3A_1162 : vector<16xi32> to vector<1x16xi32>
    tpu.vector_store %arg8[%swap3A_1164, %swap3A_1165], %swap3A_1168 {strides = array<i32>} : memref<12x128xi32, #tpu.memory_space<vmem>>, vector<1x16xi32>,
    %get3A_1169 = arith.constant 336 : index
    %get3A_1170 = tpu.vector_load %arg7[%get3A_1169] {strides = array<i32>} : memref<512xi32, #tpu.memory_space<vmem>>, vector<16xi32>,
    %get3A_1171 = vector.shape_cast %get3A_1170 : vector<16xi32> to vector<16xi32>
    %add3A_1172 = vector.broadcast %mul3A_937 : i32 to vector<16xi32>
    %add3A_1173 = arith.addi %get3A_1171, %add3A_1172 : vector<16xi32>
    %swap3A_1174 = arith.constant 10 : i32
    %swap3A_1175 = arith.index_cast %swap3A_1174 : i32 to index
    %swap3A_1176 = arith.constant 80 : index
    %swap3A_1177 = tpu.vector_load %arg8[%swap3A_1175, %swap3A_1176] {strides = array<i32>} : memref<12x128xi32, #tpu.memory_space<vmem>>, vector<1x16xi32>,
    %swap3A_1178 = vector.shape_cast %swap3A_1177 : vector<1x16xi32> to vector<16xi32>
    %swap3A_1179 = vector.shape_cast %add3A_1173 : vector<16xi32> to vector<1x16xi32>
    tpu.vector_store %arg8[%swap3A_1175, %swap3A_1176], %swap3A_1179 {strides = array<i32>} : memref<12x128xi32, #tpu.memory_space<vmem>>, vector<1x16xi32>,
    %get3A_1180 = arith.constant 352 : index
    %get3A_1181 = tpu.vector_load %arg7[%get3A_1180] {strides = array<i32>} : memref<512xi32, #tpu.memory_space<vmem>>, vector<16xi32>,
    %get3A_1182 = vector.shape_cast %get3A_1181 : vector<16xi32> to vector<16xi32>
    %add3A_1183 = vector.broadcast %mul3A_937 : i32 to vector<16xi32>
    %add3A_1184 = arith.addi %get3A_1182, %add3A_1183 : vector<16xi32>
    %swap3A_1185 = arith.constant 10 : i32
    %swap3A_1186 = arith.index_cast %swap3A_1185 : i32 to index
    %swap3A_1187 = arith.constant 96 : index
    %swap3A_1188 = tpu.vector_load %arg8[%swap3A_1186, %swap3A_1187] {strides = array<i32>} : memref<12x128xi32, #tpu.memory_space<vmem>>, vector<1x16xi32>,
    %swap3A_1189 = vector.shape_cast %swap3A_1188 : vector<1x16xi32> to vector<16xi32>
    %swap3A_1190 = vector.shape_cast %add3A_1184 : vector<16xi32> to vector<1x16xi32>
    tpu.vector_store %arg8[%swap3A_1186, %swap3A_1187], %swap3A_1190 {strides = array<i32>} : memref<12x128xi32, #tpu.memory_space<vmem>>, vector<1x16xi32>,
    %get3A_1191 = arith.constant 368 : index
    %get3A_1192 = tpu.vector_load %arg7[%get3A_1191] {strides = array<i32>} : memref<512xi32, #tpu.memory_space<vmem>>, vector<16xi32>,
    %get3A_1193 = vector.shape_cast %get3A_1192 : vector<16xi32> to vector<16xi32>
    %add3A_1194 = vector.broadcast %mul3A_937 : i32 to vector<16xi32>
    %add3A_1195 = arith.addi %get3A_1193, %add3A_1194 : vector<16xi32>
    %swap3A_1196 = arith.constant 10 : i32
    %swap3A_1197 = arith.index_cast %swap3A_1196 : i32 to index
    %swap3A_1198 = arith.constant 112 : index
    %swap3A_1199 = tpu.vector_load %arg8[%swap3A_1197, %swap3A_1198] {strides = array<i32>} : memref<12x128xi32, #tpu.memory_space<vmem>>, vector<1x16xi32>,
    %swap3A_1200 = vector.shape_cast %swap3A_1199 : vector<1x16xi32> to vector<16xi32>
    %swap3A_1201 = vector.shape_cast %add3A_1195 : vector<16xi32> to vector<1x16xi32>
    tpu.vector_store %arg8[%swap3A_1197, %swap3A_1198], %swap3A_1201 {strides = array<i32>} : memref<12x128xi32, #tpu.memory_space<vmem>>, vector<1x16xi32>,
    %get3A_1202 = arith.constant 384 : index
    %get3A_1203 = tpu.vector_load %arg7[%get3A_1202] {strides = array<i32>} : memref<512xi32, #tpu.memory_space<vmem>>, vector<16xi32>,
    %get3A_1204 = vector.shape_cast %get3A_1203 : vector<16xi32> to vector<16xi32>
    %add3A_1205 = vector.broadcast %mul3A_937 : i32 to vector<16xi32>
    %add3A_1206 = arith.addi %get3A_1204, %add3A_1205 : vector<16xi32>
    %swap3A_1207 = arith.constant 11 : i32
    %swap3A_1208 = arith.index_cast %swap3A_1207 : i32 to index
    %swap3A_1209 = arith.constant 0 : index
    %swap3A_1210 = tpu.vector_load %arg8[%swap3A_1208, %swap3A_1209] {strides = array<i32>} : memref<12x128xi32, #tpu.memory_space<vmem>>, vector<1x16xi32>,
    %swap3A_1211 = vector.shape_cast %swap3A_1210 : vector<1x16xi32> to vector<16xi32>
    %swap3A_1212 = vector.shape_cast %add3A_1206 : vector<16xi32> to vector<1x16xi32>
    tpu.vector_store %arg8[%swap3A_1208, %swap3A_1209], %swap3A_1212 {strides = array<i32>} : memref<12x128xi32, #tpu.memory_space<vmem>>, vector<1x16xi32>,
    %get3A_1213 = arith.constant 400 : index
    %get3A_1214 = tpu.vector_load %arg7[%get3A_1213] {strides = array<i32>} : memref<512xi32, #tpu.memory_space<vmem>>, vector<16xi32>,
    %get3A_1215 = vector.shape_cast %get3A_1214 : vector<16xi32> to vector<16xi32>
    %add3A_1216 = vector.broadcast %mul3A_937 : i32 to vector<16xi32>
    %add3A_1217 = arith.addi %get3A_1215, %add3A_1216 : vector<16xi32>
    %swap3A_1218 = arith.constant 11 : i32
    %swap3A_1219 = arith.index_cast %swap3A_1218 : i32 to index
    %swap3A_1220 = arith.constant 16 : index
    %swap3A_1221 = tpu.vector_load %arg8[%swap3A_1219, %swap3A_1220] {strides = array<i32>} : memref<12x128xi32, #tpu.memory_space<vmem>>, vector<1x16xi32>,
    %swap3A_1222 = vector.shape_cast %swap3A_1221 : vector<1x16xi32> to vector<16xi32>
    %swap3A_1223 = vector.shape_cast %add3A_1217 : vector<16xi32> to vector<1x16xi32>
    tpu.vector_store %arg8[%swap3A_1219, %swap3A_1220], %swap3A_1223 {strides = array<i32>} : memref<12x128xi32, #tpu.memory_space<vmem>>, vector<1x16xi32>,
    %get3A_1224 = arith.constant 416 : index
    %get3A_1225 = tpu.vector_load %arg7[%get3A_1224] {strides = array<i32>} : memref<512xi32, #tpu.memory_space<vmem>>, vector<16xi32>,
    %get3A_1226 = vector.shape_cast %get3A_1225 : vector<16xi32> to vector<16xi32>
    %add3A_1227 = vector.broadcast %mul3A_937 : i32 to vector<16xi32>
    %add3A_1228 = arith.addi %get3A_1226, %add3A_1227 : vector<16xi32>
    %swap3A_1229 = arith.constant 11 : i32
    %swap3A_1230 = arith.index_cast %swap3A_1229 : i32 to index
    %swap3A_1231 = arith.constant 32 : index
    %swap3A_1232 = tpu.vector_load %arg8[%swap3A_1230, %swap3A_1231] {strides = array<i32>} : memref<12x128xi32, #tpu.memory_space<vmem>>, vector<1x16xi32>,
    %swap3A_1233 = vector.shape_cast %swap3A_1232 : vector<1x16xi32> to vector<16xi32>
    %swap3A_1234 = vector.shape_cast %add3A_1228 : vector<16xi32> to vector<1x16xi32>
    tpu.vector_store %arg8[%swap3A_1230, %swap3A_1231], %swap3A_1234 {strides = array<i32>} : memref<12x128xi32, #tpu.memory_space<vmem>>, vector<1x16xi32>,
    %get3A_1235 = arith.constant 432 : index
    %get3A_1236 = tpu.vector_load %arg7[%get3A_1235] {strides = array<i32>} : memref<512xi32, #tpu.memory_space<vmem>>, vector<16xi32>,
    %get3A_1237 = vector.shape_cast %get3A_1236 : vector<16xi32> to vector<16xi32>
    %add3A_1238 = vector.broadcast %mul3A_937 : i32 to vector<16xi32>
    %add3A_1239 = arith.addi %get3A_1237, %add3A_1238 : vector<16xi32>
    %swap3A_1240 = arith.constant 11 : i32
    %swap3A_1241 = arith.index_cast %swap3A_1240 : i32 to index
    %swap3A_1242 = arith.constant 48 : index
    %swap3A_1243 = tpu.vector_load %arg8[%swap3A_1241, %swap3A_1242] {strides = array<i32>} : memref<12x128xi32, #tpu.memory_space<vmem>>, vector<1x16xi32>,
    %swap3A_1244 = vector.shape_cast %swap3A_1243 : vector<1x16xi32> to vector<16xi32>
    %swap3A_1245 = vector.shape_cast %add3A_1239 : vector<16xi32> to vector<1x16xi32>
    tpu.vector_store %arg8[%swap3A_1241, %swap3A_1242], %swap3A_1245 {strides = array<i32>} : memref<12x128xi32, #tpu.memory_space<vmem>>, vector<1x16xi32>,
    %get3A_1246 = arith.constant 448 : index
    %get3A_1247 = tpu.vector_load %arg7[%get3A_1246] {strides = array<i32>} : memref<512xi32, #tpu.memory_space<vmem>>, vector<16xi32>,
    %get3A_1248 = vector.shape_cast %get3A_1247 : vector<16xi32> to vector<16xi32>
    %add3A_1249 = vector.broadcast %mul3A_937 : i32 to vector<16xi32>
    %add3A_1250 = arith.addi %get3A_1248, %add3A_1249 : vector<16xi32>
    %swap3A_1251 = arith.constant 11 : i32
    %swap3A_1252 = arith.index_cast %swap3A_1251 : i32 to index
    %swap3A_1253 = arith.constant 64 : index
    %swap3A_1254 = tpu.vector_load %arg8[%swap3A_1252, %swap3A_1253] {strides = array<i32>} : memref<12x128xi32, #tpu.memory_space<vmem>>, vector<1x16xi32>,
    %swap3A_1255 = vector.shape_cast %swap3A_1254 : vector<1x16xi32> to vector<16xi32>
    %swap3A_1256 = vector.shape_cast %add3A_1250 : vector<16xi32> to vector<1x16xi32>
    tpu.vector_store %arg8[%swap3A_1252, %swap3A_1253], %swap3A_1256 {strides = array<i32>} : memref<12x128xi32, #tpu.memory_space<vmem>>, vector<1x16xi32>,
    %get3A_1257 = arith.constant 464 : index
    %get3A_1258 = tpu.vector_load %arg7[%get3A_1257] {strides = array<i32>} : memref<512xi32, #tpu.memory_space<vmem>>, vector<16xi32>,
    %get3A_1259 = vector.shape_cast %get3A_1258 : vector<16xi32> to vector<16xi32>
    %add3A_1260 = vector.broadcast %mul3A_937 : i32 to vector<16xi32>
    %add3A_1261 = arith.addi %get3A_1259, %add3A_1260 : vector<16xi32>
    %swap3A_1262 = arith.constant 11 : i32
    %swap3A_1263 = arith.index_cast %swap3A_1262 : i32 to index
    %swap3A_1264 = arith.constant 80 : index
    %swap3A_1265 = tpu.vector_load %arg8[%swap3A_1263, %swap3A_1264] {strides = array<i32>} : memref<12x128xi32, #tpu.memory_space<vmem>>, vector<1x16xi32>,
    %swap3A_1266 = vector.shape_cast %swap3A_1265 : vector<1x16xi32> to vector<16xi32>
    %swap3A_1267 = vector.shape_cast %add3A_1261 : vector<16xi32> to vector<1x16xi32>
    tpu.vector_store %arg8[%swap3A_1263, %swap3A_1264], %swap3A_1267 {strides = array<i32>} : memref<12x128xi32, #tpu.memory_space<vmem>>, vector<1x16xi32>,
    %get3A_1268 = arith.constant 480 : index
    %get3A_1269 = tpu.vector_load %arg7[%get3A_1268] {strides = array<i32>} : memref<512xi32, #tpu.memory_space<vmem>>, vector<16xi32>,
    %get3A_1270 = vector.shape_cast %get3A_1269 : vector<16xi32> to vector<16xi32>
    %add3A_1271 = vector.broadcast %mul3A_937 : i32 to vector<16xi32>
    %add3A_1272 = arith.addi %get3A_1270, %add3A_1271 : vector<16xi32>
    %swap3A_1273 = arith.constant 11 : i32
    %swap3A_1274 = arith.index_cast %swap3A_1273 : i32 to index
    %swap3A_1275 = arith.constant 96 : index
    %swap3A_1276 = tpu.vector_load %arg8[%swap3A_1274, %swap3A_1275] {strides = array<i32>} : memref<12x128xi32, #tpu.memory_space<vmem>>, vector<1x16xi32>,
    %swap3A_1277 = vector.shape_cast %swap3A_1276 : vector<1x16xi32> to vector<16xi32>
    %swap3A_1278 = vector.shape_cast %add3A_1272 : vector<16xi32> to vector<1x16xi32>
    tpu.vector_store %arg8[%swap3A_1274, %swap3A_1275], %swap3A_1278 {strides = array<i32>} : memref<12x128xi32, #tpu.memory_space<vmem>>, vector<1x16xi32>,
    %get3A_1279 = arith.constant 496 : index
    %get3A_1280 = tpu.vector_load %arg7[%get3A_1279] {strides = array<i32>} : memref<512xi32, #tpu.memory_space<vmem>>, vector<16xi32>,
    %get3A_1281 = vector.shape_cast %get3A_1280 : vector<16xi32> to vector<16xi32>
    %add3A_1282 = vector.broadcast %mul3A_937 : i32 to vector<16xi32>
    %add3A_1283 = arith.addi %get3A_1281, %add3A_1282 : vector<16xi32>
    %swap3A_1284 = arith.constant 11 : i32
    %swap3A_1285 = arith.index_cast %swap3A_1284 : i32 to index
    %swap3A_1286 = arith.constant 112 : index
    %swap3A_1287 = tpu.vector_load %arg8[%swap3A_1285, %swap3A_1286] {strides = array<i32>} : memref<12x128xi32, #tpu.memory_space<vmem>>, vector<1x16xi32>,
    %swap3A_1288 = vector.shape_cast %swap3A_1287 : vector<1x16xi32> to vector<16xi32>
    %swap3A_1289 = vector.shape_cast %add3A_1283 : vector<16xi32> to vector<1x16xi32>
    tpu.vector_store %arg8[%swap3A_1285, %swap3A_1286], %swap3A_1289 {strides = array<i32>} : memref<12x128xi32, #tpu.memory_space<vmem>>, vector<1x16xi32>,
    %dma_start3A = arith.constant 0 : i32
    %dma_start3A_1290 = arith.constant 0 : i32
    %dma_start3A_1291 = arith.constant 0 : i32
    %dma_start3A_1292 = tpu.memref_slice %arg9[%dma_start3A_1290, %dma_start3A_1291] : memref<12x128xf32, #tpu.memory_space<vmem>> -> memref<1x128xf32, #tpu.memory_space<vmem>>
    %dma_start3A_1293 = tpu.memref_squeeze %dma_start3A_1292 : memref<1x128xf32, #tpu.memory_space<vmem>> -> memref<128xf32, #tpu.memory_space<vmem>>
    %dma_start3A_1294 = arith.constant 0 : i32
    %dma_start3A_1295 = tpu.memref_slice %arg8[%dma_start3A, %dma_start3A_1294] : memref<12x128xi32, #tpu.memory_space<vmem>> -> memref<1x128xi32, #tpu.memory_space<vmem>>
    %dma_start3A_1296 = tpu.memref_squeeze %dma_start3A_1295 : memref<1x128xi32, #tpu.memory_space<vmem>> -> memref<128xi32, #tpu.memory_space<vmem>>
    %dma_start3A_1297 = arith.constant 0 : i32
    %dma_start3A_1298 = tpu.memref_slice %arg2[%dma_start3A_1297] : memref<196608xf32, #tpu.memory_space<hbm>> -> memref<196608xf32, #tpu.memory_space<hbm>>
    tpu.enqueue_indirect_dma source(%dma_start3A_1298 : memref<196608xf32, #tpu.memory_space<hbm>>) target(%dma_start3A_1293 : memref<128xf32, #tpu.memory_space<vmem>>) offsets(%dma_start3A_1296 : memref<128xi32, #tpu.memory_space<vmem>>) semaphore(%arg14 : memref<!tpu.dma_semaphore, #tpu.memory_space<semaphore_mem>>)
    %dma_start3A_1299 = arith.constant 1 : i32
    %dma_start3A_1300 = arith.constant 1 : i32
    %dma_start3A_1301 = arith.constant 0 : i32
    %dma_start3A_1302 = tpu.memref_slice %arg9[%dma_start3A_1300, %dma_start3A_1301] : memref<12x128xf32, #tpu.memory_space<vmem>> -> memref<1x128xf32, #tpu.memory_space<vmem>>
    %dma_start3A_1303 = tpu.memref_squeeze %dma_start3A_1302 : memref<1x128xf32, #tpu.memory_space<vmem>> -> memref<128xf32, #tpu.memory_space<vmem>>
    %dma_start3A_1304 = arith.constant 0 : i32
    %dma_start3A_1305 = tpu.memref_slice %arg8[%dma_start3A_1299, %dma_start3A_1304] : memref<12x128xi32, #tpu.memory_space<vmem>> -> memref<1x128xi32, #tpu.memory_space<vmem>>
    %dma_start3A_1306 = tpu.memref_squeeze %dma_start3A_1305 : memref<1x128xi32, #tpu.memory_space<vmem>> -> memref<128xi32, #tpu.memory_space<vmem>>
    %dma_start3A_1307 = arith.constant 0 : i32
    %dma_start3A_1308 = tpu.memref_slice %arg2[%dma_start3A_1307] : memref<196608xf32, #tpu.memory_space<hbm>> -> memref<196608xf32, #tpu.memory_space<hbm>>
    tpu.enqueue_indirect_dma source(%dma_start3A_1308 : memref<196608xf32, #tpu.memory_space<hbm>>) target(%dma_start3A_1303 : memref<128xf32, #tpu.memory_space<vmem>>) offsets(%dma_start3A_1306 : memref<128xi32, #tpu.memory_space<vmem>>) semaphore(%arg14 : memref<!tpu.dma_semaphore, #tpu.memory_space<semaphore_mem>>)
    %dma_start3A_1309 = arith.constant 2 : i32
    %dma_start3A_1310 = arith.constant 2 : i32
    %dma_start3A_1311 = arith.constant 0 : i32
    %dma_start3A_1312 = tpu.memref_slice %arg9[%dma_start3A_1310, %dma_start3A_1311] : memref<12x128xf32, #tpu.memory_space<vmem>> -> memref<1x128xf32, #tpu.memory_space<vmem>>
    %dma_start3A_1313 = tpu.memref_squeeze %dma_start3A_1312 : memref<1x128xf32, #tpu.memory_space<vmem>> -> memref<128xf32, #tpu.memory_space<vmem>>
    %dma_start3A_1314 = arith.constant 0 : i32
    %dma_start3A_1315 = tpu.memref_slice %arg8[%dma_start3A_1309, %dma_start3A_1314] : memref<12x128xi32, #tpu.memory_space<vmem>> -> memref<1x128xi32, #tpu.memory_space<vmem>>
    %dma_start3A_1316 = tpu.memref_squeeze %dma_start3A_1315 : memref<1x128xi32, #tpu.memory_space<vmem>> -> memref<128xi32, #tpu.memory_space<vmem>>
    %dma_start3A_1317 = arith.constant 0 : i32
    %dma_start3A_1318 = tpu.memref_slice %arg2[%dma_start3A_1317] : memref<196608xf32, #tpu.memory_space<hbm>> -> memref<196608xf32, #tpu.memory_space<hbm>>
    tpu.enqueue_indirect_dma source(%dma_start3A_1318 : memref<196608xf32, #tpu.memory_space<hbm>>) target(%dma_start3A_1313 : memref<128xf32, #tpu.memory_space<vmem>>) offsets(%dma_start3A_1316 : memref<128xi32, #tpu.memory_space<vmem>>) semaphore(%arg14 : memref<!tpu.dma_semaphore, #tpu.memory_space<semaphore_mem>>)
    %dma_start3A_1319 = arith.constant 3 : i32
    %dma_start3A_1320 = arith.constant 3 : i32
    %dma_start3A_1321 = arith.constant 0 : i32
    %dma_start3A_1322 = tpu.memref_slice %arg9[%dma_start3A_1320, %dma_start3A_1321] : memref<12x128xf32, #tpu.memory_space<vmem>> -> memref<1x128xf32, #tpu.memory_space<vmem>>
    %dma_start3A_1323 = tpu.memref_squeeze %dma_start3A_1322 : memref<1x128xf32, #tpu.memory_space<vmem>> -> memref<128xf32, #tpu.memory_space<vmem>>
    %dma_start3A_1324 = arith.constant 0 : i32
    %dma_start3A_1325 = tpu.memref_slice %arg8[%dma_start3A_1319, %dma_start3A_1324] : memref<12x128xi32, #tpu.memory_space<vmem>> -> memref<1x128xi32, #tpu.memory_space<vmem>>
    %dma_start3A_1326 = tpu.memref_squeeze %dma_start3A_1325 : memref<1x128xi32, #tpu.memory_space<vmem>> -> memref<128xi32, #tpu.memory_space<vmem>>
    %dma_start3A_1327 = arith.constant 0 : i32
    %dma_start3A_1328 = tpu.memref_slice %arg2[%dma_start3A_1327] : memref<196608xf32, #tpu.memory_space<hbm>> -> memref<196608xf32, #tpu.memory_space<hbm>>
    tpu.enqueue_indirect_dma source(%dma_start3A_1328 : memref<196608xf32, #tpu.memory_space<hbm>>) target(%dma_start3A_1323 : memref<128xf32, #tpu.memory_space<vmem>>) offsets(%dma_start3A_1326 : memref<128xi32, #tpu.memory_space<vmem>>) semaphore(%arg14 : memref<!tpu.dma_semaphore, #tpu.memory_space<semaphore_mem>>)
    %dma_start3A_1329 = arith.constant 4 : i32
    %dma_start3A_1330 = arith.constant 4 : i32
    %dma_start3A_1331 = arith.constant 0 : i32
    %dma_start3A_1332 = tpu.memref_slice %arg9[%dma_start3A_1330, %dma_start3A_1331] : memref<12x128xf32, #tpu.memory_space<vmem>> -> memref<1x128xf32, #tpu.memory_space<vmem>>
    %dma_start3A_1333 = tpu.memref_squeeze %dma_start3A_1332 : memref<1x128xf32, #tpu.memory_space<vmem>> -> memref<128xf32, #tpu.memory_space<vmem>>
    %dma_start3A_1334 = arith.constant 0 : i32
    %dma_start3A_1335 = tpu.memref_slice %arg8[%dma_start3A_1329, %dma_start3A_1334] : memref<12x128xi32, #tpu.memory_space<vmem>> -> memref<1x128xi32, #tpu.memory_space<vmem>>
    %dma_start3A_1336 = tpu.memref_squeeze %dma_start3A_1335 : memref<1x128xi32, #tpu.memory_space<vmem>> -> memref<128xi32, #tpu.memory_space<vmem>>
    %dma_start3A_1337 = arith.constant 0 : i32
    %dma_start3A_1338 = tpu.memref_slice %arg2[%dma_start3A_1337] : memref<196608xf32, #tpu.memory_space<hbm>> -> memref<196608xf32, #tpu.memory_space<hbm>>
    tpu.enqueue_indirect_dma source(%dma_start3A_1338 : memref<196608xf32, #tpu.memory_space<hbm>>) target(%dma_start3A_1333 : memref<128xf32, #tpu.memory_space<vmem>>) offsets(%dma_start3A_1336 : memref<128xi32, #tpu.memory_space<vmem>>) semaphore(%arg14 : memref<!tpu.dma_semaphore, #tpu.memory_space<semaphore_mem>>)
    %dma_start3A_1339 = arith.constant 5 : i32
    %dma_start3A_1340 = arith.constant 5 : i32
    %dma_start3A_1341 = arith.constant 0 : i32
    %dma_start3A_1342 = tpu.memref_slice %arg9[%dma_start3A_1340, %dma_start3A_1341] : memref<12x128xf32, #tpu.memory_space<vmem>> -> memref<1x128xf32, #tpu.memory_space<vmem>>
    %dma_start3A_1343 = tpu.memref_squeeze %dma_start3A_1342 : memref<1x128xf32, #tpu.memory_space<vmem>> -> memref<128xf32, #tpu.memory_space<vmem>>
    %dma_start3A_1344 = arith.constant 0 : i32
    %dma_start3A_1345 = tpu.memref_slice %arg8[%dma_start3A_1339, %dma_start3A_1344] : memref<12x128xi32, #tpu.memory_space<vmem>> -> memref<1x128xi32, #tpu.memory_space<vmem>>
    %dma_start3A_1346 = tpu.memref_squeeze %dma_start3A_1345 : memref<1x128xi32, #tpu.memory_space<vmem>> -> memref<128xi32, #tpu.memory_space<vmem>>
    %dma_start3A_1347 = arith.constant 0 : i32
    %dma_start3A_1348 = tpu.memref_slice %arg2[%dma_start3A_1347] : memref<196608xf32, #tpu.memory_space<hbm>> -> memref<196608xf32, #tpu.memory_space<hbm>>
    tpu.enqueue_indirect_dma source(%dma_start3A_1348 : memref<196608xf32, #tpu.memory_space<hbm>>) target(%dma_start3A_1343 : memref<128xf32, #tpu.memory_space<vmem>>) offsets(%dma_start3A_1346 : memref<128xi32, #tpu.memory_space<vmem>>) semaphore(%arg14 : memref<!tpu.dma_semaphore, #tpu.memory_space<semaphore_mem>>)
    %dma_start3A_1349 = arith.constant 6 : i32
    %dma_start3A_1350 = arith.constant 6 : i32
    %dma_start3A_1351 = arith.constant 0 : i32
    %dma_start3A_1352 = tpu.memref_slice %arg9[%dma_start3A_1350, %dma_start3A_1351] : memref<12x128xf32, #tpu.memory_space<vmem>> -> memref<1x128xf32, #tpu.memory_space<vmem>>
    %dma_start3A_1353 = tpu.memref_squeeze %dma_start3A_1352 : memref<1x128xf32, #tpu.memory_space<vmem>> -> memref<128xf32, #tpu.memory_space<vmem>>
    %dma_start3A_1354 = arith.constant 0 : i32
    %dma_start3A_1355 = tpu.memref_slice %arg8[%dma_start3A_1349, %dma_start3A_1354] : memref<12x128xi32, #tpu.memory_space<vmem>> -> memref<1x128xi32, #tpu.memory_space<vmem>>
    %dma_start3A_1356 = tpu.memref_squeeze %dma_start3A_1355 : memref<1x128xi32, #tpu.memory_space<vmem>> -> memref<128xi32, #tpu.memory_space<vmem>>
    %dma_start3A_1357 = arith.constant 0 : i32
    %dma_start3A_1358 = tpu.memref_slice %arg2[%dma_start3A_1357] : memref<196608xf32, #tpu.memory_space<hbm>> -> memref<196608xf32, #tpu.memory_space<hbm>>
    tpu.enqueue_indirect_dma source(%dma_start3A_1358 : memref<196608xf32, #tpu.memory_space<hbm>>) target(%dma_start3A_1353 : memref<128xf32, #tpu.memory_space<vmem>>) offsets(%dma_start3A_1356 : memref<128xi32, #tpu.memory_space<vmem>>) semaphore(%arg14 : memref<!tpu.dma_semaphore, #tpu.memory_space<semaphore_mem>>)
    %dma_start3A_1359 = arith.constant 7 : i32
    %dma_start3A_1360 = arith.constant 7 : i32
    %dma_start3A_1361 = arith.constant 0 : i32
    %dma_start3A_1362 = tpu.memref_slice %arg9[%dma_start3A_1360, %dma_start3A_1361] : memref<12x128xf32, #tpu.memory_space<vmem>> -> memref<1x128xf32, #tpu.memory_space<vmem>>
    %dma_start3A_1363 = tpu.memref_squeeze %dma_start3A_1362 : memref<1x128xf32, #tpu.memory_space<vmem>> -> memref<128xf32, #tpu.memory_space<vmem>>
    %dma_start3A_1364 = arith.constant 0 : i32
    %dma_start3A_1365 = tpu.memref_slice %arg8[%dma_start3A_1359, %dma_start3A_1364] : memref<12x128xi32, #tpu.memory_space<vmem>> -> memref<1x128xi32, #tpu.memory_space<vmem>>
    %dma_start3A_1366 = tpu.memref_squeeze %dma_start3A_1365 : memref<1x128xi32, #tpu.memory_space<vmem>> -> memref<128xi32, #tpu.memory_space<vmem>>
    %dma_start3A_1367 = arith.constant 0 : i32
    %dma_start3A_1368 = tpu.memref_slice %arg2[%dma_start3A_1367] : memref<196608xf32, #tpu.memory_space<hbm>> -> memref<196608xf32, #tpu.memory_space<hbm>>
    tpu.enqueue_indirect_dma source(%dma_start3A_1368 : memref<196608xf32, #tpu.memory_space<hbm>>) target(%dma_start3A_1363 : memref<128xf32, #tpu.memory_space<vmem>>) offsets(%dma_start3A_1366 : memref<128xi32, #tpu.memory_space<vmem>>) semaphore(%arg14 : memref<!tpu.dma_semaphore, #tpu.memory_space<semaphore_mem>>)
    %dma_start3A_1369 = arith.constant 8 : i32
    %dma_start3A_1370 = arith.constant 8 : i32
    %dma_start3A_1371 = arith.constant 0 : i32
    %dma_start3A_1372 = tpu.memref_slice %arg9[%dma_start3A_1370, %dma_start3A_1371] : memref<12x128xf32, #tpu.memory_space<vmem>> -> memref<1x128xf32, #tpu.memory_space<vmem>>
    %dma_start3A_1373 = tpu.memref_squeeze %dma_start3A_1372 : memref<1x128xf32, #tpu.memory_space<vmem>> -> memref<128xf32, #tpu.memory_space<vmem>>
    %dma_start3A_1374 = arith.constant 0 : i32
    %dma_start3A_1375 = tpu.memref_slice %arg8[%dma_start3A_1369, %dma_start3A_1374] : memref<12x128xi32, #tpu.memory_space<vmem>> -> memref<1x128xi32, #tpu.memory_space<vmem>>
    %dma_start3A_1376 = tpu.memref_squeeze %dma_start3A_1375 : memref<1x128xi32, #tpu.memory_space<vmem>> -> memref<128xi32, #tpu.memory_space<vmem>>
    %dma_start3A_1377 = arith.constant 0 : i32
    %dma_start3A_1378 = tpu.memref_slice %arg2[%dma_start3A_1377] : memref<196608xf32, #tpu.memory_space<hbm>> -> memref<196608xf32, #tpu.memory_space<hbm>>
    tpu.enqueue_indirect_dma source(%dma_start3A_1378 : memref<196608xf32, #tpu.memory_space<hbm>>) target(%dma_start3A_1373 : memref<128xf32, #tpu.memory_space<vmem>>) offsets(%dma_start3A_1376 : memref<128xi32, #tpu.memory_space<vmem>>) semaphore(%arg14 : memref<!tpu.dma_semaphore, #tpu.memory_space<semaphore_mem>>)
    %dma_start3A_1379 = arith.constant 9 : i32
    %dma_start3A_1380 = arith.constant 9 : i32
    %dma_start3A_1381 = arith.constant 0 : i32
    %dma_start3A_1382 = tpu.memref_slice %arg9[%dma_start3A_1380, %dma_start3A_1381] : memref<12x128xf32, #tpu.memory_space<vmem>> -> memref<1x128xf32, #tpu.memory_space<vmem>>
    %dma_start3A_1383 = tpu.memref_squeeze %dma_start3A_1382 : memref<1x128xf32, #tpu.memory_space<vmem>> -> memref<128xf32, #tpu.memory_space<vmem>>
    %dma_start3A_1384 = arith.constant 0 : i32
    %dma_start3A_1385 = tpu.memref_slice %arg8[%dma_start3A_1379, %dma_start3A_1384] : memref<12x128xi32, #tpu.memory_space<vmem>> -> memref<1x128xi32, #tpu.memory_space<vmem>>
    %dma_start3A_1386 = tpu.memref_squeeze %dma_start3A_1385 : memref<1x128xi32, #tpu.memory_space<vmem>> -> memref<128xi32, #tpu.memory_space<vmem>>
    %dma_start3A_1387 = arith.constant 0 : i32
    %dma_start3A_1388 = tpu.memref_slice %arg2[%dma_start3A_1387] : memref<196608xf32, #tpu.memory_space<hbm>> -> memref<196608xf32, #tpu.memory_space<hbm>>
    tpu.enqueue_indirect_dma source(%dma_start3A_1388 : memref<196608xf32, #tpu.memory_space<hbm>>) target(%dma_start3A_1383 : memref<128xf32, #tpu.memory_space<vmem>>) offsets(%dma_start3A_1386 : memref<128xi32, #tpu.memory_space<vmem>>) semaphore(%arg14 : memref<!tpu.dma_semaphore, #tpu.memory_space<semaphore_mem>>)
    %dma_start3A_1389 = arith.constant 10 : i32
    %dma_start3A_1390 = arith.constant 10 : i32
    %dma_start3A_1391 = arith.constant 0 : i32
    %dma_start3A_1392 = tpu.memref_slice %arg9[%dma_start3A_1390, %dma_start3A_1391] : memref<12x128xf32, #tpu.memory_space<vmem>> -> memref<1x128xf32, #tpu.memory_space<vmem>>
    %dma_start3A_1393 = tpu.memref_squeeze %dma_start3A_1392 : memref<1x128xf32, #tpu.memory_space<vmem>> -> memref<128xf32, #tpu.memory_space<vmem>>
    %dma_start3A_1394 = arith.constant 0 : i32
    %dma_start3A_1395 = tpu.memref_slice %arg8[%dma_start3A_1389, %dma_start3A_1394] : memref<12x128xi32, #tpu.memory_space<vmem>> -> memref<1x128xi32, #tpu.memory_space<vmem>>
    %dma_start3A_1396 = tpu.memref_squeeze %dma_start3A_1395 : memref<1x128xi32, #tpu.memory_space<vmem>> -> memref<128xi32, #tpu.memory_space<vmem>>
    %dma_start3A_1397 = arith.constant 0 : i32
    %dma_start3A_1398 = tpu.memref_slice %arg2[%dma_start3A_1397] : memref<196608xf32, #tpu.memory_space<hbm>> -> memref<196608xf32, #tpu.memory_space<hbm>>
    tpu.enqueue_indirect_dma source(%dma_start3A_1398 : memref<196608xf32, #tpu.memory_space<hbm>>) target(%dma_start3A_1393 : memref<128xf32, #tpu.memory_space<vmem>>) offsets(%dma_start3A_1396 : memref<128xi32, #tpu.memory_space<vmem>>) semaphore(%arg14 : memref<!tpu.dma_semaphore, #tpu.memory_space<semaphore_mem>>)
    %dma_start3A_1399 = arith.constant 11 : i32
    %dma_start3A_1400 = arith.constant 11 : i32
    %dma_start3A_1401 = arith.constant 0 : i32
    %dma_start3A_1402 = tpu.memref_slice %arg9[%dma_start3A_1400, %dma_start3A_1401] : memref<12x128xf32, #tpu.memory_space<vmem>> -> memref<1x128xf32, #tpu.memory_space<vmem>>
    %dma_start3A_1403 = tpu.memref_squeeze %dma_start3A_1402 : memref<1x128xf32, #tpu.memory_space<vmem>> -> memref<128xf32, #tpu.memory_space<vmem>>
    %dma_start3A_1404 = arith.constant 0 : i32
    %dma_start3A_1405 = tpu.memref_slice %arg8[%dma_start3A_1399, %dma_start3A_1404] : memref<12x128xi32, #tpu.memory_space<vmem>> -> memref<1x128xi32, #tpu.memory_space<vmem>>
    %dma_start3A_1406 = tpu.memref_squeeze %dma_start3A_1405 : memref<1x128xi32, #tpu.memory_space<vmem>> -> memref<128xi32, #tpu.memory_space<vmem>>
    %dma_start3A_1407 = arith.constant 0 : i32
    %dma_start3A_1408 = tpu.memref_slice %arg2[%dma_start3A_1407] : memref<196608xf32, #tpu.memory_space<hbm>> -> memref<196608xf32, #tpu.memory_space<hbm>>
    tpu.enqueue_indirect_dma source(%dma_start3A_1408 : memref<196608xf32, #tpu.memory_space<hbm>>) target(%dma_start3A_1403 : memref<128xf32, #tpu.memory_space<vmem>>) offsets(%dma_start3A_1406 : memref<128xi32, #tpu.memory_space<vmem>>) semaphore(%arg14 : memref<!tpu.dma_semaphore, #tpu.memory_space<semaphore_mem>>)
    %mul3A_1409 = arith.constant 3 : i32
    %mul3A_1410 = arith.muli %add3A, %mul3A_1409 : i32
    %add3A_1411 = arith.constant 0 : i32
    %add3A_1412 = arith.addi %mul3A_1410, %add3A_1411 : i32
    %jit3A_1413 = arith.constant 24 : i32
    %div3A_1414 = arith.divsi %add3A_1412, %jit3A_1413 : i32
    %sign3A_1415 = arith.constant 0 : i32
    %sign3A_1416 = arith.cmpi sgt, %add3A_1412, %sign3A_1415 : i32
    %sign3A_1417 = arith.extui %sign3A_1416 : i1 to i32
    %sign3A_1418 = arith.constant 0 : i32
    %sign3A_1419 = arith.cmpi slt, %add3A_1412, %sign3A_1418 : i32
    %sign3A_1420 = arith.extui %sign3A_1419 : i1 to i32
    %sign3A_1421 = arith.subi %sign3A_1417, %sign3A_1420 : i32
    %sign3A_1422 = arith.constant 0 : i32
    %sign3A_1423 = arith.cmpi sgt, %jit3A_1413, %sign3A_1422 : i32
    %sign3A_1424 = arith.extui %sign3A_1423 : i1 to i32
    %sign3A_1425 = arith.constant 0 : i32
    %sign3A_1426 = arith.cmpi slt, %jit3A_1413, %sign3A_1425 : i32
    %sign3A_1427 = arith.extui %sign3A_1426 : i1 to i32
    %sign3A_1428 = arith.subi %sign3A_1424, %sign3A_1427 : i32
    %ne3A_1429 = arith.cmpi ne, %sign3A_1421, %sign3A_1428 : i32
    %rem3A_1430 = arith.remsi %add3A_1412, %jit3A_1413 : i32
    %ne3A_1431 = arith.constant 0 : i32
    %ne3A_1432 = arith.cmpi ne, %rem3A_1430, %ne3A_1431 : i32
    %and3A_1433 = arith.andi %ne3A_1429, %ne3A_1432 : i1
    %sub3A_1434 = arith.constant 1 : i32
    %sub3A_1435 = arith.subi %div3A_1414, %sub3A_1434 : i32
    %select_n3A_1436 = arith.select %and3A_1433, %sub3A_1435, %div3A_1414 : i32
    %mul3A_1437 = arith.constant 24 : i32
    %mul3A_1438 = arith.muli %select_n3A_1436, %mul3A_1437 : i32
    %sub3A_1439 = arith.subi %add3A_1412, %mul3A_1438 : i32
    %jit3A_1440 = arith.constant 8 : i32
    %div3A_1441 = arith.divsi %sub3A_1439, %jit3A_1440 : i32
    %sign3A_1442 = arith.constant 0 : i32
    %sign3A_1443 = arith.cmpi sgt, %sub3A_1439, %sign3A_1442 : i32
    %sign3A_1444 = arith.extui %sign3A_1443 : i1 to i32
    %sign3A_1445 = arith.constant 0 : i32
    %sign3A_1446 = arith.cmpi slt, %sub3A_1439, %sign3A_1445 : i32
    %sign3A_1447 = arith.extui %sign3A_1446 : i1 to i32
    %sign3A_1448 = arith.subi %sign3A_1444, %sign3A_1447 : i32
    %sign3A_1449 = arith.constant 0 : i32
    %sign3A_1450 = arith.cmpi sgt, %jit3A_1440, %sign3A_1449 : i32
    %sign3A_1451 = arith.extui %sign3A_1450 : i1 to i32
    %sign3A_1452 = arith.constant 0 : i32
    %sign3A_1453 = arith.cmpi slt, %jit3A_1440, %sign3A_1452 : i32
    %sign3A_1454 = arith.extui %sign3A_1453 : i1 to i32
    %sign3A_1455 = arith.subi %sign3A_1451, %sign3A_1454 : i32
    %ne3A_1456 = arith.cmpi ne, %sign3A_1448, %sign3A_1455 : i32
    %rem3A_1457 = arith.remsi %sub3A_1439, %jit3A_1440 : i32
    %ne3A_1458 = arith.constant 0 : i32
    %ne3A_1459 = arith.cmpi ne, %rem3A_1457, %ne3A_1458 : i32
    %and3A_1460 = arith.andi %ne3A_1456, %ne3A_1459 : i1
    %sub3A_1461 = arith.constant 1 : i32
    %sub3A_1462 = arith.subi %div3A_1441, %sub3A_1461 : i32
    %select_n3A_1463 = arith.select %and3A_1460, %sub3A_1462, %div3A_1441 : i32
    %mul3A_1464 = arith.constant 8 : i32
    %mul3A_1465 = arith.muli %select_n3A_1463, %mul3A_1464 : i32
    %sub3A_1466 = arith.subi %sub3A_1439, %mul3A_1465 : i32
    %mul3A_1467 = arith.constant 1024 : i32
    %mul3A_1468 = arith.muli %select_n3A_1436, %mul3A_1467 : i32
    %mul3A_1469 = arith.constant 128 : i32
    %mul3A_1470 = arith.muli %sub3A_1466, %mul3A_1469 : i32
    %add3A_1471 = arith.addi %mul3A_1468, %mul3A_1470 : i32
    "tpu.region"() ({
      %run_scoped3A_2092 = tpu.sem_alloc : memref<!tpu.dma_semaphore, #tpu.memory_space<semaphore_mem>>
      %dma_start3A_2093 = tpu.memref_slice %arg4[%add3A_1471] : memref<4096xi32, #tpu.memory_space<hbm>> -> memref<128xi32, #tpu.memory_space<hbm>>
      %dma_start3A_2094 = tpu.memref_slice %arg4[%add3A_1471] : memref<4096xi32, #tpu.memory_space<hbm>> -> memref<128xi32, #tpu.memory_space<hbm>>
      tpu.enqueue_dma source(%dma_start3A_2094 : memref<128xi32, #tpu.memory_space<hbm>>) target(%arg10 : memref<128xi32, #tpu.memory_space<vmem>>) target_semaphore(%run_scoped3A_2092 : memref<!tpu.dma_semaphore, #tpu.memory_space<semaphore_mem>>)
      %dma_wait3A_2095 = tpu.memref_slice %arg4[%add3A_1471] : memref<4096xi32, #tpu.memory_space<hbm>> -> memref<128xi32, #tpu.memory_space<hbm>>
      %dma_wait3A_2096 = tpu.memref_slice %arg4[%add3A_1471] : memref<4096xi32, #tpu.memory_space<hbm>> -> memref<128xi32, #tpu.memory_space<hbm>>
      tpu.wait_dma2 semaphore(%run_scoped3A_2092 : memref<!tpu.dma_semaphore, #tpu.memory_space<semaphore_mem>>) src(%dma_wait3A_2096 : memref<128xi32, #tpu.memory_space<hbm>>) dst(%arg10 : memref<128xi32, #tpu.memory_space<vmem>>)
      tpu.yield
    }) : () -> ()
    %mul3A_1472 = arith.constant 3 : i32
    %mul3A_1473 = arith.muli %select_n3A_1436, %mul3A_1472 : i32
    %add3A_1474 = arith.addi %mul3A_1473, %select_n3A_1463 : i32
    %mul3A_1475 = arith.constant 16384 : i32
    %mul3A_1476 = arith.muli %add3A_1474, %mul3A_1475 : i32
    %get3A_1477 = arith.constant 0 : index
    %get3A_1478 = tpu.vector_load %arg10[%get3A_1477] {strides = array<i32>} : memref<128xi32, #tpu.memory_space<vmem>>, vector<16xi32>,
    %get3A_1479 = vector.shape_cast %get3A_1478 : vector<16xi32> to vector<16xi32>
    %add3A_1480 = vector.broadcast %mul3A_1476 : i32 to vector<16xi32>
    %add3A_1481 = arith.addi %get3A_1479, %add3A_1480 : vector<16xi32>
    %swap3A_1482 = arith.constant 0 : i32
    %swap3A_1483 = arith.index_cast %swap3A_1482 : i32 to index
    %swap3A_1484 = arith.constant 0 : index
    %swap3A_1485 = tpu.vector_load %arg11[%swap3A_1483, %swap3A_1484] {strides = array<i32>} : memref<3x128xi32, #tpu.memory_space<vmem>>, vector<1x16xi32>,
    %swap3A_1486 = vector.shape_cast %swap3A_1485 : vector<1x16xi32> to vector<16xi32>
    %swap3A_1487 = vector.shape_cast %add3A_1481 : vector<16xi32> to vector<1x16xi32>
    tpu.vector_store %arg11[%swap3A_1483, %swap3A_1484], %swap3A_1487 {strides = array<i32>} : memref<3x128xi32, #tpu.memory_space<vmem>>, vector<1x16xi32>,
    %get3A_1488 = arith.constant 16 : index
    %get3A_1489 = tpu.vector_load %arg10[%get3A_1488] {strides = array<i32>} : memref<128xi32, #tpu.memory_space<vmem>>, vector<16xi32>,
    %get3A_1490 = vector.shape_cast %get3A_1489 : vector<16xi32> to vector<16xi32>
    %add3A_1491 = vector.broadcast %mul3A_1476 : i32 to vector<16xi32>
    %add3A_1492 = arith.addi %get3A_1490, %add3A_1491 : vector<16xi32>
    %swap3A_1493 = arith.constant 0 : i32
    %swap3A_1494 = arith.index_cast %swap3A_1493 : i32 to index
    %swap3A_1495 = arith.constant 16 : index
    %swap3A_1496 = tpu.vector_load %arg11[%swap3A_1494, %swap3A_1495] {strides = array<i32>} : memref<3x128xi32, #tpu.memory_space<vmem>>, vector<1x16xi32>,
    %swap3A_1497 = vector.shape_cast %swap3A_1496 : vector<1x16xi32> to vector<16xi32>
    %swap3A_1498 = vector.shape_cast %add3A_1492 : vector<16xi32> to vector<1x16xi32>
    tpu.vector_store %arg11[%swap3A_1494, %swap3A_1495], %swap3A_1498 {strides = array<i32>} : memref<3x128xi32, #tpu.memory_space<vmem>>, vector<1x16xi32>,
    %get3A_1499 = arith.constant 32 : index
    %get3A_1500 = tpu.vector_load %arg10[%get3A_1499] {strides = array<i32>} : memref<128xi32, #tpu.memory_space<vmem>>, vector<16xi32>,
    %get3A_1501 = vector.shape_cast %get3A_1500 : vector<16xi32> to vector<16xi32>
    %add3A_1502 = vector.broadcast %mul3A_1476 : i32 to vector<16xi32>
    %add3A_1503 = arith.addi %get3A_1501, %add3A_1502 : vector<16xi32>
    %swap3A_1504 = arith.constant 0 : i32
    %swap3A_1505 = arith.index_cast %swap3A_1504 : i32 to index
    %swap3A_1506 = arith.constant 32 : index
    %swap3A_1507 = tpu.vector_load %arg11[%swap3A_1505, %swap3A_1506] {strides = array<i32>} : memref<3x128xi32, #tpu.memory_space<vmem>>, vector<1x16xi32>,
    %swap3A_1508 = vector.shape_cast %swap3A_1507 : vector<1x16xi32> to vector<16xi32>
    %swap3A_1509 = vector.shape_cast %add3A_1503 : vector<16xi32> to vector<1x16xi32>
    tpu.vector_store %arg11[%swap3A_1505, %swap3A_1506], %swap3A_1509 {strides = array<i32>} : memref<3x128xi32, #tpu.memory_space<vmem>>, vector<1x16xi32>,
    %get3A_1510 = arith.constant 48 : index
    %get3A_1511 = tpu.vector_load %arg10[%get3A_1510] {strides = array<i32>} : memref<128xi32, #tpu.memory_space<vmem>>, vector<16xi32>,
    %get3A_1512 = vector.shape_cast %get3A_1511 : vector<16xi32> to vector<16xi32>
    %add3A_1513 = vector.broadcast %mul3A_1476 : i32 to vector<16xi32>
    %add3A_1514 = arith.addi %get3A_1512, %add3A_1513 : vector<16xi32>
    %swap3A_1515 = arith.constant 0 : i32
    %swap3A_1516 = arith.index_cast %swap3A_1515 : i32 to index
    %swap3A_1517 = arith.constant 48 : index
    %swap3A_1518 = tpu.vector_load %arg11[%swap3A_1516, %swap3A_1517] {strides = array<i32>} : memref<3x128xi32, #tpu.memory_space<vmem>>, vector<1x16xi32>,
    %swap3A_1519 = vector.shape_cast %swap3A_1518 : vector<1x16xi32> to vector<16xi32>
    %swap3A_1520 = vector.shape_cast %add3A_1514 : vector<16xi32> to vector<1x16xi32>
    tpu.vector_store %arg11[%swap3A_1516, %swap3A_1517], %swap3A_1520 {strides = array<i32>} : memref<3x128xi32, #tpu.memory_space<vmem>>, vector<1x16xi32>,
    %get3A_1521 = arith.constant 64 : index
    %get3A_1522 = tpu.vector_load %arg10[%get3A_1521] {strides = array<i32>} : memref<128xi32, #tpu.memory_space<vmem>>, vector<16xi32>,
    %get3A_1523 = vector.shape_cast %get3A_1522 : vector<16xi32> to vector<16xi32>
    %add3A_1524 = vector.broadcast %mul3A_1476 : i32 to vector<16xi32>
    %add3A_1525 = arith.addi %get3A_1523, %add3A_1524 : vector<16xi32>
    %swap3A_1526 = arith.constant 0 : i32
    %swap3A_1527 = arith.index_cast %swap3A_1526 : i32 to index
    %swap3A_1528 = arith.constant 64 : index
    %swap3A_1529 = tpu.vector_load %arg11[%swap3A_1527, %swap3A_1528] {strides = array<i32>} : memref<3x128xi32, #tpu.memory_space<vmem>>, vector<1x16xi32>,
    %swap3A_1530 = vector.shape_cast %swap3A_1529 : vector<1x16xi32> to vector<16xi32>
    %swap3A_1531 = vector.shape_cast %add3A_1525 : vector<16xi32> to vector<1x16xi32>
    tpu.vector_store %arg11[%swap3A_1527, %swap3A_1528], %swap3A_1531 {strides = array<i32>} : memref<3x128xi32, #tpu.memory_space<vmem>>, vector<1x16xi32>,
    %get3A_1532 = arith.constant 80 : index
    %get3A_1533 = tpu.vector_load %arg10[%get3A_1532] {strides = array<i32>} : memref<128xi32, #tpu.memory_space<vmem>>, vector<16xi32>,
    %get3A_1534 = vector.shape_cast %get3A_1533 : vector<16xi32> to vector<16xi32>
    %add3A_1535 = vector.broadcast %mul3A_1476 : i32 to vector<16xi32>
    %add3A_1536 = arith.addi %get3A_1534, %add3A_1535 : vector<16xi32>
    %swap3A_1537 = arith.constant 0 : i32
    %swap3A_1538 = arith.index_cast %swap3A_1537 : i32 to index
    %swap3A_1539 = arith.constant 80 : index
    %swap3A_1540 = tpu.vector_load %arg11[%swap3A_1538, %swap3A_1539] {strides = array<i32>} : memref<3x128xi32, #tpu.memory_space<vmem>>, vector<1x16xi32>,
    %swap3A_1541 = vector.shape_cast %swap3A_1540 : vector<1x16xi32> to vector<16xi32>
    %swap3A_1542 = vector.shape_cast %add3A_1536 : vector<16xi32> to vector<1x16xi32>
    tpu.vector_store %arg11[%swap3A_1538, %swap3A_1539], %swap3A_1542 {strides = array<i32>} : memref<3x128xi32, #tpu.memory_space<vmem>>, vector<1x16xi32>,
    %get3A_1543 = arith.constant 96 : index
    %get3A_1544 = tpu.vector_load %arg10[%get3A_1543] {strides = array<i32>} : memref<128xi32, #tpu.memory_space<vmem>>, vector<16xi32>,
    %get3A_1545 = vector.shape_cast %get3A_1544 : vector<16xi32> to vector<16xi32>
    %add3A_1546 = vector.broadcast %mul3A_1476 : i32 to vector<16xi32>
    %add3A_1547 = arith.addi %get3A_1545, %add3A_1546 : vector<16xi32>
    %swap3A_1548 = arith.constant 0 : i32
    %swap3A_1549 = arith.index_cast %swap3A_1548 : i32 to index
    %swap3A_1550 = arith.constant 96 : index
    %swap3A_1551 = tpu.vector_load %arg11[%swap3A_1549, %swap3A_1550] {strides = array<i32>} : memref<3x128xi32, #tpu.memory_space<vmem>>, vector<1x16xi32>,
    %swap3A_1552 = vector.shape_cast %swap3A_1551 : vector<1x16xi32> to vector<16xi32>
    %swap3A_1553 = vector.shape_cast %add3A_1547 : vector<16xi32> to vector<1x16xi32>
    tpu.vector_store %arg11[%swap3A_1549, %swap3A_1550], %swap3A_1553 {strides = array<i32>} : memref<3x128xi32, #tpu.memory_space<vmem>>, vector<1x16xi32>,
    %get3A_1554 = arith.constant 112 : index
    %get3A_1555 = tpu.vector_load %arg10[%get3A_1554] {strides = array<i32>} : memref<128xi32, #tpu.memory_space<vmem>>, vector<16xi32>,
    %get3A_1556 = vector.shape_cast %get3A_1555 : vector<16xi32> to vector<16xi32>
    %add3A_1557 = vector.broadcast %mul3A_1476 : i32 to vector<16xi32>
    %add3A_1558 = arith.addi %get3A_1556, %add3A_1557 : vector<16xi32>
    %swap3A_1559 = arith.constant 0 : i32
    %swap3A_1560 = arith.index_cast %swap3A_1559 : i32 to index
    %swap3A_1561 = arith.constant 112 : index
    %swap3A_1562 = tpu.vector_load %arg11[%swap3A_1560, %swap3A_1561] {strides = array<i32>} : memref<3x128xi32, #tpu.memory_space<vmem>>, vector<1x16xi32>,
    %swap3A_1563 = vector.shape_cast %swap3A_1562 : vector<1x16xi32> to vector<16xi32>
    %swap3A_1564 = vector.shape_cast %add3A_1558 : vector<16xi32> to vector<1x16xi32>
    tpu.vector_store %arg11[%swap3A_1560, %swap3A_1561], %swap3A_1564 {strides = array<i32>} : memref<3x128xi32, #tpu.memory_space<vmem>>, vector<1x16xi32>,
    %mul3A_1565 = arith.constant 3 : i32
    %mul3A_1566 = arith.muli %add3A, %mul3A_1565 : i32
    %add3A_1567 = arith.constant 1 : i32
    %add3A_1568 = arith.addi %mul3A_1566, %add3A_1567 : i32
    %jit3A_1569 = arith.constant 24 : i32
    %div3A_1570 = arith.divsi %add3A_1568, %jit3A_1569 : i32
    %sign3A_1571 = arith.constant 0 : i32
    %sign3A_1572 = arith.cmpi sgt, %add3A_1568, %sign3A_1571 : i32
    %sign3A_1573 = arith.extui %sign3A_1572 : i1 to i32
    %sign3A_1574 = arith.constant 0 : i32
    %sign3A_1575 = arith.cmpi slt, %add3A_1568, %sign3A_1574 : i32
    %sign3A_1576 = arith.extui %sign3A_1575 : i1 to i32
    %sign3A_1577 = arith.subi %sign3A_1573, %sign3A_1576 : i32
    %sign3A_1578 = arith.constant 0 : i32
    %sign3A_1579 = arith.cmpi sgt, %jit3A_1569, %sign3A_1578 : i32
    %sign3A_1580 = arith.extui %sign3A_1579 : i1 to i32
    %sign3A_1581 = arith.constant 0 : i32
    %sign3A_1582 = arith.cmpi slt, %jit3A_1569, %sign3A_1581 : i32
    %sign3A_1583 = arith.extui %sign3A_1582 : i1 to i32
    %sign3A_1584 = arith.subi %sign3A_1580, %sign3A_1583 : i32
    %ne3A_1585 = arith.cmpi ne, %sign3A_1577, %sign3A_1584 : i32
    %rem3A_1586 = arith.remsi %add3A_1568, %jit3A_1569 : i32
    %ne3A_1587 = arith.constant 0 : i32
    %ne3A_1588 = arith.cmpi ne, %rem3A_1586, %ne3A_1587 : i32
    %and3A_1589 = arith.andi %ne3A_1585, %ne3A_1588 : i1
    %sub3A_1590 = arith.constant 1 : i32
    %sub3A_1591 = arith.subi %div3A_1570, %sub3A_1590 : i32
    %select_n3A_1592 = arith.select %and3A_1589, %sub3A_1591, %div3A_1570 : i32
    %mul3A_1593 = arith.constant 24 : i32
    %mul3A_1594 = arith.muli %select_n3A_1592, %mul3A_1593 : i32
    %sub3A_1595 = arith.subi %add3A_1568, %mul3A_1594 : i32
    %jit3A_1596 = arith.constant 8 : i32
    %div3A_1597 = arith.divsi %sub3A_1595, %jit3A_1596 : i32
    %sign3A_1598 = arith.constant 0 : i32
    %sign3A_1599 = arith.cmpi sgt, %sub3A_1595, %sign3A_1598 : i32
    %sign3A_1600 = arith.extui %sign3A_1599 : i1 to i32
    %sign3A_1601 = arith.constant 0 : i32
    %sign3A_1602 = arith.cmpi slt, %sub3A_1595, %sign3A_1601 : i32
    %sign3A_1603 = arith.extui %sign3A_1602 : i1 to i32
    %sign3A_1604 = arith.subi %sign3A_1600, %sign3A_1603 : i32
    %sign3A_1605 = arith.constant 0 : i32
    %sign3A_1606 = arith.cmpi sgt, %jit3A_1596, %sign3A_1605 : i32
    %sign3A_1607 = arith.extui %sign3A_1606 : i1 to i32
    %sign3A_1608 = arith.constant 0 : i32
    %sign3A_1609 = arith.cmpi slt, %jit3A_1596, %sign3A_1608 : i32
    %sign3A_1610 = arith.extui %sign3A_1609 : i1 to i32
    %sign3A_1611 = arith.subi %sign3A_1607, %sign3A_1610 : i32
    %ne3A_1612 = arith.cmpi ne, %sign3A_1604, %sign3A_1611 : i32
    %rem3A_1613 = arith.remsi %sub3A_1595, %jit3A_1596 : i32
    %ne3A_1614 = arith.constant 0 : i32
    %ne3A_1615 = arith.cmpi ne, %rem3A_1613, %ne3A_1614 : i32
    %and3A_1616 = arith.andi %ne3A_1612, %ne3A_1615 : i1
    %sub3A_1617 = arith.constant 1 : i32
    %sub3A_1618 = arith.subi %div3A_1597, %sub3A_1617 : i32
    %select_n3A_1619 = arith.select %and3A_1616, %sub3A_1618, %div3A_1597 : i32
    %mul3A_1620 = arith.constant 8 : i32
    %mul3A_1621 = arith.muli %select_n3A_1619, %mul3A_1620 : i32
    %sub3A_1622 = arith.subi %sub3A_1595, %mul3A_1621 : i32
    %mul3A_1623 = arith.constant 1024 : i32
    %mul3A_1624 = arith.muli %select_n3A_1592, %mul3A_1623 : i32
    %mul3A_1625 = arith.constant 128 : i32
    %mul3A_1626 = arith.muli %sub3A_1622, %mul3A_1625 : i32
    %add3A_1627 = arith.addi %mul3A_1624, %mul3A_1626 : i32
    "tpu.region"() ({
      %run_scoped3A_2092 = tpu.sem_alloc : memref<!tpu.dma_semaphore, #tpu.memory_space<semaphore_mem>>
      %dma_start3A_2093 = tpu.memref_slice %arg4[%add3A_1627] : memref<4096xi32, #tpu.memory_space<hbm>> -> memref<128xi32, #tpu.memory_space<hbm>>
      %dma_start3A_2094 = tpu.memref_slice %arg4[%add3A_1627] : memref<4096xi32, #tpu.memory_space<hbm>> -> memref<128xi32, #tpu.memory_space<hbm>>
      tpu.enqueue_dma source(%dma_start3A_2094 : memref<128xi32, #tpu.memory_space<hbm>>) target(%arg10 : memref<128xi32, #tpu.memory_space<vmem>>) target_semaphore(%run_scoped3A_2092 : memref<!tpu.dma_semaphore, #tpu.memory_space<semaphore_mem>>)
      %dma_wait3A_2095 = tpu.memref_slice %arg4[%add3A_1627] : memref<4096xi32, #tpu.memory_space<hbm>> -> memref<128xi32, #tpu.memory_space<hbm>>
      %dma_wait3A_2096 = tpu.memref_slice %arg4[%add3A_1627] : memref<4096xi32, #tpu.memory_space<hbm>> -> memref<128xi32, #tpu.memory_space<hbm>>
      tpu.wait_dma2 semaphore(%run_scoped3A_2092 : memref<!tpu.dma_semaphore, #tpu.memory_space<semaphore_mem>>) src(%dma_wait3A_2096 : memref<128xi32, #tpu.memory_space<hbm>>) dst(%arg10 : memref<128xi32, #tpu.memory_space<vmem>>)
      tpu.yield
    }) : () -> ()
    %mul3A_1628 = arith.constant 3 : i32
    %mul3A_1629 = arith.muli %select_n3A_1592, %mul3A_1628 : i32
    %add3A_1630 = arith.addi %mul3A_1629, %select_n3A_1619 : i32
    %mul3A_1631 = arith.constant 16384 : i32
    %mul3A_1632 = arith.muli %add3A_1630, %mul3A_1631 : i32
    %get3A_1633 = arith.constant 0 : index
    %get3A_1634 = tpu.vector_load %arg10[%get3A_1633] {strides = array<i32>} : memref<128xi32, #tpu.memory_space<vmem>>, vector<16xi32>,
    %get3A_1635 = vector.shape_cast %get3A_1634 : vector<16xi32> to vector<16xi32>
    %add3A_1636 = vector.broadcast %mul3A_1632 : i32 to vector<16xi32>
    %add3A_1637 = arith.addi %get3A_1635, %add3A_1636 : vector<16xi32>
    %swap3A_1638 = arith.constant 1 : i32
    %swap3A_1639 = arith.index_cast %swap3A_1638 : i32 to index
    %swap3A_1640 = arith.constant 0 : index
    %swap3A_1641 = tpu.vector_load %arg11[%swap3A_1639, %swap3A_1640] {strides = array<i32>} : memref<3x128xi32, #tpu.memory_space<vmem>>, vector<1x16xi32>,
    %swap3A_1642 = vector.shape_cast %swap3A_1641 : vector<1x16xi32> to vector<16xi32>
    %swap3A_1643 = vector.shape_cast %add3A_1637 : vector<16xi32> to vector<1x16xi32>
    tpu.vector_store %arg11[%swap3A_1639, %swap3A_1640], %swap3A_1643 {strides = array<i32>} : memref<3x128xi32, #tpu.memory_space<vmem>>, vector<1x16xi32>,
    %get3A_1644 = arith.constant 16 : index
    %get3A_1645 = tpu.vector_load %arg10[%get3A_1644] {strides = array<i32>} : memref<128xi32, #tpu.memory_space<vmem>>, vector<16xi32>,
    %get3A_1646 = vector.shape_cast %get3A_1645 : vector<16xi32> to vector<16xi32>
    %add3A_1647 = vector.broadcast %mul3A_1632 : i32 to vector<16xi32>
    %add3A_1648 = arith.addi %get3A_1646, %add3A_1647 : vector<16xi32>
    %swap3A_1649 = arith.constant 1 : i32
    %swap3A_1650 = arith.index_cast %swap3A_1649 : i32 to index
    %swap3A_1651 = arith.constant 16 : index
    %swap3A_1652 = tpu.vector_load %arg11[%swap3A_1650, %swap3A_1651] {strides = array<i32>} : memref<3x128xi32, #tpu.memory_space<vmem>>, vector<1x16xi32>,
    %swap3A_1653 = vector.shape_cast %swap3A_1652 : vector<1x16xi32> to vector<16xi32>
    %swap3A_1654 = vector.shape_cast %add3A_1648 : vector<16xi32> to vector<1x16xi32>
    tpu.vector_store %arg11[%swap3A_1650, %swap3A_1651], %swap3A_1654 {strides = array<i32>} : memref<3x128xi32, #tpu.memory_space<vmem>>, vector<1x16xi32>,
    %get3A_1655 = arith.constant 32 : index
    %get3A_1656 = tpu.vector_load %arg10[%get3A_1655] {strides = array<i32>} : memref<128xi32, #tpu.memory_space<vmem>>, vector<16xi32>,
    %get3A_1657 = vector.shape_cast %get3A_1656 : vector<16xi32> to vector<16xi32>
    %add3A_1658 = vector.broadcast %mul3A_1632 : i32 to vector<16xi32>
    %add3A_1659 = arith.addi %get3A_1657, %add3A_1658 : vector<16xi32>
    %swap3A_1660 = arith.constant 1 : i32
    %swap3A_1661 = arith.index_cast %swap3A_1660 : i32 to index
    %swap3A_1662 = arith.constant 32 : index
    %swap3A_1663 = tpu.vector_load %arg11[%swap3A_1661, %swap3A_1662] {strides = array<i32>} : memref<3x128xi32, #tpu.memory_space<vmem>>, vector<1x16xi32>,
    %swap3A_1664 = vector.shape_cast %swap3A_1663 : vector<1x16xi32> to vector<16xi32>
    %swap3A_1665 = vector.shape_cast %add3A_1659 : vector<16xi32> to vector<1x16xi32>
    tpu.vector_store %arg11[%swap3A_1661, %swap3A_1662], %swap3A_1665 {strides = array<i32>} : memref<3x128xi32, #tpu.memory_space<vmem>>, vector<1x16xi32>,
    %get3A_1666 = arith.constant 48 : index
    %get3A_1667 = tpu.vector_load %arg10[%get3A_1666] {strides = array<i32>} : memref<128xi32, #tpu.memory_space<vmem>>, vector<16xi32>,
    %get3A_1668 = vector.shape_cast %get3A_1667 : vector<16xi32> to vector<16xi32>
    %add3A_1669 = vector.broadcast %mul3A_1632 : i32 to vector<16xi32>
    %add3A_1670 = arith.addi %get3A_1668, %add3A_1669 : vector<16xi32>
    %swap3A_1671 = arith.constant 1 : i32
    %swap3A_1672 = arith.index_cast %swap3A_1671 : i32 to index
    %swap3A_1673 = arith.constant 48 : index
    %swap3A_1674 = tpu.vector_load %arg11[%swap3A_1672, %swap3A_1673] {strides = array<i32>} : memref<3x128xi32, #tpu.memory_space<vmem>>, vector<1x16xi32>,
    %swap3A_1675 = vector.shape_cast %swap3A_1674 : vector<1x16xi32> to vector<16xi32>
    %swap3A_1676 = vector.shape_cast %add3A_1670 : vector<16xi32> to vector<1x16xi32>
    tpu.vector_store %arg11[%swap3A_1672, %swap3A_1673], %swap3A_1676 {strides = array<i32>} : memref<3x128xi32, #tpu.memory_space<vmem>>, vector<1x16xi32>,
    %get3A_1677 = arith.constant 64 : index
    %get3A_1678 = tpu.vector_load %arg10[%get3A_1677] {strides = array<i32>} : memref<128xi32, #tpu.memory_space<vmem>>, vector<16xi32>,
    %get3A_1679 = vector.shape_cast %get3A_1678 : vector<16xi32> to vector<16xi32>
    %add3A_1680 = vector.broadcast %mul3A_1632 : i32 to vector<16xi32>
    %add3A_1681 = arith.addi %get3A_1679, %add3A_1680 : vector<16xi32>
    %swap3A_1682 = arith.constant 1 : i32
    %swap3A_1683 = arith.index_cast %swap3A_1682 : i32 to index
    %swap3A_1684 = arith.constant 64 : index
    %swap3A_1685 = tpu.vector_load %arg11[%swap3A_1683, %swap3A_1684] {strides = array<i32>} : memref<3x128xi32, #tpu.memory_space<vmem>>, vector<1x16xi32>,
    %swap3A_1686 = vector.shape_cast %swap3A_1685 : vector<1x16xi32> to vector<16xi32>
    %swap3A_1687 = vector.shape_cast %add3A_1681 : vector<16xi32> to vector<1x16xi32>
    tpu.vector_store %arg11[%swap3A_1683, %swap3A_1684], %swap3A_1687 {strides = array<i32>} : memref<3x128xi32, #tpu.memory_space<vmem>>, vector<1x16xi32>,
    %get3A_1688 = arith.constant 80 : index
    %get3A_1689 = tpu.vector_load %arg10[%get3A_1688] {strides = array<i32>} : memref<128xi32, #tpu.memory_space<vmem>>, vector<16xi32>,
    %get3A_1690 = vector.shape_cast %get3A_1689 : vector<16xi32> to vector<16xi32>
    %add3A_1691 = vector.broadcast %mul3A_1632 : i32 to vector<16xi32>
    %add3A_1692 = arith.addi %get3A_1690, %add3A_1691 : vector<16xi32>
    %swap3A_1693 = arith.constant 1 : i32
    %swap3A_1694 = arith.index_cast %swap3A_1693 : i32 to index
    %swap3A_1695 = arith.constant 80 : index
    %swap3A_1696 = tpu.vector_load %arg11[%swap3A_1694, %swap3A_1695] {strides = array<i32>} : memref<3x128xi32, #tpu.memory_space<vmem>>, vector<1x16xi32>,
    %swap3A_1697 = vector.shape_cast %swap3A_1696 : vector<1x16xi32> to vector<16xi32>
    %swap3A_1698 = vector.shape_cast %add3A_1692 : vector<16xi32> to vector<1x16xi32>
    tpu.vector_store %arg11[%swap3A_1694, %swap3A_1695], %swap3A_1698 {strides = array<i32>} : memref<3x128xi32, #tpu.memory_space<vmem>>, vector<1x16xi32>,
    %get3A_1699 = arith.constant 96 : index
    %get3A_1700 = tpu.vector_load %arg10[%get3A_1699] {strides = array<i32>} : memref<128xi32, #tpu.memory_space<vmem>>, vector<16xi32>,
    %get3A_1701 = vector.shape_cast %get3A_1700 : vector<16xi32> to vector<16xi32>
    %add3A_1702 = vector.broadcast %mul3A_1632 : i32 to vector<16xi32>
    %add3A_1703 = arith.addi %get3A_1701, %add3A_1702 : vector<16xi32>
    %swap3A_1704 = arith.constant 1 : i32
    %swap3A_1705 = arith.index_cast %swap3A_1704 : i32 to index
    %swap3A_1706 = arith.constant 96 : index
    %swap3A_1707 = tpu.vector_load %arg11[%swap3A_1705, %swap3A_1706] {strides = array<i32>} : memref<3x128xi32, #tpu.memory_space<vmem>>, vector<1x16xi32>,
    %swap3A_1708 = vector.shape_cast %swap3A_1707 : vector<1x16xi32> to vector<16xi32>
    %swap3A_1709 = vector.shape_cast %add3A_1703 : vector<16xi32> to vector<1x16xi32>
    tpu.vector_store %arg11[%swap3A_1705, %swap3A_1706], %swap3A_1709 {strides = array<i32>} : memref<3x128xi32, #tpu.memory_space<vmem>>, vector<1x16xi32>,
    %get3A_1710 = arith.constant 112 : index
    %get3A_1711 = tpu.vector_load %arg10[%get3A_1710] {strides = array<i32>} : memref<128xi32, #tpu.memory_space<vmem>>, vector<16xi32>,
    %get3A_1712 = vector.shape_cast %get3A_1711 : vector<16xi32> to vector<16xi32>
    %add3A_1713 = vector.broadcast %mul3A_1632 : i32 to vector<16xi32>
    %add3A_1714 = arith.addi %get3A_1712, %add3A_1713 : vector<16xi32>
    %swap3A_1715 = arith.constant 1 : i32
    %swap3A_1716 = arith.index_cast %swap3A_1715 : i32 to index
    %swap3A_1717 = arith.constant 112 : index
    %swap3A_1718 = tpu.vector_load %arg11[%swap3A_1716, %swap3A_1717] {strides = array<i32>} : memref<3x128xi32, #tpu.memory_space<vmem>>, vector<1x16xi32>,
    %swap3A_1719 = vector.shape_cast %swap3A_1718 : vector<1x16xi32> to vector<16xi32>
    %swap3A_1720 = vector.shape_cast %add3A_1714 : vector<16xi32> to vector<1x16xi32>
    tpu.vector_store %arg11[%swap3A_1716, %swap3A_1717], %swap3A_1720 {strides = array<i32>} : memref<3x128xi32, #tpu.memory_space<vmem>>, vector<1x16xi32>,
    %mul3A_1721 = arith.constant 3 : i32
    %mul3A_1722 = arith.muli %add3A, %mul3A_1721 : i32
    %add3A_1723 = arith.constant 2 : i32
    %add3A_1724 = arith.addi %mul3A_1722, %add3A_1723 : i32
    %jit3A_1725 = arith.constant 24 : i32
    %div3A_1726 = arith.divsi %add3A_1724, %jit3A_1725 : i32
    %sign3A_1727 = arith.constant 0 : i32
    %sign3A_1728 = arith.cmpi sgt, %add3A_1724, %sign3A_1727 : i32
    %sign3A_1729 = arith.extui %sign3A_1728 : i1 to i32
    %sign3A_1730 = arith.constant 0 : i32
    %sign3A_1731 = arith.cmpi slt, %add3A_1724, %sign3A_1730 : i32
    %sign3A_1732 = arith.extui %sign3A_1731 : i1 to i32
    %sign3A_1733 = arith.subi %sign3A_1729, %sign3A_1732 : i32
    %sign3A_1734 = arith.constant 0 : i32
    %sign3A_1735 = arith.cmpi sgt, %jit3A_1725, %sign3A_1734 : i32
    %sign3A_1736 = arith.extui %sign3A_1735 : i1 to i32
    %sign3A_1737 = arith.constant 0 : i32
    %sign3A_1738 = arith.cmpi slt, %jit3A_1725, %sign3A_1737 : i32
    %sign3A_1739 = arith.extui %sign3A_1738 : i1 to i32
    %sign3A_1740 = arith.subi %sign3A_1736, %sign3A_1739 : i32
    %ne3A_1741 = arith.cmpi ne, %sign3A_1733, %sign3A_1740 : i32
    %rem3A_1742 = arith.remsi %add3A_1724, %jit3A_1725 : i32
    %ne3A_1743 = arith.constant 0 : i32
    %ne3A_1744 = arith.cmpi ne, %rem3A_1742, %ne3A_1743 : i32
    %and3A_1745 = arith.andi %ne3A_1741, %ne3A_1744 : i1
    %sub3A_1746 = arith.constant 1 : i32
    %sub3A_1747 = arith.subi %div3A_1726, %sub3A_1746 : i32
    %select_n3A_1748 = arith.select %and3A_1745, %sub3A_1747, %div3A_1726 : i32
    %mul3A_1749 = arith.constant 24 : i32
    %mul3A_1750 = arith.muli %select_n3A_1748, %mul3A_1749 : i32
    %sub3A_1751 = arith.subi %add3A_1724, %mul3A_1750 : i32
    %jit3A_1752 = arith.constant 8 : i32
    %div3A_1753 = arith.divsi %sub3A_1751, %jit3A_1752 : i32
    %sign3A_1754 = arith.constant 0 : i32
    %sign3A_1755 = arith.cmpi sgt, %sub3A_1751, %sign3A_1754 : i32
    %sign3A_1756 = arith.extui %sign3A_1755 : i1 to i32
    %sign3A_1757 = arith.constant 0 : i32
    %sign3A_1758 = arith.cmpi slt, %sub3A_1751, %sign3A_1757 : i32
    %sign3A_1759 = arith.extui %sign3A_1758 : i1 to i32
    %sign3A_1760 = arith.subi %sign3A_1756, %sign3A_1759 : i32
    %sign3A_1761 = arith.constant 0 : i32
    %sign3A_1762 = arith.cmpi sgt, %jit3A_1752, %sign3A_1761 : i32
    %sign3A_1763 = arith.extui %sign3A_1762 : i1 to i32
    %sign3A_1764 = arith.constant 0 : i32
    %sign3A_1765 = arith.cmpi slt, %jit3A_1752, %sign3A_1764 : i32
    %sign3A_1766 = arith.extui %sign3A_1765 : i1 to i32
    %sign3A_1767 = arith.subi %sign3A_1763, %sign3A_1766 : i32
    %ne3A_1768 = arith.cmpi ne, %sign3A_1760, %sign3A_1767 : i32
    %rem3A_1769 = arith.remsi %sub3A_1751, %jit3A_1752 : i32
    %ne3A_1770 = arith.constant 0 : i32
    %ne3A_1771 = arith.cmpi ne, %rem3A_1769, %ne3A_1770 : i32
    %and3A_1772 = arith.andi %ne3A_1768, %ne3A_1771 : i1
    %sub3A_1773 = arith.constant 1 : i32
    %sub3A_1774 = arith.subi %div3A_1753, %sub3A_1773 : i32
    %select_n3A_1775 = arith.select %and3A_1772, %sub3A_1774, %div3A_1753 : i32
    %mul3A_1776 = arith.constant 8 : i32
    %mul3A_1777 = arith.muli %select_n3A_1775, %mul3A_1776 : i32
    %sub3A_1778 = arith.subi %sub3A_1751, %mul3A_1777 : i32
    %mul3A_1779 = arith.constant 1024 : i32
    %mul3A_1780 = arith.muli %select_n3A_1748, %mul3A_1779 : i32
    %mul3A_1781 = arith.constant 128 : i32
    %mul3A_1782 = arith.muli %sub3A_1778, %mul3A_1781 : i32
    %add3A_1783 = arith.addi %mul3A_1780, %mul3A_1782 : i32
    "tpu.region"() ({
      %run_scoped3A_2092 = tpu.sem_alloc : memref<!tpu.dma_semaphore, #tpu.memory_space<semaphore_mem>>
      %dma_start3A_2093 = tpu.memref_slice %arg4[%add3A_1783] : memref<4096xi32, #tpu.memory_space<hbm>> -> memref<128xi32, #tpu.memory_space<hbm>>
      %dma_start3A_2094 = tpu.memref_slice %arg4[%add3A_1783] : memref<4096xi32, #tpu.memory_space<hbm>> -> memref<128xi32, #tpu.memory_space<hbm>>
      tpu.enqueue_dma source(%dma_start3A_2094 : memref<128xi32, #tpu.memory_space<hbm>>) target(%arg10 : memref<128xi32, #tpu.memory_space<vmem>>) target_semaphore(%run_scoped3A_2092 : memref<!tpu.dma_semaphore, #tpu.memory_space<semaphore_mem>>)
      %dma_wait3A_2095 = tpu.memref_slice %arg4[%add3A_1783] : memref<4096xi32, #tpu.memory_space<hbm>> -> memref<128xi32, #tpu.memory_space<hbm>>
      %dma_wait3A_2096 = tpu.memref_slice %arg4[%add3A_1783] : memref<4096xi32, #tpu.memory_space<hbm>> -> memref<128xi32, #tpu.memory_space<hbm>>
      tpu.wait_dma2 semaphore(%run_scoped3A_2092 : memref<!tpu.dma_semaphore, #tpu.memory_space<semaphore_mem>>) src(%dma_wait3A_2096 : memref<128xi32, #tpu.memory_space<hbm>>) dst(%arg10 : memref<128xi32, #tpu.memory_space<vmem>>)
      tpu.yield
    }) : () -> ()
    %mul3A_1784 = arith.constant 3 : i32
    %mul3A_1785 = arith.muli %select_n3A_1748, %mul3A_1784 : i32
    %add3A_1786 = arith.addi %mul3A_1785, %select_n3A_1775 : i32
    %mul3A_1787 = arith.constant 16384 : i32
    %mul3A_1788 = arith.muli %add3A_1786, %mul3A_1787 : i32
    %get3A_1789 = arith.constant 0 : index
    %get3A_1790 = tpu.vector_load %arg10[%get3A_1789] {strides = array<i32>} : memref<128xi32, #tpu.memory_space<vmem>>, vector<16xi32>,
    %get3A_1791 = vector.shape_cast %get3A_1790 : vector<16xi32> to vector<16xi32>
    %add3A_1792 = vector.broadcast %mul3A_1788 : i32 to vector<16xi32>
    %add3A_1793 = arith.addi %get3A_1791, %add3A_1792 : vector<16xi32>
    %swap3A_1794 = arith.constant 2 : i32
    %swap3A_1795 = arith.index_cast %swap3A_1794 : i32 to index
    %swap3A_1796 = arith.constant 0 : index
    %swap3A_1797 = tpu.vector_load %arg11[%swap3A_1795, %swap3A_1796] {strides = array<i32>} : memref<3x128xi32, #tpu.memory_space<vmem>>, vector<1x16xi32>,
    %swap3A_1798 = vector.shape_cast %swap3A_1797 : vector<1x16xi32> to vector<16xi32>
    %swap3A_1799 = vector.shape_cast %add3A_1793 : vector<16xi32> to vector<1x16xi32>
    tpu.vector_store %arg11[%swap3A_1795, %swap3A_1796], %swap3A_1799 {strides = array<i32>} : memref<3x128xi32, #tpu.memory_space<vmem>>, vector<1x16xi32>,
    %get3A_1800 = arith.constant 16 : index
    %get3A_1801 = tpu.vector_load %arg10[%get3A_1800] {strides = array<i32>} : memref<128xi32, #tpu.memory_space<vmem>>, vector<16xi32>,
    %get3A_1802 = vector.shape_cast %get3A_1801 : vector<16xi32> to vector<16xi32>
    %add3A_1803 = vector.broadcast %mul3A_1788 : i32 to vector<16xi32>
    %add3A_1804 = arith.addi %get3A_1802, %add3A_1803 : vector<16xi32>
    %swap3A_1805 = arith.constant 2 : i32
    %swap3A_1806 = arith.index_cast %swap3A_1805 : i32 to index
    %swap3A_1807 = arith.constant 16 : index
    %swap3A_1808 = tpu.vector_load %arg11[%swap3A_1806, %swap3A_1807] {strides = array<i32>} : memref<3x128xi32, #tpu.memory_space<vmem>>, vector<1x16xi32>,
    %swap3A_1809 = vector.shape_cast %swap3A_1808 : vector<1x16xi32> to vector<16xi32>
    %swap3A_1810 = vector.shape_cast %add3A_1804 : vector<16xi32> to vector<1x16xi32>
    tpu.vector_store %arg11[%swap3A_1806, %swap3A_1807], %swap3A_1810 {strides = array<i32>} : memref<3x128xi32, #tpu.memory_space<vmem>>, vector<1x16xi32>,
    %get3A_1811 = arith.constant 32 : index
    %get3A_1812 = tpu.vector_load %arg10[%get3A_1811] {strides = array<i32>} : memref<128xi32, #tpu.memory_space<vmem>>, vector<16xi32>,
    %get3A_1813 = vector.shape_cast %get3A_1812 : vector<16xi32> to vector<16xi32>
    %add3A_1814 = vector.broadcast %mul3A_1788 : i32 to vector<16xi32>
    %add3A_1815 = arith.addi %get3A_1813, %add3A_1814 : vector<16xi32>
    %swap3A_1816 = arith.constant 2 : i32
    %swap3A_1817 = arith.index_cast %swap3A_1816 : i32 to index
    %swap3A_1818 = arith.constant 32 : index
    %swap3A_1819 = tpu.vector_load %arg11[%swap3A_1817, %swap3A_1818] {strides = array<i32>} : memref<3x128xi32, #tpu.memory_space<vmem>>, vector<1x16xi32>,
    %swap3A_1820 = vector.shape_cast %swap3A_1819 : vector<1x16xi32> to vector<16xi32>
    %swap3A_1821 = vector.shape_cast %add3A_1815 : vector<16xi32> to vector<1x16xi32>
    tpu.vector_store %arg11[%swap3A_1817, %swap3A_1818], %swap3A_1821 {strides = array<i32>} : memref<3x128xi32, #tpu.memory_space<vmem>>, vector<1x16xi32>,
    %get3A_1822 = arith.constant 48 : index
    %get3A_1823 = tpu.vector_load %arg10[%get3A_1822] {strides = array<i32>} : memref<128xi32, #tpu.memory_space<vmem>>, vector<16xi32>,
    %get3A_1824 = vector.shape_cast %get3A_1823 : vector<16xi32> to vector<16xi32>
    %add3A_1825 = vector.broadcast %mul3A_1788 : i32 to vector<16xi32>
    %add3A_1826 = arith.addi %get3A_1824, %add3A_1825 : vector<16xi32>
    %swap3A_1827 = arith.constant 2 : i32
    %swap3A_1828 = arith.index_cast %swap3A_1827 : i32 to index
    %swap3A_1829 = arith.constant 48 : index
    %swap3A_1830 = tpu.vector_load %arg11[%swap3A_1828, %swap3A_1829] {strides = array<i32>} : memref<3x128xi32, #tpu.memory_space<vmem>>, vector<1x16xi32>,
    %swap3A_1831 = vector.shape_cast %swap3A_1830 : vector<1x16xi32> to vector<16xi32>
    %swap3A_1832 = vector.shape_cast %add3A_1826 : vector<16xi32> to vector<1x16xi32>
    tpu.vector_store %arg11[%swap3A_1828, %swap3A_1829], %swap3A_1832 {strides = array<i32>} : memref<3x128xi32, #tpu.memory_space<vmem>>, vector<1x16xi32>,
    %get3A_1833 = arith.constant 64 : index
    %get3A_1834 = tpu.vector_load %arg10[%get3A_1833] {strides = array<i32>} : memref<128xi32, #tpu.memory_space<vmem>>, vector<16xi32>,
    %get3A_1835 = vector.shape_cast %get3A_1834 : vector<16xi32> to vector<16xi32>
    %add3A_1836 = vector.broadcast %mul3A_1788 : i32 to vector<16xi32>
    %add3A_1837 = arith.addi %get3A_1835, %add3A_1836 : vector<16xi32>
    %swap3A_1838 = arith.constant 2 : i32
    %swap3A_1839 = arith.index_cast %swap3A_1838 : i32 to index
    %swap3A_1840 = arith.constant 64 : index
    %swap3A_1841 = tpu.vector_load %arg11[%swap3A_1839, %swap3A_1840] {strides = array<i32>} : memref<3x128xi32, #tpu.memory_space<vmem>>, vector<1x16xi32>,
    %swap3A_1842 = vector.shape_cast %swap3A_1841 : vector<1x16xi32> to vector<16xi32>
    %swap3A_1843 = vector.shape_cast %add3A_1837 : vector<16xi32> to vector<1x16xi32>
    tpu.vector_store %arg11[%swap3A_1839, %swap3A_1840], %swap3A_1843 {strides = array<i32>} : memref<3x128xi32, #tpu.memory_space<vmem>>, vector<1x16xi32>,
    %get3A_1844 = arith.constant 80 : index
    %get3A_1845 = tpu.vector_load %arg10[%get3A_1844] {strides = array<i32>} : memref<128xi32, #tpu.memory_space<vmem>>, vector<16xi32>,
    %get3A_1846 = vector.shape_cast %get3A_1845 : vector<16xi32> to vector<16xi32>
    %add3A_1847 = vector.broadcast %mul3A_1788 : i32 to vector<16xi32>
    %add3A_1848 = arith.addi %get3A_1846, %add3A_1847 : vector<16xi32>
    %swap3A_1849 = arith.constant 2 : i32
    %swap3A_1850 = arith.index_cast %swap3A_1849 : i32 to index
    %swap3A_1851 = arith.constant 80 : index
    %swap3A_1852 = tpu.vector_load %arg11[%swap3A_1850, %swap3A_1851] {strides = array<i32>} : memref<3x128xi32, #tpu.memory_space<vmem>>, vector<1x16xi32>,
    %swap3A_1853 = vector.shape_cast %swap3A_1852 : vector<1x16xi32> to vector<16xi32>
    %swap3A_1854 = vector.shape_cast %add3A_1848 : vector<16xi32> to vector<1x16xi32>
    tpu.vector_store %arg11[%swap3A_1850, %swap3A_1851], %swap3A_1854 {strides = array<i32>} : memref<3x128xi32, #tpu.memory_space<vmem>>, vector<1x16xi32>,
    %get3A_1855 = arith.constant 96 : index
    %get3A_1856 = tpu.vector_load %arg10[%get3A_1855] {strides = array<i32>} : memref<128xi32, #tpu.memory_space<vmem>>, vector<16xi32>,
    %get3A_1857 = vector.shape_cast %get3A_1856 : vector<16xi32> to vector<16xi32>
    %add3A_1858 = vector.broadcast %mul3A_1788 : i32 to vector<16xi32>
    %add3A_1859 = arith.addi %get3A_1857, %add3A_1858 : vector<16xi32>
    %swap3A_1860 = arith.constant 2 : i32
    %swap3A_1861 = arith.index_cast %swap3A_1860 : i32 to index
    %swap3A_1862 = arith.constant 96 : index
    %swap3A_1863 = tpu.vector_load %arg11[%swap3A_1861, %swap3A_1862] {strides = array<i32>} : memref<3x128xi32, #tpu.memory_space<vmem>>, vector<1x16xi32>,
    %swap3A_1864 = vector.shape_cast %swap3A_1863 : vector<1x16xi32> to vector<16xi32>
    %swap3A_1865 = vector.shape_cast %add3A_1859 : vector<16xi32> to vector<1x16xi32>
    tpu.vector_store %arg11[%swap3A_1861, %swap3A_1862], %swap3A_1865 {strides = array<i32>} : memref<3x128xi32, #tpu.memory_space<vmem>>, vector<1x16xi32>,
    %get3A_1866 = arith.constant 112 : index
    %get3A_1867 = tpu.vector_load %arg10[%get3A_1866] {strides = array<i32>} : memref<128xi32, #tpu.memory_space<vmem>>, vector<16xi32>,
    %get3A_1868 = vector.shape_cast %get3A_1867 : vector<16xi32> to vector<16xi32>
    %add3A_1869 = vector.broadcast %mul3A_1788 : i32 to vector<16xi32>
    %add3A_1870 = arith.addi %get3A_1868, %add3A_1869 : vector<16xi32>
    %swap3A_1871 = arith.constant 2 : i32
    %swap3A_1872 = arith.index_cast %swap3A_1871 : i32 to index
    %swap3A_1873 = arith.constant 112 : index
    %swap3A_1874 = tpu.vector_load %arg11[%swap3A_1872, %swap3A_1873] {strides = array<i32>} : memref<3x128xi32, #tpu.memory_space<vmem>>, vector<1x16xi32>,
    %swap3A_1875 = vector.shape_cast %swap3A_1874 : vector<1x16xi32> to vector<16xi32>
    %swap3A_1876 = vector.shape_cast %add3A_1870 : vector<16xi32> to vector<1x16xi32>
    tpu.vector_store %arg11[%swap3A_1872, %swap3A_1873], %swap3A_1876 {strides = array<i32>} : memref<3x128xi32, #tpu.memory_space<vmem>>, vector<1x16xi32>,
    %dma_start3A_1877 = arith.constant 0 : i32
    %dma_start3A_1878 = arith.constant 0 : i32
    %dma_start3A_1879 = arith.constant 0 : i32
    %dma_start3A_1880 = tpu.memref_slice %arg12[%dma_start3A_1878, %dma_start3A_1879] : memref<3x128xf32, #tpu.memory_space<vmem>> -> memref<1x128xf32, #tpu.memory_space<vmem>>
    %dma_start3A_1881 = tpu.memref_squeeze %dma_start3A_1880 : memref<1x128xf32, #tpu.memory_space<vmem>> -> memref<128xf32, #tpu.memory_space<vmem>>
    %dma_start3A_1882 = arith.constant 0 : i32
    %dma_start3A_1883 = tpu.memref_slice %arg11[%dma_start3A_1877, %dma_start3A_1882] : memref<3x128xi32, #tpu.memory_space<vmem>> -> memref<1x128xi32, #tpu.memory_space<vmem>>
    %dma_start3A_1884 = tpu.memref_squeeze %dma_start3A_1883 : memref<1x128xi32, #tpu.memory_space<vmem>> -> memref<128xi32, #tpu.memory_space<vmem>>
    %dma_start3A_1885 = arith.constant 0 : i32
    %dma_start3A_1886 = tpu.memref_slice %arg2[%dma_start3A_1885] : memref<196608xf32, #tpu.memory_space<hbm>> -> memref<196608xf32, #tpu.memory_space<hbm>>
    tpu.enqueue_indirect_dma source(%dma_start3A_1886 : memref<196608xf32, #tpu.memory_space<hbm>>) target(%dma_start3A_1881 : memref<128xf32, #tpu.memory_space<vmem>>) offsets(%dma_start3A_1884 : memref<128xi32, #tpu.memory_space<vmem>>) semaphore(%arg14 : memref<!tpu.dma_semaphore, #tpu.memory_space<semaphore_mem>>)
    %dma_start3A_1887 = arith.constant 1 : i32
    %dma_start3A_1888 = arith.constant 1 : i32
    %dma_start3A_1889 = arith.constant 0 : i32
    %dma_start3A_1890 = tpu.memref_slice %arg12[%dma_start3A_1888, %dma_start3A_1889] : memref<3x128xf32, #tpu.memory_space<vmem>> -> memref<1x128xf32, #tpu.memory_space<vmem>>
    %dma_start3A_1891 = tpu.memref_squeeze %dma_start3A_1890 : memref<1x128xf32, #tpu.memory_space<vmem>> -> memref<128xf32, #tpu.memory_space<vmem>>
    %dma_start3A_1892 = arith.constant 0 : i32
    %dma_start3A_1893 = tpu.memref_slice %arg11[%dma_start3A_1887, %dma_start3A_1892] : memref<3x128xi32, #tpu.memory_space<vmem>> -> memref<1x128xi32, #tpu.memory_space<vmem>>
    %dma_start3A_1894 = tpu.memref_squeeze %dma_start3A_1893 : memref<1x128xi32, #tpu.memory_space<vmem>> -> memref<128xi32, #tpu.memory_space<vmem>>
    %dma_start3A_1895 = arith.constant 0 : i32
    %dma_start3A_1896 = tpu.memref_slice %arg2[%dma_start3A_1895] : memref<196608xf32, #tpu.memory_space<hbm>> -> memref<196608xf32, #tpu.memory_space<hbm>>
    tpu.enqueue_indirect_dma source(%dma_start3A_1896 : memref<196608xf32, #tpu.memory_space<hbm>>) target(%dma_start3A_1891 : memref<128xf32, #tpu.memory_space<vmem>>) offsets(%dma_start3A_1894 : memref<128xi32, #tpu.memory_space<vmem>>) semaphore(%arg14 : memref<!tpu.dma_semaphore, #tpu.memory_space<semaphore_mem>>)
    %dma_start3A_1897 = arith.constant 2 : i32
    %dma_start3A_1898 = arith.constant 2 : i32
    %dma_start3A_1899 = arith.constant 0 : i32
    %dma_start3A_1900 = tpu.memref_slice %arg12[%dma_start3A_1898, %dma_start3A_1899] : memref<3x128xf32, #tpu.memory_space<vmem>> -> memref<1x128xf32, #tpu.memory_space<vmem>>
    %dma_start3A_1901 = tpu.memref_squeeze %dma_start3A_1900 : memref<1x128xf32, #tpu.memory_space<vmem>> -> memref<128xf32, #tpu.memory_space<vmem>>
    %dma_start3A_1902 = arith.constant 0 : i32
    %dma_start3A_1903 = tpu.memref_slice %arg11[%dma_start3A_1897, %dma_start3A_1902] : memref<3x128xi32, #tpu.memory_space<vmem>> -> memref<1x128xi32, #tpu.memory_space<vmem>>
    %dma_start3A_1904 = tpu.memref_squeeze %dma_start3A_1903 : memref<1x128xi32, #tpu.memory_space<vmem>> -> memref<128xi32, #tpu.memory_space<vmem>>
    %dma_start3A_1905 = arith.constant 0 : i32
    %dma_start3A_1906 = tpu.memref_slice %arg2[%dma_start3A_1905] : memref<196608xf32, #tpu.memory_space<hbm>> -> memref<196608xf32, #tpu.memory_space<hbm>>
    tpu.enqueue_indirect_dma source(%dma_start3A_1906 : memref<196608xf32, #tpu.memory_space<hbm>>) target(%dma_start3A_1901 : memref<128xf32, #tpu.memory_space<vmem>>) offsets(%dma_start3A_1904 : memref<128xi32, #tpu.memory_space<vmem>>) semaphore(%arg14 : memref<!tpu.dma_semaphore, #tpu.memory_space<semaphore_mem>>)
    %dma_wait3A = arith.constant 0 : i32
    %dma_wait3A_1907 = arith.constant 0 : i32
    %dma_wait3A_1908 = arith.constant 0 : i32
    %dma_wait3A_1909 = tpu.memref_slice %arg9[%dma_wait3A_1907, %dma_wait3A_1908] : memref<12x128xf32, #tpu.memory_space<vmem>> -> memref<1x128xf32, #tpu.memory_space<vmem>>
    %dma_wait3A_1910 = tpu.memref_squeeze %dma_wait3A_1909 : memref<1x128xf32, #tpu.memory_space<vmem>> -> memref<128xf32, #tpu.memory_space<vmem>>
    %dma_wait3A_1911 = arith.constant 0 : i32
    %dma_wait3A_1912 = tpu.memref_slice %arg8[%dma_wait3A, %dma_wait3A_1911] : memref<12x128xi32, #tpu.memory_space<vmem>> -> memref<1x128xi32, #tpu.memory_space<vmem>>
    %dma_wait3A_1913 = tpu.memref_squeeze %dma_wait3A_1912 : memref<1x128xi32, #tpu.memory_space<vmem>> -> memref<128xi32, #tpu.memory_space<vmem>>
    %dma_wait3A_1914 = arith.constant 0 : i32
    %dma_wait3A_1915 = tpu.memref_slice %arg2[%dma_wait3A_1914] : memref<196608xf32, #tpu.memory_space<hbm>> -> memref<196608xf32, #tpu.memory_space<hbm>>
    tpu.wait_indirect_dma semaphore(%arg14 : memref<!tpu.dma_semaphore, #tpu.memory_space<semaphore_mem>>) src(%dma_wait3A_1915 : memref<196608xf32, #tpu.memory_space<hbm>>) dst(%dma_wait3A_1910 : memref<128xf32, #tpu.memory_space<vmem>>)
    %dma_wait3A_1916 = arith.constant 1 : i32
    %dma_wait3A_1917 = arith.constant 1 : i32
    %dma_wait3A_1918 = arith.constant 0 : i32
    %dma_wait3A_1919 = tpu.memref_slice %arg9[%dma_wait3A_1917, %dma_wait3A_1918] : memref<12x128xf32, #tpu.memory_space<vmem>> -> memref<1x128xf32, #tpu.memory_space<vmem>>
    %dma_wait3A_1920 = tpu.memref_squeeze %dma_wait3A_1919 : memref<1x128xf32, #tpu.memory_space<vmem>> -> memref<128xf32, #tpu.memory_space<vmem>>
    %dma_wait3A_1921 = arith.constant 0 : i32
    %dma_wait3A_1922 = tpu.memref_slice %arg8[%dma_wait3A_1916, %dma_wait3A_1921] : memref<12x128xi32, #tpu.memory_space<vmem>> -> memref<1x128xi32, #tpu.memory_space<vmem>>
    %dma_wait3A_1923 = tpu.memref_squeeze %dma_wait3A_1922 : memref<1x128xi32, #tpu.memory_space<vmem>> -> memref<128xi32, #tpu.memory_space<vmem>>
    %dma_wait3A_1924 = arith.constant 0 : i32
    %dma_wait3A_1925 = tpu.memref_slice %arg2[%dma_wait3A_1924] : memref<196608xf32, #tpu.memory_space<hbm>> -> memref<196608xf32, #tpu.memory_space<hbm>>
    tpu.wait_indirect_dma semaphore(%arg14 : memref<!tpu.dma_semaphore, #tpu.memory_space<semaphore_mem>>) src(%dma_wait3A_1925 : memref<196608xf32, #tpu.memory_space<hbm>>) dst(%dma_wait3A_1920 : memref<128xf32, #tpu.memory_space<vmem>>)
    %dma_wait3A_1926 = arith.constant 2 : i32
    %dma_wait3A_1927 = arith.constant 2 : i32
    %dma_wait3A_1928 = arith.constant 0 : i32
    %dma_wait3A_1929 = tpu.memref_slice %arg9[%dma_wait3A_1927, %dma_wait3A_1928] : memref<12x128xf32, #tpu.memory_space<vmem>> -> memref<1x128xf32, #tpu.memory_space<vmem>>
    %dma_wait3A_1930 = tpu.memref_squeeze %dma_wait3A_1929 : memref<1x128xf32, #tpu.memory_space<vmem>> -> memref<128xf32, #tpu.memory_space<vmem>>
    %dma_wait3A_1931 = arith.constant 0 : i32
    %dma_wait3A_1932 = tpu.memref_slice %arg8[%dma_wait3A_1926, %dma_wait3A_1931] : memref<12x128xi32, #tpu.memory_space<vmem>> -> memref<1x128xi32, #tpu.memory_space<vmem>>
    %dma_wait3A_1933 = tpu.memref_squeeze %dma_wait3A_1932 : memref<1x128xi32, #tpu.memory_space<vmem>> -> memref<128xi32, #tpu.memory_space<vmem>>
    %dma_wait3A_1934 = arith.constant 0 : i32
    %dma_wait3A_1935 = tpu.memref_slice %arg2[%dma_wait3A_1934] : memref<196608xf32, #tpu.memory_space<hbm>> -> memref<196608xf32, #tpu.memory_space<hbm>>
    tpu.wait_indirect_dma semaphore(%arg14 : memref<!tpu.dma_semaphore, #tpu.memory_space<semaphore_mem>>) src(%dma_wait3A_1935 : memref<196608xf32, #tpu.memory_space<hbm>>) dst(%dma_wait3A_1930 : memref<128xf32, #tpu.memory_space<vmem>>)
    %dma_wait3A_1936 = arith.constant 3 : i32
    %dma_wait3A_1937 = arith.constant 3 : i32
    %dma_wait3A_1938 = arith.constant 0 : i32
    %dma_wait3A_1939 = tpu.memref_slice %arg9[%dma_wait3A_1937, %dma_wait3A_1938] : memref<12x128xf32, #tpu.memory_space<vmem>> -> memref<1x128xf32, #tpu.memory_space<vmem>>
    %dma_wait3A_1940 = tpu.memref_squeeze %dma_wait3A_1939 : memref<1x128xf32, #tpu.memory_space<vmem>> -> memref<128xf32, #tpu.memory_space<vmem>>
    %dma_wait3A_1941 = arith.constant 0 : i32
    %dma_wait3A_1942 = tpu.memref_slice %arg8[%dma_wait3A_1936, %dma_wait3A_1941] : memref<12x128xi32, #tpu.memory_space<vmem>> -> memref<1x128xi32, #tpu.memory_space<vmem>>
    %dma_wait3A_1943 = tpu.memref_squeeze %dma_wait3A_1942 : memref<1x128xi32, #tpu.memory_space<vmem>> -> memref<128xi32, #tpu.memory_space<vmem>>
    %dma_wait3A_1944 = arith.constant 0 : i32
    %dma_wait3A_1945 = tpu.memref_slice %arg2[%dma_wait3A_1944] : memref<196608xf32, #tpu.memory_space<hbm>> -> memref<196608xf32, #tpu.memory_space<hbm>>
    tpu.wait_indirect_dma semaphore(%arg14 : memref<!tpu.dma_semaphore, #tpu.memory_space<semaphore_mem>>) src(%dma_wait3A_1945 : memref<196608xf32, #tpu.memory_space<hbm>>) dst(%dma_wait3A_1940 : memref<128xf32, #tpu.memory_space<vmem>>)
    %dma_wait3A_1946 = arith.constant 4 : i32
    %dma_wait3A_1947 = arith.constant 4 : i32
    %dma_wait3A_1948 = arith.constant 0 : i32
    %dma_wait3A_1949 = tpu.memref_slice %arg9[%dma_wait3A_1947, %dma_wait3A_1948] : memref<12x128xf32, #tpu.memory_space<vmem>> -> memref<1x128xf32, #tpu.memory_space<vmem>>
    %dma_wait3A_1950 = tpu.memref_squeeze %dma_wait3A_1949 : memref<1x128xf32, #tpu.memory_space<vmem>> -> memref<128xf32, #tpu.memory_space<vmem>>
    %dma_wait3A_1951 = arith.constant 0 : i32
    %dma_wait3A_1952 = tpu.memref_slice %arg8[%dma_wait3A_1946, %dma_wait3A_1951] : memref<12x128xi32, #tpu.memory_space<vmem>> -> memref<1x128xi32, #tpu.memory_space<vmem>>
    %dma_wait3A_1953 = tpu.memref_squeeze %dma_wait3A_1952 : memref<1x128xi32, #tpu.memory_space<vmem>> -> memref<128xi32, #tpu.memory_space<vmem>>
    %dma_wait3A_1954 = arith.constant 0 : i32
    %dma_wait3A_1955 = tpu.memref_slice %arg2[%dma_wait3A_1954] : memref<196608xf32, #tpu.memory_space<hbm>> -> memref<196608xf32, #tpu.memory_space<hbm>>
    tpu.wait_indirect_dma semaphore(%arg14 : memref<!tpu.dma_semaphore, #tpu.memory_space<semaphore_mem>>) src(%dma_wait3A_1955 : memref<196608xf32, #tpu.memory_space<hbm>>) dst(%dma_wait3A_1950 : memref<128xf32, #tpu.memory_space<vmem>>)
    %dma_wait3A_1956 = arith.constant 5 : i32
    %dma_wait3A_1957 = arith.constant 5 : i32
    %dma_wait3A_1958 = arith.constant 0 : i32
    %dma_wait3A_1959 = tpu.memref_slice %arg9[%dma_wait3A_1957, %dma_wait3A_1958] : memref<12x128xf32, #tpu.memory_space<vmem>> -> memref<1x128xf32, #tpu.memory_space<vmem>>
    %dma_wait3A_1960 = tpu.memref_squeeze %dma_wait3A_1959 : memref<1x128xf32, #tpu.memory_space<vmem>> -> memref<128xf32, #tpu.memory_space<vmem>>
    %dma_wait3A_1961 = arith.constant 0 : i32
    %dma_wait3A_1962 = tpu.memref_slice %arg8[%dma_wait3A_1956, %dma_wait3A_1961] : memref<12x128xi32, #tpu.memory_space<vmem>> -> memref<1x128xi32, #tpu.memory_space<vmem>>
    %dma_wait3A_1963 = tpu.memref_squeeze %dma_wait3A_1962 : memref<1x128xi32, #tpu.memory_space<vmem>> -> memref<128xi32, #tpu.memory_space<vmem>>
    %dma_wait3A_1964 = arith.constant 0 : i32
    %dma_wait3A_1965 = tpu.memref_slice %arg2[%dma_wait3A_1964] : memref<196608xf32, #tpu.memory_space<hbm>> -> memref<196608xf32, #tpu.memory_space<hbm>>
    tpu.wait_indirect_dma semaphore(%arg14 : memref<!tpu.dma_semaphore, #tpu.memory_space<semaphore_mem>>) src(%dma_wait3A_1965 : memref<196608xf32, #tpu.memory_space<hbm>>) dst(%dma_wait3A_1960 : memref<128xf32, #tpu.memory_space<vmem>>)
    %dma_wait3A_1966 = arith.constant 6 : i32
    %dma_wait3A_1967 = arith.constant 6 : i32
    %dma_wait3A_1968 = arith.constant 0 : i32
    %dma_wait3A_1969 = tpu.memref_slice %arg9[%dma_wait3A_1967, %dma_wait3A_1968] : memref<12x128xf32, #tpu.memory_space<vmem>> -> memref<1x128xf32, #tpu.memory_space<vmem>>
    %dma_wait3A_1970 = tpu.memref_squeeze %dma_wait3A_1969 : memref<1x128xf32, #tpu.memory_space<vmem>> -> memref<128xf32, #tpu.memory_space<vmem>>
    %dma_wait3A_1971 = arith.constant 0 : i32
    %dma_wait3A_1972 = tpu.memref_slice %arg8[%dma_wait3A_1966, %dma_wait3A_1971] : memref<12x128xi32, #tpu.memory_space<vmem>> -> memref<1x128xi32, #tpu.memory_space<vmem>>
    %dma_wait3A_1973 = tpu.memref_squeeze %dma_wait3A_1972 : memref<1x128xi32, #tpu.memory_space<vmem>> -> memref<128xi32, #tpu.memory_space<vmem>>
    %dma_wait3A_1974 = arith.constant 0 : i32
    %dma_wait3A_1975 = tpu.memref_slice %arg2[%dma_wait3A_1974] : memref<196608xf32, #tpu.memory_space<hbm>> -> memref<196608xf32, #tpu.memory_space<hbm>>
    tpu.wait_indirect_dma semaphore(%arg14 : memref<!tpu.dma_semaphore, #tpu.memory_space<semaphore_mem>>) src(%dma_wait3A_1975 : memref<196608xf32, #tpu.memory_space<hbm>>) dst(%dma_wait3A_1970 : memref<128xf32, #tpu.memory_space<vmem>>)
    %dma_wait3A_1976 = arith.constant 7 : i32
    %dma_wait3A_1977 = arith.constant 7 : i32
    %dma_wait3A_1978 = arith.constant 0 : i32
    %dma_wait3A_1979 = tpu.memref_slice %arg9[%dma_wait3A_1977, %dma_wait3A_1978] : memref<12x128xf32, #tpu.memory_space<vmem>> -> memref<1x128xf32, #tpu.memory_space<vmem>>
    %dma_wait3A_1980 = tpu.memref_squeeze %dma_wait3A_1979 : memref<1x128xf32, #tpu.memory_space<vmem>> -> memref<128xf32, #tpu.memory_space<vmem>>
    %dma_wait3A_1981 = arith.constant 0 : i32
    %dma_wait3A_1982 = tpu.memref_slice %arg8[%dma_wait3A_1976, %dma_wait3A_1981] : memref<12x128xi32, #tpu.memory_space<vmem>> -> memref<1x128xi32, #tpu.memory_space<vmem>>
    %dma_wait3A_1983 = tpu.memref_squeeze %dma_wait3A_1982 : memref<1x128xi32, #tpu.memory_space<vmem>> -> memref<128xi32, #tpu.memory_space<vmem>>
    %dma_wait3A_1984 = arith.constant 0 : i32
    %dma_wait3A_1985 = tpu.memref_slice %arg2[%dma_wait3A_1984] : memref<196608xf32, #tpu.memory_space<hbm>> -> memref<196608xf32, #tpu.memory_space<hbm>>
    tpu.wait_indirect_dma semaphore(%arg14 : memref<!tpu.dma_semaphore, #tpu.memory_space<semaphore_mem>>) src(%dma_wait3A_1985 : memref<196608xf32, #tpu.memory_space<hbm>>) dst(%dma_wait3A_1980 : memref<128xf32, #tpu.memory_space<vmem>>)
    %dma_wait3A_1986 = arith.constant 8 : i32
    %dma_wait3A_1987 = arith.constant 8 : i32
    %dma_wait3A_1988 = arith.constant 0 : i32
    %dma_wait3A_1989 = tpu.memref_slice %arg9[%dma_wait3A_1987, %dma_wait3A_1988] : memref<12x128xf32, #tpu.memory_space<vmem>> -> memref<1x128xf32, #tpu.memory_space<vmem>>
    %dma_wait3A_1990 = tpu.memref_squeeze %dma_wait3A_1989 : memref<1x128xf32, #tpu.memory_space<vmem>> -> memref<128xf32, #tpu.memory_space<vmem>>
    %dma_wait3A_1991 = arith.constant 0 : i32
    %dma_wait3A_1992 = tpu.memref_slice %arg8[%dma_wait3A_1986, %dma_wait3A_1991] : memref<12x128xi32, #tpu.memory_space<vmem>> -> memref<1x128xi32, #tpu.memory_space<vmem>>
    %dma_wait3A_1993 = tpu.memref_squeeze %dma_wait3A_1992 : memref<1x128xi32, #tpu.memory_space<vmem>> -> memref<128xi32, #tpu.memory_space<vmem>>
    %dma_wait3A_1994 = arith.constant 0 : i32
    %dma_wait3A_1995 = tpu.memref_slice %arg2[%dma_wait3A_1994] : memref<196608xf32, #tpu.memory_space<hbm>> -> memref<196608xf32, #tpu.memory_space<hbm>>
    tpu.wait_indirect_dma semaphore(%arg14 : memref<!tpu.dma_semaphore, #tpu.memory_space<semaphore_mem>>) src(%dma_wait3A_1995 : memref<196608xf32, #tpu.memory_space<hbm>>) dst(%dma_wait3A_1990 : memref<128xf32, #tpu.memory_space<vmem>>)
    %dma_wait3A_1996 = arith.constant 9 : i32
    %dma_wait3A_1997 = arith.constant 9 : i32
    %dma_wait3A_1998 = arith.constant 0 : i32
    %dma_wait3A_1999 = tpu.memref_slice %arg9[%dma_wait3A_1997, %dma_wait3A_1998] : memref<12x128xf32, #tpu.memory_space<vmem>> -> memref<1x128xf32, #tpu.memory_space<vmem>>
    %dma_wait3A_2000 = tpu.memref_squeeze %dma_wait3A_1999 : memref<1x128xf32, #tpu.memory_space<vmem>> -> memref<128xf32, #tpu.memory_space<vmem>>
    %dma_wait3A_2001 = arith.constant 0 : i32
    %dma_wait3A_2002 = tpu.memref_slice %arg8[%dma_wait3A_1996, %dma_wait3A_2001] : memref<12x128xi32, #tpu.memory_space<vmem>> -> memref<1x128xi32, #tpu.memory_space<vmem>>
    %dma_wait3A_2003 = tpu.memref_squeeze %dma_wait3A_2002 : memref<1x128xi32, #tpu.memory_space<vmem>> -> memref<128xi32, #tpu.memory_space<vmem>>
    %dma_wait3A_2004 = arith.constant 0 : i32
    %dma_wait3A_2005 = tpu.memref_slice %arg2[%dma_wait3A_2004] : memref<196608xf32, #tpu.memory_space<hbm>> -> memref<196608xf32, #tpu.memory_space<hbm>>
    tpu.wait_indirect_dma semaphore(%arg14 : memref<!tpu.dma_semaphore, #tpu.memory_space<semaphore_mem>>) src(%dma_wait3A_2005 : memref<196608xf32, #tpu.memory_space<hbm>>) dst(%dma_wait3A_2000 : memref<128xf32, #tpu.memory_space<vmem>>)
    %dma_wait3A_2006 = arith.constant 10 : i32
    %dma_wait3A_2007 = arith.constant 10 : i32
    %dma_wait3A_2008 = arith.constant 0 : i32
    %dma_wait3A_2009 = tpu.memref_slice %arg9[%dma_wait3A_2007, %dma_wait3A_2008] : memref<12x128xf32, #tpu.memory_space<vmem>> -> memref<1x128xf32, #tpu.memory_space<vmem>>
    %dma_wait3A_2010 = tpu.memref_squeeze %dma_wait3A_2009 : memref<1x128xf32, #tpu.memory_space<vmem>> -> memref<128xf32, #tpu.memory_space<vmem>>
    %dma_wait3A_2011 = arith.constant 0 : i32
    %dma_wait3A_2012 = tpu.memref_slice %arg8[%dma_wait3A_2006, %dma_wait3A_2011] : memref<12x128xi32, #tpu.memory_space<vmem>> -> memref<1x128xi32, #tpu.memory_space<vmem>>
    %dma_wait3A_2013 = tpu.memref_squeeze %dma_wait3A_2012 : memref<1x128xi32, #tpu.memory_space<vmem>> -> memref<128xi32, #tpu.memory_space<vmem>>
    %dma_wait3A_2014 = arith.constant 0 : i32
    %dma_wait3A_2015 = tpu.memref_slice %arg2[%dma_wait3A_2014] : memref<196608xf32, #tpu.memory_space<hbm>> -> memref<196608xf32, #tpu.memory_space<hbm>>
    tpu.wait_indirect_dma semaphore(%arg14 : memref<!tpu.dma_semaphore, #tpu.memory_space<semaphore_mem>>) src(%dma_wait3A_2015 : memref<196608xf32, #tpu.memory_space<hbm>>) dst(%dma_wait3A_2010 : memref<128xf32, #tpu.memory_space<vmem>>)
    %dma_wait3A_2016 = arith.constant 11 : i32
    %dma_wait3A_2017 = arith.constant 11 : i32
    %dma_wait3A_2018 = arith.constant 0 : i32
    %dma_wait3A_2019 = tpu.memref_slice %arg9[%dma_wait3A_2017, %dma_wait3A_2018] : memref<12x128xf32, #tpu.memory_space<vmem>> -> memref<1x128xf32, #tpu.memory_space<vmem>>
    %dma_wait3A_2020 = tpu.memref_squeeze %dma_wait3A_2019 : memref<1x128xf32, #tpu.memory_space<vmem>> -> memref<128xf32, #tpu.memory_space<vmem>>
    %dma_wait3A_2021 = arith.constant 0 : i32
    %dma_wait3A_2022 = tpu.memref_slice %arg8[%dma_wait3A_2016, %dma_wait3A_2021] : memref<12x128xi32, #tpu.memory_space<vmem>> -> memref<1x128xi32, #tpu.memory_space<vmem>>
    %dma_wait3A_2023 = tpu.memref_squeeze %dma_wait3A_2022 : memref<1x128xi32, #tpu.memory_space<vmem>> -> memref<128xi32, #tpu.memory_space<vmem>>
    %dma_wait3A_2024 = arith.constant 0 : i32
    %dma_wait3A_2025 = tpu.memref_slice %arg2[%dma_wait3A_2024] : memref<196608xf32, #tpu.memory_space<hbm>> -> memref<196608xf32, #tpu.memory_space<hbm>>
    tpu.wait_indirect_dma semaphore(%arg14 : memref<!tpu.dma_semaphore, #tpu.memory_space<semaphore_mem>>) src(%dma_wait3A_2025 : memref<196608xf32, #tpu.memory_space<hbm>>) dst(%dma_wait3A_2020 : memref<128xf32, #tpu.memory_space<vmem>>)
    %dma_wait3A_2026 = arith.constant 0 : i32
    %dma_wait3A_2027 = arith.constant 0 : i32
    %dma_wait3A_2028 = arith.constant 0 : i32
    %dma_wait3A_2029 = tpu.memref_slice %arg12[%dma_wait3A_2027, %dma_wait3A_2028] : memref<3x128xf32, #tpu.memory_space<vmem>> -> memref<1x128xf32, #tpu.memory_space<vmem>>
    %dma_wait3A_2030 = tpu.memref_squeeze %dma_wait3A_2029 : memref<1x128xf32, #tpu.memory_space<vmem>> -> memref<128xf32, #tpu.memory_space<vmem>>
    %dma_wait3A_2031 = arith.constant 0 : i32
    %dma_wait3A_2032 = tpu.memref_slice %arg11[%dma_wait3A_2026, %dma_wait3A_2031] : memref<3x128xi32, #tpu.memory_space<vmem>> -> memref<1x128xi32, #tpu.memory_space<vmem>>
    %dma_wait3A_2033 = tpu.memref_squeeze %dma_wait3A_2032 : memref<1x128xi32, #tpu.memory_space<vmem>> -> memref<128xi32, #tpu.memory_space<vmem>>
    %dma_wait3A_2034 = arith.constant 0 : i32
    %dma_wait3A_2035 = tpu.memref_slice %arg2[%dma_wait3A_2034] : memref<196608xf32, #tpu.memory_space<hbm>> -> memref<196608xf32, #tpu.memory_space<hbm>>
    tpu.wait_indirect_dma semaphore(%arg14 : memref<!tpu.dma_semaphore, #tpu.memory_space<semaphore_mem>>) src(%dma_wait3A_2035 : memref<196608xf32, #tpu.memory_space<hbm>>) dst(%dma_wait3A_2030 : memref<128xf32, #tpu.memory_space<vmem>>)
    %dma_wait3A_2036 = arith.constant 1 : i32
    %dma_wait3A_2037 = arith.constant 1 : i32
    %dma_wait3A_2038 = arith.constant 0 : i32
    %dma_wait3A_2039 = tpu.memref_slice %arg12[%dma_wait3A_2037, %dma_wait3A_2038] : memref<3x128xf32, #tpu.memory_space<vmem>> -> memref<1x128xf32, #tpu.memory_space<vmem>>
    %dma_wait3A_2040 = tpu.memref_squeeze %dma_wait3A_2039 : memref<1x128xf32, #tpu.memory_space<vmem>> -> memref<128xf32, #tpu.memory_space<vmem>>
    %dma_wait3A_2041 = arith.constant 0 : i32
    %dma_wait3A_2042 = tpu.memref_slice %arg11[%dma_wait3A_2036, %dma_wait3A_2041] : memref<3x128xi32, #tpu.memory_space<vmem>> -> memref<1x128xi32, #tpu.memory_space<vmem>>
    %dma_wait3A_2043 = tpu.memref_squeeze %dma_wait3A_2042 : memref<1x128xi32, #tpu.memory_space<vmem>> -> memref<128xi32, #tpu.memory_space<vmem>>
    %dma_wait3A_2044 = arith.constant 0 : i32
    %dma_wait3A_2045 = tpu.memref_slice %arg2[%dma_wait3A_2044] : memref<196608xf32, #tpu.memory_space<hbm>> -> memref<196608xf32, #tpu.memory_space<hbm>>
    tpu.wait_indirect_dma semaphore(%arg14 : memref<!tpu.dma_semaphore, #tpu.memory_space<semaphore_mem>>) src(%dma_wait3A_2045 : memref<196608xf32, #tpu.memory_space<hbm>>) dst(%dma_wait3A_2040 : memref<128xf32, #tpu.memory_space<vmem>>)
    %dma_wait3A_2046 = arith.constant 2 : i32
    %dma_wait3A_2047 = arith.constant 2 : i32
    %dma_wait3A_2048 = arith.constant 0 : i32
    %dma_wait3A_2049 = tpu.memref_slice %arg12[%dma_wait3A_2047, %dma_wait3A_2048] : memref<3x128xf32, #tpu.memory_space<vmem>> -> memref<1x128xf32, #tpu.memory_space<vmem>>
    %dma_wait3A_2050 = tpu.memref_squeeze %dma_wait3A_2049 : memref<1x128xf32, #tpu.memory_space<vmem>> -> memref<128xf32, #tpu.memory_space<vmem>>
    %dma_wait3A_2051 = arith.constant 0 : i32
    %dma_wait3A_2052 = tpu.memref_slice %arg11[%dma_wait3A_2046, %dma_wait3A_2051] : memref<3x128xi32, #tpu.memory_space<vmem>> -> memref<1x128xi32, #tpu.memory_space<vmem>>
    %dma_wait3A_2053 = tpu.memref_squeeze %dma_wait3A_2052 : memref<1x128xi32, #tpu.memory_space<vmem>> -> memref<128xi32, #tpu.memory_space<vmem>>
    %dma_wait3A_2054 = arith.constant 0 : i32
    %dma_wait3A_2055 = tpu.memref_slice %arg2[%dma_wait3A_2054] : memref<196608xf32, #tpu.memory_space<hbm>> -> memref<196608xf32, #tpu.memory_space<hbm>>
    tpu.wait_indirect_dma semaphore(%arg14 : memref<!tpu.dma_semaphore, #tpu.memory_space<semaphore_mem>>) src(%dma_wait3A_2055 : memref<196608xf32, #tpu.memory_space<hbm>>) dst(%dma_wait3A_2050 : memref<128xf32, #tpu.memory_space<vmem>>)
    %mul3A_2056 = arith.constant 4 : i32
    %mul3A_2057 = arith.muli %sub3A_19, %mul3A_2056 : i32
    %run_scoped3A = arith.constant 0 : i32
    "tpu.region"() ({
      %run_scoped3A_2092 = tpu.sem_alloc : memref<!tpu.dma_semaphore, #tpu.memory_space<semaphore_mem>>
      %dma_start3A_2093 = arith.constant 0 : i32
      %dma_start3A_2094 = arith.constant 0 : i32
      %dma_start3A_2095 = tpu.memref_slice %arg9[%dma_start3A_2093, %dma_start3A_2094] : memref<12x128xf32, #tpu.memory_space<vmem>> -> memref<4x128xf32, #tpu.memory_space<vmem>>
      %dma_start3A_2096 = arith.constant 0 : i32
      %dma_start3A_2097 = tpu.memref_slice %arg5[%select_n3A, %run_scoped3A, %mul3A_2057, %dma_start3A_2096] : memref<4x8x32x128xf32, #tpu.memory_space<hbm>> -> memref<1x1x4x128xf32, #tpu.memory_space<hbm>>
      %dma_start3A_2098 = tpu.memref_squeeze %dma_start3A_2097 : memref<1x1x4x128xf32, #tpu.memory_space<hbm>> -> memref<4x128xf32, #tpu.memory_space<hbm>>
      %dma_start3A_2099 = arith.constant 0 : i32
      %dma_start3A_2100 = tpu.memref_slice %arg5[%select_n3A, %run_scoped3A, %mul3A_2057, %dma_start3A_2099] : memref<4x8x32x128xf32, #tpu.memory_space<hbm>> -> memref<1x1x4x128xf32, #tpu.memory_space<hbm>>
      %dma_start3A_2101 = tpu.memref_squeeze %dma_start3A_2100 : memref<1x1x4x128xf32, #tpu.memory_space<hbm>> -> memref<4x128xf32, #tpu.memory_space<hbm>>
      %dma_start3A_2102 = arith.constant 0 : i32
      %dma_start3A_2103 = arith.constant 0 : i32
      %dma_start3A_2104 = tpu.memref_slice %arg9[%dma_start3A_2102, %dma_start3A_2103] : memref<12x128xf32, #tpu.memory_space<vmem>> -> memref<4x128xf32, #tpu.memory_space<vmem>>
      tpu.enqueue_dma source(%dma_start3A_2104 : memref<4x128xf32, #tpu.memory_space<vmem>>) target(%dma_start3A_2101 : memref<4x128xf32, #tpu.memory_space<hbm>>) target_semaphore(%run_scoped3A_2092 : memref<!tpu.dma_semaphore, #tpu.memory_space<semaphore_mem>>)
      %dma_wait3A_2105 = arith.constant 0 : i32
      %dma_wait3A_2106 = arith.constant 0 : i32
      %dma_wait3A_2107 = tpu.memref_slice %arg9[%dma_wait3A_2105, %dma_wait3A_2106] : memref<12x128xf32, #tpu.memory_space<vmem>> -> memref<4x128xf32, #tpu.memory_space<vmem>>
      %dma_wait3A_2108 = arith.constant 0 : i32
      %dma_wait3A_2109 = tpu.memref_slice %arg5[%select_n3A, %run_scoped3A, %mul3A_2057, %dma_wait3A_2108] : memref<4x8x32x128xf32, #tpu.memory_space<hbm>> -> memref<1x1x4x128xf32, #tpu.memory_space<hbm>>
      %dma_wait3A_2110 = tpu.memref_squeeze %dma_wait3A_2109 : memref<1x1x4x128xf32, #tpu.memory_space<hbm>> -> memref<4x128xf32, #tpu.memory_space<hbm>>
      %dma_wait3A_2111 = arith.constant 0 : i32
      %dma_wait3A_2112 = tpu.memref_slice %arg5[%select_n3A, %run_scoped3A, %mul3A_2057, %dma_wait3A_2111] : memref<4x8x32x128xf32, #tpu.memory_space<hbm>> -> memref<1x1x4x128xf32, #tpu.memory_space<hbm>>
      %dma_wait3A_2113 = tpu.memref_squeeze %dma_wait3A_2112 : memref<1x1x4x128xf32, #tpu.memory_space<hbm>> -> memref<4x128xf32, #tpu.memory_space<hbm>>
      %dma_wait3A_2114 = arith.constant 0 : i32
      %dma_wait3A_2115 = arith.constant 0 : i32
      %dma_wait3A_2116 = tpu.memref_slice %arg9[%dma_wait3A_2114, %dma_wait3A_2115] : memref<12x128xf32, #tpu.memory_space<vmem>> -> memref<4x128xf32, #tpu.memory_space<vmem>>
      tpu.wait_dma2 semaphore(%run_scoped3A_2092 : memref<!tpu.dma_semaphore, #tpu.memory_space<semaphore_mem>>) src(%dma_wait3A_2116 : memref<4x128xf32, #tpu.memory_space<vmem>>) dst(%dma_wait3A_2113 : memref<4x128xf32, #tpu.memory_space<hbm>>)
      tpu.yield
    }) : () -> ()
    %mul3A_2058 = arith.constant 4 : i32
    %mul3A_2059 = arith.muli %sub3A_19, %mul3A_2058 : i32
    %run_scoped3A_2060 = arith.constant 1 : i32
    "tpu.region"() ({
      %run_scoped3A_2092 = tpu.sem_alloc : memref<!tpu.dma_semaphore, #tpu.memory_space<semaphore_mem>>
      %dma_start3A_2093 = arith.constant 4 : i32
      %dma_start3A_2094 = arith.constant 0 : i32
      %dma_start3A_2095 = tpu.memref_slice %arg9[%dma_start3A_2093, %dma_start3A_2094] : memref<12x128xf32, #tpu.memory_space<vmem>> -> memref<4x128xf32, #tpu.memory_space<vmem>>
      %dma_start3A_2096 = arith.constant 0 : i32
      %dma_start3A_2097 = tpu.memref_slice %arg5[%select_n3A, %run_scoped3A_2060, %mul3A_2059, %dma_start3A_2096] : memref<4x8x32x128xf32, #tpu.memory_space<hbm>> -> memref<1x1x4x128xf32, #tpu.memory_space<hbm>>
      %dma_start3A_2098 = tpu.memref_squeeze %dma_start3A_2097 : memref<1x1x4x128xf32, #tpu.memory_space<hbm>> -> memref<4x128xf32, #tpu.memory_space<hbm>>
      %dma_start3A_2099 = arith.constant 0 : i32
      %dma_start3A_2100 = tpu.memref_slice %arg5[%select_n3A, %run_scoped3A_2060, %mul3A_2059, %dma_start3A_2099] : memref<4x8x32x128xf32, #tpu.memory_space<hbm>> -> memref<1x1x4x128xf32, #tpu.memory_space<hbm>>
      %dma_start3A_2101 = tpu.memref_squeeze %dma_start3A_2100 : memref<1x1x4x128xf32, #tpu.memory_space<hbm>> -> memref<4x128xf32, #tpu.memory_space<hbm>>
      %dma_start3A_2102 = arith.constant 4 : i32
      %dma_start3A_2103 = arith.constant 0 : i32
      %dma_start3A_2104 = tpu.memref_slice %arg9[%dma_start3A_2102, %dma_start3A_2103] : memref<12x128xf32, #tpu.memory_space<vmem>> -> memref<4x128xf32, #tpu.memory_space<vmem>>
      tpu.enqueue_dma source(%dma_start3A_2104 : memref<4x128xf32, #tpu.memory_space<vmem>>) target(%dma_start3A_2101 : memref<4x128xf32, #tpu.memory_space<hbm>>) target_semaphore(%run_scoped3A_2092 : memref<!tpu.dma_semaphore, #tpu.memory_space<semaphore_mem>>)
      %dma_wait3A_2105 = arith.constant 4 : i32
      %dma_wait3A_2106 = arith.constant 0 : i32
      %dma_wait3A_2107 = tpu.memref_slice %arg9[%dma_wait3A_2105, %dma_wait3A_2106] : memref<12x128xf32, #tpu.memory_space<vmem>> -> memref<4x128xf32, #tpu.memory_space<vmem>>
      %dma_wait3A_2108 = arith.constant 0 : i32
      %dma_wait3A_2109 = tpu.memref_slice %arg5[%select_n3A, %run_scoped3A_2060, %mul3A_2059, %dma_wait3A_2108] : memref<4x8x32x128xf32, #tpu.memory_space<hbm>> -> memref<1x1x4x128xf32, #tpu.memory_space<hbm>>
      %dma_wait3A_2110 = tpu.memref_squeeze %dma_wait3A_2109 : memref<1x1x4x128xf32, #tpu.memory_space<hbm>> -> memref<4x128xf32, #tpu.memory_space<hbm>>
      %dma_wait3A_2111 = arith.constant 0 : i32
      %dma_wait3A_2112 = tpu.memref_slice %arg5[%select_n3A, %run_scoped3A_2060, %mul3A_2059, %dma_wait3A_2111] : memref<4x8x32x128xf32, #tpu.memory_space<hbm>> -> memref<1x1x4x128xf32, #tpu.memory_space<hbm>>
      %dma_wait3A_2113 = tpu.memref_squeeze %dma_wait3A_2112 : memref<1x1x4x128xf32, #tpu.memory_space<hbm>> -> memref<4x128xf32, #tpu.memory_space<hbm>>
      %dma_wait3A_2114 = arith.constant 4 : i32
      %dma_wait3A_2115 = arith.constant 0 : i32
      %dma_wait3A_2116 = tpu.memref_slice %arg9[%dma_wait3A_2114, %dma_wait3A_2115] : memref<12x128xf32, #tpu.memory_space<vmem>> -> memref<4x128xf32, #tpu.memory_space<vmem>>
      tpu.wait_dma2 semaphore(%run_scoped3A_2092 : memref<!tpu.dma_semaphore, #tpu.memory_space<semaphore_mem>>) src(%dma_wait3A_2116 : memref<4x128xf32, #tpu.memory_space<vmem>>) dst(%dma_wait3A_2113 : memref<4x128xf32, #tpu.memory_space<hbm>>)
      tpu.yield
    }) : () -> ()
    %mul3A_2061 = arith.constant 4 : i32
    %mul3A_2062 = arith.muli %sub3A_19, %mul3A_2061 : i32
    %run_scoped3A_2063 = arith.constant 2 : i32
    "tpu.region"() ({
      %run_scoped3A_2092 = tpu.sem_alloc : memref<!tpu.dma_semaphore, #tpu.memory_space<semaphore_mem>>
      %dma_start3A_2093 = arith.constant 8 : i32
      %dma_start3A_2094 = arith.constant 0 : i32
      %dma_start3A_2095 = tpu.memref_slice %arg9[%dma_start3A_2093, %dma_start3A_2094] : memref<12x128xf32, #tpu.memory_space<vmem>> -> memref<4x128xf32, #tpu.memory_space<vmem>>
      %dma_start3A_2096 = arith.constant 0 : i32
      %dma_start3A_2097 = tpu.memref_slice %arg5[%select_n3A, %run_scoped3A_2063, %mul3A_2062, %dma_start3A_2096] : memref<4x8x32x128xf32, #tpu.memory_space<hbm>> -> memref<1x1x4x128xf32, #tpu.memory_space<hbm>>
      %dma_start3A_2098 = tpu.memref_squeeze %dma_start3A_2097 : memref<1x1x4x128xf32, #tpu.memory_space<hbm>> -> memref<4x128xf32, #tpu.memory_space<hbm>>
      %dma_start3A_2099 = arith.constant 0 : i32
      %dma_start3A_2100 = tpu.memref_slice %arg5[%select_n3A, %run_scoped3A_2063, %mul3A_2062, %dma_start3A_2099] : memref<4x8x32x128xf32, #tpu.memory_space<hbm>> -> memref<1x1x4x128xf32, #tpu.memory_space<hbm>>
      %dma_start3A_2101 = tpu.memref_squeeze %dma_start3A_2100 : memref<1x1x4x128xf32, #tpu.memory_space<hbm>> -> memref<4x128xf32, #tpu.memory_space<hbm>>
      %dma_start3A_2102 = arith.constant 8 : i32
      %dma_start3A_2103 = arith.constant 0 : i32
      %dma_start3A_2104 = tpu.memref_slice %arg9[%dma_start3A_2102, %dma_start3A_2103] : memref<12x128xf32, #tpu.memory_space<vmem>> -> memref<4x128xf32, #tpu.memory_space<vmem>>
      tpu.enqueue_dma source(%dma_start3A_2104 : memref<4x128xf32, #tpu.memory_space<vmem>>) target(%dma_start3A_2101 : memref<4x128xf32, #tpu.memory_space<hbm>>) target_semaphore(%run_scoped3A_2092 : memref<!tpu.dma_semaphore, #tpu.memory_space<semaphore_mem>>)
      %dma_wait3A_2105 = arith.constant 8 : i32
      %dma_wait3A_2106 = arith.constant 0 : i32
      %dma_wait3A_2107 = tpu.memref_slice %arg9[%dma_wait3A_2105, %dma_wait3A_2106] : memref<12x128xf32, #tpu.memory_space<vmem>> -> memref<4x128xf32, #tpu.memory_space<vmem>>
      %dma_wait3A_2108 = arith.constant 0 : i32
      %dma_wait3A_2109 = tpu.memref_slice %arg5[%select_n3A, %run_scoped3A_2063, %mul3A_2062, %dma_wait3A_2108] : memref<4x8x32x128xf32, #tpu.memory_space<hbm>> -> memref<1x1x4x128xf32, #tpu.memory_space<hbm>>
      %dma_wait3A_2110 = tpu.memref_squeeze %dma_wait3A_2109 : memref<1x1x4x128xf32, #tpu.memory_space<hbm>> -> memref<4x128xf32, #tpu.memory_space<hbm>>
      %dma_wait3A_2111 = arith.constant 0 : i32
      %dma_wait3A_2112 = tpu.memref_slice %arg5[%select_n3A, %run_scoped3A_2063, %mul3A_2062, %dma_wait3A_2111] : memref<4x8x32x128xf32, #tpu.memory_space<hbm>> -> memref<1x1x4x128xf32, #tpu.memory_space<hbm>>
      %dma_wait3A_2113 = tpu.memref_squeeze %dma_wait3A_2112 : memref<1x1x4x128xf32, #tpu.memory_space<hbm>> -> memref<4x128xf32, #tpu.memory_space<hbm>>
      %dma_wait3A_2114 = arith.constant 8 : i32
      %dma_wait3A_2115 = arith.constant 0 : i32
      %dma_wait3A_2116 = tpu.memref_slice %arg9[%dma_wait3A_2114, %dma_wait3A_2115] : memref<12x128xf32, #tpu.memory_space<vmem>> -> memref<4x128xf32, #tpu.memory_space<vmem>>
      tpu.wait_dma2 semaphore(%run_scoped3A_2092 : memref<!tpu.dma_semaphore, #tpu.memory_space<semaphore_mem>>) src(%dma_wait3A_2116 : memref<4x128xf32, #tpu.memory_space<vmem>>) dst(%dma_wait3A_2113 : memref<4x128xf32, #tpu.memory_space<hbm>>)
      tpu.yield
    }) : () -> ()
    %run_scoped3A_2064 = arith.constant 0 : i32
    "tpu.region"() ({
      %run_scoped3A_2092 = tpu.sem_alloc : memref<!tpu.dma_semaphore, #tpu.memory_space<semaphore_mem>>
      %dma_start3A_2093 = arith.constant 0 : i32
      %dma_start3A_2094 = tpu.memref_slice %arg12[%run_scoped3A_2064, %dma_start3A_2093] : memref<3x128xf32, #tpu.memory_space<vmem>> -> memref<1x128xf32, #tpu.memory_space<vmem>>
      %dma_start3A_2095 = tpu.memref_squeeze %dma_start3A_2094 : memref<1x128xf32, #tpu.memory_space<vmem>> -> memref<128xf32, #tpu.memory_space<vmem>>
      %dma_start3A_2096 = arith.constant 0 : i32
      %dma_start3A_2097 = tpu.memref_slice %arg6[%select_n3A_1436, %select_n3A_1463, %sub3A_1466, %dma_start3A_2096] : memref<4x8x8x128xf32, #tpu.memory_space<hbm>> -> memref<1x1x1x128xf32, #tpu.memory_space<hbm>>
      %dma_start3A_2098 = tpu.memref_squeeze %dma_start3A_2097 : memref<1x1x1x128xf32, #tpu.memory_space<hbm>> -> memref<128xf32, #tpu.memory_space<hbm>>
      %dma_start3A_2099 = arith.constant 0 : i32
      %dma_start3A_2100 = tpu.memref_slice %arg6[%select_n3A_1436, %select_n3A_1463, %sub3A_1466, %dma_start3A_2099] : memref<4x8x8x128xf32, #tpu.memory_space<hbm>> -> memref<1x1x1x128xf32, #tpu.memory_space<hbm>>
      %dma_start3A_2101 = tpu.memref_squeeze %dma_start3A_2100 : memref<1x1x1x128xf32, #tpu.memory_space<hbm>> -> memref<128xf32, #tpu.memory_space<hbm>>
      %dma_start3A_2102 = arith.constant 0 : i32
      %dma_start3A_2103 = tpu.memref_slice %arg12[%run_scoped3A_2064, %dma_start3A_2102] : memref<3x128xf32, #tpu.memory_space<vmem>> -> memref<1x128xf32, #tpu.memory_space<vmem>>
      %dma_start3A_2104 = tpu.memref_squeeze %dma_start3A_2103 : memref<1x128xf32, #tpu.memory_space<vmem>> -> memref<128xf32, #tpu.memory_space<vmem>>
      tpu.enqueue_dma source(%dma_start3A_2104 : memref<128xf32, #tpu.memory_space<vmem>>) target(%dma_start3A_2101 : memref<128xf32, #tpu.memory_space<hbm>>) target_semaphore(%run_scoped3A_2092 : memref<!tpu.dma_semaphore, #tpu.memory_space<semaphore_mem>>)
      %dma_wait3A_2105 = arith.constant 0 : i32
      %dma_wait3A_2106 = tpu.memref_slice %arg12[%run_scoped3A_2064, %dma_wait3A_2105] : memref<3x128xf32, #tpu.memory_space<vmem>> -> memref<1x128xf32, #tpu.memory_space<vmem>>
      %dma_wait3A_2107 = tpu.memref_squeeze %dma_wait3A_2106 : memref<1x128xf32, #tpu.memory_space<vmem>> -> memref<128xf32, #tpu.memory_space<vmem>>
      %dma_wait3A_2108 = arith.constant 0 : i32
      %dma_wait3A_2109 = tpu.memref_slice %arg6[%select_n3A_1436, %select_n3A_1463, %sub3A_1466, %dma_wait3A_2108] : memref<4x8x8x128xf32, #tpu.memory_space<hbm>> -> memref<1x1x1x128xf32, #tpu.memory_space<hbm>>
      %dma_wait3A_2110 = tpu.memref_squeeze %dma_wait3A_2109 : memref<1x1x1x128xf32, #tpu.memory_space<hbm>> -> memref<128xf32, #tpu.memory_space<hbm>>
      %dma_wait3A_2111 = arith.constant 0 : i32
      %dma_wait3A_2112 = tpu.memref_slice %arg6[%select_n3A_1436, %select_n3A_1463, %sub3A_1466, %dma_wait3A_2111] : memref<4x8x8x128xf32, #tpu.memory_space<hbm>> -> memref<1x1x1x128xf32, #tpu.memory_space<hbm>>
      %dma_wait3A_2113 = tpu.memref_squeeze %dma_wait3A_2112 : memref<1x1x1x128xf32, #tpu.memory_space<hbm>> -> memref<128xf32, #tpu.memory_space<hbm>>
      %dma_wait3A_2114 = arith.constant 0 : i32
      %dma_wait3A_2115 = tpu.memref_slice %arg12[%run_scoped3A_2064, %dma_wait3A_2114] : memref<3x128xf32, #tpu.memory_space<vmem>> -> memref<1x128xf32, #tpu.memory_space<vmem>>
      %dma_wait3A_2116 = tpu.memref_squeeze %dma_wait3A_2115 : memref<1x128xf32, #tpu.memory_space<vmem>> -> memref<128xf32, #tpu.memory_space<vmem>>
      tpu.wait_dma2 semaphore(%run_scoped3A_2092 : memref<!tpu.dma_semaphore, #tpu.memory_space<semaphore_mem>>) src(%dma_wait3A_2116 : memref<128xf32, #tpu.memory_space<vmem>>) dst(%dma_wait3A_2113 : memref<128xf32, #tpu.memory_space<hbm>>)
      tpu.yield
    }) : () -> ()
    %run_scoped3A_2065 = arith.constant 1 : i32
    "tpu.region"() ({
      %run_scoped3A_2092 = tpu.sem_alloc : memref<!tpu.dma_semaphore, #tpu.memory_space<semaphore_mem>>
      %dma_start3A_2093 = arith.constant 0 : i32
      %dma_start3A_2094 = tpu.memref_slice %arg12[%run_scoped3A_2065, %dma_start3A_2093] : memref<3x128xf32, #tpu.memory_space<vmem>> -> memref<1x128xf32, #tpu.memory_space<vmem>>
      %dma_start3A_2095 = tpu.memref_squeeze %dma_start3A_2094 : memref<1x128xf32, #tpu.memory_space<vmem>> -> memref<128xf32, #tpu.memory_space<vmem>>
      %dma_start3A_2096 = arith.constant 0 : i32
      %dma_start3A_2097 = tpu.memref_slice %arg6[%select_n3A_1592, %select_n3A_1619, %sub3A_1622, %dma_start3A_2096] : memref<4x8x8x128xf32, #tpu.memory_space<hbm>> -> memref<1x1x1x128xf32, #tpu.memory_space<hbm>>
      %dma_start3A_2098 = tpu.memref_squeeze %dma_start3A_2097 : memref<1x1x1x128xf32, #tpu.memory_space<hbm>> -> memref<128xf32, #tpu.memory_space<hbm>>
      %dma_start3A_2099 = arith.constant 0 : i32
      %dma_start3A_2100 = tpu.memref_slice %arg6[%select_n3A_1592, %select_n3A_1619, %sub3A_1622, %dma_start3A_2099] : memref<4x8x8x128xf32, #tpu.memory_space<hbm>> -> memref<1x1x1x128xf32, #tpu.memory_space<hbm>>
      %dma_start3A_2101 = tpu.memref_squeeze %dma_start3A_2100 : memref<1x1x1x128xf32, #tpu.memory_space<hbm>> -> memref<128xf32, #tpu.memory_space<hbm>>
      %dma_start3A_2102 = arith.constant 0 : i32
      %dma_start3A_2103 = tpu.memref_slice %arg12[%run_scoped3A_2065, %dma_start3A_2102] : memref<3x128xf32, #tpu.memory_space<vmem>> -> memref<1x128xf32, #tpu.memory_space<vmem>>
      %dma_start3A_2104 = tpu.memref_squeeze %dma_start3A_2103 : memref<1x128xf32, #tpu.memory_space<vmem>> -> memref<128xf32, #tpu.memory_space<vmem>>
      tpu.enqueue_dma source(%dma_start3A_2104 : memref<128xf32, #tpu.memory_space<vmem>>) target(%dma_start3A_2101 : memref<128xf32, #tpu.memory_space<hbm>>) target_semaphore(%run_scoped3A_2092 : memref<!tpu.dma_semaphore, #tpu.memory_space<semaphore_mem>>)
      %dma_wait3A_2105 = arith.constant 0 : i32
      %dma_wait3A_2106 = tpu.memref_slice %arg12[%run_scoped3A_2065, %dma_wait3A_2105] : memref<3x128xf32, #tpu.memory_space<vmem>> -> memref<1x128xf32, #tpu.memory_space<vmem>>
      %dma_wait3A_2107 = tpu.memref_squeeze %dma_wait3A_2106 : memref<1x128xf32, #tpu.memory_space<vmem>> -> memref<128xf32, #tpu.memory_space<vmem>>
      %dma_wait3A_2108 = arith.constant 0 : i32
      %dma_wait3A_2109 = tpu.memref_slice %arg6[%select_n3A_1592, %select_n3A_1619, %sub3A_1622, %dma_wait3A_2108] : memref<4x8x8x128xf32, #tpu.memory_space<hbm>> -> memref<1x1x1x128xf32, #tpu.memory_space<hbm>>
      %dma_wait3A_2110 = tpu.memref_squeeze %dma_wait3A_2109 : memref<1x1x1x128xf32, #tpu.memory_space<hbm>> -> memref<128xf32, #tpu.memory_space<hbm>>
      %dma_wait3A_2111 = arith.constant 0 : i32
      %dma_wait3A_2112 = tpu.memref_slice %arg6[%select_n3A_1592, %select_n3A_1619, %sub3A_1622, %dma_wait3A_2111] : memref<4x8x8x128xf32, #tpu.memory_space<hbm>> -> memref<1x1x1x128xf32, #tpu.memory_space<hbm>>
      %dma_wait3A_2113 = tpu.memref_squeeze %dma_wait3A_2112 : memref<1x1x1x128xf32, #tpu.memory_space<hbm>> -> memref<128xf32, #tpu.memory_space<hbm>>
      %dma_wait3A_2114 = arith.constant 0 : i32
      %dma_wait3A_2115 = tpu.memref_slice %arg12[%run_scoped3A_2065, %dma_wait3A_2114] : memref<3x128xf32, #tpu.memory_space<vmem>> -> memref<1x128xf32, #tpu.memory_space<vmem>>
      %dma_wait3A_2116 = tpu.memref_squeeze %dma_wait3A_2115 : memref<1x128xf32, #tpu.memory_space<vmem>> -> memref<128xf32, #tpu.memory_space<vmem>>
      tpu.wait_dma2 semaphore(%run_scoped3A_2092 : memref<!tpu.dma_semaphore, #tpu.memory_space<semaphore_mem>>) src(%dma_wait3A_2116 : memref<128xf32, #tpu.memory_space<vmem>>) dst(%dma_wait3A_2113 : memref<128xf32, #tpu.memory_space<hbm>>)
      tpu.yield
    }) : () -> ()
    %run_scoped3A_2066 = arith.constant 2 : i32
    "tpu.region"() ({
      %run_scoped3A_2092 = tpu.sem_alloc : memref<!tpu.dma_semaphore, #tpu.memory_space<semaphore_mem>>
      %dma_start3A_2093 = arith.constant 0 : i32
      %dma_start3A_2094 = tpu.memref_slice %arg12[%run_scoped3A_2066, %dma_start3A_2093] : memref<3x128xf32, #tpu.memory_space<vmem>> -> memref<1x128xf32, #tpu.memory_space<vmem>>
      %dma_start3A_2095 = tpu.memref_squeeze %dma_start3A_2094 : memref<1x128xf32, #tpu.memory_space<vmem>> -> memref<128xf32, #tpu.memory_space<vmem>>
      %dma_start3A_2096 = arith.constant 0 : i32
      %dma_start3A_2097 = tpu.memref_slice %arg6[%select_n3A_1748, %select_n3A_1775, %sub3A_1778, %dma_start3A_2096] : memref<4x8x8x128xf32, #tpu.memory_space<hbm>> -> memref<1x1x1x128xf32, #tpu.memory_space<hbm>>
      %dma_start3A_2098 = tpu.memref_squeeze %dma_start3A_2097 : memref<1x1x1x128xf32, #tpu.memory_space<hbm>> -> memref<128xf32, #tpu.memory_space<hbm>>
      %dma_start3A_2099 = arith.constant 0 : i32
      %dma_start3A_2100 = tpu.memref_slice %arg6[%select_n3A_1748, %select_n3A_1775, %sub3A_1778, %dma_start3A_2099] : memref<4x8x8x128xf32, #tpu.memory_space<hbm>> -> memref<1x1x1x128xf32, #tpu.memory_space<hbm>>
      %dma_start3A_2101 = tpu.memref_squeeze %dma_start3A_2100 : memref<1x1x1x128xf32, #tpu.memory_space<hbm>> -> memref<128xf32, #tpu.memory_space<hbm>>
      %dma_start3A_2102 = arith.constant 0 : i32
      %dma_start3A_2103 = tpu.memref_slice %arg12[%run_scoped3A_2066, %dma_start3A_2102] : memref<3x128xf32, #tpu.memory_space<vmem>> -> memref<1x128xf32, #tpu.memory_space<vmem>>
      %dma_start3A_2104 = tpu.memref_squeeze %dma_start3A_2103 : memref<1x128xf32, #tpu.memory_space<vmem>> -> memref<128xf32, #tpu.memory_space<vmem>>
      tpu.enqueue_dma source(%dma_start3A_2104 : memref<128xf32, #tpu.memory_space<vmem>>) target(%dma_start3A_2101 : memref<128xf32, #tpu.memory_space<hbm>>) target_semaphore(%run_scoped3A_2092 : memref<!tpu.dma_semaphore, #tpu.memory_space<semaphore_mem>>)
      %dma_wait3A_2105 = arith.constant 0 : i32
      %dma_wait3A_2106 = tpu.memref_slice %arg12[%run_scoped3A_2066, %dma_wait3A_2105] : memref<3x128xf32, #tpu.memory_space<vmem>> -> memref<1x128xf32, #tpu.memory_space<vmem>>
      %dma_wait3A_2107 = tpu.memref_squeeze %dma_wait3A_2106 : memref<1x128xf32, #tpu.memory_space<vmem>> -> memref<128xf32, #tpu.memory_space<vmem>>
      %dma_wait3A_2108 = arith.constant 0 : i32
      %dma_wait3A_2109 = tpu.memref_slice %arg6[%select_n3A_1748, %select_n3A_1775, %sub3A_1778, %dma_wait3A_2108] : memref<4x8x8x128xf32, #tpu.memory_space<hbm>> -> memref<1x1x1x128xf32, #tpu.memory_space<hbm>>
      %dma_wait3A_2110 = tpu.memref_squeeze %dma_wait3A_2109 : memref<1x1x1x128xf32, #tpu.memory_space<hbm>> -> memref<128xf32, #tpu.memory_space<hbm>>
      %dma_wait3A_2111 = arith.constant 0 : i32
      %dma_wait3A_2112 = tpu.memref_slice %arg6[%select_n3A_1748, %select_n3A_1775, %sub3A_1778, %dma_wait3A_2111] : memref<4x8x8x128xf32, #tpu.memory_space<hbm>> -> memref<1x1x1x128xf32, #tpu.memory_space<hbm>>
      %dma_wait3A_2113 = tpu.memref_squeeze %dma_wait3A_2112 : memref<1x1x1x128xf32, #tpu.memory_space<hbm>> -> memref<128xf32, #tpu.memory_space<hbm>>
      %dma_wait3A_2114 = arith.constant 0 : i32
      %dma_wait3A_2115 = tpu.memref_slice %arg12[%run_scoped3A_2066, %dma_wait3A_2114] : memref<3x128xf32, #tpu.memory_space<vmem>> -> memref<1x128xf32, #tpu.memory_space<vmem>>
      %dma_wait3A_2116 = tpu.memref_squeeze %dma_wait3A_2115 : memref<1x128xf32, #tpu.memory_space<vmem>> -> memref<128xf32, #tpu.memory_space<vmem>>
      tpu.wait_dma2 semaphore(%run_scoped3A_2092 : memref<!tpu.dma_semaphore, #tpu.memory_space<semaphore_mem>>) src(%dma_wait3A_2116 : memref<128xf32, #tpu.memory_space<vmem>>) dst(%dma_wait3A_2113 : memref<128xf32, #tpu.memory_space<hbm>>)
      tpu.yield
    }) : () -> ()
    %mul3A_2067 = arith.constant 4 : i32
    %mul3A_2068 = arith.muli %sub3A_19, %mul3A_2067 : i32
    %run_scoped3A_2069 = arith.constant 3 : i32
    "tpu.region"() ({
      %run_scoped3A_2092 = tpu.sem_alloc : memref<!tpu.dma_semaphore, #tpu.memory_space<semaphore_mem>>
      %dma_start3A_2093 = arith.constant 0 : i32
      %dma_start3A_2094 = tpu.memref_slice %arg5[%select_n3A, %run_scoped3A_2069, %mul3A_2068, %dma_start3A_2093] : memref<4x8x32x128xf32, #tpu.memory_space<hbm>> -> memref<1x1x4x128xf32, #tpu.memory_space<hbm>>
      %dma_start3A_2095 = tpu.memref_squeeze %dma_start3A_2094 : memref<1x1x4x128xf32, #tpu.memory_space<hbm>> -> memref<4x128xf32, #tpu.memory_space<hbm>>
      %dma_start3A_2096 = arith.constant 0 : i32
      %dma_start3A_2097 = tpu.memref_slice %arg5[%select_n3A, %run_scoped3A_2069, %mul3A_2068, %dma_start3A_2096] : memref<4x8x32x128xf32, #tpu.memory_space<hbm>> -> memref<1x1x4x128xf32, #tpu.memory_space<hbm>>
      %dma_start3A_2098 = tpu.memref_squeeze %dma_start3A_2097 : memref<1x1x4x128xf32, #tpu.memory_space<hbm>> -> memref<4x128xf32, #tpu.memory_space<hbm>>
      tpu.enqueue_dma source(%arg13 : memref<4x128xf32, #tpu.memory_space<vmem>>) target(%dma_start3A_2098 : memref<4x128xf32, #tpu.memory_space<hbm>>) target_semaphore(%run_scoped3A_2092 : memref<!tpu.dma_semaphore, #tpu.memory_space<semaphore_mem>>)
      %dma_wait3A_2099 = arith.constant 0 : i32
      %dma_wait3A_2100 = tpu.memref_slice %arg5[%select_n3A, %run_scoped3A_2069, %mul3A_2068, %dma_wait3A_2099] : memref<4x8x32x128xf32, #tpu.memory_space<hbm>> -> memref<1x1x4x128xf32, #tpu.memory_space<hbm>>
      %dma_wait3A_2101 = tpu.memref_squeeze %dma_wait3A_2100 : memref<1x1x4x128xf32, #tpu.memory_space<hbm>> -> memref<4x128xf32, #tpu.memory_space<hbm>>
      %dma_wait3A_2102 = arith.constant 0 : i32
      %dma_wait3A_2103 = tpu.memref_slice %arg5[%select_n3A, %run_scoped3A_2069, %mul3A_2068, %dma_wait3A_2102] : memref<4x8x32x128xf32, #tpu.memory_space<hbm>> -> memref<1x1x4x128xf32, #tpu.memory_space<hbm>>
      %dma_wait3A_2104 = tpu.memref_squeeze %dma_wait3A_2103 : memref<1x1x4x128xf32, #tpu.memory_space<hbm>> -> memref<4x128xf32, #tpu.memory_space<hbm>>
      tpu.wait_dma2 semaphore(%run_scoped3A_2092 : memref<!tpu.dma_semaphore, #tpu.memory_space<semaphore_mem>>) src(%arg13 : memref<4x128xf32, #tpu.memory_space<vmem>>) dst(%dma_wait3A_2104 : memref<4x128xf32, #tpu.memory_space<hbm>>)
      tpu.yield
    }) : () -> ()
    %run_scoped3A_2070 = arith.constant 0 : i32
    %run_scoped3A_2071 = arith.constant 3 : i32
    "tpu.region"() ({
      %run_scoped3A_2092 = tpu.sem_alloc : memref<!tpu.dma_semaphore, #tpu.memory_space<semaphore_mem>>
      %dma_start3A_2093 = arith.constant 0 : i32
      %dma_start3A_2094 = tpu.memref_slice %arg13[%run_scoped3A_2070, %dma_start3A_2093] : memref<4x128xf32, #tpu.memory_space<vmem>> -> memref<1x128xf32, #tpu.memory_space<vmem>>
      %dma_start3A_2095 = tpu.memref_squeeze %dma_start3A_2094 : memref<1x128xf32, #tpu.memory_space<vmem>> -> memref<128xf32, #tpu.memory_space<vmem>>
      %dma_start3A_2096 = arith.constant 0 : i32
      %dma_start3A_2097 = tpu.memref_slice %arg6[%select_n3A, %run_scoped3A_2071, %sub3A_19, %dma_start3A_2096] : memref<4x8x8x128xf32, #tpu.memory_space<hbm>> -> memref<1x1x1x128xf32, #tpu.memory_space<hbm>>
      %dma_start3A_2098 = tpu.memref_squeeze %dma_start3A_2097 : memref<1x1x1x128xf32, #tpu.memory_space<hbm>> -> memref<128xf32, #tpu.memory_space<hbm>>
      %dma_start3A_2099 = arith.constant 0 : i32
      %dma_start3A_2100 = tpu.memref_slice %arg6[%select_n3A, %run_scoped3A_2071, %sub3A_19, %dma_start3A_2099] : memref<4x8x8x128xf32, #tpu.memory_space<hbm>> -> memref<1x1x1x128xf32, #tpu.memory_space<hbm>>
      %dma_start3A_2101 = tpu.memref_squeeze %dma_start3A_2100 : memref<1x1x1x128xf32, #tpu.memory_space<hbm>> -> memref<128xf32, #tpu.memory_space<hbm>>
      %dma_start3A_2102 = arith.constant 0 : i32
      %dma_start3A_2103 = tpu.memref_slice %arg13[%run_scoped3A_2070, %dma_start3A_2102] : memref<4x128xf32, #tpu.memory_space<vmem>> -> memref<1x128xf32, #tpu.memory_space<vmem>>
      %dma_start3A_2104 = tpu.memref_squeeze %dma_start3A_2103 : memref<1x128xf32, #tpu.memory_space<vmem>> -> memref<128xf32, #tpu.memory_space<vmem>>
      tpu.enqueue_dma source(%dma_start3A_2104 : memref<128xf32, #tpu.memory_space<vmem>>) target(%dma_start3A_2101 : memref<128xf32, #tpu.memory_space<hbm>>) target_semaphore(%run_scoped3A_2092 : memref<!tpu.dma_semaphore, #tpu.memory_space<semaphore_mem>>)
      %dma_wait3A_2105 = arith.constant 0 : i32
      %dma_wait3A_2106 = tpu.memref_slice %arg13[%run_scoped3A_2070, %dma_wait3A_2105] : memref<4x128xf32, #tpu.memory_space<vmem>> -> memref<1x128xf32, #tpu.memory_space<vmem>>
      %dma_wait3A_2107 = tpu.memref_squeeze %dma_wait3A_2106 : memref<1x128xf32, #tpu.memory_space<vmem>> -> memref<128xf32, #tpu.memory_space<vmem>>
      %dma_wait3A_2108 = arith.constant 0 : i32
      %dma_wait3A_2109 = tpu.memref_slice %arg6[%select_n3A, %run_scoped3A_2071, %sub3A_19, %dma_wait3A_2108] : memref<4x8x8x128xf32, #tpu.memory_space<hbm>> -> memref<1x1x1x128xf32, #tpu.memory_space<hbm>>
      %dma_wait3A_2110 = tpu.memref_squeeze %dma_wait3A_2109 : memref<1x1x1x128xf32, #tpu.memory_space<hbm>> -> memref<128xf32, #tpu.memory_space<hbm>>
      %dma_wait3A_2111 = arith.constant 0 : i32
      %dma_wait3A_2112 = tpu.memref_slice %arg6[%select_n3A, %run_scoped3A_2071, %sub3A_19, %dma_wait3A_2111] : memref<4x8x8x128xf32, #tpu.memory_space<hbm>> -> memref<1x1x1x128xf32, #tpu.memory_space<hbm>>
      %dma_wait3A_2113 = tpu.memref_squeeze %dma_wait3A_2112 : memref<1x1x1x128xf32, #tpu.memory_space<hbm>> -> memref<128xf32, #tpu.memory_space<hbm>>
      %dma_wait3A_2114 = arith.constant 0 : i32
      %dma_wait3A_2115 = tpu.memref_slice %arg13[%run_scoped3A_2070, %dma_wait3A_2114] : memref<4x128xf32, #tpu.memory_space<vmem>> -> memref<1x128xf32, #tpu.memory_space<vmem>>
      %dma_wait3A_2116 = tpu.memref_squeeze %dma_wait3A_2115 : memref<1x128xf32, #tpu.memory_space<vmem>> -> memref<128xf32, #tpu.memory_space<vmem>>
      tpu.wait_dma2 semaphore(%run_scoped3A_2092 : memref<!tpu.dma_semaphore, #tpu.memory_space<semaphore_mem>>) src(%dma_wait3A_2116 : memref<128xf32, #tpu.memory_space<vmem>>) dst(%dma_wait3A_2113 : memref<128xf32, #tpu.memory_space<hbm>>)
      tpu.yield
    }) : () -> ()
    %mul3A_2072 = arith.constant 4 : i32
    %mul3A_2073 = arith.muli %sub3A_19, %mul3A_2072 : i32
    %run_scoped3A_2074 = arith.constant 4 : i32
    "tpu.region"() ({
      %run_scoped3A_2092 = tpu.sem_alloc : memref<!tpu.dma_semaphore, #tpu.memory_space<semaphore_mem>>
      %dma_start3A_2093 = arith.constant 0 : i32
      %dma_start3A_2094 = tpu.memref_slice %arg5[%select_n3A, %run_scoped3A_2074, %mul3A_2073, %dma_start3A_2093] : memref<4x8x32x128xf32, #tpu.memory_space<hbm>> -> memref<1x1x4x128xf32, #tpu.memory_space<hbm>>
      %dma_start3A_2095 = tpu.memref_squeeze %dma_start3A_2094 : memref<1x1x4x128xf32, #tpu.memory_space<hbm>> -> memref<4x128xf32, #tpu.memory_space<hbm>>
      %dma_start3A_2096 = arith.constant 0 : i32
      %dma_start3A_2097 = tpu.memref_slice %arg5[%select_n3A, %run_scoped3A_2074, %mul3A_2073, %dma_start3A_2096] : memref<4x8x32x128xf32, #tpu.memory_space<hbm>> -> memref<1x1x4x128xf32, #tpu.memory_space<hbm>>
      %dma_start3A_2098 = tpu.memref_squeeze %dma_start3A_2097 : memref<1x1x4x128xf32, #tpu.memory_space<hbm>> -> memref<4x128xf32, #tpu.memory_space<hbm>>
      tpu.enqueue_dma source(%arg13 : memref<4x128xf32, #tpu.memory_space<vmem>>) target(%dma_start3A_2098 : memref<4x128xf32, #tpu.memory_space<hbm>>) target_semaphore(%run_scoped3A_2092 : memref<!tpu.dma_semaphore, #tpu.memory_space<semaphore_mem>>)
      %dma_wait3A_2099 = arith.constant 0 : i32
      %dma_wait3A_2100 = tpu.memref_slice %arg5[%select_n3A, %run_scoped3A_2074, %mul3A_2073, %dma_wait3A_2099] : memref<4x8x32x128xf32, #tpu.memory_space<hbm>> -> memref<1x1x4x128xf32, #tpu.memory_space<hbm>>
      %dma_wait3A_2101 = tpu.memref_squeeze %dma_wait3A_2100 : memref<1x1x4x128xf32, #tpu.memory_space<hbm>> -> memref<4x128xf32, #tpu.memory_space<hbm>>
      %dma_wait3A_2102 = arith.constant 0 : i32
      %dma_wait3A_2103 = tpu.memref_slice %arg5[%select_n3A, %run_scoped3A_2074, %mul3A_2073, %dma_wait3A_2102] : memref<4x8x32x128xf32, #tpu.memory_space<hbm>> -> memref<1x1x4x128xf32, #tpu.memory_space<hbm>>
      %dma_wait3A_2104 = tpu.memref_squeeze %dma_wait3A_2103 : memref<1x1x4x128xf32, #tpu.memory_space<hbm>> -> memref<4x128xf32, #tpu.memory_space<hbm>>
      tpu.wait_dma2 semaphore(%run_scoped3A_2092 : memref<!tpu.dma_semaphore, #tpu.memory_space<semaphore_mem>>) src(%arg13 : memref<4x128xf32, #tpu.memory_space<vmem>>) dst(%dma_wait3A_2104 : memref<4x128xf32, #tpu.memory_space<hbm>>)
      tpu.yield
    }) : () -> ()
    %run_scoped3A_2075 = arith.constant 0 : i32
    %run_scoped3A_2076 = arith.constant 4 : i32
    "tpu.region"() ({
      %run_scoped3A_2092 = tpu.sem_alloc : memref<!tpu.dma_semaphore, #tpu.memory_space<semaphore_mem>>
      %dma_start3A_2093 = arith.constant 0 : i32
      %dma_start3A_2094 = tpu.memref_slice %arg13[%run_scoped3A_2075, %dma_start3A_2093] : memref<4x128xf32, #tpu.memory_space<vmem>> -> memref<1x128xf32, #tpu.memory_space<vmem>>
      %dma_start3A_2095 = tpu.memref_squeeze %dma_start3A_2094 : memref<1x128xf32, #tpu.memory_space<vmem>> -> memref<128xf32, #tpu.memory_space<vmem>>
      %dma_start3A_2096 = arith.constant 0 : i32
      %dma_start3A_2097 = tpu.memref_slice %arg6[%select_n3A, %run_scoped3A_2076, %sub3A_19, %dma_start3A_2096] : memref<4x8x8x128xf32, #tpu.memory_space<hbm>> -> memref<1x1x1x128xf32, #tpu.memory_space<hbm>>
      %dma_start3A_2098 = tpu.memref_squeeze %dma_start3A_2097 : memref<1x1x1x128xf32, #tpu.memory_space<hbm>> -> memref<128xf32, #tpu.memory_space<hbm>>
      %dma_start3A_2099 = arith.constant 0 : i32
      %dma_start3A_2100 = tpu.memref_slice %arg6[%select_n3A, %run_scoped3A_2076, %sub3A_19, %dma_start3A_2099] : memref<4x8x8x128xf32, #tpu.memory_space<hbm>> -> memref<1x1x1x128xf32, #tpu.memory_space<hbm>>
      %dma_start3A_2101 = tpu.memref_squeeze %dma_start3A_2100 : memref<1x1x1x128xf32, #tpu.memory_space<hbm>> -> memref<128xf32, #tpu.memory_space<hbm>>
      %dma_start3A_2102 = arith.constant 0 : i32
      %dma_start3A_2103 = tpu.memref_slice %arg13[%run_scoped3A_2075, %dma_start3A_2102] : memref<4x128xf32, #tpu.memory_space<vmem>> -> memref<1x128xf32, #tpu.memory_space<vmem>>
      %dma_start3A_2104 = tpu.memref_squeeze %dma_start3A_2103 : memref<1x128xf32, #tpu.memory_space<vmem>> -> memref<128xf32, #tpu.memory_space<vmem>>
      tpu.enqueue_dma source(%dma_start3A_2104 : memref<128xf32, #tpu.memory_space<vmem>>) target(%dma_start3A_2101 : memref<128xf32, #tpu.memory_space<hbm>>) target_semaphore(%run_scoped3A_2092 : memref<!tpu.dma_semaphore, #tpu.memory_space<semaphore_mem>>)
      %dma_wait3A_2105 = arith.constant 0 : i32
      %dma_wait3A_2106 = tpu.memref_slice %arg13[%run_scoped3A_2075, %dma_wait3A_2105] : memref<4x128xf32, #tpu.memory_space<vmem>> -> memref<1x128xf32, #tpu.memory_space<vmem>>
      %dma_wait3A_2107 = tpu.memref_squeeze %dma_wait3A_2106 : memref<1x128xf32, #tpu.memory_space<vmem>> -> memref<128xf32, #tpu.memory_space<vmem>>
      %dma_wait3A_2108 = arith.constant 0 : i32
      %dma_wait3A_2109 = tpu.memref_slice %arg6[%select_n3A, %run_scoped3A_2076, %sub3A_19, %dma_wait3A_2108] : memref<4x8x8x128xf32, #tpu.memory_space<hbm>> -> memref<1x1x1x128xf32, #tpu.memory_space<hbm>>
      %dma_wait3A_2110 = tpu.memref_squeeze %dma_wait3A_2109 : memref<1x1x1x128xf32, #tpu.memory_space<hbm>> -> memref<128xf32, #tpu.memory_space<hbm>>
      %dma_wait3A_2111 = arith.constant 0 : i32
      %dma_wait3A_2112 = tpu.memref_slice %arg6[%select_n3A, %run_scoped3A_2076, %sub3A_19, %dma_wait3A_2111] : memref<4x8x8x128xf32, #tpu.memory_space<hbm>> -> memref<1x1x1x128xf32, #tpu.memory_space<hbm>>
      %dma_wait3A_2113 = tpu.memref_squeeze %dma_wait3A_2112 : memref<1x1x1x128xf32, #tpu.memory_space<hbm>> -> memref<128xf32, #tpu.memory_space<hbm>>
      %dma_wait3A_2114 = arith.constant 0 : i32
      %dma_wait3A_2115 = tpu.memref_slice %arg13[%run_scoped3A_2075, %dma_wait3A_2114] : memref<4x128xf32, #tpu.memory_space<vmem>> -> memref<1x128xf32, #tpu.memory_space<vmem>>
      %dma_wait3A_2116 = tpu.memref_squeeze %dma_wait3A_2115 : memref<1x128xf32, #tpu.memory_space<vmem>> -> memref<128xf32, #tpu.memory_space<vmem>>
      tpu.wait_dma2 semaphore(%run_scoped3A_2092 : memref<!tpu.dma_semaphore, #tpu.memory_space<semaphore_mem>>) src(%dma_wait3A_2116 : memref<128xf32, #tpu.memory_space<vmem>>) dst(%dma_wait3A_2113 : memref<128xf32, #tpu.memory_space<hbm>>)
      tpu.yield
    }) : () -> ()
    %mul3A_2077 = arith.constant 4 : i32
    %mul3A_2078 = arith.muli %sub3A_19, %mul3A_2077 : i32
    %run_scoped3A_2079 = arith.constant 5 : i32
    "tpu.region"() ({
      %run_scoped3A_2092 = tpu.sem_alloc : memref<!tpu.dma_semaphore, #tpu.memory_space<semaphore_mem>>
      %dma_start3A_2093 = arith.constant 0 : i32
      %dma_start3A_2094 = tpu.memref_slice %arg5[%select_n3A, %run_scoped3A_2079, %mul3A_2078, %dma_start3A_2093] : memref<4x8x32x128xf32, #tpu.memory_space<hbm>> -> memref<1x1x4x128xf32, #tpu.memory_space<hbm>>
      %dma_start3A_2095 = tpu.memref_squeeze %dma_start3A_2094 : memref<1x1x4x128xf32, #tpu.memory_space<hbm>> -> memref<4x128xf32, #tpu.memory_space<hbm>>
      %dma_start3A_2096 = arith.constant 0 : i32
      %dma_start3A_2097 = tpu.memref_slice %arg5[%select_n3A, %run_scoped3A_2079, %mul3A_2078, %dma_start3A_2096] : memref<4x8x32x128xf32, #tpu.memory_space<hbm>> -> memref<1x1x4x128xf32, #tpu.memory_space<hbm>>
      %dma_start3A_2098 = tpu.memref_squeeze %dma_start3A_2097 : memref<1x1x4x128xf32, #tpu.memory_space<hbm>> -> memref<4x128xf32, #tpu.memory_space<hbm>>
      tpu.enqueue_dma source(%arg13 : memref<4x128xf32, #tpu.memory_space<vmem>>) target(%dma_start3A_2098 : memref<4x128xf32, #tpu.memory_space<hbm>>) target_semaphore(%run_scoped3A_2092 : memref<!tpu.dma_semaphore, #tpu.memory_space<semaphore_mem>>)
      %dma_wait3A_2099 = arith.constant 0 : i32
      %dma_wait3A_2100 = tpu.memref_slice %arg5[%select_n3A, %run_scoped3A_2079, %mul3A_2078, %dma_wait3A_2099] : memref<4x8x32x128xf32, #tpu.memory_space<hbm>> -> memref<1x1x4x128xf32, #tpu.memory_space<hbm>>
      %dma_wait3A_2101 = tpu.memref_squeeze %dma_wait3A_2100 : memref<1x1x4x128xf32, #tpu.memory_space<hbm>> -> memref<4x128xf32, #tpu.memory_space<hbm>>
      %dma_wait3A_2102 = arith.constant 0 : i32
      %dma_wait3A_2103 = tpu.memref_slice %arg5[%select_n3A, %run_scoped3A_2079, %mul3A_2078, %dma_wait3A_2102] : memref<4x8x32x128xf32, #tpu.memory_space<hbm>> -> memref<1x1x4x128xf32, #tpu.memory_space<hbm>>
      %dma_wait3A_2104 = tpu.memref_squeeze %dma_wait3A_2103 : memref<1x1x4x128xf32, #tpu.memory_space<hbm>> -> memref<4x128xf32, #tpu.memory_space<hbm>>
      tpu.wait_dma2 semaphore(%run_scoped3A_2092 : memref<!tpu.dma_semaphore, #tpu.memory_space<semaphore_mem>>) src(%arg13 : memref<4x128xf32, #tpu.memory_space<vmem>>) dst(%dma_wait3A_2104 : memref<4x128xf32, #tpu.memory_space<hbm>>)
      tpu.yield
    }) : () -> ()
    %run_scoped3A_2080 = arith.constant 0 : i32
    %run_scoped3A_2081 = arith.constant 5 : i32
    "tpu.region"() ({
      %run_scoped3A_2092 = tpu.sem_alloc : memref<!tpu.dma_semaphore, #tpu.memory_space<semaphore_mem>>
      %dma_start3A_2093 = arith.constant 0 : i32
      %dma_start3A_2094 = tpu.memref_slice %arg13[%run_scoped3A_2080, %dma_start3A_2093] : memref<4x128xf32, #tpu.memory_space<vmem>> -> memref<1x128xf32, #tpu.memory_space<vmem>>
      %dma_start3A_2095 = tpu.memref_squeeze %dma_start3A_2094 : memref<1x128xf32, #tpu.memory_space<vmem>> -> memref<128xf32, #tpu.memory_space<vmem>>
      %dma_start3A_2096 = arith.constant 0 : i32
      %dma_start3A_2097 = tpu.memref_slice %arg6[%select_n3A, %run_scoped3A_2081, %sub3A_19, %dma_start3A_2096] : memref<4x8x8x128xf32, #tpu.memory_space<hbm>> -> memref<1x1x1x128xf32, #tpu.memory_space<hbm>>
      %dma_start3A_2098 = tpu.memref_squeeze %dma_start3A_2097 : memref<1x1x1x128xf32, #tpu.memory_space<hbm>> -> memref<128xf32, #tpu.memory_space<hbm>>
      %dma_start3A_2099 = arith.constant 0 : i32
      %dma_start3A_2100 = tpu.memref_slice %arg6[%select_n3A, %run_scoped3A_2081, %sub3A_19, %dma_start3A_2099] : memref<4x8x8x128xf32, #tpu.memory_space<hbm>> -> memref<1x1x1x128xf32, #tpu.memory_space<hbm>>
      %dma_start3A_2101 = tpu.memref_squeeze %dma_start3A_2100 : memref<1x1x1x128xf32, #tpu.memory_space<hbm>> -> memref<128xf32, #tpu.memory_space<hbm>>
      %dma_start3A_2102 = arith.constant 0 : i32
      %dma_start3A_2103 = tpu.memref_slice %arg13[%run_scoped3A_2080, %dma_start3A_2102] : memref<4x128xf32, #tpu.memory_space<vmem>> -> memref<1x128xf32, #tpu.memory_space<vmem>>
      %dma_start3A_2104 = tpu.memref_squeeze %dma_start3A_2103 : memref<1x128xf32, #tpu.memory_space<vmem>> -> memref<128xf32, #tpu.memory_space<vmem>>
      tpu.enqueue_dma source(%dma_start3A_2104 : memref<128xf32, #tpu.memory_space<vmem>>) target(%dma_start3A_2101 : memref<128xf32, #tpu.memory_space<hbm>>) target_semaphore(%run_scoped3A_2092 : memref<!tpu.dma_semaphore, #tpu.memory_space<semaphore_mem>>)
      %dma_wait3A_2105 = arith.constant 0 : i32
      %dma_wait3A_2106 = tpu.memref_slice %arg13[%run_scoped3A_2080, %dma_wait3A_2105] : memref<4x128xf32, #tpu.memory_space<vmem>> -> memref<1x128xf32, #tpu.memory_space<vmem>>
      %dma_wait3A_2107 = tpu.memref_squeeze %dma_wait3A_2106 : memref<1x128xf32, #tpu.memory_space<vmem>> -> memref<128xf32, #tpu.memory_space<vmem>>
      %dma_wait3A_2108 = arith.constant 0 : i32
      %dma_wait3A_2109 = tpu.memref_slice %arg6[%select_n3A, %run_scoped3A_2081, %sub3A_19, %dma_wait3A_2108] : memref<4x8x8x128xf32, #tpu.memory_space<hbm>> -> memref<1x1x1x128xf32, #tpu.memory_space<hbm>>
      %dma_wait3A_2110 = tpu.memref_squeeze %dma_wait3A_2109 : memref<1x1x1x128xf32, #tpu.memory_space<hbm>> -> memref<128xf32, #tpu.memory_space<hbm>>
      %dma_wait3A_2111 = arith.constant 0 : i32
      %dma_wait3A_2112 = tpu.memref_slice %arg6[%select_n3A, %run_scoped3A_2081, %sub3A_19, %dma_wait3A_2111] : memref<4x8x8x128xf32, #tpu.memory_space<hbm>> -> memref<1x1x1x128xf32, #tpu.memory_space<hbm>>
      %dma_wait3A_2113 = tpu.memref_squeeze %dma_wait3A_2112 : memref<1x1x1x128xf32, #tpu.memory_space<hbm>> -> memref<128xf32, #tpu.memory_space<hbm>>
      %dma_wait3A_2114 = arith.constant 0 : i32
      %dma_wait3A_2115 = tpu.memref_slice %arg13[%run_scoped3A_2080, %dma_wait3A_2114] : memref<4x128xf32, #tpu.memory_space<vmem>> -> memref<1x128xf32, #tpu.memory_space<vmem>>
      %dma_wait3A_2116 = tpu.memref_squeeze %dma_wait3A_2115 : memref<1x128xf32, #tpu.memory_space<vmem>> -> memref<128xf32, #tpu.memory_space<vmem>>
      tpu.wait_dma2 semaphore(%run_scoped3A_2092 : memref<!tpu.dma_semaphore, #tpu.memory_space<semaphore_mem>>) src(%dma_wait3A_2116 : memref<128xf32, #tpu.memory_space<vmem>>) dst(%dma_wait3A_2113 : memref<128xf32, #tpu.memory_space<hbm>>)
      tpu.yield
    }) : () -> ()
    %mul3A_2082 = arith.constant 4 : i32
    %mul3A_2083 = arith.muli %sub3A_19, %mul3A_2082 : i32
    %run_scoped3A_2084 = arith.constant 6 : i32
    "tpu.region"() ({
      %run_scoped3A_2092 = tpu.sem_alloc : memref<!tpu.dma_semaphore, #tpu.memory_space<semaphore_mem>>
      %dma_start3A_2093 = arith.constant 0 : i32
      %dma_start3A_2094 = tpu.memref_slice %arg5[%select_n3A, %run_scoped3A_2084, %mul3A_2083, %dma_start3A_2093] : memref<4x8x32x128xf32, #tpu.memory_space<hbm>> -> memref<1x1x4x128xf32, #tpu.memory_space<hbm>>
      %dma_start3A_2095 = tpu.memref_squeeze %dma_start3A_2094 : memref<1x1x4x128xf32, #tpu.memory_space<hbm>> -> memref<4x128xf32, #tpu.memory_space<hbm>>
      %dma_start3A_2096 = arith.constant 0 : i32
      %dma_start3A_2097 = tpu.memref_slice %arg5[%select_n3A, %run_scoped3A_2084, %mul3A_2083, %dma_start3A_2096] : memref<4x8x32x128xf32, #tpu.memory_space<hbm>> -> memref<1x1x4x128xf32, #tpu.memory_space<hbm>>
      %dma_start3A_2098 = tpu.memref_squeeze %dma_start3A_2097 : memref<1x1x4x128xf32, #tpu.memory_space<hbm>> -> memref<4x128xf32, #tpu.memory_space<hbm>>
      tpu.enqueue_dma source(%arg13 : memref<4x128xf32, #tpu.memory_space<vmem>>) target(%dma_start3A_2098 : memref<4x128xf32, #tpu.memory_space<hbm>>) target_semaphore(%run_scoped3A_2092 : memref<!tpu.dma_semaphore, #tpu.memory_space<semaphore_mem>>)
      %dma_wait3A_2099 = arith.constant 0 : i32
      %dma_wait3A_2100 = tpu.memref_slice %arg5[%select_n3A, %run_scoped3A_2084, %mul3A_2083, %dma_wait3A_2099] : memref<4x8x32x128xf32, #tpu.memory_space<hbm>> -> memref<1x1x4x128xf32, #tpu.memory_space<hbm>>
      %dma_wait3A_2101 = tpu.memref_squeeze %dma_wait3A_2100 : memref<1x1x4x128xf32, #tpu.memory_space<hbm>> -> memref<4x128xf32, #tpu.memory_space<hbm>>
      %dma_wait3A_2102 = arith.constant 0 : i32
      %dma_wait3A_2103 = tpu.memref_slice %arg5[%select_n3A, %run_scoped3A_2084, %mul3A_2083, %dma_wait3A_2102] : memref<4x8x32x128xf32, #tpu.memory_space<hbm>> -> memref<1x1x4x128xf32, #tpu.memory_space<hbm>>
      %dma_wait3A_2104 = tpu.memref_squeeze %dma_wait3A_2103 : memref<1x1x4x128xf32, #tpu.memory_space<hbm>> -> memref<4x128xf32, #tpu.memory_space<hbm>>
      tpu.wait_dma2 semaphore(%run_scoped3A_2092 : memref<!tpu.dma_semaphore, #tpu.memory_space<semaphore_mem>>) src(%arg13 : memref<4x128xf32, #tpu.memory_space<vmem>>) dst(%dma_wait3A_2104 : memref<4x128xf32, #tpu.memory_space<hbm>>)
      tpu.yield
    }) : () -> ()
    %run_scoped3A_2085 = arith.constant 0 : i32
    %run_scoped3A_2086 = arith.constant 6 : i32
    "tpu.region"() ({
      %run_scoped3A_2092 = tpu.sem_alloc : memref<!tpu.dma_semaphore, #tpu.memory_space<semaphore_mem>>
      %dma_start3A_2093 = arith.constant 0 : i32
      %dma_start3A_2094 = tpu.memref_slice %arg13[%run_scoped3A_2085, %dma_start3A_2093] : memref<4x128xf32, #tpu.memory_space<vmem>> -> memref<1x128xf32, #tpu.memory_space<vmem>>
      %dma_start3A_2095 = tpu.memref_squeeze %dma_start3A_2094 : memref<1x128xf32, #tpu.memory_space<vmem>> -> memref<128xf32, #tpu.memory_space<vmem>>
      %dma_start3A_2096 = arith.constant 0 : i32
      %dma_start3A_2097 = tpu.memref_slice %arg6[%select_n3A, %run_scoped3A_2086, %sub3A_19, %dma_start3A_2096] : memref<4x8x8x128xf32, #tpu.memory_space<hbm>> -> memref<1x1x1x128xf32, #tpu.memory_space<hbm>>
      %dma_start3A_2098 = tpu.memref_squeeze %dma_start3A_2097 : memref<1x1x1x128xf32, #tpu.memory_space<hbm>> -> memref<128xf32, #tpu.memory_space<hbm>>
      %dma_start3A_2099 = arith.constant 0 : i32
      %dma_start3A_2100 = tpu.memref_slice %arg6[%select_n3A, %run_scoped3A_2086, %sub3A_19, %dma_start3A_2099] : memref<4x8x8x128xf32, #tpu.memory_space<hbm>> -> memref<1x1x1x128xf32, #tpu.memory_space<hbm>>
      %dma_start3A_2101 = tpu.memref_squeeze %dma_start3A_2100 : memref<1x1x1x128xf32, #tpu.memory_space<hbm>> -> memref<128xf32, #tpu.memory_space<hbm>>
      %dma_start3A_2102 = arith.constant 0 : i32
      %dma_start3A_2103 = tpu.memref_slice %arg13[%run_scoped3A_2085, %dma_start3A_2102] : memref<4x128xf32, #tpu.memory_space<vmem>> -> memref<1x128xf32, #tpu.memory_space<vmem>>
      %dma_start3A_2104 = tpu.memref_squeeze %dma_start3A_2103 : memref<1x128xf32, #tpu.memory_space<vmem>> -> memref<128xf32, #tpu.memory_space<vmem>>
      tpu.enqueue_dma source(%dma_start3A_2104 : memref<128xf32, #tpu.memory_space<vmem>>) target(%dma_start3A_2101 : memref<128xf32, #tpu.memory_space<hbm>>) target_semaphore(%run_scoped3A_2092 : memref<!tpu.dma_semaphore, #tpu.memory_space<semaphore_mem>>)
      %dma_wait3A_2105 = arith.constant 0 : i32
      %dma_wait3A_2106 = tpu.memref_slice %arg13[%run_scoped3A_2085, %dma_wait3A_2105] : memref<4x128xf32, #tpu.memory_space<vmem>> -> memref<1x128xf32, #tpu.memory_space<vmem>>
      %dma_wait3A_2107 = tpu.memref_squeeze %dma_wait3A_2106 : memref<1x128xf32, #tpu.memory_space<vmem>> -> memref<128xf32, #tpu.memory_space<vmem>>
      %dma_wait3A_2108 = arith.constant 0 : i32
      %dma_wait3A_2109 = tpu.memref_slice %arg6[%select_n3A, %run_scoped3A_2086, %sub3A_19, %dma_wait3A_2108] : memref<4x8x8x128xf32, #tpu.memory_space<hbm>> -> memref<1x1x1x128xf32, #tpu.memory_space<hbm>>
      %dma_wait3A_2110 = tpu.memref_squeeze %dma_wait3A_2109 : memref<1x1x1x128xf32, #tpu.memory_space<hbm>> -> memref<128xf32, #tpu.memory_space<hbm>>
      %dma_wait3A_2111 = arith.constant 0 : i32
      %dma_wait3A_2112 = tpu.memref_slice %arg6[%select_n3A, %run_scoped3A_2086, %sub3A_19, %dma_wait3A_2111] : memref<4x8x8x128xf32, #tpu.memory_space<hbm>> -> memref<1x1x1x128xf32, #tpu.memory_space<hbm>>
      %dma_wait3A_2113 = tpu.memref_squeeze %dma_wait3A_2112 : memref<1x1x1x128xf32, #tpu.memory_space<hbm>> -> memref<128xf32, #tpu.memory_space<hbm>>
      %dma_wait3A_2114 = arith.constant 0 : i32
      %dma_wait3A_2115 = tpu.memref_slice %arg13[%run_scoped3A_2085, %dma_wait3A_2114] : memref<4x128xf32, #tpu.memory_space<vmem>> -> memref<1x128xf32, #tpu.memory_space<vmem>>
      %dma_wait3A_2116 = tpu.memref_squeeze %dma_wait3A_2115 : memref<1x128xf32, #tpu.memory_space<vmem>> -> memref<128xf32, #tpu.memory_space<vmem>>
      tpu.wait_dma2 semaphore(%run_scoped3A_2092 : memref<!tpu.dma_semaphore, #tpu.memory_space<semaphore_mem>>) src(%dma_wait3A_2116 : memref<128xf32, #tpu.memory_space<vmem>>) dst(%dma_wait3A_2113 : memref<128xf32, #tpu.memory_space<hbm>>)
      tpu.yield
    }) : () -> ()
    %mul3A_2087 = arith.constant 4 : i32
    %mul3A_2088 = arith.muli %sub3A_19, %mul3A_2087 : i32
    %run_scoped3A_2089 = arith.constant 7 : i32
    "tpu.region"() ({
      %run_scoped3A_2092 = tpu.sem_alloc : memref<!tpu.dma_semaphore, #tpu.memory_space<semaphore_mem>>
      %dma_start3A_2093 = arith.constant 0 : i32
      %dma_start3A_2094 = tpu.memref_slice %arg5[%select_n3A, %run_scoped3A_2089, %mul3A_2088, %dma_start3A_2093] : memref<4x8x32x128xf32, #tpu.memory_space<hbm>> -> memref<1x1x4x128xf32, #tpu.memory_space<hbm>>
      %dma_start3A_2095 = tpu.memref_squeeze %dma_start3A_2094 : memref<1x1x4x128xf32, #tpu.memory_space<hbm>> -> memref<4x128xf32, #tpu.memory_space<hbm>>
      %dma_start3A_2096 = arith.constant 0 : i32
      %dma_start3A_2097 = tpu.memref_slice %arg5[%select_n3A, %run_scoped3A_2089, %mul3A_2088, %dma_start3A_2096] : memref<4x8x32x128xf32, #tpu.memory_space<hbm>> -> memref<1x1x4x128xf32, #tpu.memory_space<hbm>>
      %dma_start3A_2098 = tpu.memref_squeeze %dma_start3A_2097 : memref<1x1x4x128xf32, #tpu.memory_space<hbm>> -> memref<4x128xf32, #tpu.memory_space<hbm>>
      tpu.enqueue_dma source(%arg13 : memref<4x128xf32, #tpu.memory_space<vmem>>) target(%dma_start3A_2098 : memref<4x128xf32, #tpu.memory_space<hbm>>) target_semaphore(%run_scoped3A_2092 : memref<!tpu.dma_semaphore, #tpu.memory_space<semaphore_mem>>)
      %dma_wait3A_2099 = arith.constant 0 : i32
      %dma_wait3A_2100 = tpu.memref_slice %arg5[%select_n3A, %run_scoped3A_2089, %mul3A_2088, %dma_wait3A_2099] : memref<4x8x32x128xf32, #tpu.memory_space<hbm>> -> memref<1x1x4x128xf32, #tpu.memory_space<hbm>>
      %dma_wait3A_2101 = tpu.memref_squeeze %dma_wait3A_2100 : memref<1x1x4x128xf32, #tpu.memory_space<hbm>> -> memref<4x128xf32, #tpu.memory_space<hbm>>
      %dma_wait3A_2102 = arith.constant 0 : i32
      %dma_wait3A_2103 = tpu.memref_slice %arg5[%select_n3A, %run_scoped3A_2089, %mul3A_2088, %dma_wait3A_2102] : memref<4x8x32x128xf32, #tpu.memory_space<hbm>> -> memref<1x1x4x128xf32, #tpu.memory_space<hbm>>
      %dma_wait3A_2104 = tpu.memref_squeeze %dma_wait3A_2103 : memref<1x1x4x128xf32, #tpu.memory_space<hbm>> -> memref<4x128xf32, #tpu.memory_space<hbm>>
      tpu.wait_dma2 semaphore(%run_scoped3A_2092 : memref<!tpu.dma_semaphore, #tpu.memory_space<semaphore_mem>>) src(%arg13 : memref<4x128xf32, #tpu.memory_space<vmem>>) dst(%dma_wait3A_2104 : memref<4x128xf32, #tpu.memory_space<hbm>>)
      tpu.yield
    }) : () -> ()
    %run_scoped3A_2090 = arith.constant 0 : i32
    %run_scoped3A_2091 = arith.constant 7 : i32
    "tpu.region"() ({
      %run_scoped3A_2092 = tpu.sem_alloc : memref<!tpu.dma_semaphore, #tpu.memory_space<semaphore_mem>>
      %dma_start3A_2093 = arith.constant 0 : i32
      %dma_start3A_2094 = tpu.memref_slice %arg13[%run_scoped3A_2090, %dma_start3A_2093] : memref<4x128xf32, #tpu.memory_space<vmem>> -> memref<1x128xf32, #tpu.memory_space<vmem>>
      %dma_start3A_2095 = tpu.memref_squeeze %dma_start3A_2094 : memref<1x128xf32, #tpu.memory_space<vmem>> -> memref<128xf32, #tpu.memory_space<vmem>>
      %dma_start3A_2096 = arith.constant 0 : i32
      %dma_start3A_2097 = tpu.memref_slice %arg6[%select_n3A, %run_scoped3A_2091, %sub3A_19, %dma_start3A_2096] : memref<4x8x8x128xf32, #tpu.memory_space<hbm>> -> memref<1x1x1x128xf32, #tpu.memory_space<hbm>>
      %dma_start3A_2098 = tpu.memref_squeeze %dma_start3A_2097 : memref<1x1x1x128xf32, #tpu.memory_space<hbm>> -> memref<128xf32, #tpu.memory_space<hbm>>
      %dma_start3A_2099 = arith.constant 0 : i32
      %dma_start3A_2100 = tpu.memref_slice %arg6[%select_n3A, %run_scoped3A_2091, %sub3A_19, %dma_start3A_2099] : memref<4x8x8x128xf32, #tpu.memory_space<hbm>> -> memref<1x1x1x128xf32, #tpu.memory_space<hbm>>
      %dma_start3A_2101 = tpu.memref_squeeze %dma_start3A_2100 : memref<1x1x1x128xf32, #tpu.memory_space<hbm>> -> memref<128xf32, #tpu.memory_space<hbm>>
      %dma_start3A_2102 = arith.constant 0 : i32
      %dma_start3A_2103 = tpu.memref_slice %arg13[%run_scoped3A_2090, %dma_start3A_2102] : memref<4x128xf32, #tpu.memory_space<vmem>> -> memref<1x128xf32, #tpu.memory_space<vmem>>
      %dma_start3A_2104 = tpu.memref_squeeze %dma_start3A_2103 : memref<1x128xf32, #tpu.memory_space<vmem>> -> memref<128xf32, #tpu.memory_space<vmem>>
      tpu.enqueue_dma source(%dma_start3A_2104 : memref<128xf32, #tpu.memory_space<vmem>>) target(%dma_start3A_2101 : memref<128xf32, #tpu.memory_space<hbm>>) target_semaphore(%run_scoped3A_2092 : memref<!tpu.dma_semaphore, #tpu.memory_space<semaphore_mem>>)
      %dma_wait3A_2105 = arith.constant 0 : i32
      %dma_wait3A_2106 = tpu.memref_slice %arg13[%run_scoped3A_2090, %dma_wait3A_2105] : memref<4x128xf32, #tpu.memory_space<vmem>> -> memref<1x128xf32, #tpu.memory_space<vmem>>
      %dma_wait3A_2107 = tpu.memref_squeeze %dma_wait3A_2106 : memref<1x128xf32, #tpu.memory_space<vmem>> -> memref<128xf32, #tpu.memory_space<vmem>>
      %dma_wait3A_2108 = arith.constant 0 : i32
      %dma_wait3A_2109 = tpu.memref_slice %arg6[%select_n3A, %run_scoped3A_2091, %sub3A_19, %dma_wait3A_2108] : memref<4x8x8x128xf32, #tpu.memory_space<hbm>> -> memref<1x1x1x128xf32, #tpu.memory_space<hbm>>
      %dma_wait3A_2110 = tpu.memref_squeeze %dma_wait3A_2109 : memref<1x1x1x128xf32, #tpu.memory_space<hbm>> -> memref<128xf32, #tpu.memory_space<hbm>>
      %dma_wait3A_2111 = arith.constant 0 : i32
      %dma_wait3A_2112 = tpu.memref_slice %arg6[%select_n3A, %run_scoped3A_2091, %sub3A_19, %dma_wait3A_2111] : memref<4x8x8x128xf32, #tpu.memory_space<hbm>> -> memref<1x1x1x128xf32, #tpu.memory_space<hbm>>
      %dma_wait3A_2113 = tpu.memref_squeeze %dma_wait3A_2112 : memref<1x1x1x128xf32, #tpu.memory_space<hbm>> -> memref<128xf32, #tpu.memory_space<hbm>>
      %dma_wait3A_2114 = arith.constant 0 : i32
      %dma_wait3A_2115 = tpu.memref_slice %arg13[%run_scoped3A_2090, %dma_wait3A_2114] : memref<4x128xf32, #tpu.memory_space<vmem>> -> memref<1x128xf32, #tpu.memory_space<vmem>>
      %dma_wait3A_2116 = tpu.memref_squeeze %dma_wait3A_2115 : memref<1x128xf32, #tpu.memory_space<vmem>> -> memref<128xf32, #tpu.memory_space<vmem>>
      tpu.wait_dma2 semaphore(%run_scoped3A_2092 : memref<!tpu.dma_semaphore, #tpu.memory_space<semaphore_mem>>) src(%dma_wait3A_2116 : memref<128xf32, #tpu.memory_space<vmem>>) dst(%dma_wait3A_2113 : memref<128xf32, #tpu.memory_space<hbm>>)
      tpu.yield
    }) : () -> ()
    return
  }
}

module attributes {stable_mosaic.version = 14 : i64} {
  func.func @_tc_main_body(%arg0: i32, %arg1: i32, %arg2: i32, %arg3: memref<1x8x1024xf32, #tpu.memory_space<vmem>>, %arg4: memref<1x8x1024xf32, #tpu.memory_space<vmem>>, %arg5: memref<1x128x1024xf32, #tpu.memory_space<vmem>>, %arg6: memref<1x256x1024xf32, #tpu.memory_space<vmem>>, %arg7: memref<128x384xf32, #tpu.memory_space<vmem>>, %arg8: memref<128xf32, #tpu.memory_space<vmem>>, %arg9: memref<128xf32, #tpu.memory_space<vmem>>, %arg10: memref<1x128x1024xf32, #tpu.memory_space<vmem>>, %arg11: memref<128x1024xf32, #tpu.memory_space<vmem>>, %arg12: memref<1024x8xf32, #tpu.memory_space<vmem>>, %arg13: memref<1024x1xf32, #tpu.memory_space<vmem>>, %arg14: memref<4x4x128x1024xf32, #tpu.memory_space<vmem>>, %arg15: memref<128x2xf32, #tpu.memory_space<vmem>>) attributes {dimension_semantics = [#tpu.dimension_semantics<arbitrary>, #tpu.dimension_semantics<arbitrary>, #tpu.dimension_semantics<arbitrary>], iteration_bounds = array<i64: 2, 4, 4>, scalar_prefetch = 0 : i64, scratch_operands = 5 : i64, tpu.core_type = #tpu.core_type<tc>, window_params = [{transform_indices = @transform_0, window_bounds = array<i64: 1, 8, 1024>}, {transform_indices = @transform_1, window_bounds = array<i64: 1, 8, 1024>}, {transform_indices = @transform_2, window_bounds = array<i64: 1, 128, 1024>}, {transform_indices = @transform_3, window_bounds = array<i64: 1, 256, 1024>}, {pipeline_mode = #tpu.pipeline_mode<synchronous>, transform_indices = @transform_4, window_bounds = array<i64: 128, 384>}, {pipeline_mode = #tpu.pipeline_mode<synchronous>, transform_indices = @transform_5, window_bounds = array<i64: 128>}, {pipeline_mode = #tpu.pipeline_mode<synchronous>, transform_indices = @transform_6, window_bounds = array<i64: 128>}, {transform_indices = @transform_7, window_bounds = array<i64: 1, 128, 1024>}]} {
    %eq3A = arith.constant 0 : i32
    %eq3A_0 = arith.cmpi eq, %arg1, %eq3A : i32
    %eq3A_1 = arith.constant 0 : i32
    %eq3A_2 = arith.cmpi eq, %arg2, %eq3A_1 : i32
    %and3A = arith.andi %eq3A_0, %eq3A_2 : i1
    %eq3A_3 = arith.constant 0 : i32
    %eq3A_4 = arith.cmpi eq, %arg0, %eq3A_3 : i32
    %eq3A_5 = arith.constant 0 : i32
    %eq3A_6 = arith.cmpi eq, %arg2, %eq3A_5 : i32
    %and3A_7 = arith.andi %eq3A_4, %eq3A_6 : i1
    %convert_element_type3A = arith.extui %and3A_7 : i1 to i32
    %cond3A = arith.constant 0 : i32
    %cond3A_8 = arith.cmpi ne, %convert_element_type3A, %cond3A : i32
    scf.if %cond3A_8 {
      %get3A = arith.constant 0 : index
      %get3A_19 = arith.constant 128 : index
      %get3A_20 = vector.load %arg7[%get3A, %get3A_19] : memref<128x384xf32, #tpu.memory_space<vmem>>, vector<128x256xf32>
      %get3A_21 = arith.constant 0 : index
      %get3A_22 = arith.constant 0 : index
      %get3A_23 = arith.constant 0 : index
      %get3A_24 = vector.load %arg6[%get3A_21, %get3A_22, %get3A_23] : memref<1x256x1024xf32, #tpu.memory_space<vmem>>, vector<1x256x1024xf32>
      %get3A_25 = vector.shape_cast %get3A_24 : vector<1x256x1024xf32> to vector<256x1024xf32>
      %dot_general3A = arith.constant dense<0.000000e+00> : vector<128x1024xf32>
      %dot_general3A_26 = tpu.matmul %get3A_20, %get3A_25, %dot_general3A {dimension_numbers = #tpu.dot_dimension_numbers<[1], [0], [0], [1], [0, 0, 1, 1], [], []>, precision = #tpu.contract_precision<fp32>, transpose_lhs_hint = false} : vector<128x256xf32>, vector<256x1024xf32>, vector<128x1024xf32> -> vector<128x1024xf32>
      %swap3A = arith.constant 0 : index
      %swap3A_27 = arith.constant 0 : index
      %swap3A_28 = vector.load %arg11[%swap3A, %swap3A_27] : memref<128x1024xf32, #tpu.memory_space<vmem>>, vector<128x1024xf32>
      tpu.vector_store %arg11[%swap3A, %swap3A_27], %dot_general3A_26 {strides = array<i32>} : memref<128x1024xf32, #tpu.memory_space<vmem>>, vector<128x1024xf32>,
      %get3A_29 = arith.constant 0 : index
      %get3A_30 = arith.constant 0 : index
      %get3A_31 = arith.constant 0 : index
      %get3A_32 = vector.load %arg4[%get3A_29, %get3A_30, %get3A_31] : memref<1x8x1024xf32, #tpu.memory_space<vmem>>, vector<1x8x1024xf32>
      %get3A_33 = vector.shape_cast %get3A_32 : vector<1x8x1024xf32> to vector<8x1024xf32>
      %transpose3A = tpu.transpose %get3A_33, [1, 0] : vector<8x1024xf32> -> vector<1024x8xf32>
      %swap3A_34 = arith.constant 0 : index
      %swap3A_35 = arith.constant 0 : index
      %swap3A_36 = vector.load %arg12[%swap3A_34, %swap3A_35] : memref<1024x8xf32, #tpu.memory_space<vmem>>, vector<1024x8xf32>
      tpu.vector_store %arg12[%swap3A_34, %swap3A_35], %transpose3A {strides = array<i32>} : memref<1024x8xf32, #tpu.memory_space<vmem>>, vector<1024x8xf32>,
      %mul3A = arith.mulf %transpose3A, %transpose3A : vector<1024x8xf32>
      %reduce_sum3A = arith.constant dense<0.000000e+00> : vector<1024xf32>
      %reduce_sum3A_37 = vector.multi_reduction <add>, %mul3A, %reduce_sum3A [1] : vector<1024x8xf32> to vector<1024xf32>
      %broadcast_in_dim3A = vector.shape_cast %reduce_sum3A_37 : vector<1024xf32> to vector<1024x1xf32>
      %swap3A_38 = arith.constant 0 : index
      %swap3A_39 = arith.constant 0 : index
      %swap3A_40 = vector.load %arg13[%swap3A_38, %swap3A_39] : memref<1024x1xf32, #tpu.memory_space<vmem>>, vector<1024x1xf32>
      tpu.vector_store %arg13[%swap3A_38, %swap3A_39], %broadcast_in_dim3A {strides = array<i32>} : memref<1024x1xf32, #tpu.memory_space<vmem>>, vector<1024x1xf32>,
    } else {
    }
    %eq3A_9 = arith.constant 0 : i32
    %eq3A_10 = arith.cmpi eq, %arg0, %eq3A_9 : i32
    %convert_element_type3A_11 = arith.extui %eq3A_10 : i1 to i32
    %cond3A_12 = arith.constant 0 : i32
    %cond3A_13 = arith.cmpi ne, %convert_element_type3A_11, %cond3A_12 : i32
    scf.if %cond3A_13 {
      %get3A = arith.constant 0 : index
      %get3A_19 = arith.constant 0 : index
      %get3A_20 = arith.constant 0 : index
      %get3A_21 = vector.load %arg3[%get3A, %get3A_19, %get3A_20] : memref<1x8x1024xf32, #tpu.memory_space<vmem>>, vector<1x8x1024xf32>
      %get3A_22 = vector.shape_cast %get3A_21 : vector<1x8x1024xf32> to vector<8x1024xf32>
      %mul3A = arith.mulf %get3A_22, %get3A_22 : vector<8x1024xf32>
      %reduce_sum3A = arith.constant dense<0.000000e+00> : vector<1024xf32>
      %reduce_sum3A_23 = vector.multi_reduction <add>, %mul3A, %reduce_sum3A [0] : vector<8x1024xf32> to vector<1024xf32>
      %broadcast_in_dim3A = vector.shape_cast %reduce_sum3A_23 : vector<1024xf32> to vector<1x1024xf32>
      %get3A_24 = arith.constant 0 : index
      %get3A_25 = arith.constant 0 : index
      %get3A_26 = vector.load %arg13[%get3A_24, %get3A_25] : memref<1024x1xf32, #tpu.memory_space<vmem>>, vector<1024x1xf32>
      %get3A_27 = arith.constant 0 : index
      %get3A_28 = arith.constant 0 : index
      %get3A_29 = vector.load %arg12[%get3A_27, %get3A_28] : memref<1024x8xf32, #tpu.memory_space<vmem>>, vector<1024x8xf32>
      %convert_element_type3A_30 = arith.truncf %get3A_29 : vector<1024x8xf32> to vector<1024x8xbf16>
      %convert_element_type3A_31 = arith.truncf %get3A_22 : vector<8x1024xf32> to vector<8x1024xbf16>
      %dot_general3A = arith.constant dense<0.000000e+00> : vector<1024x1024xf32>
      %dot_general3A_32 = tpu.matmul %convert_element_type3A_30, %convert_element_type3A_31, %dot_general3A {dimension_numbers = #tpu.dot_dimension_numbers<[1], [0], [0], [1], [0, 0, 1, 1], [], []>, transpose_lhs_hint = false} : vector<1024x8xbf16>, vector<8x1024xbf16>, vector<1024x1024xf32> -> vector<1024x1024xf32>
      %add3A = vector.broadcast %get3A_26 : vector<1024x1xf32> to vector<1024x1024xf32>
      %add3A_33 = vector.broadcast %broadcast_in_dim3A : vector<1x1024xf32> to vector<1024x1024xf32>
      %add3A_34 = arith.addf %add3A, %add3A_33 : vector<1024x1024xf32>
      %mul3A_35 = arith.constant 2.000000e+00 : f32
      %mul3A_36 = vector.broadcast %mul3A_35 : f32 to vector<1024x1024xf32>
      %mul3A_37 = arith.mulf %mul3A_36, %dot_general3A_32 : vector<1024x1024xf32>
      %sub3A = arith.subf %add3A_34, %mul3A_37 : vector<1024x1024xf32>
      %max3A = arith.constant 0.000000e+00 : f32
      %max3A_38 = vector.broadcast %max3A : f32 to vector<1024x1024xf32>
      %max3A_39 = arith.maximumf %sub3A, %max3A_38 : vector<1024x1024xf32>
      %iota3A = tpu.iota {dimensions = array<i32: 0>} : vector<1024x1024xi32>
      %reduce_min3A = arith.constant dense<0x7F800000> : vector<1024xf32>
      %reduce_min3A_40 = vector.multi_reduction <minimumf>, %max3A_39, %reduce_min3A [0] : vector<1024x1024xf32> to vector<1024xf32>
      %broadcast_in_dim3A_41 = vector.shape_cast %reduce_min3A_40 : vector<1024xf32> to vector<1x1024xf32>
      %eq3A_42 = vector.broadcast %broadcast_in_dim3A_41 : vector<1x1024xf32> to vector<1024x1024xf32>
      %eq3A_43 = arith.cmpf oeq, %max3A_39, %eq3A_42 : vector<1024x1024xf32>
      %jit3A = arith.constant 1024 : i32
      %broadcast_in_dim3A_44 = vector.broadcast %jit3A : i32 to vector<1024x1024xi32>
      %select_n3A = arith.select %eq3A_43, %iota3A, %broadcast_in_dim3A_44 : vector<1024x1024xi1>, vector<1024x1024xi32>
      %reduce_min3A_45 = arith.constant dense<2147483647> : vector<1024xi32>
      %reduce_min3A_46 = vector.multi_reduction <minsi>, %select_n3A, %reduce_min3A_45 [0] : vector<1024x1024xi32> to vector<1024xi32>
      %broadcast_in_dim3A_47 = vector.shape_cast %reduce_min3A_46 : vector<1024xi32> to vector<1x1024xi32>
      %eq3A_48 = vector.broadcast %broadcast_in_dim3A_47 : vector<1x1024xi32> to vector<1024x1024xi32>
      %eq3A_49 = arith.cmpi eq, %iota3A, %eq3A_48 : vector<1024x1024xi32>
      %jit3A_50 = arith.constant 0x7F800000 : f32
      %broadcast_in_dim3A_51 = vector.broadcast %jit3A_50 : f32 to vector<1024x1024xf32>
      %select_n3A_52 = arith.select %eq3A_49, %broadcast_in_dim3A_51, %max3A_39 : vector<1024x1024xi1>, vector<1024x1024xf32>
      %reduce_min3A_53 = arith.constant dense<0x7F800000> : vector<1024xf32>
      %reduce_min3A_54 = vector.multi_reduction <minimumf>, %select_n3A_52, %reduce_min3A_53 [0] : vector<1024x1024xf32> to vector<1024xf32>
      %broadcast_in_dim3A_55 = vector.shape_cast %reduce_min3A_54 : vector<1024xf32> to vector<1x1024xf32>
      %eq3A_56 = vector.broadcast %broadcast_in_dim3A_55 : vector<1x1024xf32> to vector<1024x1024xf32>
      %eq3A_57 = arith.cmpf oeq, %select_n3A_52, %eq3A_56 : vector<1024x1024xf32>
      %jit3A_58 = arith.constant 1024 : i32
      %broadcast_in_dim3A_59 = vector.broadcast %jit3A_58 : i32 to vector<1024x1024xi32>
      %select_n3A_60 = arith.select %eq3A_57, %iota3A, %broadcast_in_dim3A_59 : vector<1024x1024xi1>, vector<1024x1024xi32>
      %reduce_min3A_61 = arith.constant dense<2147483647> : vector<1024xi32>
      %reduce_min3A_62 = vector.multi_reduction <minsi>, %select_n3A_60, %reduce_min3A_61 [0] : vector<1024x1024xi32> to vector<1024xi32>
      %broadcast_in_dim3A_63 = vector.shape_cast %reduce_min3A_62 : vector<1024xi32> to vector<1x1024xi32>
      %eq3A_64 = vector.broadcast %broadcast_in_dim3A_63 : vector<1x1024xi32> to vector<1024x1024xi32>
      %eq3A_65 = arith.cmpi eq, %iota3A, %eq3A_64 : vector<1024x1024xi32>
      %jit3A_66 = arith.constant 0x7F800000 : f32
      %broadcast_in_dim3A_67 = vector.broadcast %jit3A_66 : f32 to vector<1024x1024xf32>
      %select_n3A_68 = arith.select %eq3A_65, %broadcast_in_dim3A_67, %select_n3A_52 : vector<1024x1024xi1>, vector<1024x1024xf32>
      %reduce_min3A_69 = arith.constant dense<0x7F800000> : vector<1024xf32>
      %reduce_min3A_70 = vector.multi_reduction <minimumf>, %select_n3A_68, %reduce_min3A_69 [0] : vector<1024x1024xf32> to vector<1024xf32>
      %broadcast_in_dim3A_71 = vector.shape_cast %reduce_min3A_70 : vector<1024xf32> to vector<1x1024xf32>
      %eq3A_72 = vector.broadcast %broadcast_in_dim3A_71 : vector<1x1024xf32> to vector<1024x1024xf32>
      %eq3A_73 = arith.cmpf oeq, %select_n3A_68, %eq3A_72 : vector<1024x1024xf32>
      %jit3A_74 = arith.constant 1024 : i32
      %broadcast_in_dim3A_75 = vector.broadcast %jit3A_74 : i32 to vector<1024x1024xi32>
      %select_n3A_76 = arith.select %eq3A_73, %iota3A, %broadcast_in_dim3A_75 : vector<1024x1024xi1>, vector<1024x1024xi32>
      %reduce_min3A_77 = arith.constant dense<2147483647> : vector<1024xi32>
      %reduce_min3A_78 = vector.multi_reduction <minsi>, %select_n3A_76, %reduce_min3A_77 [0] : vector<1024x1024xi32> to vector<1024xi32>
      %broadcast_in_dim3A_79 = vector.shape_cast %reduce_min3A_78 : vector<1024xi32> to vector<1x1024xi32>
      %eq3A_80 = vector.broadcast %broadcast_in_dim3A_79 : vector<1x1024xi32> to vector<1024x1024xi32>
      %eq3A_81 = arith.cmpi eq, %iota3A, %eq3A_80 : vector<1024x1024xi32>
      %add3A_82 = arith.constant 9.99999993E-9 : f32
      %add3A_83 = vector.broadcast %add3A_82 : f32 to vector<1x1024xf32>
      %add3A_84 = arith.addf %broadcast_in_dim3A_41, %add3A_83 : vector<1x1024xf32>
      %div3A = arith.constant 1.000000e+00 : f32
      %div3A_85 = vector.broadcast %div3A : f32 to vector<1x1024xf32>
      %div3A_86 = arith.divf %div3A_85, %add3A_84 : vector<1x1024xf32>
      %add3A_87 = arith.constant 9.99999993E-9 : f32
      %add3A_88 = vector.broadcast %add3A_87 : f32 to vector<1x1024xf32>
      %add3A_89 = arith.addf %broadcast_in_dim3A_55, %add3A_88 : vector<1x1024xf32>
      %div3A_90 = arith.constant 1.000000e+00 : f32
      %div3A_91 = vector.broadcast %div3A_90 : f32 to vector<1x1024xf32>
      %div3A_92 = arith.divf %div3A_91, %add3A_89 : vector<1x1024xf32>
      %add3A_93 = arith.constant 9.99999993E-9 : f32
      %add3A_94 = vector.broadcast %add3A_93 : f32 to vector<1x1024xf32>
      %add3A_95 = arith.addf %broadcast_in_dim3A_71, %add3A_94 : vector<1x1024xf32>
      %div3A_96 = arith.constant 1.000000e+00 : f32
      %div3A_97 = vector.broadcast %div3A_96 : f32 to vector<1x1024xf32>
      %div3A_98 = arith.divf %div3A_97, %add3A_95 : vector<1x1024xf32>
      %add3A_99 = arith.addf %div3A_86, %div3A_92 : vector<1x1024xf32>
      %add3A_100 = arith.addf %add3A_99, %div3A_98 : vector<1x1024xf32>
      %div3A_101 = arith.divf %div3A_86, %add3A_100 : vector<1x1024xf32>
      %div3A_102 = arith.divf %div3A_92, %add3A_100 : vector<1x1024xf32>
      %div3A_103 = arith.divf %div3A_98, %add3A_100 : vector<1x1024xf32>
      %jit3A_104 = arith.constant 0.000000e+00 : f32
      %broadcast_in_dim3A_105 = vector.shape_cast %div3A_101 : vector<1x1024xf32> to vector<1x1024xf32>
      %broadcast_in_dim3A_106 = vector.broadcast %broadcast_in_dim3A_105 : vector<1x1024xf32> to vector<1024x1024xf32>
      %broadcast_in_dim3A_107 = vector.broadcast %jit3A_104 : f32 to vector<1024x1024xf32>
      %select_n3A_108 = arith.select %eq3A_49, %broadcast_in_dim3A_106, %broadcast_in_dim3A_107 : vector<1024x1024xi1>, vector<1024x1024xf32>
      %jit3A_109 = arith.constant 0.000000e+00 : f32
      %broadcast_in_dim3A_110 = vector.shape_cast %div3A_102 : vector<1x1024xf32> to vector<1x1024xf32>
      %broadcast_in_dim3A_111 = vector.broadcast %broadcast_in_dim3A_110 : vector<1x1024xf32> to vector<1024x1024xf32>
      %broadcast_in_dim3A_112 = vector.broadcast %jit3A_109 : f32 to vector<1024x1024xf32>
      %select_n3A_113 = arith.select %eq3A_65, %broadcast_in_dim3A_111, %broadcast_in_dim3A_112 : vector<1024x1024xi1>, vector<1024x1024xf32>
      %add3A_114 = arith.addf %select_n3A_108, %select_n3A_113 : vector<1024x1024xf32>
      %jit3A_115 = arith.constant 0.000000e+00 : f32
      %broadcast_in_dim3A_116 = vector.shape_cast %div3A_103 : vector<1x1024xf32> to vector<1x1024xf32>
      %broadcast_in_dim3A_117 = vector.broadcast %broadcast_in_dim3A_116 : vector<1x1024xf32> to vector<1024x1024xf32>
      %broadcast_in_dim3A_118 = vector.broadcast %jit3A_115 : f32 to vector<1024x1024xf32>
      %select_n3A_119 = arith.select %eq3A_81, %broadcast_in_dim3A_117, %broadcast_in_dim3A_118 : vector<1024x1024xi1>, vector<1024x1024xf32>
      %add3A_120 = arith.addf %add3A_114, %select_n3A_119 : vector<1024x1024xf32>
      %get3A_121 = arith.constant 0 : index
      %get3A_122 = arith.constant 0 : index
      %get3A_123 = vector.load %arg7[%get3A_121, %get3A_122] : memref<128x384xf32, #tpu.memory_space<vmem>>, vector<128x128xf32>
      %convert_element_type3A_124 = arith.truncf %get3A_123 : vector<128x128xf32> to vector<128x128xbf16>
      %get3A_125 = arith.constant 0 : index
      %get3A_126 = arith.constant 0 : index
      %get3A_127 = arith.constant 0 : index
      %get3A_128 = vector.load %arg5[%get3A_125, %get3A_126, %get3A_127] : memref<1x128x1024xf32, #tpu.memory_space<vmem>>, vector<1x128x1024xf32>
      %get3A_129 = vector.shape_cast %get3A_128 : vector<1x128x1024xf32> to vector<128x1024xf32>
      %convert_element_type3A_130 = arith.truncf %get3A_129 : vector<128x1024xf32> to vector<128x1024xbf16>
      %dot_general3A_131 = arith.constant dense<0.000000e+00> : vector<128x1024xf32>
      %dot_general3A_132 = tpu.matmul %convert_element_type3A_124, %convert_element_type3A_130, %dot_general3A_131 {dimension_numbers = #tpu.dot_dimension_numbers<[1], [0], [0], [1], [0, 0, 1, 1], [], []>, transpose_lhs_hint = false} : vector<128x128xbf16>, vector<128x1024xbf16>, vector<128x1024xf32> -> vector<128x1024xf32>
      %get3A_133 = arith.constant 0 : index
      %get3A_134 = arith.constant 0 : index
      %get3A_135 = vector.load %arg11[%get3A_133, %get3A_134] : memref<128x1024xf32, #tpu.memory_space<vmem>>, vector<128x1024xf32>
      %convert_element_type3A_136 = arith.truncf %get3A_135 : vector<128x1024xf32> to vector<128x1024xbf16>
      %convert_element_type3A_137 = arith.truncf %add3A_120 : vector<1024x1024xf32> to vector<1024x1024xbf16>
      %dot_general3A_138 = arith.constant dense<0.000000e+00> : vector<128x1024xf32>
      %dot_general3A_139 = tpu.matmul %convert_element_type3A_136, %convert_element_type3A_137, %dot_general3A_138 {dimension_numbers = #tpu.dot_dimension_numbers<[1], [0], [0], [1], [0, 0, 1, 1], [], []>, transpose_lhs_hint = false} : vector<128x1024xbf16>, vector<1024x1024xbf16>, vector<128x1024xf32> -> vector<128x1024xf32>
      %add3A_140 = arith.addf %dot_general3A_132, %dot_general3A_139 : vector<128x1024xf32>
      %swap3A = arith.index_cast %arg1 : i32 to index
      %swap3A_141 = arith.index_cast %arg2 : i32 to index
      %swap3A_142 = arith.constant 0 : index
      %swap3A_143 = arith.constant 0 : index
      %swap3A_144 = vector.load %arg14[%swap3A, %swap3A_141, %swap3A_142, %swap3A_143] : memref<4x4x128x1024xf32, #tpu.memory_space<vmem>>, vector<1x1x128x1024xf32>
      %swap3A_145 = vector.shape_cast %swap3A_144 : vector<1x1x128x1024xf32> to vector<128x1024xf32>
      %swap3A_146 = vector.shape_cast %add3A_140 : vector<128x1024xf32> to vector<1x1x128x1024xf32>
      tpu.vector_store %arg14[%swap3A, %swap3A_141, %swap3A_142, %swap3A_143], %swap3A_146 {strides = array<i32>} : memref<4x4x128x1024xf32, #tpu.memory_space<vmem>>, vector<1x1x128x1024xf32>,
      %reduce_sum3A_147 = arith.constant dense<0.000000e+00> : vector<128xf32>
      %reduce_sum3A_148 = vector.multi_reduction <add>, %add3A_140, %reduce_sum3A_147 [1] : vector<128x1024xf32> to vector<128xf32>
      %broadcast_in_dim3A_149 = vector.shape_cast %reduce_sum3A_148 : vector<128xf32> to vector<128x1xf32>
      %mul3A_150 = arith.mulf %add3A_140, %add3A_140 : vector<128x1024xf32>
      %reduce_sum3A_151 = arith.constant dense<0.000000e+00> : vector<128xf32>
      %reduce_sum3A_152 = vector.multi_reduction <add>, %mul3A_150, %reduce_sum3A_151 [1] : vector<128x1024xf32> to vector<128xf32>
      %broadcast_in_dim3A_153 = vector.shape_cast %reduce_sum3A_152 : vector<128xf32> to vector<128x1xf32>
      %concatenate3A = tpu.concatenate %broadcast_in_dim3A_149, %broadcast_in_dim3A_153 in 1 : vector<128x1xf32>, vector<128x1xf32> -> vector<128x2xf32>
      %convert_element_type3A_154 = arith.extui %and3A : i1 to i32
      %cond3A_155 = arith.constant 0 : i32
      %cond3A_156 = arith.cmpi ne, %convert_element_type3A_154, %cond3A_155 : i32
      scf.if %cond3A_156 {
        %swap3A_161 = arith.constant 0 : index
        %swap3A_162 = arith.constant 0 : index
        %swap3A_163 = vector.load %arg15[%swap3A_161, %swap3A_162] : memref<128x2xf32, #tpu.memory_space<vmem>>, vector<128x2xf32>
        tpu.vector_store %arg15[%swap3A_161, %swap3A_162], %concatenate3A {strides = array<i32>} : memref<128x2xf32, #tpu.memory_space<vmem>>, vector<128x2xf32>,
      } else {
      }
      %not3A = arith.constant true
      %not3A_157 = arith.xori %and3A, %not3A : i1
      %convert_element_type3A_158 = arith.extui %not3A_157 : i1 to i32
      %cond3A_159 = arith.constant 0 : i32
      %cond3A_160 = arith.cmpi ne, %convert_element_type3A_158, %cond3A_159 : i32
      scf.if %cond3A_160 {
        %get3A_161 = arith.constant 0 : index
        %get3A_162 = arith.constant 0 : index
        %get3A_163 = vector.load %arg15[%get3A_161, %get3A_162] : memref<128x2xf32, #tpu.memory_space<vmem>>, vector<128x2xf32>
        %add3A_164 = arith.addf %get3A_163, %concatenate3A : vector<128x2xf32>
        %swap3A_165 = arith.constant 0 : index
        %swap3A_166 = arith.constant 0 : index
        %swap3A_167 = vector.load %arg15[%swap3A_165, %swap3A_166] : memref<128x2xf32, #tpu.memory_space<vmem>>, vector<128x2xf32>
        tpu.vector_store %arg15[%swap3A_165, %swap3A_166], %add3A_164 {strides = array<i32>} : memref<128x2xf32, #tpu.memory_space<vmem>>, vector<128x2xf32>,
      } else {
      }
    } else {
    }
    %eq3A_14 = arith.constant 1 : i32
    %eq3A_15 = arith.cmpi eq, %arg0, %eq3A_14 : i32
    %convert_element_type3A_16 = arith.extui %eq3A_15 : i1 to i32
    %cond3A_17 = arith.constant 0 : i32
    %cond3A_18 = arith.cmpi ne, %convert_element_type3A_16, %cond3A_17 : i32
    scf.if %cond3A_18 {
      %get3A = arith.constant 0 : index
      %get3A_19 = arith.constant 0 : index
      %get3A_20 = vector.load %arg15[%get3A, %get3A_19] : memref<128x2xf32, #tpu.memory_space<vmem>>, vector<128x2xf32>
      %slice3A = vector.extract_strided_slice %get3A_20 {offsets = [0, 0], sizes = [128, 1], strides = [1, 1]} : vector<128x2xf32> to vector<128x1xf32>
      %div3A = arith.constant 1.638400e+04 : f32
      %div3A_21 = vector.broadcast %div3A : f32 to vector<128x1xf32>
      %div3A_22 = arith.divf %slice3A, %div3A_21 : vector<128x1xf32>
      %slice3A_23 = vector.extract_strided_slice %get3A_20 {offsets = [0, 1], sizes = [128, 1], strides = [1, 1]} : vector<128x2xf32> to vector<128x1xf32>
      %div3A_24 = arith.constant 1.638400e+04 : f32
      %div3A_25 = vector.broadcast %div3A_24 : f32 to vector<128x1xf32>
      %div3A_26 = arith.divf %slice3A_23, %div3A_25 : vector<128x1xf32>
      %mul3A = arith.mulf %div3A_22, %div3A_22 : vector<128x1xf32>
      %sub3A = arith.subf %div3A_26, %mul3A : vector<128x1xf32>
      %get3A_27 = arith.constant 0 : index
      %get3A_28 = vector.load %arg8[%get3A_27] : memref<128xf32, #tpu.memory_space<vmem>>, vector<128xf32>
      %reshape3A = vector.shape_cast %get3A_28 : vector<128xf32> to vector<128x1xf32>
      %get3A_29 = arith.constant 0 : index
      %get3A_30 = vector.load %arg9[%get3A_29] : memref<128xf32, #tpu.memory_space<vmem>>, vector<128xf32>
      %reshape3A_31 = vector.shape_cast %get3A_30 : vector<128xf32> to vector<128x1xf32>
      %add3A = arith.constant 9.99999974E-6 : f32
      %add3A_32 = vector.broadcast %add3A : f32 to vector<128x1xf32>
      %add3A_33 = arith.addf %sub3A, %add3A_32 : vector<128x1xf32>
      %sqrt3A = math.sqrt %add3A_33 : vector<128x1xf32>
      %div3A_34 = arith.divf %reshape3A, %sqrt3A : vector<128x1xf32>
      %mul3A_35 = arith.mulf %div3A_22, %div3A_34 : vector<128x1xf32>
      %sub3A_36 = arith.subf %reshape3A_31, %mul3A_35 : vector<128x1xf32>
      %get3A_37 = arith.index_cast %arg1 : i32 to index
      %get3A_38 = arith.index_cast %arg2 : i32 to index
      %get3A_39 = arith.constant 0 : index
      %get3A_40 = arith.constant 0 : index
      %get3A_41 = vector.load %arg14[%get3A_37, %get3A_38, %get3A_39, %get3A_40] : memref<4x4x128x1024xf32, #tpu.memory_space<vmem>>, vector<1x1x128x1024xf32>
      %get3A_42 = vector.shape_cast %get3A_41 : vector<1x1x128x1024xf32> to vector<128x1024xf32>
      %mul3A_43 = vector.broadcast %div3A_34 : vector<128x1xf32> to vector<128x1024xf32>
      %mul3A_44 = arith.mulf %get3A_42, %mul3A_43 : vector<128x1024xf32>
      %add3A_45 = vector.broadcast %sub3A_36 : vector<128x1xf32> to vector<128x1024xf32>
      %add3A_46 = arith.addf %mul3A_44, %add3A_45 : vector<128x1024xf32>
      %ge3A = arith.constant 0.000000e+00 : f32
      %ge3A_47 = vector.broadcast %ge3A : f32 to vector<128x1024xf32>
      %ge3A_48 = arith.cmpf oge, %add3A_46, %ge3A_47 : vector<128x1024xf32>
      %mul3A_49 = arith.constant 2.000000e-01 : f32
      %mul3A_50 = vector.broadcast %mul3A_49 : f32 to vector<128x1024xf32>
      %mul3A_51 = arith.mulf %mul3A_50, %add3A_46 : vector<128x1024xf32>
      %select_n3A = arith.select %ge3A_48, %add3A_46, %mul3A_51 : vector<128x1024xi1>, vector<128x1024xf32>
      %swap3A = arith.constant 0 : index
      %swap3A_52 = arith.constant 0 : index
      %swap3A_53 = arith.constant 0 : index
      %swap3A_54 = vector.load %arg10[%swap3A, %swap3A_52, %swap3A_53] : memref<1x128x1024xf32, #tpu.memory_space<vmem>>, vector<1x128x1024xf32>
      %swap3A_55 = vector.shape_cast %swap3A_54 : vector<1x128x1024xf32> to vector<128x1024xf32>
      %swap3A_56 = vector.shape_cast %select_n3A : vector<128x1024xf32> to vector<1x128x1024xf32>
      tpu.vector_store %arg10[%swap3A, %swap3A_52, %swap3A_53], %swap3A_56 {strides = array<i32>} : memref<1x128x1024xf32, #tpu.memory_space<vmem>>, vector<1x128x1024xf32>,
    } else {
    }
    return
  }
  func.func @transform_0(%arg0: i32, %arg1: i32, %arg2: i32) -> (i32, i32, i32) {
    %sub3A = arith.constant 1 : i32
    %sub3A_0 = arith.subi %sub3A, %arg0 : i32
    %mul3A = arith.muli %arg1, %sub3A_0 : i32
    %sub3A_1 = arith.constant 1 : i32
    %sub3A_2 = arith.subi %sub3A_1, %arg0 : i32
    %mul3A_3 = arith.muli %arg2, %sub3A_2 : i32
    %c0_i32 = arith.constant 0 : i32
    %c0_i32_4 = arith.constant 0 : i32
    return %mul3A, %c0_i32, %mul3A_3 : i32, i32, i32
  }
  func.func @transform_1(%arg0: i32, %arg1: i32, %arg2: i32) -> (i32, i32, i32) {
    %sub3A = arith.constant 1 : i32
    %sub3A_0 = arith.subi %sub3A, %arg0 : i32
    %mul3A = arith.muli %arg1, %sub3A_0 : i32
    %c0_i32 = arith.constant 0 : i32
    %c0_i32_1 = arith.constant 0 : i32
    %c0_i32_2 = arith.constant 0 : i32
    return %mul3A, %c0_i32, %c0_i32_1 : i32, i32, i32
  }
  func.func @transform_2(%arg0: i32, %arg1: i32, %arg2: i32) -> (i32, i32, i32) {
    %sub3A = arith.constant 1 : i32
    %sub3A_0 = arith.subi %sub3A, %arg0 : i32
    %mul3A = arith.muli %arg1, %sub3A_0 : i32
    %sub3A_1 = arith.constant 1 : i32
    %sub3A_2 = arith.subi %sub3A_1, %arg0 : i32
    %mul3A_3 = arith.muli %arg2, %sub3A_2 : i32
    %c0_i32 = arith.constant 0 : i32
    %c0_i32_4 = arith.constant 0 : i32
    return %mul3A, %c0_i32, %mul3A_3 : i32, i32, i32
  }
  func.func @transform_3(%arg0: i32, %arg1: i32, %arg2: i32) -> (i32, i32, i32) {
    %sub3A = arith.constant 1 : i32
    %sub3A_0 = arith.subi %sub3A, %arg0 : i32
    %mul3A = arith.muli %arg1, %sub3A_0 : i32
    %c0_i32 = arith.constant 0 : i32
    %c0_i32_1 = arith.constant 0 : i32
    %c0_i32_2 = arith.constant 0 : i32
    return %mul3A, %c0_i32, %c0_i32_1 : i32, i32, i32
  }
  func.func @transform_4(%arg0: i32, %arg1: i32, %arg2: i32) -> (i32, i32) {
    %c0_i32 = arith.constant 0 : i32
    %c0_i32_0 = arith.constant 0 : i32
    %c0_i32_1 = arith.constant 0 : i32
    return %c0_i32, %c0_i32_0 : i32, i32
  }
  func.func @transform_5(%arg0: i32, %arg1: i32, %arg2: i32) -> i32 {
    %c0_i32 = arith.constant 0 : i32
    %c0_i32_0 = arith.constant 0 : i32
    return %c0_i32 : i32
  }
  func.func @transform_6(%arg0: i32, %arg1: i32, %arg2: i32) -> i32 {
    %c0_i32 = arith.constant 0 : i32
    %c0_i32_0 = arith.constant 0 : i32
    return %c0_i32 : i32
  }
  func.func @transform_7(%arg0: i32, %arg1: i32, %arg2: i32) -> (i32, i32, i32) {
    %c0_i32 = arith.constant 0 : i32
    %c0_i32_0 = arith.constant 0 : i32
    return %arg1, %c0_i32, %arg2 : i32, i32, i32
  }
}

</mosaic_0001>

<sc_bundles>
// kernel: kernel.4.cloned.1.call-start
scs
__scs_entry_jumppad:
0x0: {  	(pc) =	sbr.rel $0x88, $3  }
0x1: {  	(tag) =	ssettag $0x0;
	lr =	simm.s32 $0x1  }
0x2: {  	[smem:$0x3F99] =	sst lr;
	_ =	strace $0xD0000000  }
0x3: {  	_ = 	snop  }
0x4: {  	_ = 	snop  }
0x5: {  	_ = 	snop  }
0x6: {  	_ = 	snop  }
0x7: {  	_ = 	snop  }
__scs_overlays_trampoline_lowered:
0x8: {  	[smem:$0x3FA8] =	sst s0  }
0x9: {  	[smem:$0x3FA9] =	sst s1  }
0xa: {  	[smem:$0x3FAA] =	sst s2  }
0xb: {  	[smem:$0x3FAB] =	sst s3  }
0xc: {  	[smem:$0x3FAC] =	sst s4  }
0xd: {  	[smem:$0x3FAD] =	sst s5  }
0xe: {  	[smem:$0x3FAE] =	sst s6  }
0xf: {  	[smem:$0x3FAF] =	sst s7  }
0x10: {  	[smem:$0x3FB0] =	sst s8  }
0x11: {  	[smem:$0x3FB1] =	sst s9;
	s0 =	simm.s32 @!p0 $0x0  }
0x12: {  	s1 =	sld [smem:$0x3F97];
	s0 =	simm.s32 @p0 $0x1  }
0x13: {  	[smem:$0x3FB2] =	sst s0;
	s0 =	simm.s32 @!p1 $0x0  }
0x14: {  	s2 =	sld [smem:$0x3F96];
	s0 =	simm.s32 @p1 $0x1  }
0x15: {  	[smem:$0x3FB3] =	sst s0;
	s0 =	simm.s32 @!p2 $0x0  }
0x16: {  	s3 =	sld [smem:$0x3FDB];
	s0 =	simm.s32 @p2 $0x1  }
0x17: {  	s4 =	simm.s32 $0x1BF5;
	[smem:$0x3FB5] =	sst s0  }
0x18: {  	s0 =	sld [smem:$0x3F98];
	_ =	swait.ge [sflag:s4], $0x0  }
0x19: {  	s7 =	sld [smem:$0x3F99]  }
0x1a: {  	s8 =	sadd.s32 $0xFFFFE003, lr  }
0x1b: {  	s9 =	sadd.s32 $0xFFFFFEF7, lr;
	s5 =	simm.s32 $0xFFFFFFFF;
	p2 =	slt.u32 s8, $0xFFFFF086  }
0x1c: {  	p1 =	slt.u32 s9, $0xF7A;
	s5 =	simm.s32 @!p2 $0x0  }
0x1d: {  	s5 =	simm.s32 @p1 $0x1;
	p0 =	seq.s32 s7, s2  }
0x1e: {  	s7 =	smul.u32 @!p0 $0xF7A, s2;
	p2 =	seq.s32 @!p0 s5, $0x0  }
0x1f: {  	s9 =	smul.u32 $0xF7A, s1;
	s8 =	simm.s32 @!p0 $0x1BF5;
	p2 =	por !p2, p0  }
0x20: {  	[sflag:s8] =	ssyncset.s32 @!p0 $0xFFFFF086;
	s6 =	sadd.s32 @!p0 s3, s7;
	s7 =	simm.s32 @!p0 $0x108  }
0x21: {  	s3 =	sadd.s32 s3, s9;
	s6 =	sadd.s32 @!p0 $0x88, s6;
	s7 =	simm.s32 @p2 $0x1082  }
0x22: {  	[simem:s7], [sflag:s8] =	dma.local @!p0 [hbm:s6], $0xF7A  }
0x23: {  	s9 =	sor.u32 $0xD0000000, s2;
	s6 =	simm.s32 $0x108;
	_ =	swait.ge @!p0 [sflag:s8], $0x0  }
0x24: {  	s3 =	sadd.s32 $0x88, s3;
	s6 =	simm.s32 @!p1 $0x1082;
	[sflag:s4] =	ssyncset.s32 $0xFFFFF086  }
0x25: {  	[simem:s6], [sflag:s4] =	dma.local [hbm:s3], $0xF7A  }
0x26: {  	[smem:$0x3F99] =	sst s1;
	(tag) =	ssettag s2;
	_ =	strace s9  }
0x27: {  	s1 =	sld [smem:$0x3FA9]  }
0x28: {  	s2 =	sld [smem:$0x3FAA]  }
0x29: {  	s4 =	sld [smem:$0x3FAC]  }
0x2a: {  	p0 =	seq.s32 s5, $0x0;
	s5 =	sld [smem:$0x3FAD]  }
0x2b: {  	s6 =	sld [smem:$0x3FAE]  }
0x2c: {  	s7 =	sld [smem:$0x3FAF]  }
0x2d: {  	s3 =	simm.s32 $0x108;
	s8 =	sld [smem:$0x3FB0]  }
0x2e: {  	s3 =	simm.s32 @!p0 $0x1082;
	s9 =	sld [smem:$0x3FB1]  }
0x2f: {  	lr =	sadd.s32 s0, s3;
	s0 =	sld [smem:$0x3FA8]  }
0x30: {  	s3 =	sld [smem:$0x3FAB]  }
0x31: {  	[smem:$0x3FB4] =	sst s10  }
0x32: {  	s10 =	sld [smem:$0x3FB2];
	_ =	sdelay $0x3  }
0x33: {  	p0 =	seq.s32 s10, $0x1;
	s10 =	sld [smem:$0x3FB4];
	_ =	sdelay $0x3  }
0x34: {  	[smem:$0x3FB4] =	sst s10  }
0x35: {  	s10 =	sld [smem:$0x3FB3];
	_ =	sdelay $0x3  }
0x36: {  	p1 =	seq.s32 s10, $0x1;
	s10 =	sld [smem:$0x3FB4];
	_ =	sdelay $0x3  }
0x37: {  	[smem:$0x3FB4] =	sst s10  }
0x38: {  	s10 =	sld [smem:$0x3FB5]  }
0x39: {  	_ = 	snop;
	(pc) =	sbr.ind lr, $3  }
0x3a: {  	_ = 	snop  }
0x3b: {  	_ = 	snop  }
0x3c: {  	p2 =	seq.s32 s10, $0x1;
	s10 =	sld [smem:$0x3FB4]  }
0x3d: {  	_ =	shalt  }
0x3e: {  	_ =	shalt  }
0x3f: {  	_ =	shalt  }
0x40: {  	_ =	shalt  }
0x41: {  	_ =	shalt  }
0x42: {  	_ =	shalt  }
0x43: {  	_ =	shalt  }
0x44: {  	_ =	shalt  }
0x45: {  	_ =	shalt  }
0x46: {  	_ =	shalt  }
0x47: {  	_ =	shalt  }
0x48: {  	_ =	shalt  }
0x49: {  	_ =	shalt  }
0x4a: {  	_ =	shalt  }
0x4b: {  	_ =	shalt  }
0x4c: {  	_ =	shalt  }
0x4d: {  	_ =	shalt  }
0x4e: {  	_ =	shalt  }
0x4f: {  	_ =	shalt  }
0x50: {  	_ =	shalt  }
0x51: {  	_ =	shalt  }
0x52: {  	_ =	shalt  }
0x53: {  	_ =	shalt  }
0x54: {  	_ =	shalt  }
0x55: {  	_ =	shalt  }
0x56: {  	_ =	shalt  }
0x57: {  	_ =	shalt  }
0x58: {  	_ =	shalt  }
0x59: {  	_ =	shalt  }
0x5a: {  	_ =	shalt  }
0x5b: {  	_ =	shalt  }
0x5c: {  	_ =	shalt  }
0x5d: {  	_ =	shalt  }
0x5e: {  	_ =	shalt  }
0x5f: {  	_ =	shalt  }
0x60: {  	_ =	shalt  }
0x61: {  	_ =	shalt  }
0x62: {  	_ =	shalt  }
0x63: {  	_ =	shalt  }
0x64: {  	_ =	shalt  }
0x65: {  	_ =	shalt  }
0x66: {  	_ =	shalt  }
0x67: {  	_ =	shalt  }
0x68: {  	_ =	shalt  }
0x69: {  	_ =	shalt  }
0x6a: {  	_ =	shalt  }
0x6b: {  	_ =	shalt  }
0x6c: {  	_ =	shalt  }
0x6d: {  	_ =	shalt  }
0x6e: {  	_ =	shalt  }
0x6f: {  	_ =	shalt  }
0x70: {  	_ =	shalt  }
0x71: {  	_ =	shalt  }
0x72: {  	_ =	shalt  }
0x73: {  	_ =	shalt  }
0x74: {  	_ =	shalt  }
0x75: {  	_ =	shalt  }
0x76: {  	_ =	shalt  }
0x77: {  	_ =	shalt  }
0x78: {  	_ =	shalt  }
0x79: {  	_ =	shalt  }
0x7a: {  	_ =	shalt  }
0x7b: {  	_ =	shalt  }
0x7c: {  	_ =	shalt  }
0x7d: {  	_ =	shalt  }
0x7e: {  	_ =	shalt  }
0x7f: {  	_ =	shalt  }
0x80: {  	_ =	shalt  }
0x81: {  	_ =	shalt  }
0x82: {  	_ =	shalt  }
0x83: {  	_ =	shalt  }
0x84: {  	_ =	shalt  }
0x85: {  	_ =	shalt  }
0x86: {  	_ =	shalt  }
0x87: {  	_ =	shalt  }
.Lfunc_end0:
.L_simem_size_0:
called_computation_lowered:
.L_overlay_start_0:
0x88: {  	s2 =	sld [smem:$0x3FD9]  }
0x89: {  	s3 =	sld [smem:$0x3FFE];
	_ =	sdelay $0x1  }
0x8a: {  	s1 =	srdreg.scid  }
0x8b: {  	s0 =	sand.u32 $0x1, s1  }
0x8c: {  	s14 =	sshll.u32 s0, $0xA;
	s2 =	sadd.s32 s3, s2  }
0x8d: {  	s2 =	sadd.s32 s2, s14  }
0x8e: {  	[smem:$0x3FC0] =	sst s2  }
0x8f: {  	_ = 	snop  }
0x90: {  	s2 =	sld [smem:$0x3FD0];
	_ =	sdelay $0x2  }
0x91: {  	s15 =	simm.s32 $0xA;
	s4 =	simm.s32 $0x10  }
0x92: {  	[smem:s4], [sflag:s15] =	dma.local [hbm:s2], $0x1  }
0x93: {  	_ =	swait.eq [sflag:s15], $0x1  }
0x94: {  	[sflag:s15] =	ssyncset.done $0x0  }
0x95: {  	s16 =	sld [smem:$0x10];
	[sflag:s15] =	ssyncadd.s32 $0xFFFFFFFF  }
0x96: {  	s17 =	sld [smem:$0x11];
	(tm) =	ssettm $0x1  }
0x97: {  	s18 =	sld [smem:$0x3FFB];
	_ =	sdelay $0x3  }
0x98: {  	_ =	strace s18  }
0x99: {  	s4 =	sld [smem:$0x3FFC];
	_ =	sdelay $0x3  }
0x9a: {  	_ =	strace s4  }
0x9b: {  	s4 =	sld [smem:$0x3FFD];
	_ =	sdelay $0x3  }
0x9c: {  	_ =	strace s4  }
0x9d: {  	_ =	strace $0x8FFFFFFF  }
0x9e: {  	s19 =	sld [smem:$0x3FDB];
	_ =	sdelay $0x1  }
0x9f: {  	s5 =	simm.s32 $_scs_section_size  }
0xa0: {  	s6 =	simm.s32 $_size__tile_overlayer_lowered;
	s7 =	simm.s32 $_tile_overlayer_lowered  }
0xa1: {  	s22 =	simm.s32 $0x1BFF;
	s21 =	sshll.u32 s7, $0x1;
	s4 =	sadd.s32 s5, s19  }
0xa2: {  	s8 =	simm.s32 $0x0;
	s20 =	sshll.u32 s6, $0x1;
	s6 =	sadd.s32 s21, s4  }
0xa3: {  	[timem:s8], [sflag:s22] =	dma.local [hbm:s6], s20  }
0xa4: {  	_ =	swait.ge [sflag:s22], s20  }
0xa5: {  	s5 =	ssub.s32 $0x0, s20;
	[sflag:s22] =	ssyncset.done $0x0  }
0xa6: {  	[sflag:s22] =	ssyncadd.s32 s5;
	_ =	sdelay $0x1  }
0xa7: {  	s23 =	simm.s32 $0x1B8B  }
0xa8: {  	_ =	swait.ge [sflag:s23], $0x1  }
0xa9: {  	[sflag:s23] =	ssyncset.done $0x0  }
0xaa: {  	s25 =	simm.s32 $0x1B8E;
	s24 =	sld [smem:$0x3FFE];
	[sflag:s23] =	ssyncadd.s32 $0xFFFFFFFF  }
0xab: {  	s26 =	simm.s32 $execute0_lowered;
	[smem:$0x3FD2] =	sst s25  }
0xac: {  	s6 =	sshll.u32 s26, $0x1;
	_ =	strace $0x80000046;
	[dreg:$0x1] =	wrdreg $0xFFFFFFFF  }
0xad: {  	s28 =	simm.s32 $_size_execute0_lowered;
	s4 =	sadd.s32 s4, s6;
	[dreg:$0x0] =	wrdreg $0x0  }
0xae: {  	s6 =	sshll.u32 s28, $0x1;
	[dreg:$0x2] =	wrdreg s4  }
0xaf: {  	[dreg:$0x3] =	wrdreg s6  }
0xb0: {  	[dreg:$0x4] =	wrdreg $0xC0  }
0xb1: {  	_ =	task [dreg:s8], $0x5FFFF  }
0xb2: {  	[dreg:$0x1] =	wrdreg $0xFFFFFFFF  }
0xb3: {  	[dreg:$0x0] =	wrdreg $0x60  }
0xb4: {  	[dreg:$0x2] =	wrdreg s16  }
0xb5: {  	[dreg:$0x3] =	wrdreg s17  }
0xb6: {  	[dreg:$0x4] =	wrdreg s24  }
0xb7: {  	[dreg:$0x5] =	wrdreg $0x9  }
0xb8: {  	_ =	task.clear_ibuf [dreg:s8], $0x6FFFF;
	_ =	strace $0x90000046  }
0xb9: {  	s29 =	simm.s32 $0x9;
	_ =	strace $0x80000048  }
0xba: {  	_ =	swait.ge [sflag:s29], $0x1  }
0xbb: {  	[sflag:s29] =	ssyncadd.s32 $0xFFFFFFFF  }
0xbc: {  	_ =	strace $0x90000048  }
0xbd: {  	_ =	sfence  }
0xbe: {  	s30 =	sld [smem:$0x0];
	_ =	sdelay $0x2  }
0xbf: {  	s31 =	sshll.u32 s1, $0xD;
	s1 =	sshrl.u32 s1, $0x2  }
0xc0: {  	s3 =	sand.u32 $0x4000, s31;
	s1 =	sadd.s32 s1, s30  }
0xc1: {  	s0 =	sor.u32 s3, s0;
	s1 =	sshll.u32 s1, $0x11  }
0xc2: {  	s0 =	sor.u32 s1, s0  }
0xc3: {  	s0 =	sadd.s32 $0x8F2B, s0  }
0xc4: {  	[sflag:s0] =	ssyncadd.remote.s32 $0x1  }
0xc5: {  	_ =	sfence.sel $0xFFFF  }
0xc6: {  	[dreg:$0x0] =	wrdreg $0xFFFFFFFF;
	(pc) =	sbr.abs _section_cstart, $3  }
0xc7: {  	[dreg:$0x1] =	wrdreg $0xFFFFFFFF  }
0xc8: {  	_ =	task.clear_ibuf [dreg:s8], $0x2FFFF;
	_ =	strace $0x9FFFFFFF  }
0xc9: {  	(tm) =	ssettm $0x7FFFFFFF  }
tec
execute0_lowered:
.L_overlay_start_1:
0x0: {  	(tag) =	ssettag $0x1  }
0x1: {  	s1 =	rddreg [dreg:$0x0]  }
0x2: {  	s0 =	rddreg [dreg:$0x1]  }
0x3: {  	s4 =	rddreg [dreg:$0x2]  }
0x4: {  	s5 =	srdreg.scid;
	s2 =	stileid.u32  }
0x5: {  	s3 =	simm.s32 $0x0;
	s5 =	sand.u32 $0x1, s5;
	s6 =	sshll.u32 s2, $0x1  }
0x6: {  	[smem:$0x7FF] =	sst s3;
	s9 =	sshrl.u32 s2, $0x2;
	s12 =	sadd.s32 $0x1400, s4  }
0x7: {  	s7 =	sadd.s32 $0x1600, s4;
	s10 =	sor.u32 s5, s6;
	_ =	strace $0x80000047  }
0x8: {  	s19 =	sshll.u32 s9, $0x3;
	s14 =	smul.u32 $0xFFFFFFE8, s9;
	s15 =	sshll.u32 s9, $0xC  }
0x9: {  	s6 =	sadd.s32 $0x5600, s4;
	s5 =	ssub.s32 $0x2, s5;
	s25 =	sshll.u32 s9, $0xA  }
0xa: {  	s11 =	smul.u32 $0x3, s10;
	s8 =	ssub.s32 s10, s19;
	s16 =	sshrl.u32 s5, $0x1  }
0xb: {  	s10 =	smul.u32 $0x201, s10;
	s13 =	sshll.u32 s8, $0x9;
	s5 =	ssub.s32 s5, s16  }
0xc: {  	s16 =	simm.s32 $0x1;
	s8 =	sshll.u32 s8, $0x7;
	s20 =	sadd.s32 s15, s13  }
0xd: {  	s21 =	sadd.s32 s14, s11;
	s23 =	sand.u32 $0x7, s11;
	s10 =	sadd.s32 $0xAB, s10  }
0xe: {  	s2 =	sadd.s32 $0x1, s11;
	s5 =	smax.u32 s5, $0x1;
	s4 =	sshrl.u32 s20, $0x3  }
0xf: {  	s14 =	sshll.u32 s21, $0x18;
	p0 =	slt.s32 s21, $0x1;
	p1 =	sne.s32 s23, $0x0  }
0x10: {  	s20 =	sadd.s32 $0x2, s11;
	s15 =	sand.u32 $0x7, s2;
	s0 =	sadd.s32 s0, s4  }
0x11: {  	s22 =	sshra.s32 s14, $0x1F;
	p0 =	por !p0, !p1;
	s14 =	sshrl.u32 s10, $0xC  }
0x12: {  	p4 =	sne.s32 s15, $0x0;
	s15 =	simm.s32 $0x1;
	[dreg:$0x4] =	wrdreg s0  }
0x13: {  	s4 =	sand.u32 $0x7, s22;
	s0 =	smul.u32 $0xC000, s9;
	p0 =	por !p0, !p0  }
0x14: {  	s24 =	smul.u32 $0xFFFFFFE8, s14;
	s4 =	sadd.s32 s4, s21;
	s16 =	simm.s32 @!p0 $0x0  }
0x15: {  	s26 =	sadd.s32 $0x4000, s0;
	s4 =	sshll.u32 s4, $0x18;
	s28 =	sadd.s32 $0x8000, s0  }
0x16: {  	s19 =	sadd.s32 s2, s24;
	s24 =	smul.u32 $0xAB, s20;
	v0 =	vmov s0;
	s0 =	simm.s32 $0x1180  }
0x17: {  	s4 =	sshra.s32 s4, $0x1B;
	s22 =	sshll.u32 s19, $0x18;
	p3 =	slt.s32 s19, $0x1  }
0x18: {  	v1 =	vmov s26;
	v2 =	vmov s28;
	s26 =	simm.s32 $0x1000;
	s28 =	simm.s32 $0xF00;
	s17 =	ssub.s32 s4, s16  }
0x19: {  	s16 =	sshll.u32 s21, $0x7;
	s4 =	simm.s32 $0x1;
	s21 =	smul.u32 $0x3, s9  }
0x1a: {  	p0 =	por !p4, !p3;
	s10 =	sadd.s32 s25, s16;
	s18 =	sshll.u32 s17, $0xA  }
0x1b: {  	s25 =	sshrl.u32 s24, $0xC;
	p0 =	por !p0, !p0;
	s24 =	sshll.u32 s14, $0xA  }
0x1c: {  	s10 =	ssub.s32 s10, s18;
	s18 =	sshra.s32 s22, $0x1F;
	s15 =	simm.s32 @!p0 $0x0  }
0x1d: {  	s17 =	sadd.s32 s21, s17;
	s10 =	sshrl.u32 s10, $0x3;
	s23 =	sand.u32 $0x7, s18  }
0x1e: {  	s29 =	sshll.u32 s17, $0xE;
	s11 =	sadd.s32 s12, s10;
	s10 =	sadd.s32 s23, s19  }
0x1f: {  	s19 =	sshll.u32 s19, $0x7;
	s2 =	sshll.u32 s10, $0x18;
	s10 =	sand.u32 $0xF, s25  }
0x20: {  	v3 =	vmov s29;
	s29 =	simm.s32 $0x1080;
	s22 =	smul.u32 $0xFFFFFFE8, s10;
	s18 =	sshra.s32 s2, $0x1B  }
0x21: {  	[dreg:$0x5] =	wrdreg s11;
	s11 =	ssub.s32 s18, s15;
	s15 =	sadd.s32 s24, s19  }
0x22: {  	s23 =	sadd.s32 s20, s22;
	s20 =	sand.u32 $0x7, s20;
	s2 =	sshll.u32 s11, $0xA  }
0x23: {  	s22 =	simm.s32 $0x1;
	s25 =	sshll.u32 s23, $0x18;
	p5 =	slt.s32 s23, $0x1  }
0x24: {  	p6 =	sne.s32 s20, $0x0;
	s20 =	ssub.s32 s15, s2;
	s18 =	sshll.u32 s23, $0x7  }
0x25: {  	s21 =	sshra.s32 s25, $0x1F;
	p0 =	por !p6, !p5;
	s20 =	sshrl.u32 s20, $0x3  }
0x26: {  	s21 =	sand.u32 $0x7, s21;
	p0 =	por !p0, !p0;
	s20 =	sadd.s32 s12, s20  }
0x27: {  	s21 =	sadd.s32 s21, s23;
	s22 =	simm.s32 @!p0 $0x0;
	s23 =	sshll.u32 s9, $0xF  }
0x28: {  	[dreg:$0x6] =	wrdreg s20;
	s9 =	sshll.u32 s9, $0xD;
	s21 =	sshll.u32 s21, $0x18  }
0x29: {  	s13 =	sadd.s32 s23, s13;
	s16 =	sadd.s32 s9, s16;
	s8 =	sadd.s32 s9, s8  }
0x2a: {  	s21 =	sshra.s32 s21, $0x1B;
	s25 =	sshrl.u32 s13, $0x3;
	s2 =	sadd.s32 $0x1000, s13  }
0x2b: {  	s16 =	sshrl.u32 s16, $0x3;
	s15 =	ssub.s32 s21, s22;
	s22 =	sshll.u32 s10, $0xA  }
0x2c: {  	s20 =	sadd.s32 s7, s25;
	s21 =	sadd.s32 s22, s18;
	s22 =	sshll.u32 s15, $0xA  }
0x2d: {  	s25 =	sadd.s32 s6, s16;
	[dreg:$0x8] =	wrdreg s20;
	s21 =	ssub.s32 s21, s22  }
0x2e: {  	s23 =	sadd.s32 $0x2000, s13;
	[dreg:$0xb] =	wrdreg s25;
	s24 =	sshrl.u32 s21, $0x3  }
0x2f: {  	s25 =	sadd.s32 $0x4000, s13;
	s21 =	sshrl.u32 s2, $0x3;
	s12 =	sadd.s32 s12, s24  }
0x30: {  	s22 =	sadd.s32 s7, s21;
	s24 =	sshll.u32 s14, $0xD;
	[dreg:$0x7] =	wrdreg s12  }
0x31: {  	s14 =	smul.u32 $0x3, s14;
	s21 =	sadd.s32 $0x3000, s13;
	[dreg:$0x9] =	wrdreg s22  }
0x32: {  	s12 =	sshrl.u32 s23, $0x3;
	s17 =	sadd.s32 s24, s19;
	s19 =	sshll.u32 s10, $0xD  }
0x33: {  	s16 =	sshrl.u32 s21, $0x3;
	s23 =	sadd.s32 $0xC00, s8;
	s21 =	sadd.s32 $0x1400, s8  }
0x34: {  	s12 =	sadd.s32 s7, s12;
	s2 =	sshrl.u32 s17, $0x3;
	s20 =	sadd.s32 s19, s18  }
0x35: {  	s22 =	sadd.s32 s7, s16;
	s24 =	sshrl.u32 s23, $0x3;
	s19 =	sadd.s32 $0x5000, s13  }
0x36: {  	s16 =	sadd.s32 s14, s11;
	s14 =	simm.s32 $0x580;
	[dreg:$0xa] =	wrdreg s12  }
0x37: {  	s17 =	sadd.s32 s6, s2;
	s12 =	sshrl.u32 s20, $0x3;
	[dreg:$0xe] =	wrdreg s22  }
0x38: {  	s9 =	sadd.s32 s6, s24;
	s2 =	sadd.s32 $0x1000, s8;
	s20 =	sshrl.u32 s19, $0x3  }
0x39: {  	s22 =	sadd.s32 $0x6000, s13;
	s13 =	sadd.s32 $0x7000, s13;
	s30 =	sshll.u32 s16, $0xE  }
0x3a: {  	s19 =	simm.s32 $0x280;
	s16 =	simm.s32 $0x600;
	[dreg:$0xc] =	wrdreg s17  }
0x3b: {  	s12 =	sadd.s32 s6, s12;
	[dreg:$0xf] =	wrdreg s9;
	s17 =	sshrl.u32 s2, $0x3  }
0x3c: {  	s9 =	sadd.s32 s7, s20;
	s24 =	sshrl.u32 s22, $0x3;
	[dreg:$0x19] =	wrdreg s19  }
0x3d: {  	s2 =	sadd.s32 $0x1800, s8;
	s8 =	sadd.s32 $0x1C00, s8;
	[dreg:$0xd] =	wrdreg s12  }
0x3e: {  	s20 =	simm.s32 $0x880;
	s22 =	simm.s32 $0x900;
	[dreg:$0x12] =	wrdreg s9  }
0x3f: {  	s19 =	simm.s32 $0xC80;
	v4 =	vmov s30;
	s30 =	simm.s32 $0xF80;
	[dreg:$0x1a] =	wrdreg s20  }
0x40: {  	s12 =	sshrl.u32 s25, $0x3;
	s18 =	sadd.s32 s6, s17;
	[dreg:$0x1c] =	wrdreg s22  }
0x41: {  	s25 =	sadd.s32 s7, s24;
	s8 =	sshrl.u32 s8, $0x3;
	[dreg:$0x11] =	wrdreg s18  }
0x42: {  	s17 =	smul.u32 $0x3, s10;
	s24 =	simm.s32 $0x980;
	[dreg:$0x14] =	wrdreg s25  }
0x43: {  	s20 =	simm.s32 $0x700;
	s12 =	sadd.s32 s7, s12;
	[dreg:$0x1e] =	wrdreg s24  }
0x44: {  	s22 =	simm.s32 $0x780;
	s18 =	simm.s32 $0x200;
	[dreg:$0x10] =	wrdreg s12  }
0x45: {  	s25 =	simm.s32 $0x400;
	s24 =	simm.s32 $0xE00;
	[dreg:$0x18] =	wrdreg s18  }
0x46: {  	s12 =	sshrl.u32 s21, $0x3;
	s21 =	simm.s32 $0x300;
	[dreg:$0x1f] =	wrdreg s25  }
0x47: {  	s18 =	simm.s32 $0x680;
	s25 =	simm.s32 $0xE80;
	s23 =	sadd.s32 s6, s12  }
0x48: {  	s12 =	sshrl.u32 s2, $0x3;
	[dreg:$0x1b] =	wrdreg s21;
	s21 =	simm.s32 $0xD00  }
0x49: {  	[dreg:$0x13] =	wrdreg s23;
	s9 =	sadd.s32 s6, s12;
	s12 =	sshrl.u32 s13, $0x3  }
0x4a: {  	s6 =	sadd.s32 s6, s8;
	s23 =	simm.s32 $0x380;
	[dreg:$0x15] =	wrdreg s9  }
0x4b: {  	s8 =	simm.s32 $0x800;
	s13 =	simm.s32 $0xB00;
	[dreg:$0x17] =	wrdreg s6  }
0x4c: {  	s7 =	sadd.s32 s7, s12;
	s6 =	simm.s32 $0x2;
	[dreg:$0x1d] =	wrdreg s23  }
0x4d: {  	s9 =	simm.s32 $0xA00;
	[dreg:$0x16] =	wrdreg s7;
	s7 =	sadd.s32 s17, s15  }
0x4e: {  	s23 =	simm.s32 $0xD80;
	s15 =	simm.s32 $0xB80;
	s31 =	sshll.u32 s7, $0xE  }
0x4f: {  	v6 =	vimm.f32 $0.0e+00;
	s17 =	simm.s32 $0xC00;
	s7 =	simm.s32 $0x80;
	v5 =	vmov s31;
	s31 =	simm.s32 $0x1100  }
.LBB2_1:
0x50: {  	[tilespmem:$0x1180] =	vst v6  }
0x51: {  	[tilespmem:$0x1190] =	vst v6  }
0x52: {  	[tilespmem:$0x11A0] =	vst v6  }
0x53: {  	[tilespmem:$0x11B0] =	vst v6  }
0x54: {  	[tilespmem:$0x11C0] =	vst v6  }
0x55: {  	[tilespmem:$0x11D0] =	vst v6  }
0x56: {  	[tilespmem:$0x11E0] =	vst v6  }
0x57: {  	[tilespmem:$0x11F0] =	vst v6  }
0x58: {  	[tilespmem:$0x1200] =	vst v6  }
0x59: {  	[tilespmem:$0x1210] =	vst v6  }
0x5a: {  	[tilespmem:$0x1220] =	vst v6  }
0x5b: {  	[tilespmem:$0x1230] =	vst v6  }
0x5c: {  	[tilespmem:$0x1240] =	vst v6  }
0x5d: {  	[tilespmem:$0x1250] =	vst v6  }
0x5e: {  	[tilespmem:$0x1260] =	vst v6  }
0x5f: {  	[tilespmem:$0x1270] =	vst v6  }
0x60: {  	[tilespmem:$0x1280] =	vst v6  }
0x61: {  	[tilespmem:$0x1290] =	vst v6  }
0x62: {  	[tilespmem:$0x12A0] =	vst v6  }
0x63: {  	[tilespmem:$0x12B0] =	vst v6  }
0x64: {  	[tilespmem:$0x12C0] =	vst v6  }
0x65: {  	[tilespmem:$0x12D0] =	vst v6  }
0x66: {  	[tilespmem:$0x12E0] =	vst v6  }
0x67: {  	[tilespmem:$0x12F0] =	vst v6  }
0x68: {  	[tilespmem:$0x1300] =	vst v6  }
0x69: {  	[tilespmem:$0x1310] =	vst v6  }
0x6a: {  	[tilespmem:$0x1320] =	vst v6  }
0x6b: {  	[tilespmem:$0x1330] =	vst v6  }
0x6c: {  	[tilespmem:$0x1340] =	vst v6  }
0x6d: {  	[tilespmem:$0x1350] =	vst v6  }
0x6e: {  	[tilespmem:$0x1360] =	vst v6  }
0x6f: {  	s2 =	rddreg [dreg:$0x4];
	[tilespmem:$0x1370] =	vst v6  }
0x70: {  	[tilespmem:s3], [sflag:$0x2] =	stream.linear.gather [hbm4b:s2+s3], $0x200, $0x38;
	[tilespmem:$0x1380] =	vst v63  }
0x71: {  	_ =	swait.ge [sflag:s6], $0x200  }
0x72: {  	[sflag:s6] =	ssyncset.done $0x0  }
0x73: {  	[sflag:s6] =	ssyncadd.s32 $0xFFFFFE00  }
0x74: {  	v7 =	vld [tilespmem:$0x0]  }
0x75: {  	v8 =	vld [tilespmem:$0x10]  }
0x76: {  	v9 =	vld [tilespmem:$0x20]  }
0x77: {  	v10 =	vld [tilespmem:$0x30]  }
0x78: {  	v11 =	vld [tilespmem:$0x40]  }
0x79: {  	v12 =	vld [tilespmem:$0x50];
	v7 =	vadd.s32 v0, v7  }
0x7a: {  	[tilespmem:$0x200] =	vst v7;
	v7 =	vadd.s32 v0, v8;
	v8 =	vld [tilespmem:$0x60]  }
0x7b: {  	v25 =	vld [tilespmem:$0x70];
	[tilespmem:$0x210] =	vst v7;
	v7 =	vadd.s32 v0, v9  }
0x7c: {  	v26 =	vld [tilespmem:$0x80];
	[tilespmem:$0x220] =	vst v7;
	v7 =	vadd.s32 v0, v10  }
0x7d: {  	v27 =	vld [tilespmem:$0x90];
	[tilespmem:$0x230] =	vst v7;
	v7 =	vadd.s32 v0, v11  }
0x7e: {  	v28 =	vld [tilespmem:$0xA0];
	[tilespmem:$0x240] =	vst v7;
	v7 =	vadd.s32 v0, v12  }
0x7f: {  	[tilespmem:$0x250] =	vst v7;
	v7 =	vadd.s32 v0, v8;
	v8 =	vld [tilespmem:$0xB0]  }
0x80: {  	v29 =	vld [tilespmem:$0xC0];
	[tilespmem:$0x260] =	vst v7;
	v7 =	vadd.s32 v0, v25  }
0x81: {  	v30 =	vld [tilespmem:$0xD0];
	[tilespmem:$0x270] =	vst v7;
	v7 =	vadd.s32 v0, v26  }
0x82: {  	v31 =	vld [tilespmem:$0xE0];
	[tilespmem:$0x280] =	vst v7;
	v7 =	vadd.s32 v0, v27  }
0x83: {  	v32 =	vld [tilespmem:$0xF0];
	[tilespmem:$0x290] =	vst v7;
	v7 =	vadd.s32 v0, v28  }
0x84: {  	[tilespmem:$0x2A0] =	vst v7;
	v7 =	vadd.s32 v0, v8;
	v8 =	vld [tilespmem:$0x100]  }
0x85: {  	v33 =	vld [tilespmem:$0x110];
	[tilespmem:$0x2B0] =	vst v7;
	v7 =	vadd.s32 v0, v29  }
0x86: {  	v34 =	vld [tilespmem:$0x120];
	[tilespmem:$0x2C0] =	vst v7;
	v7 =	vadd.s32 v0, v30  }
0x87: {  	v35 =	vld [tilespmem:$0x130];
	[tilespmem:$0x2D0] =	vst v7;
	v7 =	vadd.s32 v0, v31  }
0x88: {  	v36 =	vld [tilespmem:$0x140];
	[tilespmem:$0x2E0] =	vst v7;
	v7 =	vadd.s32 v0, v32  }
0x89: {  	[tilespmem:$0x2F0] =	vst v7;
	v7 =	vadd.s32 v0, v8;
	v8 =	vld [tilespmem:$0x150]  }
0x8a: {  	v37 =	vld [tilespmem:$0x160];
	[tilespmem:$0x300] =	vst v7;
	v7 =	vadd.s32 v0, v33  }
0x8b: {  	v38 =	vld [tilespmem:$0x170];
	[tilespmem:$0x310] =	vst v7;
	v7 =	vadd.s32 v0, v34  }
0x8c: {  	v39 =	vld [tilespmem:$0x180];
	[tilespmem:$0x320] =	vst v7;
	v7 =	vadd.s32 v0, v35  }
0x8d: {  	v40 =	vld [tilespmem:$0x190];
	[tilespmem:$0x330] =	vst v7;
	v7 =	vadd.s32 v0, v36  }
0x8e: {  	[tilespmem:$0x340] =	vst v7;
	v7 =	vadd.s32 v0, v8;
	v8 =	vld [tilespmem:$0x1A0]  }
0x8f: {  	v41 =	vld [tilespmem:$0x1B0];
	[tilespmem:$0x350] =	vst v7;
	v7 =	vadd.s32 v0, v37  }
0x90: {  	v42 =	vld [tilespmem:$0x1C0];
	[tilespmem:$0x360] =	vst v7;
	v7 =	vadd.s32 v0, v38  }
0x91: {  	v43 =	vld [tilespmem:$0x1D0];
	[tilespmem:$0x370] =	vst v7;
	v7 =	vadd.s32 v0, v39  }
0x92: {  	v44 =	vld [tilespmem:$0x1E0];
	[tilespmem:$0x380] =	vst v7;
	v7 =	vadd.s32 v0, v40  }
0x93: {  	[tilespmem:$0x390] =	vst v7;
	v7 =	vadd.s32 v0, v8;
	v8 =	vld [tilespmem:$0x1F0]  }
0x94: {  	v45 =	vld [tilespmem:$0x0];
	[tilespmem:$0x3A0] =	vst v7;
	v7 =	vadd.s32 v0, v41  }
0x95: {  	v46 =	vld [tilespmem:$0x10];
	[tilespmem:$0x3B0] =	vst v7;
	v7 =	vadd.s32 v0, v42  }
0x96: {  	v47 =	vld [tilespmem:$0x20];
	[tilespmem:$0x3C0] =	vst v7;
	v7 =	vadd.s32 v0, v43  }
0x97: {  	v48 =	vld [tilespmem:$0x30];
	[tilespmem:$0x3D0] =	vst v7;
	v7 =	vadd.s32 v0, v44  }
0x98: {  	[tilespmem:$0x3E0] =	vst v7;
	v7 =	vadd.s32 v0, v8;
	v8 =	vld [tilespmem:$0x40]  }
0x99: {  	v49 =	vld [tilespmem:$0x50];
	[tilespmem:$0x3F0] =	vst v7;
	v7 =	vadd.s32 v1, v45  }
0x9a: {  	v50 =	vld [tilespmem:$0x60];
	[tilespmem:$0x400] =	vst v7;
	v7 =	vadd.s32 v1, v46  }
0x9b: {  	v51 =	vld [tilespmem:$0x70];
	[tilespmem:$0x410] =	vst v7;
	v7 =	vadd.s32 v1, v47  }
0x9c: {  	v52 =	vld [tilespmem:$0x80];
	[tilespmem:$0x420] =	vst v7;
	v7 =	vadd.s32 v1, v48  }
0x9d: {  	[tilespmem:$0x430] =	vst v7;
	v7 =	vadd.s32 v1, v8;
	v8 =	vld [tilespmem:$0x90]  }
0x9e: {  	v53 =	vld [tilespmem:$0xA0];
	[tilespmem:$0x440] =	vst v7;
	v7 =	vadd.s32 v1, v49  }
0x9f: {  	v54 =	vld [tilespmem:$0xB0];
	[tilespmem:$0x450] =	vst v7;
	v7 =	vadd.s32 v1, v50  }
0xa0: {  	v55 =	vld [tilespmem:$0xC0];
	[tilespmem:$0x460] =	vst v7;
	v7 =	vadd.s32 v1, v51  }
0xa1: {  	v56 =	vld [tilespmem:$0xD0];
	[tilespmem:$0x470] =	vst v7;
	v7 =	vadd.s32 v1, v52  }
0xa2: {  	[tilespmem:$0x480] =	vst v7;
	v7 =	vadd.s32 v1, v8;
	v8 =	vld [tilespmem:$0xE0]  }
0xa3: {  	v57 =	vld [tilespmem:$0xF0];
	[tilespmem:$0x490] =	vst v7;
	v7 =	vadd.s32 v1, v53  }
0xa4: {  	v58 =	vld [tilespmem:$0x100];
	[tilespmem:$0x4A0] =	vst v7;
	v7 =	vadd.s32 v1, v54  }
0xa5: {  	v59 =	vld [tilespmem:$0x110];
	[tilespmem:$0x4B0] =	vst v7;
	v7 =	vadd.s32 v1, v55  }
0xa6: {  	v60 =	vld [tilespmem:$0x120];
	[tilespmem:$0x4C0] =	vst v7;
	v7 =	vadd.s32 v1, v56  }
0xa7: {  	[tilespmem:$0x4D0] =	vst v7;
	v7 =	vadd.s32 v1, v8;
	v8 =	vld [tilespmem:$0x130]  }
0xa8: {  	v61 =	vld [tilespmem:$0x140];
	[tilespmem:$0x4E0] =	vst v7;
	v7 =	vadd.s32 v1, v57  }
0xa9: {  	v62 =	vld [tilespmem:$0x150];
	[tilespmem:$0x4F0] =	vst v7;
	v7 =	vadd.s32 v1, v58  }
0xaa: {  	v63 =	vld [tilespmem:$0x160];
	[tilespmem:$0x500] =	vst v7;
	v7 =	vadd.s32 v1, v59  }
0xab: {  	v16 =	vld [tilespmem:$0x170];
	[tilespmem:$0x510] =	vst v7;
	v7 =	vadd.s32 v1, v60  }
0xac: {  	[tilespmem:$0x520] =	vst v7;
	v7 =	vadd.s32 v1, v8;
	v8 =	vld [tilespmem:$0x180]  }
0xad: {  	v17 =	vld [tilespmem:$0x190];
	[tilespmem:$0x530] =	vst v7;
	v7 =	vadd.s32 v1, v61  }
0xae: {  	v18 =	vld [tilespmem:$0x1A0];
	[tilespmem:$0x540] =	vst v7;
	v7 =	vadd.s32 v1, v62  }
0xaf: {  	v19 =	vld [tilespmem:$0x1B0];
	[tilespmem:$0x550] =	vst v7;
	v7 =	vadd.s32 v1, v63  }
0xb0: {  	v20 =	vld [tilespmem:$0x1C0];
	[tilespmem:$0x560] =	vst v7;
	v7 =	vadd.s32 v1, v16  }
0xb1: {  	[tilespmem:$0x570] =	vst v7;
	v7 =	vadd.s32 v1, v8;
	v8 =	vld [tilespmem:$0x1D0]  }
0xb2: {  	v21 =	vld [tilespmem:$0x1E0];
	[tilespmem:$0x580] =	vst v7;
	v7 =	vadd.s32 v1, v17  }
0xb3: {  	v22 =	vld [tilespmem:$0x1F0];
	[tilespmem:$0x590] =	vst v7;
	v7 =	vadd.s32 v1, v18  }
0xb4: {  	v23 =	vld [tilespmem:$0x0];
	[tilespmem:$0x5A0] =	vst v7;
	v7 =	vadd.s32 v1, v19  }
0xb5: {  	v24 =	vld [tilespmem:$0x10];
	[tilespmem:$0x5B0] =	vst v7;
	v7 =	vadd.s32 v1, v20  }
0xb6: {  	[tilespmem:$0x5C0] =	vst v7;
	v7 =	vadd.s32 v1, v8;
	v8 =	vld [tilespmem:$0x20]  }
0xb7: {  	v25 =	vld [tilespmem:$0x30];
	[tilespmem:$0x5D0] =	vst v7;
	v7 =	vadd.s32 v1, v21  }
0xb8: {  	v26 =	vld [tilespmem:$0x40];
	[tilespmem:$0x5E0] =	vst v7;
	v7 =	vadd.s32 v1, v22  }
0xb9: {  	v27 =	vld [tilespmem:$0x50];
	[tilespmem:$0x5F0] =	vst v7;
	v7 =	vadd.s32 v2, v23  }
0xba: {  	v28 =	vld [tilespmem:$0x60];
	[tilespmem:$0x600] =	vst v7;
	v7 =	vadd.s32 v2, v24  }
0xbb: {  	[tilespmem:$0x610] =	vst v7;
	v7 =	vadd.s32 v2, v8;
	v8 =	vld [tilespmem:$0x70]  }
0xbc: {  	v29 =	vld [tilespmem:$0x80];
	[tilespmem:$0x620] =	vst v7;
	v7 =	vadd.s32 v2, v25  }
0xbd: {  	v30 =	vld [tilespmem:$0x90];
	[tilespmem:$0x630] =	vst v7;
	v7 =	vadd.s32 v2, v26  }
0xbe: {  	v31 =	vld [tilespmem:$0xA0];
	[tilespmem:$0x640] =	vst v7;
	v7 =	vadd.s32 v2, v27  }
0xbf: {  	v32 =	vld [tilespmem:$0xB0];
	[tilespmem:$0x650] =	vst v7;
	v7 =	vadd.s32 v2, v28  }
0xc0: {  	[tilespmem:$0x660] =	vst v7;
	v7 =	vadd.s32 v2, v8;
	v8 =	vld [tilespmem:$0xC0]  }
0xc1: {  	v33 =	vld [tilespmem:$0xD0];
	[tilespmem:$0x670] =	vst v7;
	v7 =	vadd.s32 v2, v29  }
0xc2: {  	v34 =	vld [tilespmem:$0xE0];
	[tilespmem:$0x680] =	vst v7;
	v7 =	vadd.s32 v2, v30  }
0xc3: {  	v35 =	vld [tilespmem:$0xF0];
	[tilespmem:$0x690] =	vst v7;
	v7 =	vadd.s32 v2, v31  }
0xc4: {  	v36 =	vld [tilespmem:$0x100];
	[tilespmem:$0x6A0] =	vst v7;
	v7 =	vadd.s32 v2, v32  }
0xc5: {  	[tilespmem:$0x6B0] =	vst v7;
	v7 =	vadd.s32 v2, v8;
	v8 =	vld [tilespmem:$0x110]  }
0xc6: {  	v37 =	vld [tilespmem:$0x120];
	[tilespmem:$0x6C0] =	vst v7;
	v7 =	vadd.s32 v2, v33  }
0xc7: {  	v38 =	vld [tilespmem:$0x130];
	[tilespmem:$0x6D0] =	vst v7;
	v7 =	vadd.s32 v2, v34  }
0xc8: {  	v39 =	vld [tilespmem:$0x140];
	[tilespmem:$0x6E0] =	vst v7;
	v7 =	vadd.s32 v2, v35  }
0xc9: {  	v40 =	vld [tilespmem:$0x150];
	[tilespmem:$0x6F0] =	vst v7;
	v7 =	vadd.s32 v2, v36  }
0xca: {  	[tilespmem:$0x700] =	vst v7;
	v7 =	vadd.s32 v2, v8;
	v8 =	vld [tilespmem:$0x160]  }
0xcb: {  	v41 =	vld [tilespmem:$0x170];
	[tilespmem:$0x710] =	vst v7;
	v7 =	vadd.s32 v2, v37  }
0xcc: {  	v42 =	vld [tilespmem:$0x180];
	[tilespmem:$0x720] =	vst v7;
	v7 =	vadd.s32 v2, v38  }
0xcd: {  	v43 =	vld [tilespmem:$0x190];
	[tilespmem:$0x730] =	vst v7;
	v7 =	vadd.s32 v2, v39  }
0xce: {  	v44 =	vld [tilespmem:$0x1A0];
	[tilespmem:$0x740] =	vst v7;
	v7 =	vadd.s32 v2, v40  }
0xcf: {  	[tilespmem:$0x750] =	vst v7;
	v7 =	vadd.s32 v2, v8;
	v8 =	vld [tilespmem:$0x1B0]  }
0xd0: {  	v45 =	vld [tilespmem:$0x1C0];
	[tilespmem:$0x760] =	vst v7;
	v7 =	vadd.s32 v2, v41  }
0xd1: {  	v46 =	vld [tilespmem:$0x1D0];
	[tilespmem:$0x770] =	vst v7;
	v7 =	vadd.s32 v2, v42  }
0xd2: {  	v47 =	vld [tilespmem:$0x1E0];
	[tilespmem:$0x780] =	vst v7;
	v7 =	vadd.s32 v2, v43  }
0xd3: {  	v48 =	vld [tilespmem:$0x1F0];
	[tilespmem:$0x790] =	vst v7;
	v7 =	vadd.s32 v2, v44  }
0xd4: {  	[tilespmem:$0x7A0] =	vst v7;
	v7 =	vadd.s32 v2, v8  }
0xd5: {  	[tilespmem:$0x7B0] =	vst v7;
	v7 =	vadd.s32 v2, v45  }
0xd6: {  	s12 =	rddreg [dreg:$0x18];
	[tilespmem:$0x7C0] =	vst v7;
	v7 =	vadd.s32 v2, v46  }
0xd7: {  	s10 =	rddreg [dreg:$0x19];
	[tilespmem:$0x7D0] =	vst v7;
	v7 =	vadd.s32 v2, v47  }
0xd8: {  	s11 =	rddreg [dreg:$0x1a];
	[tilespmem:$0x7E0] =	vst v7;
	v7 =	vadd.s32 v2, v48  }
0xd9: {  	s2 =	rddreg [dreg:$0x1b];
	[tilespmem:$0x7F0] =	vst v7  }
0xda: {  	[tilespmem:s8], [sflag:$0x1] =	stream.indirect.gather [hbm4b:s1+s7], $0x1, s12, s7, $0xb8;
	[tilespmem:$0x1380] =	vst v63  }
0xdb: {  	s12 =	rddreg [dreg:$0x1e]  }
0xdc: {  	[tilespmem:s11], [sflag:$0x1] =	stream.indirect.gather [hbm4b:s1+s7], $0x1, s10, s7, $0xb8;
	[tilespmem:$0x1380] =	vst v63  }
0xdd: {  	s10 =	rddreg [dreg:$0x1c]  }
0xde: {  	[tilespmem:s10], [sflag:$0x1] =	stream.indirect.gather [hbm4b:s1+s7], $0x1, s2, s7, $0xb8;
	[tilespmem:$0x1380] =	vst v63  }
0xdf: {  	s11 =	rddreg [dreg:$0x1d]  }
0xe0: {  	[tilespmem:s12], [sflag:$0x1] =	stream.indirect.gather [hbm4b:s1+s7], $0x1, s11, s7, $0xb8;
	[tilespmem:$0x1380] =	vst v63  }
0xe1: {  	s10 =	rddreg [dreg:$0x1f]  }
0xe2: {  	[tilespmem:s9], [sflag:$0x1] =	stream.indirect.gather [hbm4b:s1+s7], $0x1, s10, s7, $0xb8;
	[tilespmem:$0x1380] =	vst v63  }
0xe3: {  	s11 =	simm.s32 $0x480;
	s12 =	simm.s32 $0xA80  }
0xe4: {  	[tilespmem:s12], [sflag:$0x1] =	stream.indirect.gather [hbm4b:s1+s7], $0x1, s11, s7, $0xb8;
	[tilespmem:$0x1380] =	vst v63  }
0xe5: {  	s11 =	simm.s32 $0x500  }
0xe6: {  	[tilespmem:s13], [sflag:$0x1] =	stream.indirect.gather [hbm4b:s1+s7], $0x1, s11, s7, $0xb8;
	[tilespmem:$0x1380] =	vst v63  }
0xe7: {  	_ = 	snop  }
0xe8: {  	[tilespmem:s15], [sflag:$0x1] =	stream.indirect.gather [hbm4b:s1+s7], $0x1, s14, s7, $0xb8;
	[tilespmem:$0x1380] =	vst v63  }
0xe9: {  	_ = 	snop  }
0xea: {  	[tilespmem:s17], [sflag:$0x1] =	stream.indirect.gather [hbm4b:s1+s7], $0x1, s16, s7, $0xb8;
	[tilespmem:$0x1380] =	vst v63  }
0xeb: {  	_ = 	snop  }
0xec: {  	[tilespmem:s19], [sflag:$0x1] =	stream.indirect.gather [hbm4b:s1+s7], $0x1, s18, s7, $0xb8;
	[tilespmem:$0x1380] =	vst v63  }
0xed: {  	_ = 	snop  }
0xee: {  	[tilespmem:s21], [sflag:$0x1] =	stream.indirect.gather [hbm4b:s1+s7], $0x1, s20, s7, $0xb8;
	[tilespmem:$0x1380] =	vst v63  }
0xef: {  	_ = 	snop  }
0xf0: {  	[tilespmem:s23], [sflag:$0x1] =	stream.indirect.gather [hbm4b:s1+s7], $0x1, s22, s7, $0xb8;
	[tilespmem:$0x1380] =	vst v63  }
0xf1: {  	s12 =	rddreg [dreg:$0x5]  }
0xf2: {  	[tilespmem:s24], [sflag:$0x2] =	stream.linear.gather [hbm4b:s12+s3], $0x80, $0x38;
	[tilespmem:$0x1380] =	vst v63  }
0xf3: {  	_ =	swait.ge [sflag:s6], $0x80  }
0xf4: {  	[sflag:s6] =	ssyncset.done $0x0  }
0xf5: {  	[sflag:s6] =	ssyncadd.s32 $0xFFFFFF80  }
0xf6: {  	v7 =	vld [tilespmem:$0xE00]  }
0xf7: {  	v8 =	vld [tilespmem:$0xE10]  }
0xf8: {  	v49 =	vld [tilespmem:$0xE20]  }
0xf9: {  	v50 =	vld [tilespmem:$0xE30]  }
0xfa: {  	v51 =	vld [tilespmem:$0xE40]  }
0xfb: {  	v52 =	vld [tilespmem:$0xE50];
	v7 =	vadd.s32 v3, v7  }
0xfc: {  	[tilespmem:$0xE80] =	vst v7;
	v7 =	vadd.s32 v3, v8;
	v8 =	vld [tilespmem:$0xE60]  }
0xfd: {  	v53 =	vld [tilespmem:$0xE70];
	[tilespmem:$0xE90] =	vst v7;
	v7 =	vadd.s32 v3, v49  }
0xfe: {  	[tilespmem:$0xEA0] =	vst v7;
	v7 =	vadd.s32 v3, v50  }
0xff: {  	[tilespmem:$0xEB0] =	vst v7;
	v7 =	vadd.s32 v3, v51  }
0x100: {  	[tilespmem:$0xEC0] =	vst v7;
	v7 =	vadd.s32 v3, v52  }
0x101: {  	[tilespmem:$0xED0] =	vst v7;
	v7 =	vadd.s32 v3, v8  }
0x102: {  	[tilespmem:$0xEE0] =	vst v7;
	v7 =	vadd.s32 v3, v53  }
0x103: {  	s10 =	rddreg [dreg:$0x6];
	[tilespmem:$0xEF0] =	vst v7  }
0x104: {  	[tilespmem:s24], [sflag:$0x2] =	stream.linear.gather [hbm4b:s10+s3], $0x80, $0x38;
	[tilespmem:$0x1380] =	vst v63  }
0x105: {  	_ =	swait.ge [sflag:s6], $0x80  }
0x106: {  	[sflag:s6] =	ssyncset.done $0x0  }
0x107: {  	[sflag:s6] =	ssyncadd.s32 $0xFFFFFF80  }
0x108: {  	v7 =	vld [tilespmem:$0xE00]  }
0x109: {  	v8 =	vld [tilespmem:$0xE10]  }
0x10a: {  	v54 =	vld [tilespmem:$0xE20]  }
0x10b: {  	v55 =	vld [tilespmem:$0xE30]  }
0x10c: {  	v56 =	vld [tilespmem:$0xE40]  }
0x10d: {  	v57 =	vld [tilespmem:$0xE50];
	v7 =	vadd.s32 v4, v7  }
0x10e: {  	[tilespmem:$0xF00] =	vst v7;
	v7 =	vadd.s32 v4, v8;
	v8 =	vld [tilespmem:$0xE60]  }
0x10f: {  	v58 =	vld [tilespmem:$0xE70];
	[tilespmem:$0xF10] =	vst v7;
	v7 =	vadd.s32 v4, v54  }
0x110: {  	[tilespmem:$0xF20] =	vst v7;
	v7 =	vadd.s32 v4, v55  }
0x111: {  	[tilespmem:$0xF30] =	vst v7;
	v7 =	vadd.s32 v4, v56  }
0x112: {  	[tilespmem:$0xF40] =	vst v7;
	v7 =	vadd.s32 v4, v57  }
0x113: {  	[tilespmem:$0xF50] =	vst v7;
	v7 =	vadd.s32 v4, v8  }
0x114: {  	[tilespmem:$0xF60] =	vst v7;
	v7 =	vadd.s32 v4, v58  }
0x115: {  	s11 =	rddreg [dreg:$0x7];
	[tilespmem:$0xF70] =	vst v7  }
0x116: {  	[tilespmem:s24], [sflag:$0x2] =	stream.linear.gather [hbm4b:s11+s3], $0x80, $0x38;
	[tilespmem:$0x1380] =	vst v63  }
0x117: {  	_ =	swait.ge [sflag:s6], $0x80  }
0x118: {  	[sflag:s6] =	ssyncset.done $0x0  }
0x119: {  	[sflag:s6] =	ssyncadd.s32 $0xFFFFFF80  }
0x11a: {  	v7 =	vld [tilespmem:$0xE00]  }
0x11b: {  	v8 =	vld [tilespmem:$0xE10]  }
0x11c: {  	v59 =	vld [tilespmem:$0xE20]  }
0x11d: {  	v60 =	vld [tilespmem:$0xE30]  }
0x11e: {  	v61 =	vld [tilespmem:$0xE40]  }
0x11f: {  	v62 =	vld [tilespmem:$0xE50];
	v7 =	vadd.s32 v5, v7  }
0x120: {  	[tilespmem:$0xF80] =	vst v7;
	v7 =	vadd.s32 v5, v8;
	v8 =	vld [tilespmem:$0xE60]  }
0x121: {  	v63 =	vld [tilespmem:$0xE70];
	[tilespmem:$0xF90] =	vst v7;
	v7 =	vadd.s32 v5, v59  }
0x122: {  	[tilespmem:$0xFA0] =	vst v7;
	v7 =	vadd.s32 v5, v60  }
0x123: {  	[tilespmem:$0xFB0] =	vst v7;
	v7 =	vadd.s32 v5, v61  }
0x124: {  	[tilespmem:$0xFC0] =	vst v7;
	v7 =	vadd.s32 v5, v62  }
0x125: {  	[tilespmem:$0xFD0] =	vst v7;
	v7 =	vadd.s32 v5, v8  }
0x126: {  	[tilespmem:$0xFE0] =	vst v7;
	v7 =	vadd.s32 v5, v63  }
0x127: {  	[tilespmem:$0xFF0] =	vst v7  }
0x128: {  	[tilespmem:s26], [sflag:$0x1] =	stream.indirect.gather [hbm4b:s1+s7], $0x1, s25, s7, $0xb8;
	[tilespmem:$0x1380] =	vst v63  }
0x129: {  	_ = 	snop  }
0x12a: {  	[tilespmem:s29], [sflag:$0x1] =	stream.indirect.gather [hbm4b:s1+s7], $0x1, s28, s7, $0xb8;
	[tilespmem:$0x1380] =	vst v63  }
0x12b: {  	_ = 	snop  }
0x12c: {  	[tilespmem:s31], [sflag:$0x1] =	stream.indirect.gather [hbm4b:s1+s7], $0x1, s30, s7, $0xb8;
	[tilespmem:$0x1380] =	vst v63  }
0x12d: {  	_ =	swait.ge [sflag:s4], $0x80  }
0x12e: {  	[sflag:s4] =	ssyncset.done $0x0  }
0x12f: {  	[sflag:s4] =	ssyncadd.s32 $0xFFFFFF80  }
0x130: {  	_ =	swait.ge [sflag:s4], $0x80  }
0x131: {  	[sflag:s4] =	ssyncset.done $0x0  }
0x132: {  	[sflag:s4] =	ssyncadd.s32 $0xFFFFFF80  }
0x133: {  	_ =	swait.ge [sflag:s4], $0x80  }
0x134: {  	[sflag:s4] =	ssyncset.done $0x0  }
0x135: {  	[sflag:s4] =	ssyncadd.s32 $0xFFFFFF80  }
0x136: {  	_ =	swait.ge [sflag:s4], $0x80  }
0x137: {  	[sflag:s4] =	ssyncset.done $0x0  }
0x138: {  	[sflag:s4] =	ssyncadd.s32 $0xFFFFFF80  }
0x139: {  	_ =	swait.ge [sflag:s4], $0x80  }
0x13a: {  	[sflag:s4] =	ssyncset.done $0x0  }
0x13b: {  	[sflag:s4] =	ssyncadd.s32 $0xFFFFFF80  }
0x13c: {  	_ =	swait.ge [sflag:s4], $0x80  }
0x13d: {  	[sflag:s4] =	ssyncset.done $0x0  }
0x13e: {  	[sflag:s4] =	ssyncadd.s32 $0xFFFFFF80  }
0x13f: {  	_ =	swait.ge [sflag:s4], $0x80  }
0x140: {  	[sflag:s4] =	ssyncset.done $0x0  }
0x141: {  	[sflag:s4] =	ssyncadd.s32 $0xFFFFFF80  }
0x142: {  	_ =	swait.ge [sflag:s4], $0x80  }
0x143: {  	[sflag:s4] =	ssyncset.done $0x0  }
0x144: {  	[sflag:s4] =	ssyncadd.s32 $0xFFFFFF80  }
0x145: {  	_ =	swait.ge [sflag:s4], $0x80  }
0x146: {  	[sflag:s4] =	ssyncset.done $0x0  }
0x147: {  	[sflag:s4] =	ssyncadd.s32 $0xFFFFFF80  }
0x148: {  	_ =	swait.ge [sflag:s4], $0x80  }
0x149: {  	[sflag:s4] =	ssyncset.done $0x0  }
0x14a: {  	[sflag:s4] =	ssyncadd.s32 $0xFFFFFF80  }
0x14b: {  	_ =	swait.ge [sflag:s4], $0x80  }
0x14c: {  	[sflag:s4] =	ssyncset.done $0x0  }
0x14d: {  	[sflag:s4] =	ssyncadd.s32 $0xFFFFFF80  }
0x14e: {  	_ =	swait.ge [sflag:s4], $0x80  }
0x14f: {  	[sflag:s4] =	ssyncset.done $0x0  }
0x150: {  	[sflag:s4] =	ssyncadd.s32 $0xFFFFFF80  }
0x151: {  	_ =	swait.ge [sflag:s4], $0x80  }
0x152: {  	[sflag:s4] =	ssyncset.done $0x0  }
0x153: {  	[sflag:s4] =	ssyncadd.s32 $0xFFFFFF80  }
0x154: {  	_ =	swait.ge [sflag:s4], $0x80  }
0x155: {  	[sflag:s4] =	ssyncset.done $0x0  }
0x156: {  	[sflag:s4] =	ssyncadd.s32 $0xFFFFFF80  }
0x157: {  	_ =	swait.ge [sflag:s4], $0x80  }
0x158: {  	[sflag:s4] =	ssyncset.done $0x0  }
0x159: {  	s12 =	rddreg [dreg:$0x8];
	[sflag:s4] =	ssyncadd.s32 $0xFFFFFF80  }
0x15a: {  	[hbm4b:s12+s3] =	stream.linear.scatter [tilespmem:s8], [sflag:$0x2], $0x200, $0x38;
	[tilespmem:$0x1380] =	vst v63  }
0x15b: {  	_ =	swait.ge [sflag:s6], $0x200  }
0x15c: {  	[sflag:s6] =	ssyncset.done $0x0  }
0x15d: {  	s10 =	rddreg [dreg:$0x9];
	[sflag:s6] =	ssyncadd.s32 $0xFFFFFE00  }
0x15e: {  	[hbm4b:s10+s3] =	stream.linear.scatter [tilespmem:s9], [sflag:$0x2], $0x200, $0x38;
	[tilespmem:$0x1380] =	vst v63  }
0x15f: {  	_ =	swait.ge [sflag:s6], $0x200  }
0x160: {  	[sflag:s6] =	ssyncset.done $0x0  }
0x161: {  	s11 =	rddreg [dreg:$0xa];
	[sflag:s6] =	ssyncadd.s32 $0xFFFFFE00  }
0x162: {  	[hbm4b:s11+s3] =	stream.linear.scatter [tilespmem:s17], [sflag:$0x2], $0x200, $0x38;
	[tilespmem:$0x1380] =	vst v63  }
0x163: {  	_ =	swait.ge [sflag:s6], $0x200  }
0x164: {  	[sflag:s6] =	ssyncset.done $0x0  }
0x165: {  	s12 =	rddreg [dreg:$0xb];
	[sflag:s6] =	ssyncadd.s32 $0xFFFFFE00  }
0x166: {  	[hbm4b:s12+s3] =	stream.linear.scatter [tilespmem:s26], [sflag:$0x2], $0x80, $0x38;
	[tilespmem:$0x1380] =	vst v63  }
0x167: {  	_ =	swait.ge [sflag:s6], $0x80  }
0x168: {  	[sflag:s6] =	ssyncset.done $0x0  }
0x169: {  	s10 =	rddreg [dreg:$0xc];
	[sflag:s6] =	ssyncadd.s32 $0xFFFFFF80  }
0x16a: {  	[hbm4b:s10+s3] =	stream.linear.scatter [tilespmem:s29], [sflag:$0x2], $0x80, $0x38;
	[tilespmem:$0x1380] =	vst v63  }
0x16b: {  	_ =	swait.ge [sflag:s6], $0x80  }
0x16c: {  	[sflag:s6] =	ssyncset.done $0x0  }
0x16d: {  	s11 =	rddreg [dreg:$0xd];
	[sflag:s6] =	ssyncadd.s32 $0xFFFFFF80  }
0x16e: {  	[hbm4b:s11+s3] =	stream.linear.scatter [tilespmem:s31], [sflag:$0x2], $0x80, $0x38;
	[tilespmem:$0x1380] =	vst v63  }
0x16f: {  	_ =	swait.ge [sflag:s6], $0x80  }
0x170: {  	[sflag:s6] =	ssyncset.done $0x0  }
0x171: {  	s12 =	rddreg [dreg:$0xe];
	[sflag:s6] =	ssyncadd.s32 $0xFFFFFF80  }
0x172: {  	[hbm4b:s12+s3] =	stream.linear.scatter [tilespmem:s0], [sflag:$0x2], $0x200, $0x38;
	[tilespmem:$0x1380] =	vst v63  }
0x173: {  	_ =	swait.ge [sflag:s6], $0x200  }
0x174: {  	[sflag:s6] =	ssyncset.done $0x0  }
0x175: {  	s10 =	rddreg [dreg:$0xf];
	[sflag:s6] =	ssyncadd.s32 $0xFFFFFE00  }
0x176: {  	[hbm4b:s10+s3] =	stream.linear.scatter [tilespmem:s0], [sflag:$0x2], $0x80, $0x38;
	[tilespmem:$0x1380] =	vst v63  }
0x177: {  	_ =	swait.ge [sflag:s6], $0x80  }
0x178: {  	[sflag:s6] =	ssyncset.done $0x0  }
0x179: {  	s11 =	rddreg [dreg:$0x10];
	[sflag:s6] =	ssyncadd.s32 $0xFFFFFF80  }
0x17a: {  	[hbm4b:s11+s3] =	stream.linear.scatter [tilespmem:s0], [sflag:$0x2], $0x200, $0x38;
	[tilespmem:$0x1380] =	vst v63  }
0x17b: {  	_ =	swait.ge [sflag:s6], $0x200  }
0x17c: {  	[sflag:s6] =	ssyncset.done $0x0  }
0x17d: {  	s12 =	rddreg [dreg:$0x11];
	[sflag:s6] =	ssyncadd.s32 $0xFFFFFE00  }
0x17e: {  	[hbm4b:s12+s3] =	stream.linear.scatter [tilespmem:s0], [sflag:$0x2], $0x80, $0x38;
	[tilespmem:$0x1380] =	vst v63  }
0x17f: {  	_ =	swait.ge [sflag:s6], $0x80  }
0x180: {  	[sflag:s6] =	ssyncset.done $0x0  }
0x181: {  	s10 =	rddreg [dreg:$0x12];
	[sflag:s6] =	ssyncadd.s32 $0xFFFFFF80  }
0x182: {  	[hbm4b:s10+s3] =	stream.linear.scatter [tilespmem:s0], [sflag:$0x2], $0x200, $0x38;
	[tilespmem:$0x1380] =	vst v63  }
0x183: {  	_ =	swait.ge [sflag:s6], $0x200  }
0x184: {  	[sflag:s6] =	ssyncset.done $0x0  }
0x185: {  	s11 =	rddreg [dreg:$0x13];
	[sflag:s6] =	ssyncadd.s32 $0xFFFFFE00  }
0x186: {  	[hbm4b:s11+s3] =	stream.linear.scatter [tilespmem:s0], [sflag:$0x2], $0x80, $0x38;
	[tilespmem:$0x1380] =	vst v63  }
0x187: {  	_ =	swait.ge [sflag:s6], $0x80  }
0x188: {  	[sflag:s6] =	ssyncset.done $0x0  }
0x189: {  	s12 =	rddreg [dreg:$0x14];
	[sflag:s6] =	ssyncadd.s32 $0xFFFFFF80  }
0x18a: {  	[hbm4b:s12+s3] =	stream.linear.scatter [tilespmem:s0], [sflag:$0x2], $0x200, $0x38;
	[tilespmem:$0x1380] =	vst v63  }
0x18b: {  	_ =	swait.ge [sflag:s6], $0x200  }
0x18c: {  	[sflag:s6] =	ssyncset.done $0x0  }
0x18d: {  	s10 =	rddreg [dreg:$0x15];
	[sflag:s6] =	ssyncadd.s32 $0xFFFFFE00  }
0x18e: {  	[hbm4b:s10+s3] =	stream.linear.scatter [tilespmem:s0], [sflag:$0x2], $0x80, $0x38;
	[tilespmem:$0x1380] =	vst v63  }
0x18f: {  	_ =	swait.ge [sflag:s6], $0x80  }
0x190: {  	[sflag:s6] =	ssyncset.done $0x0  }
0x191: {  	s11 =	rddreg [dreg:$0x16];
	[sflag:s6] =	ssyncadd.s32 $0xFFFFFF80  }
0x192: {  	[hbm4b:s11+s3] =	stream.linear.scatter [tilespmem:s0], [sflag:$0x2], $0x200, $0x38;
	[tilespmem:$0x1380] =	vst v63  }
0x193: {  	_ =	swait.ge [sflag:s6], $0x200  }
0x194: {  	p0 =	sne.s32 s5, $0x1;
	[sflag:s6] =	ssyncset.done $0x0  }
.Ltmp0:
0x195: {  	s12 =	rddreg [dreg:$0x17];
	[sflag:s6] =	ssyncadd.s32 $0xFFFFFE00;
	(pc) =	sbr.rel @p0 .LBB2_1-.Ltmp0, $4  }
0x196: {  	[hbm4b:s12+s3] =	stream.linear.scatter [tilespmem:s0], [sflag:$0x2], $0x80, $0x38;
	[tilespmem:$0x1380] =	vst v63  }
0x197: {  	_ =	swait.ge [sflag:s6], $0x80  }
0x198: {  	[sflag:s6] =	ssyncset.done $0x0  }
0x199: {  	s5 =	sadd.s32 $0xFFFFFFFF, s5;
	[sflag:s6] =	ssyncadd.s32 $0xFFFFFF80  }
0x19a: {  	_ =	sfence.sel $0x180000  }
0x19b: {  	[bflag:$0x0] =	sbarrier.arrive $0xFFFF  }
0x19c: {  	_ =	strace $0x90000047  }
0x19d: {  	s0 =	stileid.u32;
	[bflag:$0x2] =	sbarrier.arrive $0xFFFF  }
0x19e: {  	p0 =	sne.s32 s0, $0x0;
	s0 =	rddreg [dreg:$0x3]  }
0x19f: {  	s0 =	sadd.s32 @!p0 $0x100000, s0  }
0x1a0: {  	[sflag:s0] =	ssyncadd.tile.s32 @!p0 $0x1;
	_ =	shalt  }
.Lfunc_end2:
_tile_overlayer_lowered:
.L_overlay_start_2:
0x1a1: {  	(tag) =	ssettag $0x2  }
0x1a2: {  	s0 =	rddreg [dreg:$0x0];
	s2 =	stileid.u32  }
0x1a3: {  	s1 =	rddreg [dreg:$0x1];
	p0 =	sne.s32 s2, $0x0  }
0x1a4: {  	s3 =	rddreg [dreg:$0x2];
	[bflag:$0x3] =	sbarrier.arrive $0xFFFF;
	s2 =	simm.s32 @!p0 $0x1C02  }
0x1a5: {  	[timem:s3], [sflag:s2] =	dma.local @!p0 [hbm:s0], s1  }
0x1a6: {  	s0 =	simm.s32 @!p0 $0x2  }
0x1a7: {  	_ =	swait.ge @!p0 [sflag:s0], s1  }
0x1a8: {  	s1 =	ssub.s32 @!p0 $0x0, s1;
	[sflag:s0] =	ssyncset.done @!p0 $0x0  }
0x1a9: {  	[sflag:s0] =	ssyncadd.s32 @!p0 s1  }
0x1aa: {  	[bflag:$0x3] =	sbarrier.arrive $0xFFFF  }
0x1ab: {  	_ =	shalt  }

</sc_bundles>
